<compile_context>
chip_gen: v7x
topology: tpu7x:2x2x1
jax: 0.10.2.dev20260603
libtpu: 0.0.44.dev20260713+nightly
codegen_flags: <defaults>
</compile_context>

<pallas_src>
import functools

import jax
import jax.numpy as jnp
from jax import lax
from jax.experimental import pallas as pl
from jax.experimental.pallas import tpu as pltpu
from jax.experimental.pallas import tpu_sc as plsc

_N = 10000
_NP = 10240
_E = 320000
_DIN = 128
_H = 64
_B = 8
_EPS = 1e-5
_SCALE = float((1.0 + _EPS) ** -0.5)

_NC = 2
_NS = 16
_NT = _NC * _NS
_EP = _E // _NT
_CH = 10000
_NCH = _E // _CH


def _sc_mesh():
    return plsc.VectorSubcoreMesh(
        core_axis_name="c", subcore_axis_name="s",
        num_cores=_NC, num_subcores=_NS)


_SC_PARAMS = pltpu.CompilerParams(needs_layout_passes=False)


def _wid():
    return lax.axis_index("s") * _NC + lax.axis_index("c")



def _deg_body(dst_hbm, w_hbm, out_hbm, dst_buf, w_buf, deg_loc):
    w = _wid()
    base = pl.multiple_of(w * _EP, 8)
    pltpu.sync_copy(dst_hbm.at[pl.ds(base, _EP)], dst_buf)
    pltpu.sync_copy(w_hbm.at[pl.ds(base, _EP)], w_buf)

    @plsc.parallel_loop(0, _NP // 16, 1, unroll=4)
    def _zero(i):
        deg_loc[pl.ds(i * 16, 16)] = jnp.zeros((16,), jnp.float32)

    @plsc.parallel_loop(0, _EP // 16, 1, unroll=4)
    def _edge(i):
        d = dst_buf[pl.ds(i * 16, 16)]
        ww = jnp.abs(w_buf[pl.ds(i * 16, 16)])
        plsc.addupdate_scatter(deg_loc, [d], ww)

    pltpu.sync_copy(deg_loc, out_hbm.at[w])


def _deg_partials(dst, ew):
    return pl.kernel(
        _deg_body,
        out_type=jax.ShapeDtypeStruct((_NT, _NP), jnp.float32),
        mesh=_sc_mesh(),
        scratch_types=[
            pltpu.VMEM((_EP,), jnp.int32),
            pltpu.VMEM((_EP,), jnp.float32),
            pltpu.VMEM((_NP,), jnp.float32),
        ],
        compiler_params=_SC_PARAMS,
    )(dst, ew)


_DT = 4
_EH = _E // 2
_ECH = 3200
_NECH = _EH // _ECH
_GRP = _ECH // 16
_UNR = 8


def _scat_body(p_hbm, e3_hbm, out0_hbm, out1_hbm,
               p_rows, acc_rows, ebuf, sem0, sem1):
    w = _wid()
    half = w & 1
    dgrp = w >> 1
    r0 = pl.multiple_of(dgrp * _DT, 4)
    pltpu.sync_copy(p_hbm.at[pl.ds(r0, _DT)], p_rows)

    sems = [sem0, sem1]

    def _edge_cp(c, b):
        base = pl.multiple_of(half * _EH + c * _ECH, 128)
        return pltpu.make_async_copy(
            e3_hbm.at[:, pl.ds(base, _ECH)], ebuf.at[b], sems[b])

    _edge_cp(0, 0).start()
    _edge_cp(1, 1).start()

    keep = jnp.where(half == 0, 1.0, 0.0)

    @plsc.parallel_loop(0, _NP // 16, 1, unroll=4)
    def _init(i):
        for j in range(_DT):
            acc_rows[j, pl.ds(i * 16, 16)] = p_rows[j, pl.ds(i * 16, 16)] * keep

    def _pair(k, carry):
        for b in range(2):
            c = k * 2 + b
            _edge_cp(c, b).wait()

            @plsc.parallel_loop(0, _GRP, 1, unroll=_UNR)
            def _group(g):
                o = g * 16
                s = ebuf[b, 0, pl.ds(o, 16)]
                d = ebuf[b, 1, pl.ds(o, 16)]
                ww = jnp.abs(plsc.bitcast(ebuf[b, 2, pl.ds(o, 16)],
                                          jnp.float32))
                for j in range(_DT):
                    rj = jnp.full((16,), j, jnp.int32)
                    vals = plsc.load_gather(p_rows, [rj, s])
                    plsc.addupdate_scatter(acc_rows, [rj, d], vals * ww)

            @pl.when(c + 2 < _NECH)
            def _():
                _edge_cp(c + 2, b).start()
        return carry
    lax.fori_loop(0, _NECH // 2, _pair, 0)

    @pl.when(half == 0)
    def _():
        pltpu.sync_copy(acc_rows, out0_hbm.at[pl.ds(r0, _DT)])

    @pl.when(half == 1)
    def _():
        pltpu.sync_copy(acc_rows, out1_hbm.at[pl.ds(r0, _DT)])


def _scatter(p, e3):
    return pl.kernel(
        _scat_body,
        out_type=(jax.ShapeDtypeStruct((_H, _NP), jnp.float32),
                  jax.ShapeDtypeStruct((_H, _NP), jnp.float32)),
        mesh=_sc_mesh(),
        scratch_types=[
            pltpu.VMEM((_DT, _NP), jnp.float32),
            pltpu.VMEM((_DT, _NP), jnp.float32),
            pltpu.VMEM((2, 3, _ECH), jnp.int32),
            pltpu.SemaphoreType.DMA,
            pltpu.SemaphoreType.DMA,
        ],
        compiler_params=_SC_PARAMS,
    )(p, e3)



def _first_body(degp_ref, w0t_ref, xt_ref, dinv_ref, p_ref):
    deg = jnp.sum(degp_ref[...], axis=0, keepdims=True)
    dinv = lax.rsqrt(1.0 + deg)
    dinv_ref[...] = dinv
    z = jnp.dot(w0t_ref[...], xt_ref[...], preferred_element_type=jnp.float32)
    p_ref[...] = z * dinv


def _mid_body(acc0_ref, acc1_ref, dinv_ref, b_ref, g_ref, bt_ref, wt_ref,
              p_ref):
    dinv = dinv_ref[...]
    acc = acc0_ref[...] + acc1_ref[...]
    h = (acc * dinv + b_ref[...]) * _SCALE * g_ref[...] + bt_ref[...]
    h = jnp.maximum(h, 0.0)
    p_ref[...] = jnp.dot(wt_ref[...], h,
                         preferred_element_type=jnp.float32) * dinv


def _fin_body(acc0_ref, acc1_ref, dinv_ref, b_ref, g_ref, bt_ref, batch_ref,
              sums_ref, cnt_ref):
    dinv = dinv_ref[...]
    acc = acc0_ref[...] + acc1_ref[...]
    h = (acc * dinv + b_ref[...]) * _SCALE * g_ref[...] + bt_ref[...]
    h = jnp.maximum(h, 0.0)
    oh = (batch_ref[...] ==
          lax.broadcasted_iota(jnp.int32, (_NP, _B), 1)).astype(jnp.float32)
    sums_ref[...] = jnp.dot(h, oh, preferred_element_type=jnp.float32)
    cnt_ref[...] = jnp.sum(oh, axis=0, keepdims=True)


def kernel(x, edge_index, edge_weight, batch,
           W0, b0, g0, bt0, W1, b1, g1, bt1, W2, b2, g2, bt2):
    f32 = jnp.float32
    src = edge_index[0]
    dst = edge_index[1]
    ew = edge_weight

    xt = jnp.pad(x, ((0, _NP - _N), (0, 0))).T
    batch_col = jnp.pad(batch.astype(jnp.int32), (0, _NP - _N),
                        constant_values=_B).reshape(_NP, 1)
    bcol = lambda v: v.reshape(_H, 1)

    degp = _deg_partials(dst, ew)
    dinv, p0 = pl.pallas_call(
        _first_body,
        out_shape=[jax.ShapeDtypeStruct((1, _NP), f32),
                   jax.ShapeDtypeStruct((_H, _NP), f32)])(degp, W0.T, xt)

    e3 = jnp.stack([src, dst,
                    jax.lax.bitcast_convert_type(ew, jnp.int32)])

    a0, a1 = _scatter(p0, e3)
    p1 = pl.pallas_call(
        _mid_body, out_shape=jax.ShapeDtypeStruct((_H, _NP), f32))(
            a0, a1, dinv, bcol(b0), bcol(g0), bcol(bt0), W1.T)

    a0, a1 = _scatter(p1, e3)
    p2 = pl.pallas_call(
        _mid_body, out_shape=jax.ShapeDtypeStruct((_H, _NP), f32))(
            a0, a1, dinv, bcol(b1), bcol(g1), bcol(bt1), W2.T)

    a0, a1 = _scatter(p2, e3)
    sums64, cnt = pl.pallas_call(
        _fin_body,
        out_shape=[jax.ShapeDtypeStruct((_H, _B), f32),
                   jax.ShapeDtypeStruct((1, _B), f32)])(
            a0, a1, dinv, bcol(b2), bcol(g2), bcol(bt2), batch_col)

    sums = sums64.T
    counts = jnp.clip(cnt[0], 1.0)
    mean = sums / counts[:, None]
    return jnp.concatenate([mean, sums], axis=-1)

# --- scband reference (transcript-rebuilt; emitter-appended) ---
"""Pipeline reference for scband-brain-gnnencoder-16475494547815 (READ-ONLY COPY).

The authoritative reference and input builder live on the scoring server;
editing this copy changes nothing except your own understanding.
"""

import jax, jax.numpy as jnp
import numpy as np

N = 10000
E = 320000
D_IN = 128
H = 64
B = 8
EPS = 1e-5


def setup_inputs(seed: int = 0) -> dict:
    key = jax.random.key(seed)
    ks = jax.random.split(key, 20)
    x = jax.random.normal(ks[0], (N, D_IN), dtype=jnp.float32)
    edge_index = jax.random.randint(ks[1], (2, E), 0, N)
    edge_weight = jax.random.uniform(ks[2], (E,), dtype=jnp.float32)
    batch = jnp.sort(jax.random.randint(ks[3], (N,), 0, B))
    dims = [(D_IN, H), (H, H), (H, H)]
    inp = {"x": x, "edge_index": edge_index, "edge_weight": edge_weight, "batch": batch}
    for i, (din, dout) in enumerate(dims):
        inp[f"W{i}"] = jax.random.normal(ks[4 + 4 * i], (din, dout), dtype=jnp.float32) * (1.0 / np.sqrt(din))
        inp[f"b{i}"] = jnp.zeros((dout,), dtype=jnp.float32)
        inp[f"g{i}"] = jnp.ones((dout,), dtype=jnp.float32)
        inp[f"bt{i}"] = jnp.zeros((dout,), dtype=jnp.float32)
    return inp


def _gcn_layer(h, src_f, dst_f, w_f, W, b):
    h = h @ W
    deg = jnp.zeros((N,), h.dtype).at[dst_f].add(w_f)
    dinv = jnp.where(deg > 0, 1.0 / jnp.sqrt(deg), 0.0)
    norm = dinv[src_f] * w_f * dinv[dst_f]
    msg = h[src_f] * norm[:, None]
    out = jnp.zeros((N, h.shape[1]), h.dtype).at[dst_f].add(msg)
    return out + b


def reference(x, edge_index, edge_weight, batch, W0, b0, g0, bt0, W1, b1, g1, bt1, W2, b2, g2, bt2):
    src = edge_index[0]
    dst = edge_index[1]
    loop = jnp.arange(N, dtype=src.dtype)
    src_f = jnp.concatenate([src, loop])
    dst_f = jnp.concatenate([dst, loop])
    ew = jnp.abs(edge_weight)
    w_f = jnp.concatenate([ew, jnp.ones((N,), ew.dtype)])
    h = x
    scale = 1.0 / jnp.sqrt(1.0 + EPS)  # eval-mode BatchNorm: running_mean=0, running_var=1
    for (W, b, g, bt) in [(W0, b0, g0, bt0), (W1, b1, g1, bt1), (W2, b2, g2, bt2)]:
        h = _gcn_layer(h, src_f, dst_f, w_f, W, b)
        h = h * scale * g + bt
        h = jax.nn.relu(h)
    sums = jnp.zeros((B, h.shape[1]), h.dtype).at[batch].add(h)
    counts = jnp.zeros((B,), h.dtype).at[batch].add(1.0)
    mean = sums / jnp.clip(counts, 1.0)[:, None]
    return jnp.concatenate([mean, sums], axis=-1)

if __name__ == "__main__":
    import jax
    _d = setup_inputs()
    print(jax.jit(kernel)(*tuple(_d.values())))

</pallas_src>

<mosaic_0001>
#map = affine_map<(d0, d1) -> (0, 0)>
module attributes {stable_mosaic.version = 14 : i64} {
  func.func @_scat_body(%arg0: i32, %arg1: i32, %arg2: memref<64x10240xf32, #tpu.memory_space<hbm>>, %arg3: memref<3x320000xi32, #tpu.memory_space<hbm>>, %arg4: memref<64x10240xf32, #tpu.memory_space<hbm>>, %arg5: memref<64x10240xf32, #tpu.memory_space<hbm>>, %arg6: memref<4x10240xf32, #tpu.memory_space<vmem>>, %arg7: memref<4x10240xf32, #tpu.memory_space<vmem>>, %arg8: memref<2x3x3200xi32, #tpu.memory_space<vmem>>, %arg9: memref<!tpu.dma_semaphore, #tpu.memory_space<semaphore_mem>>, %arg10: memref<!tpu.dma_semaphore, #tpu.memory_space<semaphore_mem>>) attributes {dimension_semantics = [#tpu.dimension_semantics<core_parallel>, #tpu.dimension_semantics<subcore_parallel>], iteration_bounds = array<i64: 2, 16>, scalar_prefetch = 0 : i64, scratch_operands = 5 : i64, tpu.core_type = #tpu.core_type<sc_vector_subcore>, window_params = [{transform_indices = #map}, {transform_indices = #map}, {transform_indices = #map}, {transform_indices = #map}]} {
    %mul3A = arith.constant 2 : i32
    %mul3A_0 = arith.muli %arg1, %mul3A : i32
    %add3A = arith.addi %mul3A_0, %arg0 : i32
    %and3A = arith.constant 1 : i32
    %and3A_1 = arith.andi %add3A, %and3A : i32
    %shift_right_arithmetic3A = arith.constant 1 : i32
    %shift_right_arithmetic3A_2 = arith.shrsi %add3A, %shift_right_arithmetic3A : i32
    %mul3A_3 = arith.constant 4 : i32
    %mul3A_4 = arith.muli %shift_right_arithmetic3A_2, %mul3A_3 : i32
    %multiple_of3A = tpu.assume_multiple %mul3A_4, 4 : i32
    "tpu.region"() ({
      %run_scoped3A = tpu.sem_alloc : memref<!tpu.dma_semaphore, #tpu.memory_space<semaphore_mem>>
      %dma_start3A_57 = arith.constant 0 : i32
      %dma_start3A_58 = tpu.memref_slice %arg2[%multiple_of3A, %dma_start3A_57] : memref<64x10240xf32, #tpu.memory_space<hbm>> -> memref<4x10240xf32, #tpu.memory_space<hbm>>
      %dma_start3A_59 = arith.constant 0 : i32
      %dma_start3A_60 = tpu.memref_slice %arg2[%multiple_of3A, %dma_start3A_59] : memref<64x10240xf32, #tpu.memory_space<hbm>> -> memref<4x10240xf32, #tpu.memory_space<hbm>>
      tpu.enqueue_dma source(%dma_start3A_60 : memref<4x10240xf32, #tpu.memory_space<hbm>>) target(%arg6 : memref<4x10240xf32, #tpu.memory_space<vmem>>) target_semaphore(%run_scoped3A : memref<!tpu.dma_semaphore, #tpu.memory_space<semaphore_mem>>)
      %dma_wait3A = arith.constant 0 : i32
      %dma_wait3A_61 = tpu.memref_slice %arg2[%multiple_of3A, %dma_wait3A] : memref<64x10240xf32, #tpu.memory_space<hbm>> -> memref<4x10240xf32, #tpu.memory_space<hbm>>
      %dma_wait3A_62 = arith.constant 0 : i32
      %dma_wait3A_63 = tpu.memref_slice %arg2[%multiple_of3A, %dma_wait3A_62] : memref<64x10240xf32, #tpu.memory_space<hbm>> -> memref<4x10240xf32, #tpu.memory_space<hbm>>
      tpu.wait_dma2 semaphore(%run_scoped3A : memref<!tpu.dma_semaphore, #tpu.memory_space<semaphore_mem>>) src(%dma_wait3A_63 : memref<4x10240xf32, #tpu.memory_space<hbm>>) dst(%arg6 : memref<4x10240xf32, #tpu.memory_space<vmem>>)
      tpu.yield
    }) : () -> ()
    %mul3A_5 = arith.constant 160000 : i32
    %mul3A_6 = arith.muli %and3A_1, %mul3A_5 : i32
    %add3A_7 = arith.constant 0 : i32
    %add3A_8 = arith.addi %mul3A_6, %add3A_7 : i32
    %multiple_of3A_9 = tpu.assume_multiple %add3A_8, 128 : i32
    %dma_start3A = arith.constant 0 : i32
    %dma_start3A_10 = arith.constant 0 : i32
    %dma_start3A_11 = arith.constant 0 : i32
    %dma_start3A_12 = tpu.memref_slice %arg8[%dma_start3A, %dma_start3A_10, %dma_start3A_11] : memref<2x3x3200xi32, #tpu.memory_space<vmem>> -> memref<1x3x3200xi32, #tpu.memory_space<vmem>>
    %dma_start3A_13 = tpu.memref_squeeze %dma_start3A_12 : memref<1x3x3200xi32, #tpu.memory_space<vmem>> -> memref<3x3200xi32, #tpu.memory_space<vmem>>
    %dma_start3A_14 = arith.constant 0 : i32
    %dma_start3A_15 = tpu.memref_slice %arg3[%dma_start3A_14, %multiple_of3A_9] : memref<3x320000xi32, #tpu.memory_space<hbm>> -> memref<3x3200xi32, #tpu.memory_space<hbm>>
    %dma_start3A_16 = arith.constant 0 : i32
    %dma_start3A_17 = arith.constant 0 : i32
    %dma_start3A_18 = tpu.memref_slice %arg8[%dma_start3A, %dma_start3A_16, %dma_start3A_17] : memref<2x3x3200xi32, #tpu.memory_space<vmem>> -> memref<1x3x3200xi32, #tpu.memory_space<vmem>>
    %dma_start3A_19 = tpu.memref_squeeze %dma_start3A_18 : memref<1x3x3200xi32, #tpu.memory_space<vmem>> -> memref<3x3200xi32, #tpu.memory_space<vmem>>
    %dma_start3A_20 = arith.constant 0 : i32
    %dma_start3A_21 = tpu.memref_slice %arg3[%dma_start3A_20, %multiple_of3A_9] : memref<3x320000xi32, #tpu.memory_space<hbm>> -> memref<3x3200xi32, #tpu.memory_space<hbm>>
    tpu.enqueue_dma source(%dma_start3A_21 : memref<3x3200xi32, #tpu.memory_space<hbm>>) target(%dma_start3A_19 : memref<3x3200xi32, #tpu.memory_space<vmem>>) target_semaphore(%arg9 : memref<!tpu.dma_semaphore, #tpu.memory_space<semaphore_mem>>)
    %mul3A_22 = arith.constant 160000 : i32
    %mul3A_23 = arith.muli %and3A_1, %mul3A_22 : i32
    %add3A_24 = arith.constant 3200 : i32
    %add3A_25 = arith.addi %mul3A_23, %add3A_24 : i32
    %multiple_of3A_26 = tpu.assume_multiple %add3A_25, 128 : i32
    %dma_start3A_27 = arith.constant 1 : i32
    %dma_start3A_28 = arith.constant 0 : i32
    %dma_start3A_29 = arith.constant 0 : i32
    %dma_start3A_30 = tpu.memref_slice %arg8[%dma_start3A_27, %dma_start3A_28, %dma_start3A_29] : memref<2x3x3200xi32, #tpu.memory_space<vmem>> -> memref<1x3x3200xi32, #tpu.memory_space<vmem>>
    %dma_start3A_31 = tpu.memref_squeeze %dma_start3A_30 : memref<1x3x3200xi32, #tpu.memory_space<vmem>> -> memref<3x3200xi32, #tpu.memory_space<vmem>>
    %dma_start3A_32 = arith.constant 0 : i32
    %dma_start3A_33 = tpu.memref_slice %arg3[%dma_start3A_32, %multiple_of3A_26] : memref<3x320000xi32, #tpu.memory_space<hbm>> -> memref<3x3200xi32, #tpu.memory_space<hbm>>
    %dma_start3A_34 = arith.constant 0 : i32
    %dma_start3A_35 = arith.constant 0 : i32
    %dma_start3A_36 = tpu.memref_slice %arg8[%dma_start3A_27, %dma_start3A_34, %dma_start3A_35] : memref<2x3x3200xi32, #tpu.memory_space<vmem>> -> memref<1x3x3200xi32, #tpu.memory_space<vmem>>
    %dma_start3A_37 = tpu.memref_squeeze %dma_start3A_36 : memref<1x3x3200xi32, #tpu.memory_space<vmem>> -> memref<3x3200xi32, #tpu.memory_space<vmem>>
    %dma_start3A_38 = arith.constant 0 : i32
    %dma_start3A_39 = tpu.memref_slice %arg3[%dma_start3A_38, %multiple_of3A_26] : memref<3x320000xi32, #tpu.memory_space<hbm>> -> memref<3x3200xi32, #tpu.memory_space<hbm>>
    tpu.enqueue_dma source(%dma_start3A_39 : memref<3x3200xi32, #tpu.memory_space<hbm>>) target(%dma_start3A_37 : memref<3x3200xi32, #tpu.memory_space<vmem>>) target_semaphore(%arg10 : memref<!tpu.dma_semaphore, #tpu.memory_space<semaphore_mem>>)
    %eq3A = arith.constant 0 : i32
    %eq3A_40 = arith.cmpi eq, %and3A_1, %eq3A : i32
    %jit3A = arith.constant 1.000000e+00 : f32
    %jit3A_41 = arith.constant 0.000000e+00 : f32
    %select_n3A = arith.select %eq3A_40, %jit3A, %jit3A_41 : f32
    %parallel_loop3A = arith.constant 0 : i32
    %parallel_loop3A_42 = arith.constant 640 : i32
    %parallel_loop3A_43 = arith.constant 1 : i32
    scf.for %parallel_loop3A_57 = %parallel_loop3A to %parallel_loop3A_42 step %parallel_loop3A_43  : i32 {
      %parallel_loop3A_58 = arith.constant 16 : i32
      %parallel_loop3A_59 = arith.muli %parallel_loop3A_57, %parallel_loop3A_58 : i32
      %parallel_loop3A_60 = arith.constant 0 : i32
      %parallel_loop3A_61 = arith.index_cast %parallel_loop3A_60 : i32 to index
      %parallel_loop3A_62 = arith.index_cast %parallel_loop3A_59 : i32 to index
      %parallel_loop3A_63 = tpu.vector_load %arg6[%parallel_loop3A_61, %parallel_loop3A_62] {strides = array<i32>} : memref<4x10240xf32, #tpu.memory_space<vmem>>, vector<16xf32>,
      %parallel_loop3A_64 = vector.broadcast %select_n3A : f32 to vector<16xf32>
      %parallel_loop3A_65 = arith.mulf %parallel_loop3A_63, %parallel_loop3A_64 : vector<16xf32>
      %parallel_loop3A_66 = arith.constant 16 : i32
      %parallel_loop3A_67 = arith.muli %parallel_loop3A_57, %parallel_loop3A_66 : i32
      %parallel_loop3A_68 = arith.constant 0 : i32
      %parallel_loop3A_69 = arith.index_cast %parallel_loop3A_68 : i32 to index
      %parallel_loop3A_70 = arith.index_cast %parallel_loop3A_67 : i32 to index
      %parallel_loop3A_71 = tpu.vector_load %arg7[%parallel_loop3A_69, %parallel_loop3A_70] {strides = array<i32>} : memref<4x10240xf32, #tpu.memory_space<vmem>>, vector<16xf32>,
      tpu.vector_store %arg7[%parallel_loop3A_69, %parallel_loop3A_70], %parallel_loop3A_65 {strides = array<i32>} : memref<4x10240xf32, #tpu.memory_space<vmem>>, vector<16xf32>,
      %parallel_loop3A_72 = arith.constant 16 : i32
      %parallel_loop3A_73 = arith.muli %parallel_loop3A_57, %parallel_loop3A_72 : i32
      %parallel_loop3A_74 = arith.constant 1 : i32
      %parallel_loop3A_75 = arith.index_cast %parallel_loop3A_74 : i32 to index
      %parallel_loop3A_76 = arith.index_cast %parallel_loop3A_73 : i32 to index
      %parallel_loop3A_77 = tpu.vector_load %arg6[%parallel_loop3A_75, %parallel_loop3A_76] {strides = array<i32>} : memref<4x10240xf32, #tpu.memory_space<vmem>>, vector<16xf32>,
      %parallel_loop3A_78 = vector.broadcast %select_n3A : f32 to vector<16xf32>
      %parallel_loop3A_79 = arith.mulf %parallel_loop3A_77, %parallel_loop3A_78 : vector<16xf32>
      %parallel_loop3A_80 = arith.constant 16 : i32
      %parallel_loop3A_81 = arith.muli %parallel_loop3A_57, %parallel_loop3A_80 : i32
      %parallel_loop3A_82 = arith.constant 1 : i32
      %parallel_loop3A_83 = arith.index_cast %parallel_loop3A_82 : i32 to index
      %parallel_loop3A_84 = arith.index_cast %parallel_loop3A_81 : i32 to index
      %parallel_loop3A_85 = tpu.vector_load %arg7[%parallel_loop3A_83, %parallel_loop3A_84] {strides = array<i32>} : memref<4x10240xf32, #tpu.memory_space<vmem>>, vector<16xf32>,
      tpu.vector_store %arg7[%parallel_loop3A_83, %parallel_loop3A_84], %parallel_loop3A_79 {strides = array<i32>} : memref<4x10240xf32, #tpu.memory_space<vmem>>, vector<16xf32>,
      %parallel_loop3A_86 = arith.constant 16 : i32
      %parallel_loop3A_87 = arith.muli %parallel_loop3A_57, %parallel_loop3A_86 : i32
      %parallel_loop3A_88 = arith.constant 2 : i32
      %parallel_loop3A_89 = arith.index_cast %parallel_loop3A_88 : i32 to index
      %parallel_loop3A_90 = arith.index_cast %parallel_loop3A_87 : i32 to index
      %parallel_loop3A_91 = tpu.vector_load %arg6[%parallel_loop3A_89, %parallel_loop3A_90] {strides = array<i32>} : memref<4x10240xf32, #tpu.memory_space<vmem>>, vector<16xf32>,
      %parallel_loop3A_92 = vector.broadcast %select_n3A : f32 to vector<16xf32>
      %parallel_loop3A_93 = arith.mulf %parallel_loop3A_91, %parallel_loop3A_92 : vector<16xf32>
      %parallel_loop3A_94 = arith.constant 16 : i32
      %parallel_loop3A_95 = arith.muli %parallel_loop3A_57, %parallel_loop3A_94 : i32
      %parallel_loop3A_96 = arith.constant 2 : i32
      %parallel_loop3A_97 = arith.index_cast %parallel_loop3A_96 : i32 to index
      %parallel_loop3A_98 = arith.index_cast %parallel_loop3A_95 : i32 to index
      %parallel_loop3A_99 = tpu.vector_load %arg7[%parallel_loop3A_97, %parallel_loop3A_98] {strides = array<i32>} : memref<4x10240xf32, #tpu.memory_space<vmem>>, vector<16xf32>,
      tpu.vector_store %arg7[%parallel_loop3A_97, %parallel_loop3A_98], %parallel_loop3A_93 {strides = array<i32>} : memref<4x10240xf32, #tpu.memory_space<vmem>>, vector<16xf32>,
      %parallel_loop3A_100 = arith.constant 16 : i32
      %parallel_loop3A_101 = arith.muli %parallel_loop3A_57, %parallel_loop3A_100 : i32
      %parallel_loop3A_102 = arith.constant 3 : i32
      %parallel_loop3A_103 = arith.index_cast %parallel_loop3A_102 : i32 to index
      %parallel_loop3A_104 = arith.index_cast %parallel_loop3A_101 : i32 to index
      %parallel_loop3A_105 = tpu.vector_load %arg6[%parallel_loop3A_103, %parallel_loop3A_104] {strides = array<i32>} : memref<4x10240xf32, #tpu.memory_space<vmem>>, vector<16xf32>,
      %parallel_loop3A_106 = vector.broadcast %select_n3A : f32 to vector<16xf32>
      %parallel_loop3A_107 = arith.mulf %parallel_loop3A_105, %parallel_loop3A_106 : vector<16xf32>
      %parallel_loop3A_108 = arith.constant 16 : i32
      %parallel_loop3A_109 = arith.muli %parallel_loop3A_57, %parallel_loop3A_108 : i32
      %parallel_loop3A_110 = arith.constant 3 : i32
      %parallel_loop3A_111 = arith.index_cast %parallel_loop3A_110 : i32 to index
      %parallel_loop3A_112 = arith.index_cast %parallel_loop3A_109 : i32 to index
      %parallel_loop3A_113 = tpu.vector_load %arg7[%parallel_loop3A_111, %parallel_loop3A_112] {strides = array<i32>} : memref<4x10240xf32, #tpu.memory_space<vmem>>, vector<16xf32>,
      tpu.vector_store %arg7[%parallel_loop3A_111, %parallel_loop3A_112], %parallel_loop3A_107 {strides = array<i32>} : memref<4x10240xf32, #tpu.memory_space<vmem>>, vector<16xf32>,
    } {sc.loop_unroll_factor = 4 : i64, sc.parallel_access}
    %scan3A = arith.constant 0 : i32
    %scan3A_44 = arith.constant 0 : i32
    %scan3A_45 = arith.constant 25 : i32
    %scan3A_46 = arith.addi %scan3A_44, %scan3A_45 : i32
    %scan3A_47 = arith.constant 1 : i32
    scf.for %scan3A_57 = %scan3A_44 to %scan3A_46 step %scan3A_47  : i32 {
      %mul3A_58 = arith.constant 2 : i32
      %mul3A_59 = arith.muli %scan3A_57, %mul3A_58 : i32
      %add3A_60 = arith.constant 0 : i32
      %add3A_61 = arith.addi %mul3A_59, %add3A_60 : i32
      %mul3A_62 = arith.constant 160000 : i32
      %mul3A_63 = arith.muli %and3A_1, %mul3A_62 : i32
      %mul3A_64 = arith.constant 3200 : i32
      %mul3A_65 = arith.muli %add3A_61, %mul3A_64 : i32
      %add3A_66 = arith.addi %mul3A_63, %mul3A_65 : i32
      %multiple_of3A_67 = tpu.assume_multiple %add3A_66, 128 : i32
      %dma_wait3A = arith.constant 0 : i32
      %dma_wait3A_68 = arith.constant 0 : i32
      %dma_wait3A_69 = arith.constant 0 : i32
      %dma_wait3A_70 = tpu.memref_slice %arg8[%dma_wait3A, %dma_wait3A_68, %dma_wait3A_69] : memref<2x3x3200xi32, #tpu.memory_space<vmem>> -> memref<1x3x3200xi32, #tpu.memory_space<vmem>>
      %dma_wait3A_71 = tpu.memref_squeeze %dma_wait3A_70 : memref<1x3x3200xi32, #tpu.memory_space<vmem>> -> memref<3x3200xi32, #tpu.memory_space<vmem>>
      %dma_wait3A_72 = arith.constant 0 : i32
      %dma_wait3A_73 = tpu.memref_slice %arg3[%dma_wait3A_72, %multiple_of3A_67] : memref<3x320000xi32, #tpu.memory_space<hbm>> -> memref<3x3200xi32, #tpu.memory_space<hbm>>
      %dma_wait3A_74 = arith.constant 0 : i32
      %dma_wait3A_75 = arith.constant 0 : i32
      %dma_wait3A_76 = tpu.memref_slice %arg8[%dma_wait3A, %dma_wait3A_74, %dma_wait3A_75] : memref<2x3x3200xi32, #tpu.memory_space<vmem>> -> memref<1x3x3200xi32, #tpu.memory_space<vmem>>
      %dma_wait3A_77 = tpu.memref_squeeze %dma_wait3A_76 : memref<1x3x3200xi32, #tpu.memory_space<vmem>> -> memref<3x3200xi32, #tpu.memory_space<vmem>>
      %dma_wait3A_78 = arith.constant 0 : i32
      %dma_wait3A_79 = tpu.memref_slice %arg3[%dma_wait3A_78, %multiple_of3A_67] : memref<3x320000xi32, #tpu.memory_space<hbm>> -> memref<3x3200xi32, #tpu.memory_space<hbm>>
      tpu.wait_dma2 semaphore(%arg9 : memref<!tpu.dma_semaphore, #tpu.memory_space<semaphore_mem>>) src(%dma_wait3A_79 : memref<3x3200xi32, #tpu.memory_space<hbm>>) dst(%dma_wait3A_77 : memref<3x3200xi32, #tpu.memory_space<vmem>>)
      %parallel_loop3A_80 = arith.constant 0 : i32
      %parallel_loop3A_81 = arith.constant 200 : i32
      %parallel_loop3A_82 = arith.constant 1 : i32
      scf.for %parallel_loop3A_122 = %parallel_loop3A_80 to %parallel_loop3A_81 step %parallel_loop3A_82  : i32 {
        %parallel_loop3A_123 = arith.constant 16 : i32
        %parallel_loop3A_124 = arith.muli %parallel_loop3A_122, %parallel_loop3A_123 : i32
        %parallel_loop3A_125 = arith.constant 0 : i32
        %parallel_loop3A_126 = arith.constant 0 : i32
        %parallel_loop3A_127 = arith.index_cast %parallel_loop3A_125 : i32 to index
        %parallel_loop3A_128 = arith.index_cast %parallel_loop3A_126 : i32 to index
        %parallel_loop3A_129 = arith.index_cast %parallel_loop3A_124 : i32 to index
        %parallel_loop3A_130 = tpu.vector_load %arg8[%parallel_loop3A_127, %parallel_loop3A_128, %parallel_loop3A_129] {strides = array<i32>} : memref<2x3x3200xi32, #tpu.memory_space<vmem>>, vector<16xi32>,
        %parallel_loop3A_131 = arith.constant 0 : i32
        %parallel_loop3A_132 = arith.constant 1 : i32
        %parallel_loop3A_133 = arith.index_cast %parallel_loop3A_131 : i32 to index
        %parallel_loop3A_134 = arith.index_cast %parallel_loop3A_132 : i32 to index
        %parallel_loop3A_135 = arith.index_cast %parallel_loop3A_124 : i32 to index
        %parallel_loop3A_136 = tpu.vector_load %arg8[%parallel_loop3A_133, %parallel_loop3A_134, %parallel_loop3A_135] {strides = array<i32>} : memref<2x3x3200xi32, #tpu.memory_space<vmem>>, vector<16xi32>,
        %parallel_loop3A_137 = arith.constant 0 : i32
        %parallel_loop3A_138 = arith.constant 2 : i32
        %parallel_loop3A_139 = arith.index_cast %parallel_loop3A_137 : i32 to index
        %parallel_loop3A_140 = arith.index_cast %parallel_loop3A_138 : i32 to index
        %parallel_loop3A_141 = arith.index_cast %parallel_loop3A_124 : i32 to index
        %parallel_loop3A_142 = tpu.vector_load %arg8[%parallel_loop3A_139, %parallel_loop3A_140, %parallel_loop3A_141] {strides = array<i32>} : memref<2x3x3200xi32, #tpu.memory_space<vmem>>, vector<16xi32>,
        %parallel_loop3A_143 = vector.bitcast %parallel_loop3A_142 : vector<16xi32> to vector<16xf32>
        %parallel_loop3A_144 = math.absf %parallel_loop3A_143 : vector<16xf32>
        %parallel_loop3A_145 = arith.constant 0 : i32
        %parallel_loop3A_146 = vector.broadcast %parallel_loop3A_145 : i32 to vector<16xi32>
        %parallel_loop3A_147 = tpu.vector_load_idx %arg6[%parallel_loop3A_146, %parallel_loop3A_130] : memref<4x10240xf32, #tpu.memory_space<vmem>>[vector<16xi32>, vector<16xi32>], vector<16xf32>,
        %parallel_loop3A_148 = arith.mulf %parallel_loop3A_147, %parallel_loop3A_144 : vector<16xf32>
        tpu.vector_store_idx %arg7[%parallel_loop3A_146, %parallel_loop3A_136], %parallel_loop3A_148 {add = true} : memref<4x10240xf32, #tpu.memory_space<vmem>>[vector<16xi32>, vector<16xi32>], vector<16xf32>,
        %parallel_loop3A_149 = arith.constant 1 : i32
        %parallel_loop3A_150 = vector.broadcast %parallel_loop3A_149 : i32 to vector<16xi32>
        %parallel_loop3A_151 = tpu.vector_load_idx %arg6[%parallel_loop3A_150, %parallel_loop3A_130] : memref<4x10240xf32, #tpu.memory_space<vmem>>[vector<16xi32>, vector<16xi32>], vector<16xf32>,
        %parallel_loop3A_152 = arith.mulf %parallel_loop3A_151, %parallel_loop3A_144 : vector<16xf32>
        tpu.vector_store_idx %arg7[%parallel_loop3A_150, %parallel_loop3A_136], %parallel_loop3A_152 {add = true} : memref<4x10240xf32, #tpu.memory_space<vmem>>[vector<16xi32>, vector<16xi32>], vector<16xf32>,
        %parallel_loop3A_153 = arith.constant 2 : i32
        %parallel_loop3A_154 = vector.broadcast %parallel_loop3A_153 : i32 to vector<16xi32>
        %parallel_loop3A_155 = tpu.vector_load_idx %arg6[%parallel_loop3A_154, %parallel_loop3A_130] : memref<4x10240xf32, #tpu.memory_space<vmem>>[vector<16xi32>, vector<16xi32>], vector<16xf32>,
        %parallel_loop3A_156 = arith.mulf %parallel_loop3A_155, %parallel_loop3A_144 : vector<16xf32>
        tpu.vector_store_idx %arg7[%parallel_loop3A_154, %parallel_loop3A_136], %parallel_loop3A_156 {add = true} : memref<4x10240xf32, #tpu.memory_space<vmem>>[vector<16xi32>, vector<16xi32>], vector<16xf32>,
        %parallel_loop3A_157 = arith.constant 3 : i32
        %parallel_loop3A_158 = vector.broadcast %parallel_loop3A_157 : i32 to vector<16xi32>
        %parallel_loop3A_159 = tpu.vector_load_idx %arg6[%parallel_loop3A_158, %parallel_loop3A_130] : memref<4x10240xf32, #tpu.memory_space<vmem>>[vector<16xi32>, vector<16xi32>], vector<16xf32>,
        %parallel_loop3A_160 = arith.mulf %parallel_loop3A_159, %parallel_loop3A_144 : vector<16xf32>
        tpu.vector_store_idx %arg7[%parallel_loop3A_158, %parallel_loop3A_136], %parallel_loop3A_160 {add = true} : memref<4x10240xf32, #tpu.memory_space<vmem>>[vector<16xi32>, vector<16xi32>], vector<16xf32>,
      } {sc.loop_unroll_factor = 8 : i64, sc.parallel_access}
      %add3A_83 = arith.constant 2 : i32
      %add3A_84 = arith.addi %add3A_61, %add3A_83 : i32
      %lt3A = arith.constant 50 : i32
      %lt3A_85 = arith.cmpi slt, %add3A_84, %lt3A : i32
      %convert_element_type3A_86 = arith.extui %lt3A_85 : i1 to i32
      %cond3A_87 = arith.constant 0 : i32
      %cond3A_88 = arith.cmpi ne, %convert_element_type3A_86, %cond3A_87 : i32
      scf.if %cond3A_88 {
        %add3A_122 = arith.constant 2 : i32
        %add3A_123 = arith.addi %add3A_61, %add3A_122 : i32
        %mul3A_124 = arith.constant 160000 : i32
        %mul3A_125 = arith.muli %and3A_1, %mul3A_124 : i32
        %mul3A_126 = arith.constant 3200 : i32
        %mul3A_127 = arith.muli %add3A_123, %mul3A_126 : i32
        %add3A_128 = arith.addi %mul3A_125, %mul3A_127 : i32
        %multiple_of3A_129 = tpu.assume_multiple %add3A_128, 128 : i32
        %dma_start3A_130 = arith.constant 0 : i32
        %dma_start3A_131 = arith.constant 0 : i32
        %dma_start3A_132 = arith.constant 0 : i32
        %dma_start3A_133 = tpu.memref_slice %arg8[%dma_start3A_130, %dma_start3A_131, %dma_start3A_132] : memref<2x3x3200xi32, #tpu.memory_space<vmem>> -> memref<1x3x3200xi32, #tpu.memory_space<vmem>>
        %dma_start3A_134 = tpu.memref_squeeze %dma_start3A_133 : memref<1x3x3200xi32, #tpu.memory_space<vmem>> -> memref<3x3200xi32, #tpu.memory_space<vmem>>
        %dma_start3A_135 = arith.constant 0 : i32
        %dma_start3A_136 = tpu.memref_slice %arg3[%dma_start3A_135, %multiple_of3A_129] : memref<3x320000xi32, #tpu.memory_space<hbm>> -> memref<3x3200xi32, #tpu.memory_space<hbm>>
        %dma_start3A_137 = arith.constant 0 : i32
        %dma_start3A_138 = arith.constant 0 : i32
        %dma_start3A_139 = tpu.memref_slice %arg8[%dma_start3A_130, %dma_start3A_137, %dma_start3A_138] : memref<2x3x3200xi32, #tpu.memory_space<vmem>> -> memref<1x3x3200xi32, #tpu.memory_space<vmem>>
        %dma_start3A_140 = tpu.memref_squeeze %dma_start3A_139 : memref<1x3x3200xi32, #tpu.memory_space<vmem>> -> memref<3x3200xi32, #tpu.memory_space<vmem>>
        %dma_start3A_141 = arith.constant 0 : i32
        %dma_start3A_142 = tpu.memref_slice %arg3[%dma_start3A_141, %multiple_of3A_129] : memref<3x320000xi32, #tpu.memory_space<hbm>> -> memref<3x3200xi32, #tpu.memory_space<hbm>>
        tpu.enqueue_dma source(%dma_start3A_142 : memref<3x3200xi32, #tpu.memory_space<hbm>>) target(%dma_start3A_140 : memref<3x3200xi32, #tpu.memory_space<vmem>>) target_semaphore(%arg9 : memref<!tpu.dma_semaphore, #tpu.memory_space<semaphore_mem>>)
      } else {
      }
      %mul3A_89 = arith.constant 2 : i32
      %mul3A_90 = arith.muli %scan3A_57, %mul3A_89 : i32
      %add3A_91 = arith.constant 1 : i32
      %add3A_92 = arith.addi %mul3A_90, %add3A_91 : i32
      %mul3A_93 = arith.constant 160000 : i32
      %mul3A_94 = arith.muli %and3A_1, %mul3A_93 : i32
      %mul3A_95 = arith.constant 3200 : i32
      %mul3A_96 = arith.muli %add3A_92, %mul3A_95 : i32
      %add3A_97 = arith.addi %mul3A_94, %mul3A_96 : i32
      %multiple_of3A_98 = tpu.assume_multiple %add3A_97, 128 : i32
      %dma_wait3A_99 = arith.constant 1 : i32
      %dma_wait3A_100 = arith.constant 0 : i32
      %dma_wait3A_101 = arith.constant 0 : i32
      %dma_wait3A_102 = tpu.memref_slice %arg8[%dma_wait3A_99, %dma_wait3A_100, %dma_wait3A_101] : memref<2x3x3200xi32, #tpu.memory_space<vmem>> -> memref<1x3x3200xi32, #tpu.memory_space<vmem>>
      %dma_wait3A_103 = tpu.memref_squeeze %dma_wait3A_102 : memref<1x3x3200xi32, #tpu.memory_space<vmem>> -> memref<3x3200xi32, #tpu.memory_space<vmem>>
      %dma_wait3A_104 = arith.constant 0 : i32
      %dma_wait3A_105 = tpu.memref_slice %arg3[%dma_wait3A_104, %multiple_of3A_98] : memref<3x320000xi32, #tpu.memory_space<hbm>> -> memref<3x3200xi32, #tpu.memory_space<hbm>>
      %dma_wait3A_106 = arith.constant 0 : i32
      %dma_wait3A_107 = arith.constant 0 : i32
      %dma_wait3A_108 = tpu.memref_slice %arg8[%dma_wait3A_99, %dma_wait3A_106, %dma_wait3A_107] : memref<2x3x3200xi32, #tpu.memory_space<vmem>> -> memref<1x3x3200xi32, #tpu.memory_space<vmem>>
      %dma_wait3A_109 = tpu.memref_squeeze %dma_wait3A_108 : memref<1x3x3200xi32, #tpu.memory_space<vmem>> -> memref<3x3200xi32, #tpu.memory_space<vmem>>
      %dma_wait3A_110 = arith.constant 0 : i32
      %dma_wait3A_111 = tpu.memref_slice %arg3[%dma_wait3A_110, %multiple_of3A_98] : memref<3x320000xi32, #tpu.memory_space<hbm>> -> memref<3x3200xi32, #tpu.memory_space<hbm>>
      tpu.wait_dma2 semaphore(%arg10 : memref<!tpu.dma_semaphore, #tpu.memory_space<semaphore_mem>>) src(%dma_wait3A_111 : memref<3x3200xi32, #tpu.memory_space<hbm>>) dst(%dma_wait3A_109 : memref<3x3200xi32, #tpu.memory_space<vmem>>)
      %parallel_loop3A_112 = arith.constant 0 : i32
      %parallel_loop3A_113 = arith.constant 200 : i32
      %parallel_loop3A_114 = arith.constant 1 : i32
      scf.for %parallel_loop3A_122 = %parallel_loop3A_112 to %parallel_loop3A_113 step %parallel_loop3A_114  : i32 {
        %parallel_loop3A_123 = arith.constant 16 : i32
        %parallel_loop3A_124 = arith.muli %parallel_loop3A_122, %parallel_loop3A_123 : i32
        %parallel_loop3A_125 = arith.constant 1 : i32
        %parallel_loop3A_126 = arith.constant 0 : i32
        %parallel_loop3A_127 = arith.index_cast %parallel_loop3A_125 : i32 to index
        %parallel_loop3A_128 = arith.index_cast %parallel_loop3A_126 : i32 to index
        %parallel_loop3A_129 = arith.index_cast %parallel_loop3A_124 : i32 to index
        %parallel_loop3A_130 = tpu.vector_load %arg8[%parallel_loop3A_127, %parallel_loop3A_128, %parallel_loop3A_129] {strides = array<i32>} : memref<2x3x3200xi32, #tpu.memory_space<vmem>>, vector<16xi32>,
        %parallel_loop3A_131 = arith.constant 1 : i32
        %parallel_loop3A_132 = arith.constant 1 : i32
        %parallel_loop3A_133 = arith.index_cast %parallel_loop3A_131 : i32 to index
        %parallel_loop3A_134 = arith.index_cast %parallel_loop3A_132 : i32 to index
        %parallel_loop3A_135 = arith.index_cast %parallel_loop3A_124 : i32 to index
        %parallel_loop3A_136 = tpu.vector_load %arg8[%parallel_loop3A_133, %parallel_loop3A_134, %parallel_loop3A_135] {strides = array<i32>} : memref<2x3x3200xi32, #tpu.memory_space<vmem>>, vector<16xi32>,
        %parallel_loop3A_137 = arith.constant 1 : i32
        %parallel_loop3A_138 = arith.constant 2 : i32
        %parallel_loop3A_139 = arith.index_cast %parallel_loop3A_137 : i32 to index
        %parallel_loop3A_140 = arith.index_cast %parallel_loop3A_138 : i32 to index
        %parallel_loop3A_141 = arith.index_cast %parallel_loop3A_124 : i32 to index
        %parallel_loop3A_142 = tpu.vector_load %arg8[%parallel_loop3A_139, %parallel_loop3A_140, %parallel_loop3A_141] {strides = array<i32>} : memref<2x3x3200xi32, #tpu.memory_space<vmem>>, vector<16xi32>,
        %parallel_loop3A_143 = vector.bitcast %parallel_loop3A_142 : vector<16xi32> to vector<16xf32>
        %parallel_loop3A_144 = math.absf %parallel_loop3A_143 : vector<16xf32>
        %parallel_loop3A_145 = arith.constant 0 : i32
        %parallel_loop3A_146 = vector.broadcast %parallel_loop3A_145 : i32 to vector<16xi32>
        %parallel_loop3A_147 = tpu.vector_load_idx %arg6[%parallel_loop3A_146, %parallel_loop3A_130] : memref<4x10240xf32, #tpu.memory_space<vmem>>[vector<16xi32>, vector<16xi32>], vector<16xf32>,
        %parallel_loop3A_148 = arith.mulf %parallel_loop3A_147, %parallel_loop3A_144 : vector<16xf32>
        tpu.vector_store_idx %arg7[%parallel_loop3A_146, %parallel_loop3A_136], %parallel_loop3A_148 {add = true} : memref<4x10240xf32, #tpu.memory_space<vmem>>[vector<16xi32>, vector<16xi32>], vector<16xf32>,
        %parallel_loop3A_149 = arith.constant 1 : i32
        %parallel_loop3A_150 = vector.broadcast %parallel_loop3A_149 : i32 to vector<16xi32>
        %parallel_loop3A_151 = tpu.vector_load_idx %arg6[%parallel_loop3A_150, %parallel_loop3A_130] : memref<4x10240xf32, #tpu.memory_space<vmem>>[vector<16xi32>, vector<16xi32>], vector<16xf32>,
        %parallel_loop3A_152 = arith.mulf %parallel_loop3A_151, %parallel_loop3A_144 : vector<16xf32>
        tpu.vector_store_idx %arg7[%parallel_loop3A_150, %parallel_loop3A_136], %parallel_loop3A_152 {add = true} : memref<4x10240xf32, #tpu.memory_space<vmem>>[vector<16xi32>, vector<16xi32>], vector<16xf32>,
        %parallel_loop3A_153 = arith.constant 2 : i32
        %parallel_loop3A_154 = vector.broadcast %parallel_loop3A_153 : i32 to vector<16xi32>
        %parallel_loop3A_155 = tpu.vector_load_idx %arg6[%parallel_loop3A_154, %parallel_loop3A_130] : memref<4x10240xf32, #tpu.memory_space<vmem>>[vector<16xi32>, vector<16xi32>], vector<16xf32>,
        %parallel_loop3A_156 = arith.mulf %parallel_loop3A_155, %parallel_loop3A_144 : vector<16xf32>
        tpu.vector_store_idx %arg7[%parallel_loop3A_154, %parallel_loop3A_136], %parallel_loop3A_156 {add = true} : memref<4x10240xf32, #tpu.memory_space<vmem>>[vector<16xi32>, vector<16xi32>], vector<16xf32>,
        %parallel_loop3A_157 = arith.constant 3 : i32
        %parallel_loop3A_158 = vector.broadcast %parallel_loop3A_157 : i32 to vector<16xi32>
        %parallel_loop3A_159 = tpu.vector_load_idx %arg6[%parallel_loop3A_158, %parallel_loop3A_130] : memref<4x10240xf32, #tpu.memory_space<vmem>>[vector<16xi32>, vector<16xi32>], vector<16xf32>,
        %parallel_loop3A_160 = arith.mulf %parallel_loop3A_159, %parallel_loop3A_144 : vector<16xf32>
        tpu.vector_store_idx %arg7[%parallel_loop3A_158, %parallel_loop3A_136], %parallel_loop3A_160 {add = true} : memref<4x10240xf32, #tpu.memory_space<vmem>>[vector<16xi32>, vector<16xi32>], vector<16xf32>,
      } {sc.loop_unroll_factor = 8 : i64, sc.parallel_access}
      %add3A_115 = arith.constant 2 : i32
      %add3A_116 = arith.addi %add3A_92, %add3A_115 : i32
      %lt3A_117 = arith.constant 50 : i32
      %lt3A_118 = arith.cmpi slt, %add3A_116, %lt3A_117 : i32
      %convert_element_type3A_119 = arith.extui %lt3A_118 : i1 to i32
      %cond3A_120 = arith.constant 0 : i32
      %cond3A_121 = arith.cmpi ne, %convert_element_type3A_119, %cond3A_120 : i32
      scf.if %cond3A_121 {
        %add3A_122 = arith.constant 2 : i32
        %add3A_123 = arith.addi %add3A_92, %add3A_122 : i32
        %mul3A_124 = arith.constant 160000 : i32
        %mul3A_125 = arith.muli %and3A_1, %mul3A_124 : i32
        %mul3A_126 = arith.constant 3200 : i32
        %mul3A_127 = arith.muli %add3A_123, %mul3A_126 : i32
        %add3A_128 = arith.addi %mul3A_125, %mul3A_127 : i32
        %multiple_of3A_129 = tpu.assume_multiple %add3A_128, 128 : i32
        %dma_start3A_130 = arith.constant 1 : i32
        %dma_start3A_131 = arith.constant 0 : i32
        %dma_start3A_132 = arith.constant 0 : i32
        %dma_start3A_133 = tpu.memref_slice %arg8[%dma_start3A_130, %dma_start3A_131, %dma_start3A_132] : memref<2x3x3200xi32, #tpu.memory_space<vmem>> -> memref<1x3x3200xi32, #tpu.memory_space<vmem>>
        %dma_start3A_134 = tpu.memref_squeeze %dma_start3A_133 : memref<1x3x3200xi32, #tpu.memory_space<vmem>> -> memref<3x3200xi32, #tpu.memory_space<vmem>>
        %dma_start3A_135 = arith.constant 0 : i32
        %dma_start3A_136 = tpu.memref_slice %arg3[%dma_start3A_135, %multiple_of3A_129] : memref<3x320000xi32, #tpu.memory_space<hbm>> -> memref<3x3200xi32, #tpu.memory_space<hbm>>
        %dma_start3A_137 = arith.constant 0 : i32
        %dma_start3A_138 = arith.constant 0 : i32
        %dma_start3A_139 = tpu.memref_slice %arg8[%dma_start3A_130, %dma_start3A_137, %dma_start3A_138] : memref<2x3x3200xi32, #tpu.memory_space<vmem>> -> memref<1x3x3200xi32, #tpu.memory_space<vmem>>
        %dma_start3A_140 = tpu.memref_squeeze %dma_start3A_139 : memref<1x3x3200xi32, #tpu.memory_space<vmem>> -> memref<3x3200xi32, #tpu.memory_space<vmem>>
        %dma_start3A_141 = arith.constant 0 : i32
        %dma_start3A_142 = tpu.memref_slice %arg3[%dma_start3A_141, %multiple_of3A_129] : memref<3x320000xi32, #tpu.memory_space<hbm>> -> memref<3x3200xi32, #tpu.memory_space<hbm>>
        tpu.enqueue_dma source(%dma_start3A_142 : memref<3x3200xi32, #tpu.memory_space<hbm>>) target(%dma_start3A_140 : memref<3x3200xi32, #tpu.memory_space<vmem>>) target_semaphore(%arg10 : memref<!tpu.dma_semaphore, #tpu.memory_space<semaphore_mem>>)
      } else {
      }
    }
    %scan3A_48 = arith.constant 25 : i32
    %eq3A_49 = arith.constant 0 : i32
    %eq3A_50 = arith.cmpi eq, %and3A_1, %eq3A_49 : i32
    %convert_element_type3A = arith.extui %eq3A_50 : i1 to i32
    %cond3A = arith.constant 0 : i32
    %cond3A_51 = arith.cmpi ne, %convert_element_type3A, %cond3A : i32
    scf.if %cond3A_51 {
      "tpu.region"() ({
        %run_scoped3A = tpu.sem_alloc : memref<!tpu.dma_semaphore, #tpu.memory_space<semaphore_mem>>
        %dma_start3A_57 = arith.constant 0 : i32
        %dma_start3A_58 = tpu.memref_slice %arg4[%multiple_of3A, %dma_start3A_57] : memref<64x10240xf32, #tpu.memory_space<hbm>> -> memref<4x10240xf32, #tpu.memory_space<hbm>>
        %dma_start3A_59 = arith.constant 0 : i32
        %dma_start3A_60 = tpu.memref_slice %arg4[%multiple_of3A, %dma_start3A_59] : memref<64x10240xf32, #tpu.memory_space<hbm>> -> memref<4x10240xf32, #tpu.memory_space<hbm>>
        tpu.enqueue_dma source(%arg7 : memref<4x10240xf32, #tpu.memory_space<vmem>>) target(%dma_start3A_60 : memref<4x10240xf32, #tpu.memory_space<hbm>>) target_semaphore(%run_scoped3A : memref<!tpu.dma_semaphore, #tpu.memory_space<semaphore_mem>>)
        %dma_wait3A = arith.constant 0 : i32
        %dma_wait3A_61 = tpu.memref_slice %arg4[%multiple_of3A, %dma_wait3A] : memref<64x10240xf32, #tpu.memory_space<hbm>> -> memref<4x10240xf32, #tpu.memory_space<hbm>>
        %dma_wait3A_62 = arith.constant 0 : i32
        %dma_wait3A_63 = tpu.memref_slice %arg4[%multiple_of3A, %dma_wait3A_62] : memref<64x10240xf32, #tpu.memory_space<hbm>> -> memref<4x10240xf32, #tpu.memory_space<hbm>>
        tpu.wait_dma2 semaphore(%run_scoped3A : memref<!tpu.dma_semaphore, #tpu.memory_space<semaphore_mem>>) src(%arg7 : memref<4x10240xf32, #tpu.memory_space<vmem>>) dst(%dma_wait3A_63 : memref<4x10240xf32, #tpu.memory_space<hbm>>)
        tpu.yield
      }) : () -> ()
    } else {
    }
    %eq3A_52 = arith.constant 1 : i32
    %eq3A_53 = arith.cmpi eq, %and3A_1, %eq3A_52 : i32
    %convert_element_type3A_54 = arith.extui %eq3A_53 : i1 to i32
    %cond3A_55 = arith.constant 0 : i32
    %cond3A_56 = arith.cmpi ne, %convert_element_type3A_54, %cond3A_55 : i32
    scf.if %cond3A_56 {
      "tpu.region"() ({
        %run_scoped3A = tpu.sem_alloc : memref<!tpu.dma_semaphore, #tpu.memory_space<semaphore_mem>>
        %dma_start3A_57 = arith.constant 0 : i32
        %dma_start3A_58 = tpu.memref_slice %arg5[%multiple_of3A, %dma_start3A_57] : memref<64x10240xf32, #tpu.memory_space<hbm>> -> memref<4x10240xf32, #tpu.memory_space<hbm>>
        %dma_start3A_59 = arith.constant 0 : i32
        %dma_start3A_60 = tpu.memref_slice %arg5[%multiple_of3A, %dma_start3A_59] : memref<64x10240xf32, #tpu.memory_space<hbm>> -> memref<4x10240xf32, #tpu.memory_space<hbm>>
        tpu.enqueue_dma source(%arg7 : memref<4x10240xf32, #tpu.memory_space<vmem>>) target(%dma_start3A_60 : memref<4x10240xf32, #tpu.memory_space<hbm>>) target_semaphore(%run_scoped3A : memref<!tpu.dma_semaphore, #tpu.memory_space<semaphore_mem>>)
        %dma_wait3A = arith.constant 0 : i32
        %dma_wait3A_61 = tpu.memref_slice %arg5[%multiple_of3A, %dma_wait3A] : memref<64x10240xf32, #tpu.memory_space<hbm>> -> memref<4x10240xf32, #tpu.memory_space<hbm>>
        %dma_wait3A_62 = arith.constant 0 : i32
        %dma_wait3A_63 = tpu.memref_slice %arg5[%multiple_of3A, %dma_wait3A_62] : memref<64x10240xf32, #tpu.memory_space<hbm>> -> memref<4x10240xf32, #tpu.memory_space<hbm>>
        tpu.wait_dma2 semaphore(%run_scoped3A : memref<!tpu.dma_semaphore, #tpu.memory_space<semaphore_mem>>) src(%arg7 : memref<4x10240xf32, #tpu.memory_space<vmem>>) dst(%dma_wait3A_63 : memref<4x10240xf32, #tpu.memory_space<hbm>>)
        tpu.yield
      }) : () -> ()
    } else {
    }
    return
  }
}

#map = affine_map<(d0, d1) -> (0)>
#map1 = affine_map<(d0, d1) -> (0, 0)>
module attributes {stable_mosaic.version = 14 : i64} {
  func.func @_deg_body(%arg0: i32, %arg1: i32, %arg2: memref<320000xi32, #tpu.memory_space<hbm>>, %arg3: memref<320000xf32, #tpu.memory_space<hbm>>, %arg4: memref<32x10240xf32, #tpu.memory_space<hbm>>, %arg5: memref<10000xi32, #tpu.memory_space<vmem>>, %arg6: memref<10000xf32, #tpu.memory_space<vmem>>, %arg7: memref<10240xf32, #tpu.memory_space<vmem>>) attributes {dimension_semantics = [#tpu.dimension_semantics<core_parallel>, #tpu.dimension_semantics<subcore_parallel>], iteration_bounds = array<i64: 2, 16>, scalar_prefetch = 0 : i64, scratch_operands = 3 : i64, tpu.core_type = #tpu.core_type<sc_vector_subcore>, window_params = [{transform_indices = #map}, {transform_indices = #map}, {transform_indices = #map1}]} {
    %mul3A = arith.constant 2 : i32
    %mul3A_0 = arith.muli %arg1, %mul3A : i32
    %add3A = arith.addi %mul3A_0, %arg0 : i32
    %mul3A_1 = arith.constant 10000 : i32
    %mul3A_2 = arith.muli %add3A, %mul3A_1 : i32
    %multiple_of3A = tpu.assume_multiple %mul3A_2, 8 : i32
    "tpu.region"() ({
      %run_scoped3A = tpu.sem_alloc : memref<!tpu.dma_semaphore, #tpu.memory_space<semaphore_mem>>
      %dma_start3A = tpu.memref_slice %arg2[%multiple_of3A] : memref<320000xi32, #tpu.memory_space<hbm>> -> memref<10000xi32, #tpu.memory_space<hbm>>
      %dma_start3A_8 = tpu.memref_slice %arg2[%multiple_of3A] : memref<320000xi32, #tpu.memory_space<hbm>> -> memref<10000xi32, #tpu.memory_space<hbm>>
      tpu.enqueue_dma source(%dma_start3A_8 : memref<10000xi32, #tpu.memory_space<hbm>>) target(%arg5 : memref<10000xi32, #tpu.memory_space<vmem>>) target_semaphore(%run_scoped3A : memref<!tpu.dma_semaphore, #tpu.memory_space<semaphore_mem>>)
      %dma_wait3A = tpu.memref_slice %arg2[%multiple_of3A] : memref<320000xi32, #tpu.memory_space<hbm>> -> memref<10000xi32, #tpu.memory_space<hbm>>
      %dma_wait3A_9 = tpu.memref_slice %arg2[%multiple_of3A] : memref<320000xi32, #tpu.memory_space<hbm>> -> memref<10000xi32, #tpu.memory_space<hbm>>
      tpu.wait_dma2 semaphore(%run_scoped3A : memref<!tpu.dma_semaphore, #tpu.memory_space<semaphore_mem>>) src(%dma_wait3A_9 : memref<10000xi32, #tpu.memory_space<hbm>>) dst(%arg5 : memref<10000xi32, #tpu.memory_space<vmem>>)
      tpu.yield
    }) : () -> ()
    "tpu.region"() ({
      %run_scoped3A = tpu.sem_alloc : memref<!tpu.dma_semaphore, #tpu.memory_space<semaphore_mem>>
      %dma_start3A = tpu.memref_slice %arg3[%multiple_of3A] : memref<320000xf32, #tpu.memory_space<hbm>> -> memref<10000xf32, #tpu.memory_space<hbm>>
      %dma_start3A_8 = tpu.memref_slice %arg3[%multiple_of3A] : memref<320000xf32, #tpu.memory_space<hbm>> -> memref<10000xf32, #tpu.memory_space<hbm>>
      tpu.enqueue_dma source(%dma_start3A_8 : memref<10000xf32, #tpu.memory_space<hbm>>) target(%arg6 : memref<10000xf32, #tpu.memory_space<vmem>>) target_semaphore(%run_scoped3A : memref<!tpu.dma_semaphore, #tpu.memory_space<semaphore_mem>>)
      %dma_wait3A = tpu.memref_slice %arg3[%multiple_of3A] : memref<320000xf32, #tpu.memory_space<hbm>> -> memref<10000xf32, #tpu.memory_space<hbm>>
      %dma_wait3A_9 = tpu.memref_slice %arg3[%multiple_of3A] : memref<320000xf32, #tpu.memory_space<hbm>> -> memref<10000xf32, #tpu.memory_space<hbm>>
      tpu.wait_dma2 semaphore(%run_scoped3A : memref<!tpu.dma_semaphore, #tpu.memory_space<semaphore_mem>>) src(%dma_wait3A_9 : memref<10000xf32, #tpu.memory_space<hbm>>) dst(%arg6 : memref<10000xf32, #tpu.memory_space<vmem>>)
      tpu.yield
    }) : () -> ()
    %parallel_loop3A = arith.constant 0 : i32
    %parallel_loop3A_3 = arith.constant 640 : i32
    %parallel_loop3A_4 = arith.constant 1 : i32
    scf.for %parallel_loop3A_8 = %parallel_loop3A to %parallel_loop3A_3 step %parallel_loop3A_4  : i32 {
      %parallel_loop3A_9 = arith.constant 0.000000e+00 : f32
      %parallel_loop3A_10 = vector.broadcast %parallel_loop3A_9 : f32 to vector<16xf32>
      %parallel_loop3A_11 = arith.constant 16 : i32
      %parallel_loop3A_12 = arith.muli %parallel_loop3A_8, %parallel_loop3A_11 : i32
      %parallel_loop3A_13 = arith.index_cast %parallel_loop3A_12 : i32 to index
      %parallel_loop3A_14 = tpu.vector_load %arg7[%parallel_loop3A_13] {strides = array<i32>} : memref<10240xf32, #tpu.memory_space<vmem>>, vector<16xf32>,
      tpu.vector_store %arg7[%parallel_loop3A_13], %parallel_loop3A_10 {strides = array<i32>} : memref<10240xf32, #tpu.memory_space<vmem>>, vector<16xf32>,
    } {sc.loop_unroll_factor = 4 : i64, sc.parallel_access}
    %parallel_loop3A_5 = arith.constant 0 : i32
    %parallel_loop3A_6 = arith.constant 625 : i32
    %parallel_loop3A_7 = arith.constant 1 : i32
    scf.for %parallel_loop3A_8 = %parallel_loop3A_5 to %parallel_loop3A_6 step %parallel_loop3A_7  : i32 {
      %parallel_loop3A_9 = arith.constant 16 : i32
      %parallel_loop3A_10 = arith.muli %parallel_loop3A_8, %parallel_loop3A_9 : i32
      %parallel_loop3A_11 = arith.index_cast %parallel_loop3A_10 : i32 to index
      %parallel_loop3A_12 = tpu.vector_load %arg5[%parallel_loop3A_11] {strides = array<i32>} : memref<10000xi32, #tpu.memory_space<vmem>>, vector<16xi32>,
      %parallel_loop3A_13 = arith.constant 16 : i32
      %parallel_loop3A_14 = arith.muli %parallel_loop3A_8, %parallel_loop3A_13 : i32
      %parallel_loop3A_15 = arith.index_cast %parallel_loop3A_14 : i32 to index
      %parallel_loop3A_16 = tpu.vector_load %arg6[%parallel_loop3A_15] {strides = array<i32>} : memref<10000xf32, #tpu.memory_space<vmem>>, vector<16xf32>,
      %parallel_loop3A_17 = math.absf %parallel_loop3A_16 : vector<16xf32>
      tpu.vector_store_idx %arg7[%parallel_loop3A_12], %parallel_loop3A_17 {add = true} : memref<10240xf32, #tpu.memory_space<vmem>>[vector<16xi32>], vector<16xf32>,
    } {sc.loop_unroll_factor = 4 : i64, sc.parallel_access}
    "tpu.region"() ({
      %run_scoped3A = tpu.sem_alloc : memref<!tpu.dma_semaphore, #tpu.memory_space<semaphore_mem>>
      %dma_start3A = arith.constant 0 : i32
      %dma_start3A_8 = tpu.memref_slice %arg4[%add3A, %dma_start3A] : memref<32x10240xf32, #tpu.memory_space<hbm>> -> memref<1x10240xf32, #tpu.memory_space<hbm>>
      %dma_start3A_9 = tpu.memref_squeeze %dma_start3A_8 : memref<1x10240xf32, #tpu.memory_space<hbm>> -> memref<10240xf32, #tpu.memory_space<hbm>>
      %dma_start3A_10 = arith.constant 0 : i32
      %dma_start3A_11 = tpu.memref_slice %arg4[%add3A, %dma_start3A_10] : memref<32x10240xf32, #tpu.memory_space<hbm>> -> memref<1x10240xf32, #tpu.memory_space<hbm>>
      %dma_start3A_12 = tpu.memref_squeeze %dma_start3A_11 : memref<1x10240xf32, #tpu.memory_space<hbm>> -> memref<10240xf32, #tpu.memory_space<hbm>>
      tpu.enqueue_dma source(%arg7 : memref<10240xf32, #tpu.memory_space<vmem>>) target(%dma_start3A_12 : memref<10240xf32, #tpu.memory_space<hbm>>) target_semaphore(%run_scoped3A : memref<!tpu.dma_semaphore, #tpu.memory_space<semaphore_mem>>)
      %dma_wait3A = arith.constant 0 : i32
      %dma_wait3A_13 = tpu.memref_slice %arg4[%add3A, %dma_wait3A] : memref<32x10240xf32, #tpu.memory_space<hbm>> -> memref<1x10240xf32, #tpu.memory_space<hbm>>
      %dma_wait3A_14 = tpu.memref_squeeze %dma_wait3A_13 : memref<1x10240xf32, #tpu.memory_space<hbm>> -> memref<10240xf32, #tpu.memory_space<hbm>>
      %dma_wait3A_15 = arith.constant 0 : i32
      %dma_wait3A_16 = tpu.memref_slice %arg4[%add3A, %dma_wait3A_15] : memref<32x10240xf32, #tpu.memory_space<hbm>> -> memref<1x10240xf32, #tpu.memory_space<hbm>>
      %dma_wait3A_17 = tpu.memref_squeeze %dma_wait3A_16 : memref<1x10240xf32, #tpu.memory_space<hbm>> -> memref<10240xf32, #tpu.memory_space<hbm>>
      tpu.wait_dma2 semaphore(%run_scoped3A : memref<!tpu.dma_semaphore, #tpu.memory_space<semaphore_mem>>) src(%arg7 : memref<10240xf32, #tpu.memory_space<vmem>>) dst(%dma_wait3A_17 : memref<10240xf32, #tpu.memory_space<hbm>>)
      tpu.yield
    }) : () -> ()
    return
  }
}

#map = affine_map<(d0, d1) -> (0, 0)>
module attributes {stable_mosaic.version = 14 : i64} {
  func.func @_scat_body(%arg0: i32, %arg1: i32, %arg2: memref<64x10240xf32, #tpu.memory_space<hbm>>, %arg3: memref<3x320000xi32, #tpu.memory_space<hbm>>, %arg4: memref<64x10240xf32, #tpu.memory_space<hbm>>, %arg5: memref<64x10240xf32, #tpu.memory_space<hbm>>, %arg6: memref<4x10240xf32, #tpu.memory_space<vmem>>, %arg7: memref<4x10240xf32, #tpu.memory_space<vmem>>, %arg8: memref<2x3x3200xi32, #tpu.memory_space<vmem>>, %arg9: memref<!tpu.dma_semaphore, #tpu.memory_space<semaphore_mem>>, %arg10: memref<!tpu.dma_semaphore, #tpu.memory_space<semaphore_mem>>) attributes {dimension_semantics = [#tpu.dimension_semantics<core_parallel>, #tpu.dimension_semantics<subcore_parallel>], iteration_bounds = array<i64: 2, 16>, scalar_prefetch = 0 : i64, scratch_operands = 5 : i64, tpu.core_type = #tpu.core_type<sc_vector_subcore>, window_params = [{transform_indices = #map}, {transform_indices = #map}, {transform_indices = #map}, {transform_indices = #map}]} {
    %mul3A = arith.constant 2 : i32
    %mul3A_0 = arith.muli %arg1, %mul3A : i32
    %add3A = arith.addi %mul3A_0, %arg0 : i32
    %and3A = arith.constant 1 : i32
    %and3A_1 = arith.andi %add3A, %and3A : i32
    %shift_right_arithmetic3A = arith.constant 1 : i32
    %shift_right_arithmetic3A_2 = arith.shrsi %add3A, %shift_right_arithmetic3A : i32
    %mul3A_3 = arith.constant 4 : i32
    %mul3A_4 = arith.muli %shift_right_arithmetic3A_2, %mul3A_3 : i32
    %multiple_of3A = tpu.assume_multiple %mul3A_4, 4 : i32
    "tpu.region"() ({
      %run_scoped3A = tpu.sem_alloc : memref<!tpu.dma_semaphore, #tpu.memory_space<semaphore_mem>>
      %dma_start3A_57 = arith.constant 0 : i32
      %dma_start3A_58 = tpu.memref_slice %arg2[%multiple_of3A, %dma_start3A_57] : memref<64x10240xf32, #tpu.memory_space<hbm>> -> memref<4x10240xf32, #tpu.memory_space<hbm>>
      %dma_start3A_59 = arith.constant 0 : i32
      %dma_start3A_60 = tpu.memref_slice %arg2[%multiple_of3A, %dma_start3A_59] : memref<64x10240xf32, #tpu.memory_space<hbm>> -> memref<4x10240xf32, #tpu.memory_space<hbm>>
      tpu.enqueue_dma source(%dma_start3A_60 : memref<4x10240xf32, #tpu.memory_space<hbm>>) target(%arg6 : memref<4x10240xf32, #tpu.memory_space<vmem>>) target_semaphore(%run_scoped3A : memref<!tpu.dma_semaphore, #tpu.memory_space<semaphore_mem>>)
      %dma_wait3A = arith.constant 0 : i32
      %dma_wait3A_61 = tpu.memref_slice %arg2[%multiple_of3A, %dma_wait3A] : memref<64x10240xf32, #tpu.memory_space<hbm>> -> memref<4x10240xf32, #tpu.memory_space<hbm>>
      %dma_wait3A_62 = arith.constant 0 : i32
      %dma_wait3A_63 = tpu.memref_slice %arg2[%multiple_of3A, %dma_wait3A_62] : memref<64x10240xf32, #tpu.memory_space<hbm>> -> memref<4x10240xf32, #tpu.memory_space<hbm>>
      tpu.wait_dma2 semaphore(%run_scoped3A : memref<!tpu.dma_semaphore, #tpu.memory_space<semaphore_mem>>) src(%dma_wait3A_63 : memref<4x10240xf32, #tpu.memory_space<hbm>>) dst(%arg6 : memref<4x10240xf32, #tpu.memory_space<vmem>>)
      tpu.yield
    }) : () -> ()
    %mul3A_5 = arith.constant 160000 : i32
    %mul3A_6 = arith.muli %and3A_1, %mul3A_5 : i32
    %add3A_7 = arith.constant 0 : i32
    %add3A_8 = arith.addi %mul3A_6, %add3A_7 : i32
    %multiple_of3A_9 = tpu.assume_multiple %add3A_8, 128 : i32
    %dma_start3A = arith.constant 0 : i32
    %dma_start3A_10 = arith.constant 0 : i32
    %dma_start3A_11 = arith.constant 0 : i32
    %dma_start3A_12 = tpu.memref_slice %arg8[%dma_start3A, %dma_start3A_10, %dma_start3A_11] : memref<2x3x3200xi32, #tpu.memory_space<vmem>> -> memref<1x3x3200xi32, #tpu.memory_space<vmem>>
    %dma_start3A_13 = tpu.memref_squeeze %dma_start3A_12 : memref<1x3x3200xi32, #tpu.memory_space<vmem>> -> memref<3x3200xi32, #tpu.memory_space<vmem>>
    %dma_start3A_14 = arith.constant 0 : i32
    %dma_start3A_15 = tpu.memref_slice %arg3[%dma_start3A_14, %multiple_of3A_9] : memref<3x320000xi32, #tpu.memory_space<hbm>> -> memref<3x3200xi32, #tpu.memory_space<hbm>>
    %dma_start3A_16 = arith.constant 0 : i32
    %dma_start3A_17 = arith.constant 0 : i32
    %dma_start3A_18 = tpu.memref_slice %arg8[%dma_start3A, %dma_start3A_16, %dma_start3A_17] : memref<2x3x3200xi32, #tpu.memory_space<vmem>> -> memref<1x3x3200xi32, #tpu.memory_space<vmem>>
    %dma_start3A_19 = tpu.memref_squeeze %dma_start3A_18 : memref<1x3x3200xi32, #tpu.memory_space<vmem>> -> memref<3x3200xi32, #tpu.memory_space<vmem>>
    %dma_start3A_20 = arith.constant 0 : i32
    %dma_start3A_21 = tpu.memref_slice %arg3[%dma_start3A_20, %multiple_of3A_9] : memref<3x320000xi32, #tpu.memory_space<hbm>> -> memref<3x3200xi32, #tpu.memory_space<hbm>>
    tpu.enqueue_dma source(%dma_start3A_21 : memref<3x3200xi32, #tpu.memory_space<hbm>>) target(%dma_start3A_19 : memref<3x3200xi32, #tpu.memory_space<vmem>>) target_semaphore(%arg9 : memref<!tpu.dma_semaphore, #tpu.memory_space<semaphore_mem>>)
    %mul3A_22 = arith.constant 160000 : i32
    %mul3A_23 = arith.muli %and3A_1, %mul3A_22 : i32
    %add3A_24 = arith.constant 3200 : i32
    %add3A_25 = arith.addi %mul3A_23, %add3A_24 : i32
    %multiple_of3A_26 = tpu.assume_multiple %add3A_25, 128 : i32
    %dma_start3A_27 = arith.constant 1 : i32
    %dma_start3A_28 = arith.constant 0 : i32
    %dma_start3A_29 = arith.constant 0 : i32
    %dma_start3A_30 = tpu.memref_slice %arg8[%dma_start3A_27, %dma_start3A_28, %dma_start3A_29] : memref<2x3x3200xi32, #tpu.memory_space<vmem>> -> memref<1x3x3200xi32, #tpu.memory_space<vmem>>
    %dma_start3A_31 = tpu.memref_squeeze %dma_start3A_30 : memref<1x3x3200xi32, #tpu.memory_space<vmem>> -> memref<3x3200xi32, #tpu.memory_space<vmem>>
    %dma_start3A_32 = arith.constant 0 : i32
    %dma_start3A_33 = tpu.memref_slice %arg3[%dma_start3A_32, %multiple_of3A_26] : memref<3x320000xi32, #tpu.memory_space<hbm>> -> memref<3x3200xi32, #tpu.memory_space<hbm>>
    %dma_start3A_34 = arith.constant 0 : i32
    %dma_start3A_35 = arith.constant 0 : i32
    %dma_start3A_36 = tpu.memref_slice %arg8[%dma_start3A_27, %dma_start3A_34, %dma_start3A_35] : memref<2x3x3200xi32, #tpu.memory_space<vmem>> -> memref<1x3x3200xi32, #tpu.memory_space<vmem>>
    %dma_start3A_37 = tpu.memref_squeeze %dma_start3A_36 : memref<1x3x3200xi32, #tpu.memory_space<vmem>> -> memref<3x3200xi32, #tpu.memory_space<vmem>>
    %dma_start3A_38 = arith.constant 0 : i32
    %dma_start3A_39 = tpu.memref_slice %arg3[%dma_start3A_38, %multiple_of3A_26] : memref<3x320000xi32, #tpu.memory_space<hbm>> -> memref<3x3200xi32, #tpu.memory_space<hbm>>
    tpu.enqueue_dma source(%dma_start3A_39 : memref<3x3200xi32, #tpu.memory_space<hbm>>) target(%dma_start3A_37 : memref<3x3200xi32, #tpu.memory_space<vmem>>) target_semaphore(%arg10 : memref<!tpu.dma_semaphore, #tpu.memory_space<semaphore_mem>>)
    %eq3A = arith.constant 0 : i32
    %eq3A_40 = arith.cmpi eq, %and3A_1, %eq3A : i32
    %jit3A = arith.constant 1.000000e+00 : f32
    %jit3A_41 = arith.constant 0.000000e+00 : f32
    %select_n3A = arith.select %eq3A_40, %jit3A, %jit3A_41 : f32
    %parallel_loop3A = arith.constant 0 : i32
    %parallel_loop3A_42 = arith.constant 640 : i32
    %parallel_loop3A_43 = arith.constant 1 : i32
    scf.for %parallel_loop3A_57 = %parallel_loop3A to %parallel_loop3A_42 step %parallel_loop3A_43  : i32 {
      %parallel_loop3A_58 = arith.constant 16 : i32
      %parallel_loop3A_59 = arith.muli %parallel_loop3A_57, %parallel_loop3A_58 : i32
      %parallel_loop3A_60 = arith.constant 0 : i32
      %parallel_loop3A_61 = arith.index_cast %parallel_loop3A_60 : i32 to index
      %parallel_loop3A_62 = arith.index_cast %parallel_loop3A_59 : i32 to index
      %parallel_loop3A_63 = tpu.vector_load %arg6[%parallel_loop3A_61, %parallel_loop3A_62] {strides = array<i32>} : memref<4x10240xf32, #tpu.memory_space<vmem>>, vector<16xf32>,
      %parallel_loop3A_64 = vector.broadcast %select_n3A : f32 to vector<16xf32>
      %parallel_loop3A_65 = arith.mulf %parallel_loop3A_63, %parallel_loop3A_64 : vector<16xf32>
      %parallel_loop3A_66 = arith.constant 16 : i32
      %parallel_loop3A_67 = arith.muli %parallel_loop3A_57, %parallel_loop3A_66 : i32
      %parallel_loop3A_68 = arith.constant 0 : i32
      %parallel_loop3A_69 = arith.index_cast %parallel_loop3A_68 : i32 to index
      %parallel_loop3A_70 = arith.index_cast %parallel_loop3A_67 : i32 to index
      %parallel_loop3A_71 = tpu.vector_load %arg7[%parallel_loop3A_69, %parallel_loop3A_70] {strides = array<i32>} : memref<4x10240xf32, #tpu.memory_space<vmem>>, vector<16xf32>,
      tpu.vector_store %arg7[%parallel_loop3A_69, %parallel_loop3A_70], %parallel_loop3A_65 {strides = array<i32>} : memref<4x10240xf32, #tpu.memory_space<vmem>>, vector<16xf32>,
      %parallel_loop3A_72 = arith.constant 16 : i32
      %parallel_loop3A_73 = arith.muli %parallel_loop3A_57, %parallel_loop3A_72 : i32
      %parallel_loop3A_74 = arith.constant 1 : i32
      %parallel_loop3A_75 = arith.index_cast %parallel_loop3A_74 : i32 to index
      %parallel_loop3A_76 = arith.index_cast %parallel_loop3A_73 : i32 to index
      %parallel_loop3A_77 = tpu.vector_load %arg6[%parallel_loop3A_75, %parallel_loop3A_76] {strides = array<i32>} : memref<4x10240xf32, #tpu.memory_space<vmem>>, vector<16xf32>,
      %parallel_loop3A_78 = vector.broadcast %select_n3A : f32 to vector<16xf32>
      %parallel_loop3A_79 = arith.mulf %parallel_loop3A_77, %parallel_loop3A_78 : vector<16xf32>
      %parallel_loop3A_80 = arith.constant 16 : i32
      %parallel_loop3A_81 = arith.muli %parallel_loop3A_57, %parallel_loop3A_80 : i32
      %parallel_loop3A_82 = arith.constant 1 : i32
      %parallel_loop3A_83 = arith.index_cast %parallel_loop3A_82 : i32 to index
      %parallel_loop3A_84 = arith.index_cast %parallel_loop3A_81 : i32 to index
      %parallel_loop3A_85 = tpu.vector_load %arg7[%parallel_loop3A_83, %parallel_loop3A_84] {strides = array<i32>} : memref<4x10240xf32, #tpu.memory_space<vmem>>, vector<16xf32>,
      tpu.vector_store %arg7[%parallel_loop3A_83, %parallel_loop3A_84], %parallel_loop3A_79 {strides = array<i32>} : memref<4x10240xf32, #tpu.memory_space<vmem>>, vector<16xf32>,
      %parallel_loop3A_86 = arith.constant 16 : i32
      %parallel_loop3A_87 = arith.muli %parallel_loop3A_57, %parallel_loop3A_86 : i32
      %parallel_loop3A_88 = arith.constant 2 : i32
      %parallel_loop3A_89 = arith.index_cast %parallel_loop3A_88 : i32 to index
      %parallel_loop3A_90 = arith.index_cast %parallel_loop3A_87 : i32 to index
      %parallel_loop3A_91 = tpu.vector_load %arg6[%parallel_loop3A_89, %parallel_loop3A_90] {strides = array<i32>} : memref<4x10240xf32, #tpu.memory_space<vmem>>, vector<16xf32>,
      %parallel_loop3A_92 = vector.broadcast %select_n3A : f32 to vector<16xf32>
      %parallel_loop3A_93 = arith.mulf %parallel_loop3A_91, %parallel_loop3A_92 : vector<16xf32>
      %parallel_loop3A_94 = arith.constant 16 : i32
      %parallel_loop3A_95 = arith.muli %parallel_loop3A_57, %parallel_loop3A_94 : i32
      %parallel_loop3A_96 = arith.constant 2 : i32
      %parallel_loop3A_97 = arith.index_cast %parallel_loop3A_96 : i32 to index
      %parallel_loop3A_98 = arith.index_cast %parallel_loop3A_95 : i32 to index
      %parallel_loop3A_99 = tpu.vector_load %arg7[%parallel_loop3A_97, %parallel_loop3A_98] {strides = array<i32>} : memref<4x10240xf32, #tpu.memory_space<vmem>>, vector<16xf32>,
      tpu.vector_store %arg7[%parallel_loop3A_97, %parallel_loop3A_98], %parallel_loop3A_93 {strides = array<i32>} : memref<4x10240xf32, #tpu.memory_space<vmem>>, vector<16xf32>,
      %parallel_loop3A_100 = arith.constant 16 : i32
      %parallel_loop3A_101 = arith.muli %parallel_loop3A_57, %parallel_loop3A_100 : i32
      %parallel_loop3A_102 = arith.constant 3 : i32
      %parallel_loop3A_103 = arith.index_cast %parallel_loop3A_102 : i32 to index
      %parallel_loop3A_104 = arith.index_cast %parallel_loop3A_101 : i32 to index
      %parallel_loop3A_105 = tpu.vector_load %arg6[%parallel_loop3A_103, %parallel_loop3A_104] {strides = array<i32>} : memref<4x10240xf32, #tpu.memory_space<vmem>>, vector<16xf32>,
      %parallel_loop3A_106 = vector.broadcast %select_n3A : f32 to vector<16xf32>
      %parallel_loop3A_107 = arith.mulf %parallel_loop3A_105, %parallel_loop3A_106 : vector<16xf32>
      %parallel_loop3A_108 = arith.constant 16 : i32
      %parallel_loop3A_109 = arith.muli %parallel_loop3A_57, %parallel_loop3A_108 : i32
      %parallel_loop3A_110 = arith.constant 3 : i32
      %parallel_loop3A_111 = arith.index_cast %parallel_loop3A_110 : i32 to index
      %parallel_loop3A_112 = arith.index_cast %parallel_loop3A_109 : i32 to index
      %parallel_loop3A_113 = tpu.vector_load %arg7[%parallel_loop3A_111, %parallel_loop3A_112] {strides = array<i32>} : memref<4x10240xf32, #tpu.memory_space<vmem>>, vector<16xf32>,
      tpu.vector_store %arg7[%parallel_loop3A_111, %parallel_loop3A_112], %parallel_loop3A_107 {strides = array<i32>} : memref<4x10240xf32, #tpu.memory_space<vmem>>, vector<16xf32>,
    } {sc.loop_unroll_factor = 4 : i64, sc.parallel_access}
    %scan3A = arith.constant 0 : i32
    %scan3A_44 = arith.constant 0 : i32
    %scan3A_45 = arith.constant 25 : i32
    %scan3A_46 = arith.addi %scan3A_44, %scan3A_45 : i32
    %scan3A_47 = arith.constant 1 : i32
    scf.for %scan3A_57 = %scan3A_44 to %scan3A_46 step %scan3A_47  : i32 {
      %mul3A_58 = arith.constant 2 : i32
      %mul3A_59 = arith.muli %scan3A_57, %mul3A_58 : i32
      %add3A_60 = arith.constant 0 : i32
      %add3A_61 = arith.addi %mul3A_59, %add3A_60 : i32
      %mul3A_62 = arith.constant 160000 : i32
      %mul3A_63 = arith.muli %and3A_1, %mul3A_62 : i32
      %mul3A_64 = arith.constant 3200 : i32
      %mul3A_65 = arith.muli %add3A_61, %mul3A_64 : i32
      %add3A_66 = arith.addi %mul3A_63, %mul3A_65 : i32
      %multiple_of3A_67 = tpu.assume_multiple %add3A_66, 128 : i32
      %dma_wait3A = arith.constant 0 : i32
      %dma_wait3A_68 = arith.constant 0 : i32
      %dma_wait3A_69 = arith.constant 0 : i32
      %dma_wait3A_70 = tpu.memref_slice %arg8[%dma_wait3A, %dma_wait3A_68, %dma_wait3A_69] : memref<2x3x3200xi32, #tpu.memory_space<vmem>> -> memref<1x3x3200xi32, #tpu.memory_space<vmem>>
      %dma_wait3A_71 = tpu.memref_squeeze %dma_wait3A_70 : memref<1x3x3200xi32, #tpu.memory_space<vmem>> -> memref<3x3200xi32, #tpu.memory_space<vmem>>
      %dma_wait3A_72 = arith.constant 0 : i32
      %dma_wait3A_73 = tpu.memref_slice %arg3[%dma_wait3A_72, %multiple_of3A_67] : memref<3x320000xi32, #tpu.memory_space<hbm>> -> memref<3x3200xi32, #tpu.memory_space<hbm>>
      %dma_wait3A_74 = arith.constant 0 : i32
      %dma_wait3A_75 = arith.constant 0 : i32
      %dma_wait3A_76 = tpu.memref_slice %arg8[%dma_wait3A, %dma_wait3A_74, %dma_wait3A_75] : memref<2x3x3200xi32, #tpu.memory_space<vmem>> -> memref<1x3x3200xi32, #tpu.memory_space<vmem>>
      %dma_wait3A_77 = tpu.memref_squeeze %dma_wait3A_76 : memref<1x3x3200xi32, #tpu.memory_space<vmem>> -> memref<3x3200xi32, #tpu.memory_space<vmem>>
      %dma_wait3A_78 = arith.constant 0 : i32
      %dma_wait3A_79 = tpu.memref_slice %arg3[%dma_wait3A_78, %multiple_of3A_67] : memref<3x320000xi32, #tpu.memory_space<hbm>> -> memref<3x3200xi32, #tpu.memory_space<hbm>>
      tpu.wait_dma2 semaphore(%arg9 : memref<!tpu.dma_semaphore, #tpu.memory_space<semaphore_mem>>) src(%dma_wait3A_79 : memref<3x3200xi32, #tpu.memory_space<hbm>>) dst(%dma_wait3A_77 : memref<3x3200xi32, #tpu.memory_space<vmem>>)
      %parallel_loop3A_80 = arith.constant 0 : i32
      %parallel_loop3A_81 = arith.constant 200 : i32
      %parallel_loop3A_82 = arith.constant 1 : i32
      scf.for %parallel_loop3A_122 = %parallel_loop3A_80 to %parallel_loop3A_81 step %parallel_loop3A_82  : i32 {
        %parallel_loop3A_123 = arith.constant 16 : i32
        %parallel_loop3A_124 = arith.muli %parallel_loop3A_122, %parallel_loop3A_123 : i32
        %parallel_loop3A_125 = arith.constant 0 : i32
        %parallel_loop3A_126 = arith.constant 0 : i32
        %parallel_loop3A_127 = arith.index_cast %parallel_loop3A_125 : i32 to index
        %parallel_loop3A_128 = arith.index_cast %parallel_loop3A_126 : i32 to index
        %parallel_loop3A_129 = arith.index_cast %parallel_loop3A_124 : i32 to index
        %parallel_loop3A_130 = tpu.vector_load %arg8[%parallel_loop3A_127, %parallel_loop3A_128, %parallel_loop3A_129] {strides = array<i32>} : memref<2x3x3200xi32, #tpu.memory_space<vmem>>, vector<16xi32>,
        %parallel_loop3A_131 = arith.constant 0 : i32
        %parallel_loop3A_132 = arith.constant 1 : i32
        %parallel_loop3A_133 = arith.index_cast %parallel_loop3A_131 : i32 to index
        %parallel_loop3A_134 = arith.index_cast %parallel_loop3A_132 : i32 to index
        %parallel_loop3A_135 = arith.index_cast %parallel_loop3A_124 : i32 to index
        %parallel_loop3A_136 = tpu.vector_load %arg8[%parallel_loop3A_133, %parallel_loop3A_134, %parallel_loop3A_135] {strides = array<i32>} : memref<2x3x3200xi32, #tpu.memory_space<vmem>>, vector<16xi32>,
        %parallel_loop3A_137 = arith.constant 0 : i32
        %parallel_loop3A_138 = arith.constant 2 : i32
        %parallel_loop3A_139 = arith.index_cast %parallel_loop3A_137 : i32 to index
        %parallel_loop3A_140 = arith.index_cast %parallel_loop3A_138 : i32 to index
        %parallel_loop3A_141 = arith.index_cast %parallel_loop3A_124 : i32 to index
        %parallel_loop3A_142 = tpu.vector_load %arg8[%parallel_loop3A_139, %parallel_loop3A_140, %parallel_loop3A_141] {strides = array<i32>} : memref<2x3x3200xi32, #tpu.memory_space<vmem>>, vector<16xi32>,
        %parallel_loop3A_143 = vector.bitcast %parallel_loop3A_142 : vector<16xi32> to vector<16xf32>
        %parallel_loop3A_144 = math.absf %parallel_loop3A_143 : vector<16xf32>
        %parallel_loop3A_145 = arith.constant 0 : i32
        %parallel_loop3A_146 = vector.broadcast %parallel_loop3A_145 : i32 to vector<16xi32>
        %parallel_loop3A_147 = tpu.vector_load_idx %arg6[%parallel_loop3A_146, %parallel_loop3A_130] : memref<4x10240xf32, #tpu.memory_space<vmem>>[vector<16xi32>, vector<16xi32>], vector<16xf32>,
        %parallel_loop3A_148 = arith.mulf %parallel_loop3A_147, %parallel_loop3A_144 : vector<16xf32>
        tpu.vector_store_idx %arg7[%parallel_loop3A_146, %parallel_loop3A_136], %parallel_loop3A_148 {add = true} : memref<4x10240xf32, #tpu.memory_space<vmem>>[vector<16xi32>, vector<16xi32>], vector<16xf32>,
        %parallel_loop3A_149 = arith.constant 1 : i32
        %parallel_loop3A_150 = vector.broadcast %parallel_loop3A_149 : i32 to vector<16xi32>
        %parallel_loop3A_151 = tpu.vector_load_idx %arg6[%parallel_loop3A_150, %parallel_loop3A_130] : memref<4x10240xf32, #tpu.memory_space<vmem>>[vector<16xi32>, vector<16xi32>], vector<16xf32>,
        %parallel_loop3A_152 = arith.mulf %parallel_loop3A_151, %parallel_loop3A_144 : vector<16xf32>
        tpu.vector_store_idx %arg7[%parallel_loop3A_150, %parallel_loop3A_136], %parallel_loop3A_152 {add = true} : memref<4x10240xf32, #tpu.memory_space<vmem>>[vector<16xi32>, vector<16xi32>], vector<16xf32>,
        %parallel_loop3A_153 = arith.constant 2 : i32
        %parallel_loop3A_154 = vector.broadcast %parallel_loop3A_153 : i32 to vector<16xi32>
        %parallel_loop3A_155 = tpu.vector_load_idx %arg6[%parallel_loop3A_154, %parallel_loop3A_130] : memref<4x10240xf32, #tpu.memory_space<vmem>>[vector<16xi32>, vector<16xi32>], vector<16xf32>,
        %parallel_loop3A_156 = arith.mulf %parallel_loop3A_155, %parallel_loop3A_144 : vector<16xf32>
        tpu.vector_store_idx %arg7[%parallel_loop3A_154, %parallel_loop3A_136], %parallel_loop3A_156 {add = true} : memref<4x10240xf32, #tpu.memory_space<vmem>>[vector<16xi32>, vector<16xi32>], vector<16xf32>,
        %parallel_loop3A_157 = arith.constant 3 : i32
        %parallel_loop3A_158 = vector.broadcast %parallel_loop3A_157 : i32 to vector<16xi32>
        %parallel_loop3A_159 = tpu.vector_load_idx %arg6[%parallel_loop3A_158, %parallel_loop3A_130] : memref<4x10240xf32, #tpu.memory_space<vmem>>[vector<16xi32>, vector<16xi32>], vector<16xf32>,
        %parallel_loop3A_160 = arith.mulf %parallel_loop3A_159, %parallel_loop3A_144 : vector<16xf32>
        tpu.vector_store_idx %arg7[%parallel_loop3A_158, %parallel_loop3A_136], %parallel_loop3A_160 {add = true} : memref<4x10240xf32, #tpu.memory_space<vmem>>[vector<16xi32>, vector<16xi32>], vector<16xf32>,
      } {sc.loop_unroll_factor = 8 : i64, sc.parallel_access}
      %add3A_83 = arith.constant 2 : i32
      %add3A_84 = arith.addi %add3A_61, %add3A_83 : i32
      %lt3A = arith.constant 50 : i32
      %lt3A_85 = arith.cmpi slt, %add3A_84, %lt3A : i32
      %convert_element_type3A_86 = arith.extui %lt3A_85 : i1 to i32
      %cond3A_87 = arith.constant 0 : i32
      %cond3A_88 = arith.cmpi ne, %convert_element_type3A_86, %cond3A_87 : i32
      scf.if %cond3A_88 {
        %add3A_122 = arith.constant 2 : i32
        %add3A_123 = arith.addi %add3A_61, %add3A_122 : i32
        %mul3A_124 = arith.constant 160000 : i32
        %mul3A_125 = arith.muli %and3A_1, %mul3A_124 : i32
        %mul3A_126 = arith.constant 3200 : i32
        %mul3A_127 = arith.muli %add3A_123, %mul3A_126 : i32
        %add3A_128 = arith.addi %mul3A_125, %mul3A_127 : i32
        %multiple_of3A_129 = tpu.assume_multiple %add3A_128, 128 : i32
        %dma_start3A_130 = arith.constant 0 : i32
        %dma_start3A_131 = arith.constant 0 : i32
        %dma_start3A_132 = arith.constant 0 : i32
        %dma_start3A_133 = tpu.memref_slice %arg8[%dma_start3A_130, %dma_start3A_131, %dma_start3A_132] : memref<2x3x3200xi32, #tpu.memory_space<vmem>> -> memref<1x3x3200xi32, #tpu.memory_space<vmem>>
        %dma_start3A_134 = tpu.memref_squeeze %dma_start3A_133 : memref<1x3x3200xi32, #tpu.memory_space<vmem>> -> memref<3x3200xi32, #tpu.memory_space<vmem>>
        %dma_start3A_135 = arith.constant 0 : i32
        %dma_start3A_136 = tpu.memref_slice %arg3[%dma_start3A_135, %multiple_of3A_129] : memref<3x320000xi32, #tpu.memory_space<hbm>> -> memref<3x3200xi32, #tpu.memory_space<hbm>>
        %dma_start3A_137 = arith.constant 0 : i32
        %dma_start3A_138 = arith.constant 0 : i32
        %dma_start3A_139 = tpu.memref_slice %arg8[%dma_start3A_130, %dma_start3A_137, %dma_start3A_138] : memref<2x3x3200xi32, #tpu.memory_space<vmem>> -> memref<1x3x3200xi32, #tpu.memory_space<vmem>>
        %dma_start3A_140 = tpu.memref_squeeze %dma_start3A_139 : memref<1x3x3200xi32, #tpu.memory_space<vmem>> -> memref<3x3200xi32, #tpu.memory_space<vmem>>
        %dma_start3A_141 = arith.constant 0 : i32
        %dma_start3A_142 = tpu.memref_slice %arg3[%dma_start3A_141, %multiple_of3A_129] : memref<3x320000xi32, #tpu.memory_space<hbm>> -> memref<3x3200xi32, #tpu.memory_space<hbm>>
        tpu.enqueue_dma source(%dma_start3A_142 : memref<3x3200xi32, #tpu.memory_space<hbm>>) target(%dma_start3A_140 : memref<3x3200xi32, #tpu.memory_space<vmem>>) target_semaphore(%arg9 : memref<!tpu.dma_semaphore, #tpu.memory_space<semaphore_mem>>)
      } else {
      }
      %mul3A_89 = arith.constant 2 : i32
      %mul3A_90 = arith.muli %scan3A_57, %mul3A_89 : i32
      %add3A_91 = arith.constant 1 : i32
      %add3A_92 = arith.addi %mul3A_90, %add3A_91 : i32
      %mul3A_93 = arith.constant 160000 : i32
      %mul3A_94 = arith.muli %and3A_1, %mul3A_93 : i32
      %mul3A_95 = arith.constant 3200 : i32
      %mul3A_96 = arith.muli %add3A_92, %mul3A_95 : i32
      %add3A_97 = arith.addi %mul3A_94, %mul3A_96 : i32
      %multiple_of3A_98 = tpu.assume_multiple %add3A_97, 128 : i32
      %dma_wait3A_99 = arith.constant 1 : i32
      %dma_wait3A_100 = arith.constant 0 : i32
      %dma_wait3A_101 = arith.constant 0 : i32
      %dma_wait3A_102 = tpu.memref_slice %arg8[%dma_wait3A_99, %dma_wait3A_100, %dma_wait3A_101] : memref<2x3x3200xi32, #tpu.memory_space<vmem>> -> memref<1x3x3200xi32, #tpu.memory_space<vmem>>
      %dma_wait3A_103 = tpu.memref_squeeze %dma_wait3A_102 : memref<1x3x3200xi32, #tpu.memory_space<vmem>> -> memref<3x3200xi32, #tpu.memory_space<vmem>>
      %dma_wait3A_104 = arith.constant 0 : i32
      %dma_wait3A_105 = tpu.memref_slice %arg3[%dma_wait3A_104, %multiple_of3A_98] : memref<3x320000xi32, #tpu.memory_space<hbm>> -> memref<3x3200xi32, #tpu.memory_space<hbm>>
      %dma_wait3A_106 = arith.constant 0 : i32
      %dma_wait3A_107 = arith.constant 0 : i32
      %dma_wait3A_108 = tpu.memref_slice %arg8[%dma_wait3A_99, %dma_wait3A_106, %dma_wait3A_107] : memref<2x3x3200xi32, #tpu.memory_space<vmem>> -> memref<1x3x3200xi32, #tpu.memory_space<vmem>>
      %dma_wait3A_109 = tpu.memref_squeeze %dma_wait3A_108 : memref<1x3x3200xi32, #tpu.memory_space<vmem>> -> memref<3x3200xi32, #tpu.memory_space<vmem>>
      %dma_wait3A_110 = arith.constant 0 : i32
      %dma_wait3A_111 = tpu.memref_slice %arg3[%dma_wait3A_110, %multiple_of3A_98] : memref<3x320000xi32, #tpu.memory_space<hbm>> -> memref<3x3200xi32, #tpu.memory_space<hbm>>
      tpu.wait_dma2 semaphore(%arg10 : memref<!tpu.dma_semaphore, #tpu.memory_space<semaphore_mem>>) src(%dma_wait3A_111 : memref<3x3200xi32, #tpu.memory_space<hbm>>) dst(%dma_wait3A_109 : memref<3x3200xi32, #tpu.memory_space<vmem>>)
      %parallel_loop3A_112 = arith.constant 0 : i32
      %parallel_loop3A_113 = arith.constant 200 : i32
      %parallel_loop3A_114 = arith.constant 1 : i32
      scf.for %parallel_loop3A_122 = %parallel_loop3A_112 to %parallel_loop3A_113 step %parallel_loop3A_114  : i32 {
        %parallel_loop3A_123 = arith.constant 16 : i32
        %parallel_loop3A_124 = arith.muli %parallel_loop3A_122, %parallel_loop3A_123 : i32
        %parallel_loop3A_125 = arith.constant 1 : i32
        %parallel_loop3A_126 = arith.constant 0 : i32
        %parallel_loop3A_127 = arith.index_cast %parallel_loop3A_125 : i32 to index
        %parallel_loop3A_128 = arith.index_cast %parallel_loop3A_126 : i32 to index
        %parallel_loop3A_129 = arith.index_cast %parallel_loop3A_124 : i32 to index
        %parallel_loop3A_130 = tpu.vector_load %arg8[%parallel_loop3A_127, %parallel_loop3A_128, %parallel_loop3A_129] {strides = array<i32>} : memref<2x3x3200xi32, #tpu.memory_space<vmem>>, vector<16xi32>,
        %parallel_loop3A_131 = arith.constant 1 : i32
        %parallel_loop3A_132 = arith.constant 1 : i32
        %parallel_loop3A_133 = arith.index_cast %parallel_loop3A_131 : i32 to index
        %parallel_loop3A_134 = arith.index_cast %parallel_loop3A_132 : i32 to index
        %parallel_loop3A_135 = arith.index_cast %parallel_loop3A_124 : i32 to index
        %parallel_loop3A_136 = tpu.vector_load %arg8[%parallel_loop3A_133, %parallel_loop3A_134, %parallel_loop3A_135] {strides = array<i32>} : memref<2x3x3200xi32, #tpu.memory_space<vmem>>, vector<16xi32>,
        %parallel_loop3A_137 = arith.constant 1 : i32
        %parallel_loop3A_138 = arith.constant 2 : i32
        %parallel_loop3A_139 = arith.index_cast %parallel_loop3A_137 : i32 to index
        %parallel_loop3A_140 = arith.index_cast %parallel_loop3A_138 : i32 to index
        %parallel_loop3A_141 = arith.index_cast %parallel_loop3A_124 : i32 to index
        %parallel_loop3A_142 = tpu.vector_load %arg8[%parallel_loop3A_139, %parallel_loop3A_140, %parallel_loop3A_141] {strides = array<i32>} : memref<2x3x3200xi32, #tpu.memory_space<vmem>>, vector<16xi32>,
        %parallel_loop3A_143 = vector.bitcast %parallel_loop3A_142 : vector<16xi32> to vector<16xf32>
        %parallel_loop3A_144 = math.absf %parallel_loop3A_143 : vector<16xf32>
        %parallel_loop3A_145 = arith.constant 0 : i32
        %parallel_loop3A_146 = vector.broadcast %parallel_loop3A_145 : i32 to vector<16xi32>
        %parallel_loop3A_147 = tpu.vector_load_idx %arg6[%parallel_loop3A_146, %parallel_loop3A_130] : memref<4x10240xf32, #tpu.memory_space<vmem>>[vector<16xi32>, vector<16xi32>], vector<16xf32>,
        %parallel_loop3A_148 = arith.mulf %parallel_loop3A_147, %parallel_loop3A_144 : vector<16xf32>
        tpu.vector_store_idx %arg7[%parallel_loop3A_146, %parallel_loop3A_136], %parallel_loop3A_148 {add = true} : memref<4x10240xf32, #tpu.memory_space<vmem>>[vector<16xi32>, vector<16xi32>], vector<16xf32>,
        %parallel_loop3A_149 = arith.constant 1 : i32
        %parallel_loop3A_150 = vector.broadcast %parallel_loop3A_149 : i32 to vector<16xi32>
        %parallel_loop3A_151 = tpu.vector_load_idx %arg6[%parallel_loop3A_150, %parallel_loop3A_130] : memref<4x10240xf32, #tpu.memory_space<vmem>>[vector<16xi32>, vector<16xi32>], vector<16xf32>,
        %parallel_loop3A_152 = arith.mulf %parallel_loop3A_151, %parallel_loop3A_144 : vector<16xf32>
        tpu.vector_store_idx %arg7[%parallel_loop3A_150, %parallel_loop3A_136], %parallel_loop3A_152 {add = true} : memref<4x10240xf32, #tpu.memory_space<vmem>>[vector<16xi32>, vector<16xi32>], vector<16xf32>,
        %parallel_loop3A_153 = arith.constant 2 : i32
        %parallel_loop3A_154 = vector.broadcast %parallel_loop3A_153 : i32 to vector<16xi32>
        %parallel_loop3A_155 = tpu.vector_load_idx %arg6[%parallel_loop3A_154, %parallel_loop3A_130] : memref<4x10240xf32, #tpu.memory_space<vmem>>[vector<16xi32>, vector<16xi32>], vector<16xf32>,
        %parallel_loop3A_156 = arith.mulf %parallel_loop3A_155, %parallel_loop3A_144 : vector<16xf32>
        tpu.vector_store_idx %arg7[%parallel_loop3A_154, %parallel_loop3A_136], %parallel_loop3A_156 {add = true} : memref<4x10240xf32, #tpu.memory_space<vmem>>[vector<16xi32>, vector<16xi32>], vector<16xf32>,
        %parallel_loop3A_157 = arith.constant 3 : i32
        %parallel_loop3A_158 = vector.broadcast %parallel_loop3A_157 : i32 to vector<16xi32>
        %parallel_loop3A_159 = tpu.vector_load_idx %arg6[%parallel_loop3A_158, %parallel_loop3A_130] : memref<4x10240xf32, #tpu.memory_space<vmem>>[vector<16xi32>, vector<16xi32>], vector<16xf32>,
        %parallel_loop3A_160 = arith.mulf %parallel_loop3A_159, %parallel_loop3A_144 : vector<16xf32>
        tpu.vector_store_idx %arg7[%parallel_loop3A_158, %parallel_loop3A_136], %parallel_loop3A_160 {add = true} : memref<4x10240xf32, #tpu.memory_space<vmem>>[vector<16xi32>, vector<16xi32>], vector<16xf32>,
      } {sc.loop_unroll_factor = 8 : i64, sc.parallel_access}
      %add3A_115 = arith.constant 2 : i32
      %add3A_116 = arith.addi %add3A_92, %add3A_115 : i32
      %lt3A_117 = arith.constant 50 : i32
      %lt3A_118 = arith.cmpi slt, %add3A_116, %lt3A_117 : i32
      %convert_element_type3A_119 = arith.extui %lt3A_118 : i1 to i32
      %cond3A_120 = arith.constant 0 : i32
      %cond3A_121 = arith.cmpi ne, %convert_element_type3A_119, %cond3A_120 : i32
      scf.if %cond3A_121 {
        %add3A_122 = arith.constant 2 : i32
        %add3A_123 = arith.addi %add3A_92, %add3A_122 : i32
        %mul3A_124 = arith.constant 160000 : i32
        %mul3A_125 = arith.muli %and3A_1, %mul3A_124 : i32
        %mul3A_126 = arith.constant 3200 : i32
        %mul3A_127 = arith.muli %add3A_123, %mul3A_126 : i32
        %add3A_128 = arith.addi %mul3A_125, %mul3A_127 : i32
        %multiple_of3A_129 = tpu.assume_multiple %add3A_128, 128 : i32
        %dma_start3A_130 = arith.constant 1 : i32
        %dma_start3A_131 = arith.constant 0 : i32
        %dma_start3A_132 = arith.constant 0 : i32
        %dma_start3A_133 = tpu.memref_slice %arg8[%dma_start3A_130, %dma_start3A_131, %dma_start3A_132] : memref<2x3x3200xi32, #tpu.memory_space<vmem>> -> memref<1x3x3200xi32, #tpu.memory_space<vmem>>
        %dma_start3A_134 = tpu.memref_squeeze %dma_start3A_133 : memref<1x3x3200xi32, #tpu.memory_space<vmem>> -> memref<3x3200xi32, #tpu.memory_space<vmem>>
        %dma_start3A_135 = arith.constant 0 : i32
        %dma_start3A_136 = tpu.memref_slice %arg3[%dma_start3A_135, %multiple_of3A_129] : memref<3x320000xi32, #tpu.memory_space<hbm>> -> memref<3x3200xi32, #tpu.memory_space<hbm>>
        %dma_start3A_137 = arith.constant 0 : i32
        %dma_start3A_138 = arith.constant 0 : i32
        %dma_start3A_139 = tpu.memref_slice %arg8[%dma_start3A_130, %dma_start3A_137, %dma_start3A_138] : memref<2x3x3200xi32, #tpu.memory_space<vmem>> -> memref<1x3x3200xi32, #tpu.memory_space<vmem>>
        %dma_start3A_140 = tpu.memref_squeeze %dma_start3A_139 : memref<1x3x3200xi32, #tpu.memory_space<vmem>> -> memref<3x3200xi32, #tpu.memory_space<vmem>>
        %dma_start3A_141 = arith.constant 0 : i32
        %dma_start3A_142 = tpu.memref_slice %arg3[%dma_start3A_141, %multiple_of3A_129] : memref<3x320000xi32, #tpu.memory_space<hbm>> -> memref<3x3200xi32, #tpu.memory_space<hbm>>
        tpu.enqueue_dma source(%dma_start3A_142 : memref<3x3200xi32, #tpu.memory_space<hbm>>) target(%dma_start3A_140 : memref<3x3200xi32, #tpu.memory_space<vmem>>) target_semaphore(%arg10 : memref<!tpu.dma_semaphore, #tpu.memory_space<semaphore_mem>>)
      } else {
      }
    }
    %scan3A_48 = arith.constant 25 : i32
    %eq3A_49 = arith.constant 0 : i32
    %eq3A_50 = arith.cmpi eq, %and3A_1, %eq3A_49 : i32
    %convert_element_type3A = arith.extui %eq3A_50 : i1 to i32
    %cond3A = arith.constant 0 : i32
    %cond3A_51 = arith.cmpi ne, %convert_element_type3A, %cond3A : i32
    scf.if %cond3A_51 {
      "tpu.region"() ({
        %run_scoped3A = tpu.sem_alloc : memref<!tpu.dma_semaphore, #tpu.memory_space<semaphore_mem>>
        %dma_start3A_57 = arith.constant 0 : i32
        %dma_start3A_58 = tpu.memref_slice %arg4[%multiple_of3A, %dma_start3A_57] : memref<64x10240xf32, #tpu.memory_space<hbm>> -> memref<4x10240xf32, #tpu.memory_space<hbm>>
        %dma_start3A_59 = arith.constant 0 : i32
        %dma_start3A_60 = tpu.memref_slice %arg4[%multiple_of3A, %dma_start3A_59] : memref<64x10240xf32, #tpu.memory_space<hbm>> -> memref<4x10240xf32, #tpu.memory_space<hbm>>
        tpu.enqueue_dma source(%arg7 : memref<4x10240xf32, #tpu.memory_space<vmem>>) target(%dma_start3A_60 : memref<4x10240xf32, #tpu.memory_space<hbm>>) target_semaphore(%run_scoped3A : memref<!tpu.dma_semaphore, #tpu.memory_space<semaphore_mem>>)
        %dma_wait3A = arith.constant 0 : i32
        %dma_wait3A_61 = tpu.memref_slice %arg4[%multiple_of3A, %dma_wait3A] : memref<64x10240xf32, #tpu.memory_space<hbm>> -> memref<4x10240xf32, #tpu.memory_space<hbm>>
        %dma_wait3A_62 = arith.constant 0 : i32
        %dma_wait3A_63 = tpu.memref_slice %arg4[%multiple_of3A, %dma_wait3A_62] : memref<64x10240xf32, #tpu.memory_space<hbm>> -> memref<4x10240xf32, #tpu.memory_space<hbm>>
        tpu.wait_dma2 semaphore(%run_scoped3A : memref<!tpu.dma_semaphore, #tpu.memory_space<semaphore_mem>>) src(%arg7 : memref<4x10240xf32, #tpu.memory_space<vmem>>) dst(%dma_wait3A_63 : memref<4x10240xf32, #tpu.memory_space<hbm>>)
        tpu.yield
      }) : () -> ()
    } else {
    }
    %eq3A_52 = arith.constant 1 : i32
    %eq3A_53 = arith.cmpi eq, %and3A_1, %eq3A_52 : i32
    %convert_element_type3A_54 = arith.extui %eq3A_53 : i1 to i32
    %cond3A_55 = arith.constant 0 : i32
    %cond3A_56 = arith.cmpi ne, %convert_element_type3A_54, %cond3A_55 : i32
    scf.if %cond3A_56 {
      "tpu.region"() ({
        %run_scoped3A = tpu.sem_alloc : memref<!tpu.dma_semaphore, #tpu.memory_space<semaphore_mem>>
        %dma_start3A_57 = arith.constant 0 : i32
        %dma_start3A_58 = tpu.memref_slice %arg5[%multiple_of3A, %dma_start3A_57] : memref<64x10240xf32, #tpu.memory_space<hbm>> -> memref<4x10240xf32, #tpu.memory_space<hbm>>
        %dma_start3A_59 = arith.constant 0 : i32
        %dma_start3A_60 = tpu.memref_slice %arg5[%multiple_of3A, %dma_start3A_59] : memref<64x10240xf32, #tpu.memory_space<hbm>> -> memref<4x10240xf32, #tpu.memory_space<hbm>>
        tpu.enqueue_dma source(%arg7 : memref<4x10240xf32, #tpu.memory_space<vmem>>) target(%dma_start3A_60 : memref<4x10240xf32, #tpu.memory_space<hbm>>) target_semaphore(%run_scoped3A : memref<!tpu.dma_semaphore, #tpu.memory_space<semaphore_mem>>)
        %dma_wait3A = arith.constant 0 : i32
        %dma_wait3A_61 = tpu.memref_slice %arg5[%multiple_of3A, %dma_wait3A] : memref<64x10240xf32, #tpu.memory_space<hbm>> -> memref<4x10240xf32, #tpu.memory_space<hbm>>
        %dma_wait3A_62 = arith.constant 0 : i32
        %dma_wait3A_63 = tpu.memref_slice %arg5[%multiple_of3A, %dma_wait3A_62] : memref<64x10240xf32, #tpu.memory_space<hbm>> -> memref<4x10240xf32, #tpu.memory_space<hbm>>
        tpu.wait_dma2 semaphore(%run_scoped3A : memref<!tpu.dma_semaphore, #tpu.memory_space<semaphore_mem>>) src(%arg7 : memref<4x10240xf32, #tpu.memory_space<vmem>>) dst(%dma_wait3A_63 : memref<4x10240xf32, #tpu.memory_space<hbm>>)
        tpu.yield
      }) : () -> ()
    } else {
    }
    return
  }
}

#map = affine_map<(d0, d1) -> (0, 0)>
module attributes {stable_mosaic.version = 14 : i64} {
  func.func @_scat_body(%arg0: i32, %arg1: i32, %arg2: memref<64x10240xf32, #tpu.memory_space<hbm>>, %arg3: memref<3x320000xi32, #tpu.memory_space<hbm>>, %arg4: memref<64x10240xf32, #tpu.memory_space<hbm>>, %arg5: memref<64x10240xf32, #tpu.memory_space<hbm>>, %arg6: memref<4x10240xf32, #tpu.memory_space<vmem>>, %arg7: memref<4x10240xf32, #tpu.memory_space<vmem>>, %arg8: memref<2x3x3200xi32, #tpu.memory_space<vmem>>, %arg9: memref<!tpu.dma_semaphore, #tpu.memory_space<semaphore_mem>>, %arg10: memref<!tpu.dma_semaphore, #tpu.memory_space<semaphore_mem>>) attributes {dimension_semantics = [#tpu.dimension_semantics<core_parallel>, #tpu.dimension_semantics<subcore_parallel>], iteration_bounds = array<i64: 2, 16>, scalar_prefetch = 0 : i64, scratch_operands = 5 : i64, tpu.core_type = #tpu.core_type<sc_vector_subcore>, window_params = [{transform_indices = #map}, {transform_indices = #map}, {transform_indices = #map}, {transform_indices = #map}]} {
    %mul3A = arith.constant 2 : i32
    %mul3A_0 = arith.muli %arg1, %mul3A : i32
    %add3A = arith.addi %mul3A_0, %arg0 : i32
    %and3A = arith.constant 1 : i32
    %and3A_1 = arith.andi %add3A, %and3A : i32
    %shift_right_arithmetic3A = arith.constant 1 : i32
    %shift_right_arithmetic3A_2 = arith.shrsi %add3A, %shift_right_arithmetic3A : i32
    %mul3A_3 = arith.constant 4 : i32
    %mul3A_4 = arith.muli %shift_right_arithmetic3A_2, %mul3A_3 : i32
    %multiple_of3A = tpu.assume_multiple %mul3A_4, 4 : i32
    "tpu.region"() ({
      %run_scoped3A = tpu.sem_alloc : memref<!tpu.dma_semaphore, #tpu.memory_space<semaphore_mem>>
      %dma_start3A_57 = arith.constant 0 : i32
      %dma_start3A_58 = tpu.memref_slice %arg2[%multiple_of3A, %dma_start3A_57] : memref<64x10240xf32, #tpu.memory_space<hbm>> -> memref<4x10240xf32, #tpu.memory_space<hbm>>
      %dma_start3A_59 = arith.constant 0 : i32
      %dma_start3A_60 = tpu.memref_slice %arg2[%multiple_of3A, %dma_start3A_59] : memref<64x10240xf32, #tpu.memory_space<hbm>> -> memref<4x10240xf32, #tpu.memory_space<hbm>>
      tpu.enqueue_dma source(%dma_start3A_60 : memref<4x10240xf32, #tpu.memory_space<hbm>>) target(%arg6 : memref<4x10240xf32, #tpu.memory_space<vmem>>) target_semaphore(%run_scoped3A : memref<!tpu.dma_semaphore, #tpu.memory_space<semaphore_mem>>)
      %dma_wait3A = arith.constant 0 : i32
      %dma_wait3A_61 = tpu.memref_slice %arg2[%multiple_of3A, %dma_wait3A] : memref<64x10240xf32, #tpu.memory_space<hbm>> -> memref<4x10240xf32, #tpu.memory_space<hbm>>
      %dma_wait3A_62 = arith.constant 0 : i32
      %dma_wait3A_63 = tpu.memref_slice %arg2[%multiple_of3A, %dma_wait3A_62] : memref<64x10240xf32, #tpu.memory_space<hbm>> -> memref<4x10240xf32, #tpu.memory_space<hbm>>
      tpu.wait_dma2 semaphore(%run_scoped3A : memref<!tpu.dma_semaphore, #tpu.memory_space<semaphore_mem>>) src(%dma_wait3A_63 : memref<4x10240xf32, #tpu.memory_space<hbm>>) dst(%arg6 : memref<4x10240xf32, #tpu.memory_space<vmem>>)
      tpu.yield
    }) : () -> ()
    %mul3A_5 = arith.constant 160000 : i32
    %mul3A_6 = arith.muli %and3A_1, %mul3A_5 : i32
    %add3A_7 = arith.constant 0 : i32
    %add3A_8 = arith.addi %mul3A_6, %add3A_7 : i32
    %multiple_of3A_9 = tpu.assume_multiple %add3A_8, 128 : i32
    %dma_start3A = arith.constant 0 : i32
    %dma_start3A_10 = arith.constant 0 : i32
    %dma_start3A_11 = arith.constant 0 : i32
    %dma_start3A_12 = tpu.memref_slice %arg8[%dma_start3A, %dma_start3A_10, %dma_start3A_11] : memref<2x3x3200xi32, #tpu.memory_space<vmem>> -> memref<1x3x3200xi32, #tpu.memory_space<vmem>>
    %dma_start3A_13 = tpu.memref_squeeze %dma_start3A_12 : memref<1x3x3200xi32, #tpu.memory_space<vmem>> -> memref<3x3200xi32, #tpu.memory_space<vmem>>
    %dma_start3A_14 = arith.constant 0 : i32
    %dma_start3A_15 = tpu.memref_slice %arg3[%dma_start3A_14, %multiple_of3A_9] : memref<3x320000xi32, #tpu.memory_space<hbm>> -> memref<3x3200xi32, #tpu.memory_space<hbm>>
    %dma_start3A_16 = arith.constant 0 : i32
    %dma_start3A_17 = arith.constant 0 : i32
    %dma_start3A_18 = tpu.memref_slice %arg8[%dma_start3A, %dma_start3A_16, %dma_start3A_17] : memref<2x3x3200xi32, #tpu.memory_space<vmem>> -> memref<1x3x3200xi32, #tpu.memory_space<vmem>>
    %dma_start3A_19 = tpu.memref_squeeze %dma_start3A_18 : memref<1x3x3200xi32, #tpu.memory_space<vmem>> -> memref<3x3200xi32, #tpu.memory_space<vmem>>
    %dma_start3A_20 = arith.constant 0 : i32
    %dma_start3A_21 = tpu.memref_slice %arg3[%dma_start3A_20, %multiple_of3A_9] : memref<3x320000xi32, #tpu.memory_space<hbm>> -> memref<3x3200xi32, #tpu.memory_space<hbm>>
    tpu.enqueue_dma source(%dma_start3A_21 : memref<3x3200xi32, #tpu.memory_space<hbm>>) target(%dma_start3A_19 : memref<3x3200xi32, #tpu.memory_space<vmem>>) target_semaphore(%arg9 : memref<!tpu.dma_semaphore, #tpu.memory_space<semaphore_mem>>)
    %mul3A_22 = arith.constant 160000 : i32
    %mul3A_23 = arith.muli %and3A_1, %mul3A_22 : i32
    %add3A_24 = arith.constant 3200 : i32
    %add3A_25 = arith.addi %mul3A_23, %add3A_24 : i32
    %multiple_of3A_26 = tpu.assume_multiple %add3A_25, 128 : i32
    %dma_start3A_27 = arith.constant 1 : i32
    %dma_start3A_28 = arith.constant 0 : i32
    %dma_start3A_29 = arith.constant 0 : i32
    %dma_start3A_30 = tpu.memref_slice %arg8[%dma_start3A_27, %dma_start3A_28, %dma_start3A_29] : memref<2x3x3200xi32, #tpu.memory_space<vmem>> -> memref<1x3x3200xi32, #tpu.memory_space<vmem>>
    %dma_start3A_31 = tpu.memref_squeeze %dma_start3A_30 : memref<1x3x3200xi32, #tpu.memory_space<vmem>> -> memref<3x3200xi32, #tpu.memory_space<vmem>>
    %dma_start3A_32 = arith.constant 0 : i32
    %dma_start3A_33 = tpu.memref_slice %arg3[%dma_start3A_32, %multiple_of3A_26] : memref<3x320000xi32, #tpu.memory_space<hbm>> -> memref<3x3200xi32, #tpu.memory_space<hbm>>
    %dma_start3A_34 = arith.constant 0 : i32
    %dma_start3A_35 = arith.constant 0 : i32
    %dma_start3A_36 = tpu.memref_slice %arg8[%dma_start3A_27, %dma_start3A_34, %dma_start3A_35] : memref<2x3x3200xi32, #tpu.memory_space<vmem>> -> memref<1x3x3200xi32, #tpu.memory_space<vmem>>
    %dma_start3A_37 = tpu.memref_squeeze %dma_start3A_36 : memref<1x3x3200xi32, #tpu.memory_space<vmem>> -> memref<3x3200xi32, #tpu.memory_space<vmem>>
    %dma_start3A_38 = arith.constant 0 : i32
    %dma_start3A_39 = tpu.memref_slice %arg3[%dma_start3A_38, %multiple_of3A_26] : memref<3x320000xi32, #tpu.memory_space<hbm>> -> memref<3x3200xi32, #tpu.memory_space<hbm>>
    tpu.enqueue_dma source(%dma_start3A_39 : memref<3x3200xi32, #tpu.memory_space<hbm>>) target(%dma_start3A_37 : memref<3x3200xi32, #tpu.memory_space<vmem>>) target_semaphore(%arg10 : memref<!tpu.dma_semaphore, #tpu.memory_space<semaphore_mem>>)
    %eq3A = arith.constant 0 : i32
    %eq3A_40 = arith.cmpi eq, %and3A_1, %eq3A : i32
    %jit3A = arith.constant 1.000000e+00 : f32
    %jit3A_41 = arith.constant 0.000000e+00 : f32
    %select_n3A = arith.select %eq3A_40, %jit3A, %jit3A_41 : f32
    %parallel_loop3A = arith.constant 0 : i32
    %parallel_loop3A_42 = arith.constant 640 : i32
    %parallel_loop3A_43 = arith.constant 1 : i32
    scf.for %parallel_loop3A_57 = %parallel_loop3A to %parallel_loop3A_42 step %parallel_loop3A_43  : i32 {
      %parallel_loop3A_58 = arith.constant 16 : i32
      %parallel_loop3A_59 = arith.muli %parallel_loop3A_57, %parallel_loop3A_58 : i32
      %parallel_loop3A_60 = arith.constant 0 : i32
      %parallel_loop3A_61 = arith.index_cast %parallel_loop3A_60 : i32 to index
      %parallel_loop3A_62 = arith.index_cast %parallel_loop3A_59 : i32 to index
      %parallel_loop3A_63 = tpu.vector_load %arg6[%parallel_loop3A_61, %parallel_loop3A_62] {strides = array<i32>} : memref<4x10240xf32, #tpu.memory_space<vmem>>, vector<16xf32>,
      %parallel_loop3A_64 = vector.broadcast %select_n3A : f32 to vector<16xf32>
      %parallel_loop3A_65 = arith.mulf %parallel_loop3A_63, %parallel_loop3A_64 : vector<16xf32>
      %parallel_loop3A_66 = arith.constant 16 : i32
      %parallel_loop3A_67 = arith.muli %parallel_loop3A_57, %parallel_loop3A_66 : i32
      %parallel_loop3A_68 = arith.constant 0 : i32
      %parallel_loop3A_69 = arith.index_cast %parallel_loop3A_68 : i32 to index
      %parallel_loop3A_70 = arith.index_cast %parallel_loop3A_67 : i32 to index
      %parallel_loop3A_71 = tpu.vector_load %arg7[%parallel_loop3A_69, %parallel_loop3A_70] {strides = array<i32>} : memref<4x10240xf32, #tpu.memory_space<vmem>>, vector<16xf32>,
      tpu.vector_store %arg7[%parallel_loop3A_69, %parallel_loop3A_70], %parallel_loop3A_65 {strides = array<i32>} : memref<4x10240xf32, #tpu.memory_space<vmem>>, vector<16xf32>,
      %parallel_loop3A_72 = arith.constant 16 : i32
      %parallel_loop3A_73 = arith.muli %parallel_loop3A_57, %parallel_loop3A_72 : i32
      %parallel_loop3A_74 = arith.constant 1 : i32
      %parallel_loop3A_75 = arith.index_cast %parallel_loop3A_74 : i32 to index
      %parallel_loop3A_76 = arith.index_cast %parallel_loop3A_73 : i32 to index
      %parallel_loop3A_77 = tpu.vector_load %arg6[%parallel_loop3A_75, %parallel_loop3A_76] {strides = array<i32>} : memref<4x10240xf32, #tpu.memory_space<vmem>>, vector<16xf32>,
      %parallel_loop3A_78 = vector.broadcast %select_n3A : f32 to vector<16xf32>
      %parallel_loop3A_79 = arith.mulf %parallel_loop3A_77, %parallel_loop3A_78 : vector<16xf32>
      %parallel_loop3A_80 = arith.constant 16 : i32
      %parallel_loop3A_81 = arith.muli %parallel_loop3A_57, %parallel_loop3A_80 : i32
      %parallel_loop3A_82 = arith.constant 1 : i32
      %parallel_loop3A_83 = arith.index_cast %parallel_loop3A_82 : i32 to index
      %parallel_loop3A_84 = arith.index_cast %parallel_loop3A_81 : i32 to index
      %parallel_loop3A_85 = tpu.vector_load %arg7[%parallel_loop3A_83, %parallel_loop3A_84] {strides = array<i32>} : memref<4x10240xf32, #tpu.memory_space<vmem>>, vector<16xf32>,
      tpu.vector_store %arg7[%parallel_loop3A_83, %parallel_loop3A_84], %parallel_loop3A_79 {strides = array<i32>} : memref<4x10240xf32, #tpu.memory_space<vmem>>, vector<16xf32>,
      %parallel_loop3A_86 = arith.constant 16 : i32
      %parallel_loop3A_87 = arith.muli %parallel_loop3A_57, %parallel_loop3A_86 : i32
      %parallel_loop3A_88 = arith.constant 2 : i32
      %parallel_loop3A_89 = arith.index_cast %parallel_loop3A_88 : i32 to index
      %parallel_loop3A_90 = arith.index_cast %parallel_loop3A_87 : i32 to index
      %parallel_loop3A_91 = tpu.vector_load %arg6[%parallel_loop3A_89, %parallel_loop3A_90] {strides = array<i32>} : memref<4x10240xf32, #tpu.memory_space<vmem>>, vector<16xf32>,
      %parallel_loop3A_92 = vector.broadcast %select_n3A : f32 to vector<16xf32>
      %parallel_loop3A_93 = arith.mulf %parallel_loop3A_91, %parallel_loop3A_92 : vector<16xf32>
      %parallel_loop3A_94 = arith.constant 16 : i32
      %parallel_loop3A_95 = arith.muli %parallel_loop3A_57, %parallel_loop3A_94 : i32
      %parallel_loop3A_96 = arith.constant 2 : i32
      %parallel_loop3A_97 = arith.index_cast %parallel_loop3A_96 : i32 to index
      %parallel_loop3A_98 = arith.index_cast %parallel_loop3A_95 : i32 to index
      %parallel_loop3A_99 = tpu.vector_load %arg7[%parallel_loop3A_97, %parallel_loop3A_98] {strides = array<i32>} : memref<4x10240xf32, #tpu.memory_space<vmem>>, vector<16xf32>,
      tpu.vector_store %arg7[%parallel_loop3A_97, %parallel_loop3A_98], %parallel_loop3A_93 {strides = array<i32>} : memref<4x10240xf32, #tpu.memory_space<vmem>>, vector<16xf32>,
      %parallel_loop3A_100 = arith.constant 16 : i32
      %parallel_loop3A_101 = arith.muli %parallel_loop3A_57, %parallel_loop3A_100 : i32
      %parallel_loop3A_102 = arith.constant 3 : i32
      %parallel_loop3A_103 = arith.index_cast %parallel_loop3A_102 : i32 to index
      %parallel_loop3A_104 = arith.index_cast %parallel_loop3A_101 : i32 to index
      %parallel_loop3A_105 = tpu.vector_load %arg6[%parallel_loop3A_103, %parallel_loop3A_104] {strides = array<i32>} : memref<4x10240xf32, #tpu.memory_space<vmem>>, vector<16xf32>,
      %parallel_loop3A_106 = vector.broadcast %select_n3A : f32 to vector<16xf32>
      %parallel_loop3A_107 = arith.mulf %parallel_loop3A_105, %parallel_loop3A_106 : vector<16xf32>
      %parallel_loop3A_108 = arith.constant 16 : i32
      %parallel_loop3A_109 = arith.muli %parallel_loop3A_57, %parallel_loop3A_108 : i32
      %parallel_loop3A_110 = arith.constant 3 : i32
      %parallel_loop3A_111 = arith.index_cast %parallel_loop3A_110 : i32 to index
      %parallel_loop3A_112 = arith.index_cast %parallel_loop3A_109 : i32 to index
      %parallel_loop3A_113 = tpu.vector_load %arg7[%parallel_loop3A_111, %parallel_loop3A_112] {strides = array<i32>} : memref<4x10240xf32, #tpu.memory_space<vmem>>, vector<16xf32>,
      tpu.vector_store %arg7[%parallel_loop3A_111, %parallel_loop3A_112], %parallel_loop3A_107 {strides = array<i32>} : memref<4x10240xf32, #tpu.memory_space<vmem>>, vector<16xf32>,
    } {sc.loop_unroll_factor = 4 : i64, sc.parallel_access}
    %scan3A = arith.constant 0 : i32
    %scan3A_44 = arith.constant 0 : i32
    %scan3A_45 = arith.constant 25 : i32
    %scan3A_46 = arith.addi %scan3A_44, %scan3A_45 : i32
    %scan3A_47 = arith.constant 1 : i32
    scf.for %scan3A_57 = %scan3A_44 to %scan3A_46 step %scan3A_47  : i32 {
      %mul3A_58 = arith.constant 2 : i32
      %mul3A_59 = arith.muli %scan3A_57, %mul3A_58 : i32
      %add3A_60 = arith.constant 0 : i32
      %add3A_61 = arith.addi %mul3A_59, %add3A_60 : i32
      %mul3A_62 = arith.constant 160000 : i32
      %mul3A_63 = arith.muli %and3A_1, %mul3A_62 : i32
      %mul3A_64 = arith.constant 3200 : i32
      %mul3A_65 = arith.muli %add3A_61, %mul3A_64 : i32
      %add3A_66 = arith.addi %mul3A_63, %mul3A_65 : i32
      %multiple_of3A_67 = tpu.assume_multiple %add3A_66, 128 : i32
      %dma_wait3A = arith.constant 0 : i32
      %dma_wait3A_68 = arith.constant 0 : i32
      %dma_wait3A_69 = arith.constant 0 : i32
      %dma_wait3A_70 = tpu.memref_slice %arg8[%dma_wait3A, %dma_wait3A_68, %dma_wait3A_69] : memref<2x3x3200xi32, #tpu.memory_space<vmem>> -> memref<1x3x3200xi32, #tpu.memory_space<vmem>>
      %dma_wait3A_71 = tpu.memref_squeeze %dma_wait3A_70 : memref<1x3x3200xi32, #tpu.memory_space<vmem>> -> memref<3x3200xi32, #tpu.memory_space<vmem>>
      %dma_wait3A_72 = arith.constant 0 : i32
      %dma_wait3A_73 = tpu.memref_slice %arg3[%dma_wait3A_72, %multiple_of3A_67] : memref<3x320000xi32, #tpu.memory_space<hbm>> -> memref<3x3200xi32, #tpu.memory_space<hbm>>
      %dma_wait3A_74 = arith.constant 0 : i32
      %dma_wait3A_75 = arith.constant 0 : i32
      %dma_wait3A_76 = tpu.memref_slice %arg8[%dma_wait3A, %dma_wait3A_74, %dma_wait3A_75] : memref<2x3x3200xi32, #tpu.memory_space<vmem>> -> memref<1x3x3200xi32, #tpu.memory_space<vmem>>
      %dma_wait3A_77 = tpu.memref_squeeze %dma_wait3A_76 : memref<1x3x3200xi32, #tpu.memory_space<vmem>> -> memref<3x3200xi32, #tpu.memory_space<vmem>>
      %dma_wait3A_78 = arith.constant 0 : i32
      %dma_wait3A_79 = tpu.memref_slice %arg3[%dma_wait3A_78, %multiple_of3A_67] : memref<3x320000xi32, #tpu.memory_space<hbm>> -> memref<3x3200xi32, #tpu.memory_space<hbm>>
      tpu.wait_dma2 semaphore(%arg9 : memref<!tpu.dma_semaphore, #tpu.memory_space<semaphore_mem>>) src(%dma_wait3A_79 : memref<3x3200xi32, #tpu.memory_space<hbm>>) dst(%dma_wait3A_77 : memref<3x3200xi32, #tpu.memory_space<vmem>>)
      %parallel_loop3A_80 = arith.constant 0 : i32
      %parallel_loop3A_81 = arith.constant 200 : i32
      %parallel_loop3A_82 = arith.constant 1 : i32
      scf.for %parallel_loop3A_122 = %parallel_loop3A_80 to %parallel_loop3A_81 step %parallel_loop3A_82  : i32 {
        %parallel_loop3A_123 = arith.constant 16 : i32
        %parallel_loop3A_124 = arith.muli %parallel_loop3A_122, %parallel_loop3A_123 : i32
        %parallel_loop3A_125 = arith.constant 0 : i32
        %parallel_loop3A_126 = arith.constant 0 : i32
        %parallel_loop3A_127 = arith.index_cast %parallel_loop3A_125 : i32 to index
        %parallel_loop3A_128 = arith.index_cast %parallel_loop3A_126 : i32 to index
        %parallel_loop3A_129 = arith.index_cast %parallel_loop3A_124 : i32 to index
        %parallel_loop3A_130 = tpu.vector_load %arg8[%parallel_loop3A_127, %parallel_loop3A_128, %parallel_loop3A_129] {strides = array<i32>} : memref<2x3x3200xi32, #tpu.memory_space<vmem>>, vector<16xi32>,
        %parallel_loop3A_131 = arith.constant 0 : i32
        %parallel_loop3A_132 = arith.constant 1 : i32
        %parallel_loop3A_133 = arith.index_cast %parallel_loop3A_131 : i32 to index
        %parallel_loop3A_134 = arith.index_cast %parallel_loop3A_132 : i32 to index
        %parallel_loop3A_135 = arith.index_cast %parallel_loop3A_124 : i32 to index
        %parallel_loop3A_136 = tpu.vector_load %arg8[%parallel_loop3A_133, %parallel_loop3A_134, %parallel_loop3A_135] {strides = array<i32>} : memref<2x3x3200xi32, #tpu.memory_space<vmem>>, vector<16xi32>,
        %parallel_loop3A_137 = arith.constant 0 : i32
        %parallel_loop3A_138 = arith.constant 2 : i32
        %parallel_loop3A_139 = arith.index_cast %parallel_loop3A_137 : i32 to index
        %parallel_loop3A_140 = arith.index_cast %parallel_loop3A_138 : i32 to index
        %parallel_loop3A_141 = arith.index_cast %parallel_loop3A_124 : i32 to index
        %parallel_loop3A_142 = tpu.vector_load %arg8[%parallel_loop3A_139, %parallel_loop3A_140, %parallel_loop3A_141] {strides = array<i32>} : memref<2x3x3200xi32, #tpu.memory_space<vmem>>, vector<16xi32>,
        %parallel_loop3A_143 = vector.bitcast %parallel_loop3A_142 : vector<16xi32> to vector<16xf32>
        %parallel_loop3A_144 = math.absf %parallel_loop3A_143 : vector<16xf32>
        %parallel_loop3A_145 = arith.constant 0 : i32
        %parallel_loop3A_146 = vector.broadcast %parallel_loop3A_145 : i32 to vector<16xi32>
        %parallel_loop3A_147 = tpu.vector_load_idx %arg6[%parallel_loop3A_146, %parallel_loop3A_130] : memref<4x10240xf32, #tpu.memory_space<vmem>>[vector<16xi32>, vector<16xi32>], vector<16xf32>,
        %parallel_loop3A_148 = arith.mulf %parallel_loop3A_147, %parallel_loop3A_144 : vector<16xf32>
        tpu.vector_store_idx %arg7[%parallel_loop3A_146, %parallel_loop3A_136], %parallel_loop3A_148 {add = true} : memref<4x10240xf32, #tpu.memory_space<vmem>>[vector<16xi32>, vector<16xi32>], vector<16xf32>,
        %parallel_loop3A_149 = arith.constant 1 : i32
        %parallel_loop3A_150 = vector.broadcast %parallel_loop3A_149 : i32 to vector<16xi32>
        %parallel_loop3A_151 = tpu.vector_load_idx %arg6[%parallel_loop3A_150, %parallel_loop3A_130] : memref<4x10240xf32, #tpu.memory_space<vmem>>[vector<16xi32>, vector<16xi32>], vector<16xf32>,
        %parallel_loop3A_152 = arith.mulf %parallel_loop3A_151, %parallel_loop3A_144 : vector<16xf32>
        tpu.vector_store_idx %arg7[%parallel_loop3A_150, %parallel_loop3A_136], %parallel_loop3A_152 {add = true} : memref<4x10240xf32, #tpu.memory_space<vmem>>[vector<16xi32>, vector<16xi32>], vector<16xf32>,
        %parallel_loop3A_153 = arith.constant 2 : i32
        %parallel_loop3A_154 = vector.broadcast %parallel_loop3A_153 : i32 to vector<16xi32>
        %parallel_loop3A_155 = tpu.vector_load_idx %arg6[%parallel_loop3A_154, %parallel_loop3A_130] : memref<4x10240xf32, #tpu.memory_space<vmem>>[vector<16xi32>, vector<16xi32>], vector<16xf32>,
        %parallel_loop3A_156 = arith.mulf %parallel_loop3A_155, %parallel_loop3A_144 : vector<16xf32>
        tpu.vector_store_idx %arg7[%parallel_loop3A_154, %parallel_loop3A_136], %parallel_loop3A_156 {add = true} : memref<4x10240xf32, #tpu.memory_space<vmem>>[vector<16xi32>, vector<16xi32>], vector<16xf32>,
        %parallel_loop3A_157 = arith.constant 3 : i32
        %parallel_loop3A_158 = vector.broadcast %parallel_loop3A_157 : i32 to vector<16xi32>
        %parallel_loop3A_159 = tpu.vector_load_idx %arg6[%parallel_loop3A_158, %parallel_loop3A_130] : memref<4x10240xf32, #tpu.memory_space<vmem>>[vector<16xi32>, vector<16xi32>], vector<16xf32>,
        %parallel_loop3A_160 = arith.mulf %parallel_loop3A_159, %parallel_loop3A_144 : vector<16xf32>
        tpu.vector_store_idx %arg7[%parallel_loop3A_158, %parallel_loop3A_136], %parallel_loop3A_160 {add = true} : memref<4x10240xf32, #tpu.memory_space<vmem>>[vector<16xi32>, vector<16xi32>], vector<16xf32>,
      } {sc.loop_unroll_factor = 8 : i64, sc.parallel_access}
      %add3A_83 = arith.constant 2 : i32
      %add3A_84 = arith.addi %add3A_61, %add3A_83 : i32
      %lt3A = arith.constant 50 : i32
      %lt3A_85 = arith.cmpi slt, %add3A_84, %lt3A : i32
      %convert_element_type3A_86 = arith.extui %lt3A_85 : i1 to i32
      %cond3A_87 = arith.constant 0 : i32
      %cond3A_88 = arith.cmpi ne, %convert_element_type3A_86, %cond3A_87 : i32
      scf.if %cond3A_88 {
        %add3A_122 = arith.constant 2 : i32
        %add3A_123 = arith.addi %add3A_61, %add3A_122 : i32
        %mul3A_124 = arith.constant 160000 : i32
        %mul3A_125 = arith.muli %and3A_1, %mul3A_124 : i32
        %mul3A_126 = arith.constant 3200 : i32
        %mul3A_127 = arith.muli %add3A_123, %mul3A_126 : i32
        %add3A_128 = arith.addi %mul3A_125, %mul3A_127 : i32
        %multiple_of3A_129 = tpu.assume_multiple %add3A_128, 128 : i32
        %dma_start3A_130 = arith.constant 0 : i32
        %dma_start3A_131 = arith.constant 0 : i32
        %dma_start3A_132 = arith.constant 0 : i32
        %dma_start3A_133 = tpu.memref_slice %arg8[%dma_start3A_130, %dma_start3A_131, %dma_start3A_132] : memref<2x3x3200xi32, #tpu.memory_space<vmem>> -> memref<1x3x3200xi32, #tpu.memory_space<vmem>>
        %dma_start3A_134 = tpu.memref_squeeze %dma_start3A_133 : memref<1x3x3200xi32, #tpu.memory_space<vmem>> -> memref<3x3200xi32, #tpu.memory_space<vmem>>
        %dma_start3A_135 = arith.constant 0 : i32
        %dma_start3A_136 = tpu.memref_slice %arg3[%dma_start3A_135, %multiple_of3A_129] : memref<3x320000xi32, #tpu.memory_space<hbm>> -> memref<3x3200xi32, #tpu.memory_space<hbm>>
        %dma_start3A_137 = arith.constant 0 : i32
        %dma_start3A_138 = arith.constant 0 : i32
        %dma_start3A_139 = tpu.memref_slice %arg8[%dma_start3A_130, %dma_start3A_137, %dma_start3A_138] : memref<2x3x3200xi32, #tpu.memory_space<vmem>> -> memref<1x3x3200xi32, #tpu.memory_space<vmem>>
        %dma_start3A_140 = tpu.memref_squeeze %dma_start3A_139 : memref<1x3x3200xi32, #tpu.memory_space<vmem>> -> memref<3x3200xi32, #tpu.memory_space<vmem>>
        %dma_start3A_141 = arith.constant 0 : i32
        %dma_start3A_142 = tpu.memref_slice %arg3[%dma_start3A_141, %multiple_of3A_129] : memref<3x320000xi32, #tpu.memory_space<hbm>> -> memref<3x3200xi32, #tpu.memory_space<hbm>>
        tpu.enqueue_dma source(%dma_start3A_142 : memref<3x3200xi32, #tpu.memory_space<hbm>>) target(%dma_start3A_140 : memref<3x3200xi32, #tpu.memory_space<vmem>>) target_semaphore(%arg9 : memref<!tpu.dma_semaphore, #tpu.memory_space<semaphore_mem>>)
      } else {
      }
      %mul3A_89 = arith.constant 2 : i32
      %mul3A_90 = arith.muli %scan3A_57, %mul3A_89 : i32
      %add3A_91 = arith.constant 1 : i32
      %add3A_92 = arith.addi %mul3A_90, %add3A_91 : i32
      %mul3A_93 = arith.constant 160000 : i32
      %mul3A_94 = arith.muli %and3A_1, %mul3A_93 : i32
      %mul3A_95 = arith.constant 3200 : i32
      %mul3A_96 = arith.muli %add3A_92, %mul3A_95 : i32
      %add3A_97 = arith.addi %mul3A_94, %mul3A_96 : i32
      %multiple_of3A_98 = tpu.assume_multiple %add3A_97, 128 : i32
      %dma_wait3A_99 = arith.constant 1 : i32
      %dma_wait3A_100 = arith.constant 0 : i32
      %dma_wait3A_101 = arith.constant 0 : i32
      %dma_wait3A_102 = tpu.memref_slice %arg8[%dma_wait3A_99, %dma_wait3A_100, %dma_wait3A_101] : memref<2x3x3200xi32, #tpu.memory_space<vmem>> -> memref<1x3x3200xi32, #tpu.memory_space<vmem>>
      %dma_wait3A_103 = tpu.memref_squeeze %dma_wait3A_102 : memref<1x3x3200xi32, #tpu.memory_space<vmem>> -> memref<3x3200xi32, #tpu.memory_space<vmem>>
      %dma_wait3A_104 = arith.constant 0 : i32
      %dma_wait3A_105 = tpu.memref_slice %arg3[%dma_wait3A_104, %multiple_of3A_98] : memref<3x320000xi32, #tpu.memory_space<hbm>> -> memref<3x3200xi32, #tpu.memory_space<hbm>>
      %dma_wait3A_106 = arith.constant 0 : i32
      %dma_wait3A_107 = arith.constant 0 : i32
      %dma_wait3A_108 = tpu.memref_slice %arg8[%dma_wait3A_99, %dma_wait3A_106, %dma_wait3A_107] : memref<2x3x3200xi32, #tpu.memory_space<vmem>> -> memref<1x3x3200xi32, #tpu.memory_space<vmem>>
      %dma_wait3A_109 = tpu.memref_squeeze %dma_wait3A_108 : memref<1x3x3200xi32, #tpu.memory_space<vmem>> -> memref<3x3200xi32, #tpu.memory_space<vmem>>
      %dma_wait3A_110 = arith.constant 0 : i32
      %dma_wait3A_111 = tpu.memref_slice %arg3[%dma_wait3A_110, %multiple_of3A_98] : memref<3x320000xi32, #tpu.memory_space<hbm>> -> memref<3x3200xi32, #tpu.memory_space<hbm>>
      tpu.wait_dma2 semaphore(%arg10 : memref<!tpu.dma_semaphore, #tpu.memory_space<semaphore_mem>>) src(%dma_wait3A_111 : memref<3x3200xi32, #tpu.memory_space<hbm>>) dst(%dma_wait3A_109 : memref<3x3200xi32, #tpu.memory_space<vmem>>)
      %parallel_loop3A_112 = arith.constant 0 : i32
      %parallel_loop3A_113 = arith.constant 200 : i32
      %parallel_loop3A_114 = arith.constant 1 : i32
      scf.for %parallel_loop3A_122 = %parallel_loop3A_112 to %parallel_loop3A_113 step %parallel_loop3A_114  : i32 {
        %parallel_loop3A_123 = arith.constant 16 : i32
        %parallel_loop3A_124 = arith.muli %parallel_loop3A_122, %parallel_loop3A_123 : i32
        %parallel_loop3A_125 = arith.constant 1 : i32
        %parallel_loop3A_126 = arith.constant 0 : i32
        %parallel_loop3A_127 = arith.index_cast %parallel_loop3A_125 : i32 to index
        %parallel_loop3A_128 = arith.index_cast %parallel_loop3A_126 : i32 to index
        %parallel_loop3A_129 = arith.index_cast %parallel_loop3A_124 : i32 to index
        %parallel_loop3A_130 = tpu.vector_load %arg8[%parallel_loop3A_127, %parallel_loop3A_128, %parallel_loop3A_129] {strides = array<i32>} : memref<2x3x3200xi32, #tpu.memory_space<vmem>>, vector<16xi32>,
        %parallel_loop3A_131 = arith.constant 1 : i32
        %parallel_loop3A_132 = arith.constant 1 : i32
        %parallel_loop3A_133 = arith.index_cast %parallel_loop3A_131 : i32 to index
        %parallel_loop3A_134 = arith.index_cast %parallel_loop3A_132 : i32 to index
        %parallel_loop3A_135 = arith.index_cast %parallel_loop3A_124 : i32 to index
        %parallel_loop3A_136 = tpu.vector_load %arg8[%parallel_loop3A_133, %parallel_loop3A_134, %parallel_loop3A_135] {strides = array<i32>} : memref<2x3x3200xi32, #tpu.memory_space<vmem>>, vector<16xi32>,
        %parallel_loop3A_137 = arith.constant 1 : i32
        %parallel_loop3A_138 = arith.constant 2 : i32
        %parallel_loop3A_139 = arith.index_cast %parallel_loop3A_137 : i32 to index
        %parallel_loop3A_140 = arith.index_cast %parallel_loop3A_138 : i32 to index
        %parallel_loop3A_141 = arith.index_cast %parallel_loop3A_124 : i32 to index
        %parallel_loop3A_142 = tpu.vector_load %arg8[%parallel_loop3A_139, %parallel_loop3A_140, %parallel_loop3A_141] {strides = array<i32>} : memref<2x3x3200xi32, #tpu.memory_space<vmem>>, vector<16xi32>,
        %parallel_loop3A_143 = vector.bitcast %parallel_loop3A_142 : vector<16xi32> to vector<16xf32>
        %parallel_loop3A_144 = math.absf %parallel_loop3A_143 : vector<16xf32>
        %parallel_loop3A_145 = arith.constant 0 : i32
        %parallel_loop3A_146 = vector.broadcast %parallel_loop3A_145 : i32 to vector<16xi32>
        %parallel_loop3A_147 = tpu.vector_load_idx %arg6[%parallel_loop3A_146, %parallel_loop3A_130] : memref<4x10240xf32, #tpu.memory_space<vmem>>[vector<16xi32>, vector<16xi32>], vector<16xf32>,
        %parallel_loop3A_148 = arith.mulf %parallel_loop3A_147, %parallel_loop3A_144 : vector<16xf32>
        tpu.vector_store_idx %arg7[%parallel_loop3A_146, %parallel_loop3A_136], %parallel_loop3A_148 {add = true} : memref<4x10240xf32, #tpu.memory_space<vmem>>[vector<16xi32>, vector<16xi32>], vector<16xf32>,
        %parallel_loop3A_149 = arith.constant 1 : i32
        %parallel_loop3A_150 = vector.broadcast %parallel_loop3A_149 : i32 to vector<16xi32>
        %parallel_loop3A_151 = tpu.vector_load_idx %arg6[%parallel_loop3A_150, %parallel_loop3A_130] : memref<4x10240xf32, #tpu.memory_space<vmem>>[vector<16xi32>, vector<16xi32>], vector<16xf32>,
        %parallel_loop3A_152 = arith.mulf %parallel_loop3A_151, %parallel_loop3A_144 : vector<16xf32>
        tpu.vector_store_idx %arg7[%parallel_loop3A_150, %parallel_loop3A_136], %parallel_loop3A_152 {add = true} : memref<4x10240xf32, #tpu.memory_space<vmem>>[vector<16xi32>, vector<16xi32>], vector<16xf32>,
        %parallel_loop3A_153 = arith.constant 2 : i32
        %parallel_loop3A_154 = vector.broadcast %parallel_loop3A_153 : i32 to vector<16xi32>
        %parallel_loop3A_155 = tpu.vector_load_idx %arg6[%parallel_loop3A_154, %parallel_loop3A_130] : memref<4x10240xf32, #tpu.memory_space<vmem>>[vector<16xi32>, vector<16xi32>], vector<16xf32>,
        %parallel_loop3A_156 = arith.mulf %parallel_loop3A_155, %parallel_loop3A_144 : vector<16xf32>
        tpu.vector_store_idx %arg7[%parallel_loop3A_154, %parallel_loop3A_136], %parallel_loop3A_156 {add = true} : memref<4x10240xf32, #tpu.memory_space<vmem>>[vector<16xi32>, vector<16xi32>], vector<16xf32>,
        %parallel_loop3A_157 = arith.constant 3 : i32
        %parallel_loop3A_158 = vector.broadcast %parallel_loop3A_157 : i32 to vector<16xi32>
        %parallel_loop3A_159 = tpu.vector_load_idx %arg6[%parallel_loop3A_158, %parallel_loop3A_130] : memref<4x10240xf32, #tpu.memory_space<vmem>>[vector<16xi32>, vector<16xi32>], vector<16xf32>,
        %parallel_loop3A_160 = arith.mulf %parallel_loop3A_159, %parallel_loop3A_144 : vector<16xf32>
        tpu.vector_store_idx %arg7[%parallel_loop3A_158, %parallel_loop3A_136], %parallel_loop3A_160 {add = true} : memref<4x10240xf32, #tpu.memory_space<vmem>>[vector<16xi32>, vector<16xi32>], vector<16xf32>,
      } {sc.loop_unroll_factor = 8 : i64, sc.parallel_access}
      %add3A_115 = arith.constant 2 : i32
      %add3A_116 = arith.addi %add3A_92, %add3A_115 : i32
      %lt3A_117 = arith.constant 50 : i32
      %lt3A_118 = arith.cmpi slt, %add3A_116, %lt3A_117 : i32
      %convert_element_type3A_119 = arith.extui %lt3A_118 : i1 to i32
      %cond3A_120 = arith.constant 0 : i32
      %cond3A_121 = arith.cmpi ne, %convert_element_type3A_119, %cond3A_120 : i32
      scf.if %cond3A_121 {
        %add3A_122 = arith.constant 2 : i32
        %add3A_123 = arith.addi %add3A_92, %add3A_122 : i32
        %mul3A_124 = arith.constant 160000 : i32
        %mul3A_125 = arith.muli %and3A_1, %mul3A_124 : i32
        %mul3A_126 = arith.constant 3200 : i32
        %mul3A_127 = arith.muli %add3A_123, %mul3A_126 : i32
        %add3A_128 = arith.addi %mul3A_125, %mul3A_127 : i32
        %multiple_of3A_129 = tpu.assume_multiple %add3A_128, 128 : i32
        %dma_start3A_130 = arith.constant 1 : i32
        %dma_start3A_131 = arith.constant 0 : i32
        %dma_start3A_132 = arith.constant 0 : i32
        %dma_start3A_133 = tpu.memref_slice %arg8[%dma_start3A_130, %dma_start3A_131, %dma_start3A_132] : memref<2x3x3200xi32, #tpu.memory_space<vmem>> -> memref<1x3x3200xi32, #tpu.memory_space<vmem>>
        %dma_start3A_134 = tpu.memref_squeeze %dma_start3A_133 : memref<1x3x3200xi32, #tpu.memory_space<vmem>> -> memref<3x3200xi32, #tpu.memory_space<vmem>>
        %dma_start3A_135 = arith.constant 0 : i32
        %dma_start3A_136 = tpu.memref_slice %arg3[%dma_start3A_135, %multiple_of3A_129] : memref<3x320000xi32, #tpu.memory_space<hbm>> -> memref<3x3200xi32, #tpu.memory_space<hbm>>
        %dma_start3A_137 = arith.constant 0 : i32
        %dma_start3A_138 = arith.constant 0 : i32
        %dma_start3A_139 = tpu.memref_slice %arg8[%dma_start3A_130, %dma_start3A_137, %dma_start3A_138] : memref<2x3x3200xi32, #tpu.memory_space<vmem>> -> memref<1x3x3200xi32, #tpu.memory_space<vmem>>
        %dma_start3A_140 = tpu.memref_squeeze %dma_start3A_139 : memref<1x3x3200xi32, #tpu.memory_space<vmem>> -> memref<3x3200xi32, #tpu.memory_space<vmem>>
        %dma_start3A_141 = arith.constant 0 : i32
        %dma_start3A_142 = tpu.memref_slice %arg3[%dma_start3A_141, %multiple_of3A_129] : memref<3x320000xi32, #tpu.memory_space<hbm>> -> memref<3x3200xi32, #tpu.memory_space<hbm>>
        tpu.enqueue_dma source(%dma_start3A_142 : memref<3x3200xi32, #tpu.memory_space<hbm>>) target(%dma_start3A_140 : memref<3x3200xi32, #tpu.memory_space<vmem>>) target_semaphore(%arg10 : memref<!tpu.dma_semaphore, #tpu.memory_space<semaphore_mem>>)
      } else {
      }
    }
    %scan3A_48 = arith.constant 25 : i32
    %eq3A_49 = arith.constant 0 : i32
    %eq3A_50 = arith.cmpi eq, %and3A_1, %eq3A_49 : i32
    %convert_element_type3A = arith.extui %eq3A_50 : i1 to i32
    %cond3A = arith.constant 0 : i32
    %cond3A_51 = arith.cmpi ne, %convert_element_type3A, %cond3A : i32
    scf.if %cond3A_51 {
      "tpu.region"() ({
        %run_scoped3A = tpu.sem_alloc : memref<!tpu.dma_semaphore, #tpu.memory_space<semaphore_mem>>
        %dma_start3A_57 = arith.constant 0 : i32
        %dma_start3A_58 = tpu.memref_slice %arg4[%multiple_of3A, %dma_start3A_57] : memref<64x10240xf32, #tpu.memory_space<hbm>> -> memref<4x10240xf32, #tpu.memory_space<hbm>>
        %dma_start3A_59 = arith.constant 0 : i32
        %dma_start3A_60 = tpu.memref_slice %arg4[%multiple_of3A, %dma_start3A_59] : memref<64x10240xf32, #tpu.memory_space<hbm>> -> memref<4x10240xf32, #tpu.memory_space<hbm>>
        tpu.enqueue_dma source(%arg7 : memref<4x10240xf32, #tpu.memory_space<vmem>>) target(%dma_start3A_60 : memref<4x10240xf32, #tpu.memory_space<hbm>>) target_semaphore(%run_scoped3A : memref<!tpu.dma_semaphore, #tpu.memory_space<semaphore_mem>>)
        %dma_wait3A = arith.constant 0 : i32
        %dma_wait3A_61 = tpu.memref_slice %arg4[%multiple_of3A, %dma_wait3A] : memref<64x10240xf32, #tpu.memory_space<hbm>> -> memref<4x10240xf32, #tpu.memory_space<hbm>>
        %dma_wait3A_62 = arith.constant 0 : i32
        %dma_wait3A_63 = tpu.memref_slice %arg4[%multiple_of3A, %dma_wait3A_62] : memref<64x10240xf32, #tpu.memory_space<hbm>> -> memref<4x10240xf32, #tpu.memory_space<hbm>>
        tpu.wait_dma2 semaphore(%run_scoped3A : memref<!tpu.dma_semaphore, #tpu.memory_space<semaphore_mem>>) src(%arg7 : memref<4x10240xf32, #tpu.memory_space<vmem>>) dst(%dma_wait3A_63 : memref<4x10240xf32, #tpu.memory_space<hbm>>)
        tpu.yield
      }) : () -> ()
    } else {
    }
    %eq3A_52 = arith.constant 1 : i32
    %eq3A_53 = arith.cmpi eq, %and3A_1, %eq3A_52 : i32
    %convert_element_type3A_54 = arith.extui %eq3A_53 : i1 to i32
    %cond3A_55 = arith.constant 0 : i32
    %cond3A_56 = arith.cmpi ne, %convert_element_type3A_54, %cond3A_55 : i32
    scf.if %cond3A_56 {
      "tpu.region"() ({
        %run_scoped3A = tpu.sem_alloc : memref<!tpu.dma_semaphore, #tpu.memory_space<semaphore_mem>>
        %dma_start3A_57 = arith.constant 0 : i32
        %dma_start3A_58 = tpu.memref_slice %arg5[%multiple_of3A, %dma_start3A_57] : memref<64x10240xf32, #tpu.memory_space<hbm>> -> memref<4x10240xf32, #tpu.memory_space<hbm>>
        %dma_start3A_59 = arith.constant 0 : i32
        %dma_start3A_60 = tpu.memref_slice %arg5[%multiple_of3A, %dma_start3A_59] : memref<64x10240xf32, #tpu.memory_space<hbm>> -> memref<4x10240xf32, #tpu.memory_space<hbm>>
        tpu.enqueue_dma source(%arg7 : memref<4x10240xf32, #tpu.memory_space<vmem>>) target(%dma_start3A_60 : memref<4x10240xf32, #tpu.memory_space<hbm>>) target_semaphore(%run_scoped3A : memref<!tpu.dma_semaphore, #tpu.memory_space<semaphore_mem>>)
        %dma_wait3A = arith.constant 0 : i32
        %dma_wait3A_61 = tpu.memref_slice %arg5[%multiple_of3A, %dma_wait3A] : memref<64x10240xf32, #tpu.memory_space<hbm>> -> memref<4x10240xf32, #tpu.memory_space<hbm>>
        %dma_wait3A_62 = arith.constant 0 : i32
        %dma_wait3A_63 = tpu.memref_slice %arg5[%multiple_of3A, %dma_wait3A_62] : memref<64x10240xf32, #tpu.memory_space<hbm>> -> memref<4x10240xf32, #tpu.memory_space<hbm>>
        tpu.wait_dma2 semaphore(%run_scoped3A : memref<!tpu.dma_semaphore, #tpu.memory_space<semaphore_mem>>) src(%arg7 : memref<4x10240xf32, #tpu.memory_space<vmem>>) dst(%dma_wait3A_63 : memref<4x10240xf32, #tpu.memory_space<hbm>>)
        tpu.yield
      }) : () -> ()
    } else {
    }
    return
  }
}

module attributes {stable_mosaic.version = 14 : i64} {
  func.func @_first_body(%arg0: memref<32x10240xf32, #tpu.memory_space<vmem>>, %arg1: memref<64x128xf32, #tpu.memory_space<vmem>>, %arg2: memref<128x10240xf32, #tpu.memory_space<vmem>>, %arg3: memref<1x10240xf32, #tpu.memory_space<vmem>>, %arg4: memref<64x10240xf32, #tpu.memory_space<vmem>>) attributes {dimension_semantics = [], scalar_prefetch = 0 : i64, scratch_operands = 0 : i64, tpu.core_type = #tpu.core_type<tc>} {
    %get3A = arith.constant 0 : index
    %get3A_0 = arith.constant 0 : index
    %get3A_1 = vector.load %arg0[%get3A, %get3A_0] : memref<32x10240xf32, #tpu.memory_space<vmem>>, vector<32x10240xf32>
    %reduce_sum3A = arith.constant dense<0.000000e+00> : vector<10240xf32>
    %reduce_sum3A_2 = vector.multi_reduction <add>, %get3A_1, %reduce_sum3A [0] : vector<32x10240xf32> to vector<10240xf32>
    %broadcast_in_dim3A = vector.shape_cast %reduce_sum3A_2 : vector<10240xf32> to vector<1x10240xf32>
    %add3A = arith.constant 1.000000e+00 : f32
    %add3A_3 = vector.broadcast %add3A : f32 to vector<1x10240xf32>
    %add3A_4 = arith.addf %add3A_3, %broadcast_in_dim3A : vector<1x10240xf32>
    %rsqrt3A = math.rsqrt %add3A_4 : vector<1x10240xf32>
    %swap3A = arith.constant 0 : index
    %swap3A_5 = arith.constant 0 : index
    %swap3A_6 = vector.load %arg3[%swap3A, %swap3A_5] : memref<1x10240xf32, #tpu.memory_space<vmem>>, vector<1x10240xf32>
    tpu.vector_store %arg3[%swap3A, %swap3A_5], %rsqrt3A {strides = array<i32>} : memref<1x10240xf32, #tpu.memory_space<vmem>>, vector<1x10240xf32>,
    %get3A_7 = arith.constant 0 : index
    %get3A_8 = arith.constant 0 : index
    %get3A_9 = vector.load %arg1[%get3A_7, %get3A_8] : memref<64x128xf32, #tpu.memory_space<vmem>>, vector<64x128xf32>
    %get3A_10 = arith.constant 0 : index
    %get3A_11 = arith.constant 0 : index
    %get3A_12 = vector.load %arg2[%get3A_10, %get3A_11] : memref<128x10240xf32, #tpu.memory_space<vmem>>, vector<128x10240xf32>
    %dot_general3A = arith.constant dense<0.000000e+00> : vector<64x10240xf32>
    %dot_general3A_13 = tpu.matmul %get3A_9, %get3A_12, %dot_general3A {dimension_numbers = #tpu.dot_dimension_numbers<[1], [0], [0], [1], [0, 0, 1, 1], [], []>, transpose_lhs_hint = false} : vector<64x128xf32>, vector<128x10240xf32>, vector<64x10240xf32> -> vector<64x10240xf32>
    %mul3A = vector.broadcast %rsqrt3A : vector<1x10240xf32> to vector<64x10240xf32>
    %mul3A_14 = arith.mulf %dot_general3A_13, %mul3A : vector<64x10240xf32>
    %swap3A_15 = arith.constant 0 : index
    %swap3A_16 = arith.constant 0 : index
    %swap3A_17 = vector.load %arg4[%swap3A_15, %swap3A_16] : memref<64x10240xf32, #tpu.memory_space<vmem>>, vector<64x10240xf32>
    tpu.vector_store %arg4[%swap3A_15, %swap3A_16], %mul3A_14 {strides = array<i32>} : memref<64x10240xf32, #tpu.memory_space<vmem>>, vector<64x10240xf32>,
    return
  }
}

module attributes {stable_mosaic.version = 14 : i64} {
  func.func @_mid_body(%arg0: memref<64x10240xf32, #tpu.memory_space<vmem>>, %arg1: memref<64x10240xf32, #tpu.memory_space<vmem>>, %arg2: memref<1x10240xf32, #tpu.memory_space<vmem>>, %arg3: memref<64x1xf32, #tpu.memory_space<vmem>>, %arg4: memref<64x1xf32, #tpu.memory_space<vmem>>, %arg5: memref<64x1xf32, #tpu.memory_space<vmem>>, %arg6: memref<64x64xf32, #tpu.memory_space<vmem>>, %arg7: memref<64x10240xf32, #tpu.memory_space<vmem>>) attributes {dimension_semantics = [], scalar_prefetch = 0 : i64, scratch_operands = 0 : i64, tpu.core_type = #tpu.core_type<tc>} {
    %get3A = arith.constant 0 : index
    %get3A_0 = arith.constant 0 : index
    %get3A_1 = vector.load %arg2[%get3A, %get3A_0] : memref<1x10240xf32, #tpu.memory_space<vmem>>, vector<1x10240xf32>
    %get3A_2 = arith.constant 0 : index
    %get3A_3 = arith.constant 0 : index
    %get3A_4 = vector.load %arg0[%get3A_2, %get3A_3] : memref<64x10240xf32, #tpu.memory_space<vmem>>, vector<64x10240xf32>
    %get3A_5 = arith.constant 0 : index
    %get3A_6 = arith.constant 0 : index
    %get3A_7 = vector.load %arg1[%get3A_5, %get3A_6] : memref<64x10240xf32, #tpu.memory_space<vmem>>, vector<64x10240xf32>
    %add3A = arith.addf %get3A_4, %get3A_7 : vector<64x10240xf32>
    %mul3A = vector.broadcast %get3A_1 : vector<1x10240xf32> to vector<64x10240xf32>
    %mul3A_8 = arith.mulf %add3A, %mul3A : vector<64x10240xf32>
    %get3A_9 = arith.constant 0 : index
    %get3A_10 = arith.constant 0 : index
    %get3A_11 = vector.load %arg3[%get3A_9, %get3A_10] : memref<64x1xf32, #tpu.memory_space<vmem>>, vector<64x1xf32>
    %add3A_12 = vector.broadcast %get3A_11 : vector<64x1xf32> to vector<64x10240xf32>
    %add3A_13 = arith.addf %mul3A_8, %add3A_12 : vector<64x10240xf32>
    %mul3A_14 = arith.constant 0.999994993 : f32
    %mul3A_15 = vector.broadcast %mul3A_14 : f32 to vector<64x10240xf32>
    %mul3A_16 = arith.mulf %add3A_13, %mul3A_15 : vector<64x10240xf32>
    %get3A_17 = arith.constant 0 : index
    %get3A_18 = arith.constant 0 : index
    %get3A_19 = vector.load %arg4[%get3A_17, %get3A_18] : memref<64x1xf32, #tpu.memory_space<vmem>>, vector<64x1xf32>
    %mul3A_20 = vector.broadcast %get3A_19 : vector<64x1xf32> to vector<64x10240xf32>
    %mul3A_21 = arith.mulf %mul3A_16, %mul3A_20 : vector<64x10240xf32>
    %get3A_22 = arith.constant 0 : index
    %get3A_23 = arith.constant 0 : index
    %get3A_24 = vector.load %arg5[%get3A_22, %get3A_23] : memref<64x1xf32, #tpu.memory_space<vmem>>, vector<64x1xf32>
    %add3A_25 = vector.broadcast %get3A_24 : vector<64x1xf32> to vector<64x10240xf32>
    %add3A_26 = arith.addf %mul3A_21, %add3A_25 : vector<64x10240xf32>
    %max3A = arith.constant 0.000000e+00 : f32
    %max3A_27 = vector.broadcast %max3A : f32 to vector<64x10240xf32>
    %max3A_28 = arith.maximumf %add3A_26, %max3A_27 : vector<64x10240xf32>
    %get3A_29 = arith.constant 0 : index
    %get3A_30 = arith.constant 0 : index
    %get3A_31 = vector.load %arg6[%get3A_29, %get3A_30] : memref<64x64xf32, #tpu.memory_space<vmem>>, vector<64x64xf32>
    %dot_general3A = arith.constant dense<0.000000e+00> : vector<64x10240xf32>
    %dot_general3A_32 = tpu.matmul %get3A_31, %max3A_28, %dot_general3A {dimension_numbers = #tpu.dot_dimension_numbers<[1], [0], [0], [1], [0, 0, 1, 1], [], []>, transpose_lhs_hint = false} : vector<64x64xf32>, vector<64x10240xf32>, vector<64x10240xf32> -> vector<64x10240xf32>
    %mul3A_33 = vector.broadcast %get3A_1 : vector<1x10240xf32> to vector<64x10240xf32>
    %mul3A_34 = arith.mulf %dot_general3A_32, %mul3A_33 : vector<64x10240xf32>
    %swap3A = arith.constant 0 : index
    %swap3A_35 = arith.constant 0 : index
    %swap3A_36 = vector.load %arg7[%swap3A, %swap3A_35] : memref<64x10240xf32, #tpu.memory_space<vmem>>, vector<64x10240xf32>
    tpu.vector_store %arg7[%swap3A, %swap3A_35], %mul3A_34 {strides = array<i32>} : memref<64x10240xf32, #tpu.memory_space<vmem>>, vector<64x10240xf32>,
    return
  }
}

module attributes {stable_mosaic.version = 14 : i64} {
  func.func @_fin_body(%arg0: memref<64x10240xf32, #tpu.memory_space<vmem>>, %arg1: memref<64x10240xf32, #tpu.memory_space<vmem>>, %arg2: memref<1x10240xf32, #tpu.memory_space<vmem>>, %arg3: memref<64x1xf32, #tpu.memory_space<vmem>>, %arg4: memref<64x1xf32, #tpu.memory_space<vmem>>, %arg5: memref<64x1xf32, #tpu.memory_space<vmem>>, %arg6: memref<10240x1xi32, #tpu.memory_space<vmem>>, %arg7: memref<64x8xf32, #tpu.memory_space<vmem>>, %arg8: memref<1x8xf32, #tpu.memory_space<vmem>>) attributes {dimension_semantics = [], scalar_prefetch = 0 : i64, scratch_operands = 0 : i64, tpu.core_type = #tpu.core_type<tc>} {
    %get3A = arith.constant 0 : index
    %get3A_0 = arith.constant 0 : index
    %get3A_1 = vector.load %arg2[%get3A, %get3A_0] : memref<1x10240xf32, #tpu.memory_space<vmem>>, vector<1x10240xf32>
    %get3A_2 = arith.constant 0 : index
    %get3A_3 = arith.constant 0 : index
    %get3A_4 = vector.load %arg0[%get3A_2, %get3A_3] : memref<64x10240xf32, #tpu.memory_space<vmem>>, vector<64x10240xf32>
    %get3A_5 = arith.constant 0 : index
    %get3A_6 = arith.constant 0 : index
    %get3A_7 = vector.load %arg1[%get3A_5, %get3A_6] : memref<64x10240xf32, #tpu.memory_space<vmem>>, vector<64x10240xf32>
    %add3A = arith.addf %get3A_4, %get3A_7 : vector<64x10240xf32>
    %mul3A = vector.broadcast %get3A_1 : vector<1x10240xf32> to vector<64x10240xf32>
    %mul3A_8 = arith.mulf %add3A, %mul3A : vector<64x10240xf32>
    %get3A_9 = arith.constant 0 : index
    %get3A_10 = arith.constant 0 : index
    %get3A_11 = vector.load %arg3[%get3A_9, %get3A_10] : memref<64x1xf32, #tpu.memory_space<vmem>>, vector<64x1xf32>
    %add3A_12 = vector.broadcast %get3A_11 : vector<64x1xf32> to vector<64x10240xf32>
    %add3A_13 = arith.addf %mul3A_8, %add3A_12 : vector<64x10240xf32>
    %mul3A_14 = arith.constant 0.999994993 : f32
    %mul3A_15 = vector.broadcast %mul3A_14 : f32 to vector<64x10240xf32>
    %mul3A_16 = arith.mulf %add3A_13, %mul3A_15 : vector<64x10240xf32>
    %get3A_17 = arith.constant 0 : index
    %get3A_18 = arith.constant 0 : index
    %get3A_19 = vector.load %arg4[%get3A_17, %get3A_18] : memref<64x1xf32, #tpu.memory_space<vmem>>, vector<64x1xf32>
    %mul3A_20 = vector.broadcast %get3A_19 : vector<64x1xf32> to vector<64x10240xf32>
    %mul3A_21 = arith.mulf %mul3A_16, %mul3A_20 : vector<64x10240xf32>
    %get3A_22 = arith.constant 0 : index
    %get3A_23 = arith.constant 0 : index
    %get3A_24 = vector.load %arg5[%get3A_22, %get3A_23] : memref<64x1xf32, #tpu.memory_space<vmem>>, vector<64x1xf32>
    %add3A_25 = vector.broadcast %get3A_24 : vector<64x1xf32> to vector<64x10240xf32>
    %add3A_26 = arith.addf %mul3A_21, %add3A_25 : vector<64x10240xf32>
    %max3A = arith.constant 0.000000e+00 : f32
    %max3A_27 = vector.broadcast %max3A : f32 to vector<64x10240xf32>
    %max3A_28 = arith.maximumf %add3A_26, %max3A_27 : vector<64x10240xf32>
    %get3A_29 = arith.constant 0 : index
    %get3A_30 = arith.constant 0 : index
    %get3A_31 = vector.load %arg6[%get3A_29, %get3A_30] : memref<10240x1xi32, #tpu.memory_space<vmem>>, vector<10240x1xi32>
    %iota3A = tpu.iota {dimensions = array<i32: 1>} : vector<10240x8xi32>
    %eq3A = vector.broadcast %get3A_31 : vector<10240x1xi32> to vector<10240x8xi32>
    %eq3A_32 = arith.cmpi eq, %eq3A, %iota3A : vector<10240x8xi32>
    %convert_element_type3A = arith.extui %eq3A_32 : vector<10240x8xi1> to vector<10240x8xi32>
    %convert_element_type3A_33 = arith.sitofp %convert_element_type3A : vector<10240x8xi32> to vector<10240x8xf32>
    %dot_general3A = arith.constant dense<0.000000e+00> : vector<64x8xf32>
    %dot_general3A_34 = tpu.matmul %max3A_28, %convert_element_type3A_33, %dot_general3A {dimension_numbers = #tpu.dot_dimension_numbers<[1], [0], [0], [1], [0, 0, 1, 1], [], []>, transpose_lhs_hint = false} : vector<64x10240xf32>, vector<10240x8xf32>, vector<64x8xf32> -> vector<64x8xf32>
    %swap3A = arith.constant 0 : index
    %swap3A_35 = arith.constant 0 : index
    %swap3A_36 = vector.load %arg7[%swap3A, %swap3A_35] : memref<64x8xf32, #tpu.memory_space<vmem>>, vector<64x8xf32>
    tpu.vector_store %arg7[%swap3A, %swap3A_35], %dot_general3A_34 {strides = array<i32>} : memref<64x8xf32, #tpu.memory_space<vmem>>, vector<64x8xf32>,
    %reduce_sum3A = arith.constant dense<0.000000e+00> : vector<8xf32>
    %reduce_sum3A_37 = vector.multi_reduction <add>, %convert_element_type3A_33, %reduce_sum3A [0] : vector<10240x8xf32> to vector<8xf32>
    %broadcast_in_dim3A = vector.shape_cast %reduce_sum3A_37 : vector<8xf32> to vector<1x8xf32>
    %swap3A_38 = arith.constant 0 : index
    %swap3A_39 = arith.constant 0 : index
    %swap3A_40 = vector.load %arg8[%swap3A_38, %swap3A_39] : memref<1x8xf32, #tpu.memory_space<vmem>>, vector<1x8xf32>
    tpu.vector_store %arg8[%swap3A_38, %swap3A_39], %broadcast_in_dim3A {strides = array<i32>} : memref<1x8xf32, #tpu.memory_space<vmem>>, vector<1x8xf32>,
    return
  }
}

</mosaic_0001>

<sc_bundles>
// kernel: kernel.10.cloned.1.call-start
scs
__scs_entry_jumppad:
0x0: {  	(pc) =	sbr.rel $0x88, $3  }
0x1: {  	(tag) =	ssettag $0x0;
	lr =	simm.s32 $0x1  }
0x2: {  	[smem:$0x3F91] =	sst lr;
	_ =	strace $0xD0000000  }
0x3: {  	_ = 	snop  }
0x4: {  	_ = 	snop  }
0x5: {  	_ = 	snop  }
0x6: {  	_ = 	snop  }
0x7: {  	_ = 	snop  }
__scs_overlays_trampoline_lowered:
0x8: {  	[smem:$0x3FA0] =	sst s0  }
0x9: {  	[smem:$0x3FA1] =	sst s1  }
0xa: {  	[smem:$0x3FA2] =	sst s2  }
0xb: {  	[smem:$0x3FA3] =	sst s3  }
0xc: {  	[smem:$0x3FA4] =	sst s4  }
0xd: {  	[smem:$0x3FA5] =	sst s5  }
0xe: {  	[smem:$0x3FA6] =	sst s6  }
0xf: {  	[smem:$0x3FA7] =	sst s7  }
0x10: {  	[smem:$0x3FA8] =	sst s8  }
0x11: {  	[smem:$0x3FA9] =	sst s9;
	s0 =	simm.s32 @!p0 $0x0  }
0x12: {  	s1 =	sld [smem:$0x3F8F];
	s0 =	simm.s32 @p0 $0x1  }
0x13: {  	[smem:$0x3FAA] =	sst s0;
	s0 =	simm.s32 @!p1 $0x0  }
0x14: {  	s2 =	sld [smem:$0x3F8E];
	s0 =	simm.s32 @p1 $0x1  }
0x15: {  	[smem:$0x3FAB] =	sst s0;
	s0 =	simm.s32 @!p2 $0x0  }
0x16: {  	s3 =	sld [smem:$0x3FDB];
	s0 =	simm.s32 @p2 $0x1  }
0x17: {  	s4 =	simm.s32 $0x1BF5;
	[smem:$0x3FAD] =	sst s0  }
0x18: {  	s0 =	sld [smem:$0x3F90];
	_ =	swait.ge [sflag:s4], $0x0  }
0x19: {  	s7 =	sld [smem:$0x3F91]  }
0x1a: {  	s8 =	sadd.s32 $0xFFFFE003, lr  }
0x1b: {  	s9 =	sadd.s32 $0xFFFFFEF7, lr;
	s5 =	simm.s32 $0xFFFFFFFF;
	p2 =	slt.u32 s8, $0xFFFFF086  }
0x1c: {  	p1 =	slt.u32 s9, $0xF7A;
	s5 =	simm.s32 @!p2 $0x0  }
0x1d: {  	s5 =	simm.s32 @p1 $0x1;
	p0 =	seq.s32 s7, s2  }
0x1e: {  	s7 =	smul.u32 @!p0 $0xF7A, s2;
	p2 =	seq.s32 @!p0 s5, $0x0  }
0x1f: {  	s9 =	smul.u32 $0xF7A, s1;
	s8 =	simm.s32 @!p0 $0x1BF5;
	p2 =	por !p2, p0  }
0x20: {  	[sflag:s8] =	ssyncset.s32 @!p0 $0xFFFFF086;
	s6 =	sadd.s32 @!p0 s3, s7;
	s7 =	simm.s32 @!p0 $0x108  }
0x21: {  	s3 =	sadd.s32 s3, s9;
	s6 =	sadd.s32 @!p0 $0x88, s6;
	s7 =	simm.s32 @p2 $0x1082  }
0x22: {  	[simem:s7], [sflag:s8] =	dma.local @!p0 [hbm:s6], $0xF7A  }
0x23: {  	s9 =	sor.u32 $0xD0000000, s2;
	s6 =	simm.s32 $0x108;
	_ =	swait.ge @!p0 [sflag:s8], $0x0  }
0x24: {  	s3 =	sadd.s32 $0x88, s3;
	s6 =	simm.s32 @!p1 $0x1082;
	[sflag:s4] =	ssyncset.s32 $0xFFFFF086  }
0x25: {  	[simem:s6], [sflag:s4] =	dma.local [hbm:s3], $0xF7A  }
0x26: {  	[smem:$0x3F91] =	sst s1;
	(tag) =	ssettag s2;
	_ =	strace s9  }
0x27: {  	s1 =	sld [smem:$0x3FA1]  }
0x28: {  	s2 =	sld [smem:$0x3FA2]  }
0x29: {  	s4 =	sld [smem:$0x3FA4]  }
0x2a: {  	p0 =	seq.s32 s5, $0x0;
	s5 =	sld [smem:$0x3FA5]  }
0x2b: {  	s6 =	sld [smem:$0x3FA6]  }
0x2c: {  	s7 =	sld [smem:$0x3FA7]  }
0x2d: {  	s3 =	simm.s32 $0x108;
	s8 =	sld [smem:$0x3FA8]  }
0x2e: {  	s3 =	simm.s32 @!p0 $0x1082;
	s9 =	sld [smem:$0x3FA9]  }
0x2f: {  	lr =	sadd.s32 s0, s3;
	s0 =	sld [smem:$0x3FA0]  }
0x30: {  	s3 =	sld [smem:$0x3FA3]  }
0x31: {  	[smem:$0x3FAC] =	sst s10  }
0x32: {  	s10 =	sld [smem:$0x3FAA];
	_ =	sdelay $0x3  }
0x33: {  	p0 =	seq.s32 s10, $0x1;
	s10 =	sld [smem:$0x3FAC];
	_ =	sdelay $0x3  }
0x34: {  	[smem:$0x3FAC] =	sst s10  }
0x35: {  	s10 =	sld [smem:$0x3FAB];
	_ =	sdelay $0x3  }
0x36: {  	p1 =	seq.s32 s10, $0x1;
	s10 =	sld [smem:$0x3FAC];
	_ =	sdelay $0x3  }
0x37: {  	[smem:$0x3FAC] =	sst s10  }
0x38: {  	s10 =	sld [smem:$0x3FAD]  }
0x39: {  	_ = 	snop;
	(pc) =	sbr.ind lr, $3  }
0x3a: {  	_ = 	snop  }
0x3b: {  	_ = 	snop  }
0x3c: {  	p2 =	seq.s32 s10, $0x1;
	s10 =	sld [smem:$0x3FAC]  }
0x3d: {  	_ =	shalt  }
0x3e: {  	_ =	shalt  }
0x3f: {  	_ =	shalt  }
0x40: {  	_ =	shalt  }
0x41: {  	_ =	shalt  }
0x42: {  	_ =	shalt  }
0x43: {  	_ =	shalt  }
0x44: {  	_ =	shalt  }
0x45: {  	_ =	shalt  }
0x46: {  	_ =	shalt  }
0x47: {  	_ =	shalt  }
0x48: {  	_ =	shalt  }
0x49: {  	_ =	shalt  }
0x4a: {  	_ =	shalt  }
0x4b: {  	_ =	shalt  }
0x4c: {  	_ =	shalt  }
0x4d: {  	_ =	shalt  }
0x4e: {  	_ =	shalt  }
0x4f: {  	_ =	shalt  }
0x50: {  	_ =	shalt  }
0x51: {  	_ =	shalt  }
0x52: {  	_ =	shalt  }
0x53: {  	_ =	shalt  }
0x54: {  	_ =	shalt  }
0x55: {  	_ =	shalt  }
0x56: {  	_ =	shalt  }
0x57: {  	_ =	shalt  }
0x58: {  	_ =	shalt  }
0x59: {  	_ =	shalt  }
0x5a: {  	_ =	shalt  }
0x5b: {  	_ =	shalt  }
0x5c: {  	_ =	shalt  }
0x5d: {  	_ =	shalt  }
0x5e: {  	_ =	shalt  }
0x5f: {  	_ =	shalt  }
0x60: {  	_ =	shalt  }
0x61: {  	_ =	shalt  }
0x62: {  	_ =	shalt  }
0x63: {  	_ =	shalt  }
0x64: {  	_ =	shalt  }
0x65: {  	_ =	shalt  }
0x66: {  	_ =	shalt  }
0x67: {  	_ =	shalt  }
0x68: {  	_ =	shalt  }
0x69: {  	_ =	shalt  }
0x6a: {  	_ =	shalt  }
0x6b: {  	_ =	shalt  }
0x6c: {  	_ =	shalt  }
0x6d: {  	_ =	shalt  }
0x6e: {  	_ =	shalt  }
0x6f: {  	_ =	shalt  }
0x70: {  	_ =	shalt  }
0x71: {  	_ =	shalt  }
0x72: {  	_ =	shalt  }
0x73: {  	_ =	shalt  }
0x74: {  	_ =	shalt  }
0x75: {  	_ =	shalt  }
0x76: {  	_ =	shalt  }
0x77: {  	_ =	shalt  }
0x78: {  	_ =	shalt  }
0x79: {  	_ =	shalt  }
0x7a: {  	_ =	shalt  }
0x7b: {  	_ =	shalt  }
0x7c: {  	_ =	shalt  }
0x7d: {  	_ =	shalt  }
0x7e: {  	_ =	shalt  }
0x7f: {  	_ =	shalt  }
0x80: {  	_ =	shalt  }
0x81: {  	_ =	shalt  }
0x82: {  	_ =	shalt  }
0x83: {  	_ =	shalt  }
0x84: {  	_ =	shalt  }
0x85: {  	_ =	shalt  }
0x86: {  	_ =	shalt  }
0x87: {  	_ =	shalt  }
.Lfunc_end0:
.L_simem_size_0:
called_computation_lowered:
.L_overlay_start_0:
0x88: {  	s2 =	sld [smem:$0x3FD9]  }
0x89: {  	s3 =	sld [smem:$0x3FFE];
	_ =	sdelay $0x1  }
0x8a: {  	s1 =	srdreg.scid  }
0x8b: {  	s0 =	sand.u32 $0x1, s1  }
0x8c: {  	s17 =	sshll.u32 s0, $0xA;
	s2 =	sadd.s32 s3, s2  }
0x8d: {  	s2 =	sadd.s32 s2, s17  }
0x8e: {  	[smem:$0x3FB8] =	sst s2  }
0x8f: {  	_ = 	snop  }
0x90: {  	s2 =	sld [smem:$0x3FC7];
	(tm) =	ssettm $0x1  }
0x91: {  	s18 =	sld [smem:$0x3FFB];
	_ =	sdelay $0x3  }
0x92: {  	_ =	strace s18  }
0x93: {  	s3 =	sld [smem:$0x3FFC];
	_ =	sdelay $0x3  }
0x94: {  	_ =	strace s3  }
0x95: {  	s3 =	sld [smem:$0x3FFD];
	_ =	sdelay $0x3  }
0x96: {  	_ =	strace s3  }
0x97: {  	_ =	strace $0x8FFFFFFF  }
0x98: {  	s19 =	sld [smem:$0x3FDB];
	_ =	sdelay $0x1  }
0x99: {  	s4 =	simm.s32 $_scs_section_size  }
0x9a: {  	s5 =	simm.s32 $_size__tile_overlayer_lowered;
	s6 =	simm.s32 $_tile_overlayer_lowered  }
0x9b: {  	s22 =	simm.s32 $0x1BFF;
	s21 =	sshll.u32 s6, $0x1;
	s3 =	sadd.s32 s4, s19  }
0x9c: {  	s7 =	simm.s32 $0x0;
	s20 =	sshll.u32 s5, $0x1;
	s5 =	sadd.s32 s21, s3  }
0x9d: {  	[timem:s7], [sflag:s22] =	dma.local [hbm:s5], s20  }
0x9e: {  	_ =	swait.ge [sflag:s22], s20  }
0x9f: {  	s4 =	ssub.s32 $0x0, s20;
	[sflag:s22] =	ssyncset.done $0x0  }
0xa0: {  	[sflag:s22] =	ssyncadd.s32 s4;
	_ =	sdelay $0x1  }
0xa1: {  	s23 =	simm.s32 $0x1B8B  }
0xa2: {  	_ =	swait.ge [sflag:s23], $0x1  }
0xa3: {  	[sflag:s23] =	ssyncset.done $0x0  }
0xa4: {  	s25 =	simm.s32 $0x1B8E;
	s24 =	sld [smem:$0x3FFE];
	[sflag:s23] =	ssyncadd.s32 $0xFFFFFFFF  }
0xa5: {  	s26 =	simm.s32 $execute0_lowered;
	[smem:$0x3FD2] =	sst s25  }
0xa6: {  	s5 =	sshll.u32 s26, $0x1;
	_ =	strace $0x80000046;
	[dreg:$0x1] =	wrdreg $0xFFFFFFFF  }
0xa7: {  	s28 =	simm.s32 $_size_execute0_lowered;
	s3 =	sadd.s32 s3, s5;
	[dreg:$0x0] =	wrdreg $0x0  }
0xa8: {  	s5 =	sshll.u32 s28, $0x1;
	[dreg:$0x2] =	wrdreg s3  }
0xa9: {  	[dreg:$0x3] =	wrdreg s5  }
0xaa: {  	[dreg:$0x4] =	wrdreg $0xC0  }
0xab: {  	_ =	task [dreg:s7], $0x5FFFF  }
0xac: {  	[dreg:$0x1] =	wrdreg $0xFFFFFFFF  }
0xad: {  	[dreg:$0x0] =	wrdreg $0x60  }
0xae: {  	[dreg:$0x2] =	wrdreg s24  }
0xaf: {  	[dreg:$0x3] =	wrdreg s2  }
0xb0: {  	[dreg:$0x4] =	wrdreg $0x9  }
0xb1: {  	_ =	task.clear_ibuf [dreg:s7], $0x5FFFF;
	_ =	strace $0x90000046  }
0xb2: {  	s29 =	simm.s32 $0x9;
	_ =	strace $0x80000048  }
0xb3: {  	_ =	swait.ge [sflag:s29], $0x1  }
0xb4: {  	[sflag:s29] =	ssyncadd.s32 $0xFFFFFFFF  }
0xb5: {  	_ =	strace $0x90000048  }
0xb6: {  	_ =	sfence  }
0xb7: {  	s30 =	sld [smem:$0x0];
	_ =	sdelay $0x2  }
0xb8: {  	s31 =	sshll.u32 s1, $0xD;
	s1 =	sshrl.u32 s1, $0x2  }
0xb9: {  	s3 =	sand.u32 $0x4000, s31;
	s1 =	sadd.s32 s1, s30  }
0xba: {  	s0 =	sor.u32 s3, s0;
	s1 =	sshll.u32 s1, $0x11  }
0xbb: {  	s0 =	sor.u32 s1, s0  }
0xbc: {  	s0 =	sadd.s32 $0x8F2B, s0  }
0xbd: {  	[sflag:s0] =	ssyncadd.remote.s32 $0x1  }
0xbe: {  	_ =	sfence.sel $0xFFFF  }
0xbf: {  	[dreg:$0x0] =	wrdreg $0xFFFFFFFF;
	(pc) =	sbr.abs _section_cstart, $3  }
0xc0: {  	[dreg:$0x1] =	wrdreg $0xFFFFFFFF  }
0xc1: {  	_ =	task.clear_ibuf [dreg:s7], $0x2FFFF;
	_ =	strace $0x9FFFFFFF  }
0xc2: {  	(tm) =	ssettm $0x7FFFFFFF  }
0xc3: {  	_ =	shalt  }
tec
execute0_lowered:
.L_overlay_start_1:
0x0: {  	(tag) =	ssettag $0x1  }
0x1: {  	s3 =	rddreg [dreg:$0x0]  }
0x2: {  	s1 =	srdreg.scid;
	s0 =	stileid.u32  }
0x3: {  	s4 =	rddreg [dreg:$0x1];
	s10 =	simm.s32 $0x80;
	s11 =	simm.s32 $0x400  }
0x4: {  	s12 =	simm.s32 $0x0;
	s5 =	sand.u32 $0x1, s1;
	s2 =	sshll.u32 s0, $0x1  }
0x5: {  	s1 =	rddreg [dreg:$0x2];
	s7 =	sshrl.u32 s0, $0x2;
	s6 =	sor.u32 s5, s2  }
0x6: {  	s2 =	simm.s32 $0x0;
	s7 =	smul.u32 $0x14000, s7;
	s5 =	ssub.s32 $0x2, s5  }
0x7: {  	s8 =	sshll.u32 s6, $0x7;
	[smem:$0x7FF] =	sst s2;
	s6 =	smul.u32 $0x4E2, s6  }
0x8: {  	s9 =	sshrl.u32 s5, $0x1;
	s8 =	sand.u32 $0x380, s8;
	_ =	strace $0x80000047  }
0x9: {  	s9 =	ssub.s32 s5, s9;
	s7 =	sor.u32 s7, s8;
	s31 =	sadd.s32 s6, s3  }
0xa: {  	s4 =	sadd.s32 s4, s6;
	s6 =	smax.u32 s9, $0x1;
	s7 =	sshrl.u32 s7, $0x3  }
0xb: {  	s8 =	simm.s32 $0x2780;
	s9 =	simm.s32 $0x4F00;
	s7 =	sadd.s32 s7, s3  }
0xc: {  	v0 =	vimm.f32 $0.0e+00;
	s3 =	sadd.s32 $0x5600, s31;
	s5 =	sadd.s32 $0xF400, s7;
	s7 =	simm.s32 $0x1  }
.LBB2_1:
0xd: {  	[tilespmem:s2], [sflag:$0x1] =	stream.linear.gather [hbm4b:s3+s2], $0x2710, $0x38;
	[tilespmem:$0x7700] =	vst v63  }
0xe: {  	_ =	swait.ge [sflag:s7], $0x2710  }
0xf: {  	[sflag:s7] =	ssyncset.done $0x0  }
0x10: {  	[sflag:s7] =	ssyncadd.s32 $0xFFFFD8F0  }
0x11: {  	[tilespmem:s8], [sflag:$0x1] =	stream.linear.gather [hbm4b:s4+s2], $0x2710, $0x38;
	[tilespmem:$0x7700] =	vst v63  }
0x12: {  	_ =	swait.ge [sflag:s7], $0x2710  }
0x13: {  	[sflag:s7] =	ssyncset.done $0x0  }
0x14: {  	s15 =	simm.s32 $0x4F20;
	[sflag:s7] =	ssyncadd.s32 $0xFFFFD8F0  }
0x15: {  	[tilespmem:s15+$0xFFFFFFE0] =	vst v0  }
0x16: {  	[tilespmem:s15+$0x10] =	vst v0  }
0x17: {  	s16 =	simm.s32 $0x0;
	s14 =	simm.s32 $0x20;
	[tilespmem:s15+$0x0] =	vst v0  }
.LBB2_2:
0x18: {  	s16 =	sadd.s32 $0x4, s16  }
0x19: {  	[tilespmem:s15+$0xFFFFFFF0] =	vst v0;
	s15 =	sadd.s32 $0x40, s15;
	s13 =	simm.s32 $0x27A0;
	p0 =	slt.u32 s16, $0x27C  }
.Ltmp0:
0x1a: {  	[tilespmem:s15+$0xFFFFFFE0] =	vst v0;
	(pc) =	sbr.rel @p0 .LBB2_2-.Ltmp0, $3  }
0x1b: {  	_ =	sdelay $0x1  }
0x1c: {  	[tilespmem:s15+$0x10] =	vst v0  }
0x1d: {  	[tilespmem:s15+$0x0] =	vst v0  }
0x1e: {  	[tilespmem:s15+$0xFFFFFFF0] =	vst v0  }
0x1f: {  	v2 =	vld [tilespmem:s14+$0x10]  }
0x20: {  	v3 =	vld [tilespmem:s14+$0xFFFFFFF0]  }
0x21: {  	v5 =	vld [tilespmem:s13+$0x10]  }
0x22: {  	v6 =	vld [tilespmem:s13+$0xFFFFFFE0]  }
0x23: {  	v7 =	vld [tilespmem:s13+$0xFFFFFFF0]  }
0x24: {  	v8 =	vld [tilespmem:s13+$0x0]  }
0x25: {  	v4 =	vld [tilespmem:s14+$0xFFFFFFE0];
	_ =	sdelay $0x1  }
0x26: {  	v1 =	vld [tilespmem:s14+$0x0];
	v5 =	vand.u32 $0x7FFFFFFF, v5  }
0x27: {  	[tilespmem:v2+s9+$0x0] =	vst.idx.add.f32.msk $0xffff, v5;
	v5 =	vand.u32 $0x7FFFFFFF, v7  }
0x28: {  	s15 =	simm.s32 $0x60;
	s14 =	simm.s32 $0x0;
	v2 =	vand.u32 $0x7FFFFFFF, v6;
	[tilespmem:v3+s9+$0x0] =	vst.idx.add.f32.msk $0xffff, v5;
	v3 =	vand.u32 $0x7FFFFFFF, v8  }
.LBB2_4:
0x29: {  	v5 =	vld [tilespmem:s15+$0x10];
	s14 =	sadd.s32 $0x4, s14;
	v6 =	vmov v4  }
0x2a: {  	s13 =	sadd.s32 $0x40, s13;
	v7 =	vld [tilespmem:s15+$0xFFFFFFF0];
	p0 =	slt.u32 s14, $0x26C  }
0x2b: {  	v8 =	vld [tilespmem:s13+$0x10]  }
0x2c: {  	v9 =	vld [tilespmem:s13+$0xFFFFFFE0]  }
0x2d: {  	v10 =	vld [tilespmem:s13+$0xFFFFFFF0]  }
0x2e: {  	v11 =	vld [tilespmem:s13+$0x0]  }
0x2f: {  	v12 =	vld [tilespmem:s15+$0x0]  }
.Ltmp1:
0x30: {  	v4 =	vld [tilespmem:s15+$0xFFFFFFE0];
	v8 =	vand.u32 $0x7FFFFFFF, v8;
	(pc) =	sbr.rel @p0 .LBB2_4-.Ltmp1, $4  }
0x31: {  	v9 =	vand.u32 $0x7FFFFFFF, v9;
	[tilespmem:v5+s9+$0x0] =	vst.idx.add.f32.msk $0xffff, v8  }
0x32: {  	v5 =	vand.u32 $0x7FFFFFFF, v10;
	[tilespmem:v6+s9+$0x0] =	vst.idx.add.f32.msk $0xffff, v2;
	v2 =	vmov v9  }
0x33: {  	[tilespmem:v7+s9+$0x0] =	vst.idx.add.f32.msk $0xffff, v5;
	v5 =	vand.u32 $0x7FFFFFFF, v11  }
0x34: {  	s15 =	sadd.s32 $0x40, s15;
	[tilespmem:v1+s9+$0x0] =	vst.idx.add.f32.msk $0xffff, v3;
	v1 =	vmov v12;
	v3 =	vmov v5  }
0x35: {  	_ =	sdelay $0x3  }
0x36: {  	[tilespmem:v4+s9+$0x0] =	vst.idx.add.f32.msk $0xffff, v2  }
0x37: {  	[tilespmem:v1+s9+$0x0] =	vst.idx.add.f32.msk $0xffff, v3  }
0x38: {  	v1 =	vld [tilespmem:$0x2700];
	_ =	sdelay $0x1  }
0x39: {  	v2 =	vld [tilespmem:$0x4E80];
	_ =	sdelay $0x3  }
0x3a: {  	s12 =	sadd.s32 $0x1, s12  }
0x3b: {  	p0 =	sne.s32 s12, s6;
	v2 =	vand.u32 $0x7FFFFFFF, v2  }
.Ltmp2:
0x3c: {  	[tilespmem:v1+s9+$0x0] =	vst.idx.add.f32.msk $0xffff, v2;
	(pc) =	sbr.rel @p0 .LBB2_1-.Ltmp2, $4  }
0x3d: {  	[hbm4b:s5+s10] =	stream.strided.scatter [tilespmem:s9], [sflag:$0x1], $0x2800, s11, s10, $0x38;
	[tilespmem:$0x7700] =	vst v63  }
0x3e: {  	_ =	swait.ge [sflag:s7], $0x2800  }
0x3f: {  	[sflag:s7] =	ssyncset.done $0x0  }
0x40: {  	[sflag:s7] =	ssyncadd.s32 $0xFFFFD800  }
0x41: {  	_ =	sfence.sel $0x180000  }
0x42: {  	[bflag:$0x0] =	sbarrier.arrive $0xFFFF  }
0x43: {  	p0 =	sne.s32 s0, $0x0;
	_ =	strace $0x90000047  }
0x44: {  	s0 =	sadd.s32 @!p0 $0x100000, s1;
	[bflag:$0x2] =	sbarrier.arrive $0xFFFF  }
0x45: {  	[sflag:s0] =	ssyncadd.tile.s32 @!p0 $0x1;
	_ =	shalt  }
.Lfunc_end2:
_tile_overlayer_lowered:
.L_overlay_start_2:
0x46: {  	(tag) =	ssettag $0x2  }
0x47: {  	s0 =	rddreg [dreg:$0x0];
	s2 =	stileid.u32  }
0x48: {  	s1 =	rddreg [dreg:$0x1];
	p0 =	sne.s32 s2, $0x0  }
0x49: {  	s3 =	rddreg [dreg:$0x2];
	[bflag:$0x3] =	sbarrier.arrive $0xFFFF;
	s2 =	simm.s32 @!p0 $0x1C01  }
0x4a: {  	[timem:s3], [sflag:s2] =	dma.local @!p0 [hbm:s0], s1  }
0x4b: {  	s0 =	simm.s32 @!p0 $0x1  }
0x4c: {  	_ =	swait.ge @!p0 [sflag:s0], s1  }
0x4d: {  	s1 =	ssub.s32 @!p0 $0x0, s1;
	[sflag:s0] =	ssyncset.done @!p0 $0x0  }
0x4e: {  	[sflag:s0] =	ssyncadd.s32 @!p0 s1  }
0x4f: {  	[bflag:$0x3] =	sbarrier.arrive $0xFFFF  }
0x50: {  	_ =	shalt  }

// kernel: kernel.13.cloned.1.call-start
scs
__scs_entry_jumppad:
0x0: {  	(pc) =	sbr.rel $0x88, $3  }
0x1: {  	(tag) =	ssettag $0x0;
	lr =	simm.s32 $0x1  }
0x2: {  	[smem:$0x3F91] =	sst lr;
	_ =	strace $0xD0000000  }
0x3: {  	_ = 	snop  }
0x4: {  	_ = 	snop  }
0x5: {  	_ = 	snop  }
0x6: {  	_ = 	snop  }
0x7: {  	_ = 	snop  }
__scs_overlays_trampoline_lowered:
0x8: {  	[smem:$0x3FA0] =	sst s0  }
0x9: {  	[smem:$0x3FA1] =	sst s1  }
0xa: {  	[smem:$0x3FA2] =	sst s2  }
0xb: {  	[smem:$0x3FA3] =	sst s3  }
0xc: {  	[smem:$0x3FA4] =	sst s4  }
0xd: {  	[smem:$0x3FA5] =	sst s5  }
0xe: {  	[smem:$0x3FA6] =	sst s6  }
0xf: {  	[smem:$0x3FA7] =	sst s7  }
0x10: {  	[smem:$0x3FA8] =	sst s8  }
0x11: {  	[smem:$0x3FA9] =	sst s9;
	s0 =	simm.s32 @!p0 $0x0  }
0x12: {  	s1 =	sld [smem:$0x3F8F];
	s0 =	simm.s32 @p0 $0x1  }
0x13: {  	[smem:$0x3FAA] =	sst s0;
	s0 =	simm.s32 @!p1 $0x0  }
0x14: {  	s2 =	sld [smem:$0x3F8E];
	s0 =	simm.s32 @p1 $0x1  }
0x15: {  	[smem:$0x3FAB] =	sst s0;
	s0 =	simm.s32 @!p2 $0x0  }
0x16: {  	s3 =	sld [smem:$0x3FDB];
	s0 =	simm.s32 @p2 $0x1  }
0x17: {  	s4 =	simm.s32 $0x1BF5;
	[smem:$0x3FAD] =	sst s0  }
0x18: {  	s0 =	sld [smem:$0x3F90];
	_ =	swait.ge [sflag:s4], $0x0  }
0x19: {  	s7 =	sld [smem:$0x3F91]  }
0x1a: {  	s8 =	sadd.s32 $0xFFFFE003, lr  }
0x1b: {  	s9 =	sadd.s32 $0xFFFFFEF7, lr;
	s5 =	simm.s32 $0xFFFFFFFF;
	p2 =	slt.u32 s8, $0xFFFFF086  }
0x1c: {  	p1 =	slt.u32 s9, $0xF7A;
	s5 =	simm.s32 @!p2 $0x0  }
0x1d: {  	s5 =	simm.s32 @p1 $0x1;
	p0 =	seq.s32 s7, s2  }
0x1e: {  	s7 =	smul.u32 @!p0 $0xF7A, s2;
	p2 =	seq.s32 @!p0 s5, $0x0  }
0x1f: {  	s9 =	smul.u32 $0xF7A, s1;
	s8 =	simm.s32 @!p0 $0x1BF5;
	p2 =	por !p2, p0  }
0x20: {  	[sflag:s8] =	ssyncset.s32 @!p0 $0xFFFFF086;
	s6 =	sadd.s32 @!p0 s3, s7;
	s7 =	simm.s32 @!p0 $0x108  }
0x21: {  	s3 =	sadd.s32 s3, s9;
	s6 =	sadd.s32 @!p0 $0x88, s6;
	s7 =	simm.s32 @p2 $0x1082  }
0x22: {  	[simem:s7], [sflag:s8] =	dma.local @!p0 [hbm:s6], $0xF7A  }
0x23: {  	s9 =	sor.u32 $0xD0000000, s2;
	s6 =	simm.s32 $0x108;
	_ =	swait.ge @!p0 [sflag:s8], $0x0  }
0x24: {  	s3 =	sadd.s32 $0x88, s3;
	s6 =	simm.s32 @!p1 $0x1082;
	[sflag:s4] =	ssyncset.s32 $0xFFFFF086  }
0x25: {  	[simem:s6], [sflag:s4] =	dma.local [hbm:s3], $0xF7A  }
0x26: {  	[smem:$0x3F91] =	sst s1;
	(tag) =	ssettag s2;
	_ =	strace s9  }
0x27: {  	s1 =	sld [smem:$0x3FA1]  }
0x28: {  	s2 =	sld [smem:$0x3FA2]  }
0x29: {  	s4 =	sld [smem:$0x3FA4]  }
0x2a: {  	p0 =	seq.s32 s5, $0x0;
	s5 =	sld [smem:$0x3FA5]  }
0x2b: {  	s6 =	sld [smem:$0x3FA6]  }
0x2c: {  	s7 =	sld [smem:$0x3FA7]  }
0x2d: {  	s3 =	simm.s32 $0x108;
	s8 =	sld [smem:$0x3FA8]  }
0x2e: {  	s3 =	simm.s32 @!p0 $0x1082;
	s9 =	sld [smem:$0x3FA9]  }
0x2f: {  	lr =	sadd.s32 s0, s3;
	s0 =	sld [smem:$0x3FA0]  }
0x30: {  	s3 =	sld [smem:$0x3FA3]  }
0x31: {  	[smem:$0x3FAC] =	sst s10  }
0x32: {  	s10 =	sld [smem:$0x3FAA];
	_ =	sdelay $0x3  }
0x33: {  	p0 =	seq.s32 s10, $0x1;
	s10 =	sld [smem:$0x3FAC];
	_ =	sdelay $0x3  }
0x34: {  	[smem:$0x3FAC] =	sst s10  }
0x35: {  	s10 =	sld [smem:$0x3FAB];
	_ =	sdelay $0x3  }
0x36: {  	p1 =	seq.s32 s10, $0x1;
	s10 =	sld [smem:$0x3FAC];
	_ =	sdelay $0x3  }
0x37: {  	[smem:$0x3FAC] =	sst s10  }
0x38: {  	s10 =	sld [smem:$0x3FAD]  }
0x39: {  	_ = 	snop;
	(pc) =	sbr.ind lr, $3  }
0x3a: {  	_ = 	snop  }
0x3b: {  	_ = 	snop  }
0x3c: {  	p2 =	seq.s32 s10, $0x1;
	s10 =	sld [smem:$0x3FAC]  }
0x3d: {  	_ =	shalt  }
0x3e: {  	_ =	shalt  }
0x3f: {  	_ =	shalt  }
0x40: {  	_ =	shalt  }
0x41: {  	_ =	shalt  }
0x42: {  	_ =	shalt  }
0x43: {  	_ =	shalt  }
0x44: {  	_ =	shalt  }
0x45: {  	_ =	shalt  }
0x46: {  	_ =	shalt  }
0x47: {  	_ =	shalt  }
0x48: {  	_ =	shalt  }
0x49: {  	_ =	shalt  }
0x4a: {  	_ =	shalt  }
0x4b: {  	_ =	shalt  }
0x4c: {  	_ =	shalt  }
0x4d: {  	_ =	shalt  }
0x4e: {  	_ =	shalt  }
0x4f: {  	_ =	shalt  }
0x50: {  	_ =	shalt  }
0x51: {  	_ =	shalt  }
0x52: {  	_ =	shalt  }
0x53: {  	_ =	shalt  }
0x54: {  	_ =	shalt  }
0x55: {  	_ =	shalt  }
0x56: {  	_ =	shalt  }
0x57: {  	_ =	shalt  }
0x58: {  	_ =	shalt  }
0x59: {  	_ =	shalt  }
0x5a: {  	_ =	shalt  }
0x5b: {  	_ =	shalt  }
0x5c: {  	_ =	shalt  }
0x5d: {  	_ =	shalt  }
0x5e: {  	_ =	shalt  }
0x5f: {  	_ =	shalt  }
0x60: {  	_ =	shalt  }
0x61: {  	_ =	shalt  }
0x62: {  	_ =	shalt  }
0x63: {  	_ =	shalt  }
0x64: {  	_ =	shalt  }
0x65: {  	_ =	shalt  }
0x66: {  	_ =	shalt  }
0x67: {  	_ =	shalt  }
0x68: {  	_ =	shalt  }
0x69: {  	_ =	shalt  }
0x6a: {  	_ =	shalt  }
0x6b: {  	_ =	shalt  }
0x6c: {  	_ =	shalt  }
0x6d: {  	_ =	shalt  }
0x6e: {  	_ =	shalt  }
0x6f: {  	_ =	shalt  }
0x70: {  	_ =	shalt  }
0x71: {  	_ =	shalt  }
0x72: {  	_ =	shalt  }
0x73: {  	_ =	shalt  }
0x74: {  	_ =	shalt  }
0x75: {  	_ =	shalt  }
0x76: {  	_ =	shalt  }
0x77: {  	_ =	shalt  }
0x78: {  	_ =	shalt  }
0x79: {  	_ =	shalt  }
0x7a: {  	_ =	shalt  }
0x7b: {  	_ =	shalt  }
0x7c: {  	_ =	shalt  }
0x7d: {  	_ =	shalt  }
0x7e: {  	_ =	shalt  }
0x7f: {  	_ =	shalt  }
0x80: {  	_ =	shalt  }
0x81: {  	_ =	shalt  }
0x82: {  	_ =	shalt  }
0x83: {  	_ =	shalt  }
0x84: {  	_ =	shalt  }
0x85: {  	_ =	shalt  }
0x86: {  	_ =	shalt  }
0x87: {  	_ =	shalt  }
.Lfunc_end0:
.L_simem_size_0:
called_computation.1_lowered:
.L_overlay_start_0:
0x88: {  	s2 =	sld [smem:$0x3FD9]  }
0x89: {  	s3 =	sld [smem:$0x3FFE];
	_ =	sdelay $0x1  }
0x8a: {  	s1 =	srdreg.scid  }
0x8b: {  	s0 =	sand.u32 $0x1, s1  }
0x8c: {  	s16 =	sshll.u32 s0, $0xA;
	s2 =	sadd.s32 s3, s2  }
0x8d: {  	s2 =	sadd.s32 s2, s16  }
0x8e: {  	[smem:$0x3FB8] =	sst s2  }
0x8f: {  	_ = 	snop  }
0x90: {  	(tm) =	ssettm $0x1  }
0x91: {  	s17 =	sld [smem:$0x3FFB];
	_ =	sdelay $0x3  }
0x92: {  	_ =	strace s17  }
0x93: {  	s2 =	sld [smem:$0x3FFC];
	_ =	sdelay $0x3  }
0x94: {  	_ =	strace s2  }
0x95: {  	s2 =	sld [smem:$0x3FFD];
	_ =	sdelay $0x3  }
0x96: {  	_ =	strace s2  }
0x97: {  	_ =	strace $0x8FFFFFFF  }
0x98: {  	s18 =	sld [smem:$0x3FDB];
	_ =	sdelay $0x1  }
0x99: {  	s19 =	simm.s32 $_scs_section_size  }
0x9a: {  	s4 =	simm.s32 $_size__tile_overlayer_lowered;
	s5 =	simm.s32 $_tile_overlayer_lowered  }
0x9b: {  	s22 =	simm.s32 $0x1BFF;
	s21 =	sshll.u32 s5, $0x1;
	s2 =	sadd.s32 s19, s18  }
0x9c: {  	s6 =	simm.s32 $0x0;
	s20 =	sshll.u32 s4, $0x1;
	s4 =	sadd.s32 s21, s2  }
0x9d: {  	[timem:s6], [sflag:s22] =	dma.local [hbm:s4], s20  }
0x9e: {  	_ =	swait.ge [sflag:s22], s20  }
0x9f: {  	s3 =	ssub.s32 $0x0, s20;
	[sflag:s22] =	ssyncset.done $0x0  }
0xa0: {  	[sflag:s22] =	ssyncadd.s32 s3;
	_ =	sdelay $0x1  }
0xa1: {  	s23 =	simm.s32 $0x1B8B  }
0xa2: {  	_ =	swait.ge [sflag:s23], $0x1  }
0xa3: {  	[sflag:s23] =	ssyncset.done $0x0  }
0xa4: {  	s25 =	simm.s32 $0x1B8E;
	s24 =	sld [smem:$0x3FFE];
	[sflag:s23] =	ssyncadd.s32 $0xFFFFFFFF  }
0xa5: {  	s26 =	simm.s32 $execute0_lowered;
	[smem:$0x3FD2] =	sst s25  }
0xa6: {  	s4 =	sshll.u32 s26, $0x1;
	_ =	strace $0x80000049;
	[dreg:$0x1] =	wrdreg $0xFFFFFFFF  }
0xa7: {  	s28 =	simm.s32 $_size_execute0_lowered;
	s2 =	sadd.s32 s2, s4;
	[dreg:$0x0] =	wrdreg $0x0  }
0xa8: {  	s4 =	sshll.u32 s28, $0x1;
	[dreg:$0x2] =	wrdreg s2  }
0xa9: {  	[dreg:$0x3] =	wrdreg s4  }
0xaa: {  	[dreg:$0x4] =	wrdreg $0xC0  }
0xab: {  	_ =	task [dreg:s6], $0x5FFFF  }
0xac: {  	[dreg:$0x1] =	wrdreg $0xFFFFFFFF  }
0xad: {  	[dreg:$0x0] =	wrdreg $0x60  }
0xae: {  	[dreg:$0x2] =	wrdreg s24  }
0xaf: {  	[dreg:$0x3] =	wrdreg $0x9  }
0xb0: {  	_ =	task.clear_ibuf [dreg:s6], $0x4FFFF;
	_ =	strace $0x90000049  }
0xb1: {  	s29 =	simm.s32 $0x9;
	_ =	strace $0x8000004B  }
0xb2: {  	_ =	swait.ge [sflag:s29], $0x1  }
0xb3: {  	[sflag:s29] =	ssyncadd.s32 $0xFFFFFFFF  }
0xb4: {  	_ =	strace $0x9000004B  }
0xb5: {  	_ =	sfence  }
0xb6: {  	s30 =	sld [smem:$0x0];
	_ =	sdelay $0x2  }
0xb7: {  	s31 =	sshll.u32 s1, $0xD;
	s1 =	sshrl.u32 s1, $0x2  }
0xb8: {  	s3 =	sand.u32 $0x4000, s31;
	s1 =	sadd.s32 s1, s30  }
0xb9: {  	s0 =	sor.u32 s3, s0;
	s1 =	sshll.u32 s1, $0x11  }
0xba: {  	s0 =	sor.u32 s1, s0  }
0xbb: {  	s0 =	sadd.s32 $0x8F2B, s0  }
0xbc: {  	[sflag:s0] =	ssyncadd.remote.s32 $0x1  }
0xbd: {  	_ =	sfence.sel $0xFFFF  }
0xbe: {  	[dreg:$0x0] =	wrdreg $0xFFFFFFFF;
	(pc) =	sbr.abs _section_cstart, $3  }
0xbf: {  	[dreg:$0x1] =	wrdreg $0xFFFFFFFF  }
0xc0: {  	_ =	task.clear_ibuf [dreg:s6], $0x2FFFF;
	_ =	strace $0x9FFFFFFF  }
0xc1: {  	(tm) =	ssettm $0x7FFFFFFF  }
tec
execute0_lowered:
.L_overlay_start_1:
0x0: {  	(tag) =	ssettag $0x1  }
0x1: {  	s2 =	stileid.u32  }
0x2: {  	s1 =	rddreg [dreg:$0x0];
	s4 =	srdreg.scid  }
0x3: {  	s13 =	simm.s32 $0x3;
	s15 =	simm.s32 $0x17200;
	s16 =	simm.s32 $0x1  }
0x4: {  	s17 =	simm.s32 $0xA000;
	s18 =	simm.s32 $0x2;
	s0 =	sshrl.u32 s2, $0x1  }
0x5: {  	s19 =	simm.s32 $0x0;
	s4 =	sand.u32 $0x1, s4;
	s0 =	smul.u32 $0x14000, s0  }
0x6: {  	s3 =	sshll.u32 s2, $0x9;
	s2 =	simm.s32 $0x0;
	s7 =	smul.u32 $0x9C400, s4  }
0x7: {  	s8 =	sadd.s32 $0x54600, s1;
	s3 =	sand.u32 $0x200, s3;
	s10 =	smul.u32 $0x13880, s4  }
0x8: {  	[smem:$0x7FF] =	sst s2;
	s6 =	ssub.s32 $0x2, s4;
	s11 =	smul.u32 $0x27100, s4  }
0x9: {  	p0 =	seq.s32 s4, $0x0;
	s4 =	simm.f32 $1.000000000e+00;
	_ =	strace $0x8000004A  }
0xa: {  	s9 =	sshrl.u32 s6, $0x1;
	s4 =	simm.s32 @!p0 $0x0;
	s0 =	sor.u32 s3, s0  }
0xb: {  	s3 =	sadd.s32 $0x19400, s1;
	s9 =	ssub.s32 s6, s9;
	s29 =	sshrl.u32 s7, $0x3  }
0xc: {  	s7 =	sadd.s32 $0x1900, s11;
	s0 =	sshrl.u32 s0, $0x3;
	s30 =	sadd.s32 s3, s10  }
.Ltmp0:
0xd: {  	s6 =	sadd.s32 s3, s29;
	s9 =	smax.u32 s9, $0x1;
	(pc) =	sbr.rel .LBB2_1-.Ltmp0, $4  }
0xe: {  	s5 =	sadd.s32 s0, s1;
	s1 =	sadd.s32 $0x68600, s1;
	[dreg:$0x3] =	wrdreg s30  }
0xf: {  	s31 =	sadd.s32 $0x640, s6;
	s6 =	simm.s32 $0x400;
	s5 =	sadd.s32 $0x40600, s5  }
0x10: {  	[dreg:$0x4] =	wrdreg s31;
	s1 =	smov.u32 @p0 s8;
	s8 =	sadd.s32 $0x2580, s11  }
0x11: {  	v0 =	vmov s4;
	[dreg:$0x2] =	wrdreg s5;
	s10 =	sadd.s32 s1, s0;
	s5 =	simm.s32 $0x200  }
.LBB2_10:
0x12: {  	s19 =	sadd.s32 $0x1, s19  }
0x13: {  	p0 =	sne.s32 s19, s9  }
.Ltmp1:
0x14: {  	_ = 	snop;
	(pc) =	sbr.rel @!p0 .LBB2_11-.Ltmp1, $4  }
0x15: {  	[hbm4b:s10+s5] =	stream.strided.scatter [tilespmem:s17], [sflag:$0x3], $0xA000, s6, s5, $0x38;
	[tilespmem:$0x1A400] =	vst v63  }
0x16: {  	_ =	swait.ge [sflag:s13], $0xA000  }
0x17: {  	[sflag:s13] =	ssyncset.done $0x0  }
0x18: {  	[sflag:s13] =	ssyncadd.s32 $0xFFFF6000  }
.LBB2_1:
0x19: {  	s0 =	rddreg [dreg:$0x2]  }
0x1a: {  	[tilespmem:s2], [sflag:$0x3] =	stream.strided.gather [hbm4b:s0+s5], $0xA000, s6, s5, $0x38;
	[tilespmem:$0x1A400] =	vst v63  }
0x1b: {  	_ =	swait.ge [sflag:s13], $0xA000  }
0x1c: {  	s1 =	simm.s32 $0x14000;
	s24 =	sand.u32 $0x40, s2;
	[sflag:s13] =	ssyncset.done $0x0  }
0x1d: {  	s25 =	sand.u32 $0xFE00, s2;
	s22 =	rddreg [dreg:$0x3];
	[sflag:s13] =	ssyncadd.s32 $0xFFFF6000  }
0x1e: {  	[tilespmem:s1], [sflag:$0x1] =	stream.linear.gather [hbm4b:s22+s2], $0x3200, $0x38;
	[tilespmem:$0x1A400] =	vst v63  }
0x1f: {  	s0 =	sor.u32 s24, s25;
	s23 =	rddreg [dreg:$0x4]  }
0x20: {  	[tilespmem:s15], [sflag:$0x2] =	stream.linear.gather [hbm4b:s23+s2], $0x3200, $0x38;
	[tilespmem:$0x1A400] =	vst v63  }
0x21: {  	v1 =	vld [tilespmem:s0+$0x30]  }
0x22: {  	v2 =	vld [tilespmem:s0+$0xB0];
	_ =	sdelay $0x1  }
0x23: {  	p0 =	por $0x0, $0x0;
	s1 =	simm.s32 $0x1;
	v3 =	vld [tilespmem:s0+$0x0]  }
0x24: {  	s1 =	simm.s32 @!p0 $0x0;
	v4 =	vld [tilespmem:s0+$0x80]  }
0x25: {  	s1 =	sshll.u32 s1, $0x6;
	v5 =	vld [tilespmem:s0+$0x10];
	v1 =	vmul.f32 v1, v0  }
0x26: {  	v6 =	vld [tilespmem:s0+$0x90];
	s11 =	sadd.s32 $0x0, s1;
	v2 =	vmul.f32 v2, v0  }
0x27: {  	s1 =	sadd.s32 $0x30, s11;
	[tilespmem:s0+$0xA030] =	vst v1  }
0x28: {  	s12 =	sor.u32 $0x100, s1;
	v1 =	vmul.f32 v3, v0;
	[tilespmem:s0+$0xA0B0] =	vst v2  }
0x29: {  	v2 =	vmul.f32 v4, v0;
	v3 =	vld [tilespmem:s12+$0x0]  }
0x2a: {  	[tilespmem:s0+$0xA000] =	vst v1;
	v1 =	vmul.f32 v5, v0  }
0x2b: {  	s4 =	simm.s32 $0x100;
	v4 =	vld [tilespmem:s0+$0x20];
	[tilespmem:s0+$0xA080] =	vst v2;
	v2 =	vmul.f32 v6, v0  }
0x2c: {  	s21 =	simm.s32 $0x40;
	s14 =	sadd.s32 $0x10, s11;
	s20 =	sor.u32 $0x100, s11;
	v5 =	vld [tilespmem:s0+$0xA0];
	[tilespmem:s0+$0xA010] =	vst v1  }
0x2d: {  	s21 =	sand.u32 $0x40, s21;
	s4 =	sand.u32 $0xFE00, s4;
	s22 =	sor.u32 $0x100, s14;
	v1 =	vld [tilespmem:s20+$0x0];
	[tilespmem:s0+$0xA090] =	vst v2  }
0x2e: {  	s4 =	sor.u32 s21, s4;
	v2 =	vld [tilespmem:s22+$0x0];
	v3 =	vmul.f32 v3, v0  }
0x2f: {  	v7 =	vld [tilespmem:s4+$0xB0]  }
0x30: {  	s26 =	sor.u32 $0x180, s1;
	v6 =	vld [tilespmem:s4+$0x30];
	v4 =	vmul.f32 v4, v0;
	[tilespmem:s12+$0xA000] =	vst v3  }
0x31: {  	v3 =	vmul.f32 v5, v0;
	v5 =	vld [tilespmem:s26+$0x0]  }
0x32: {  	p0 =	por !p0, !p0;
	s1 =	simm.s32 $0x1;
	[tilespmem:s0+$0xA020] =	vst v4;
	v4 =	vld [tilespmem:s4+$0x0];
	v1 =	vmul.f32 v1, v0  }
0x33: {  	s1 =	simm.s32 @!p0 $0x0;
	[tilespmem:s0+$0xA0A0] =	vst v3;
	v2 =	vmul.f32 v2, v0;
	v3 =	vld [tilespmem:s4+$0x80]  }
0x34: {  	s5 =	sshll.u32 s1, $0x6;
	v7 =	vmul.f32 v7, v0;
	[tilespmem:s20+$0xA000] =	vst v1;
	v1 =	vld [tilespmem:s4+$0x10]  }
0x35: {  	s1 =	sadd.s32 $0x100, s5;
	v6 =	vmul.f32 v6, v0;
	[tilespmem:s22+$0xA000] =	vst v2;
	v2 =	vld [tilespmem:s4+$0x90]  }
0x36: {  	v8 =	vld [tilespmem:s4+$0x20];
	s21 =	sadd.s32 $0x30, s1;
	[tilespmem:s4+$0xA0B0] =	vst v7;
	v5 =	vmul.f32 v5, v0  }
0x37: {  	s6 =	sor.u32 $0x100, s21;
	[tilespmem:s4+$0xA030] =	vst v6;
	v6 =	vld [tilespmem:s4+$0xA0];
	s0 =	sadd.s32 $0x20, s11;
	v4 =	vmul.f32 v4, v0  }
0x38: {  	s23 =	sor.u32 $0x100, s0;
	v3 =	vmul.f32 v3, v0;
	[tilespmem:s26+$0xA000] =	vst v5;
	v5 =	vld [tilespmem:s6+$0x0]  }
0x39: {  	s11 =	sor.u32 $0x180, s11;
	v7 =	vld [tilespmem:s23+$0x0];
	[tilespmem:s4+$0xA000] =	vst v4;
	v1 =	vmul.f32 v1, v0  }
0x3a: {  	s12 =	sor.u32 $0x180, s14;
	s14 =	sor.u32 $0x100, s1;
	[tilespmem:s4+$0xA080] =	vst v3;
	v2 =	vmul.f32 v2, v0;
	v3 =	vld [tilespmem:s11+$0x0]  }
0x3b: {  	s24 =	simm.s32 $0x80;
	s5 =	simm.s32 $0x200;
	s25 =	sadd.s32 $0x10, s1;
	v4 =	vld [tilespmem:s14+$0x0];
	[tilespmem:s4+$0xA010] =	vst v1;
	v1 =	vmul.f32 v8, v0  }
0x3c: {  	s24 =	sand.u32 $0x40, s24;
	s20 =	sand.u32 $0xFE00, s5;
	s26 =	sor.u32 $0x100, s25;
	[tilespmem:s4+$0xA090] =	vst v2;
	v2 =	vmul.f32 v6, v0;
	v6 =	vld [tilespmem:s12+$0x0]  }
0x3d: {  	s20 =	sor.u32 s24, s20;
	v8 =	vld [tilespmem:s26+$0x0];
	[tilespmem:s4+$0xA020] =	vst v1;
	v1 =	vmul.f32 v5, v0  }
0x3e: {  	v5 =	vmul.f32 v7, v0;
	[tilespmem:s4+$0xA0A0] =	vst v2;
	v2 =	vld [tilespmem:s20+$0x30]  }
0x3f: {  	v7 =	vld [tilespmem:s20+$0xB0];
	[tilespmem:s6+$0xA000] =	vst v1  }
0x40: {  	v3 =	vmul.f32 v3, v0;
	s6 =	sor.u32 $0x180, s21;
	[tilespmem:s23+$0xA000] =	vst v5;
	v5 =	vld [tilespmem:s20+$0x0]  }
0x41: {  	v1 =	vmul.f32 v4, v0;
	v4 =	vld [tilespmem:s6+$0x0]  }
0x42: {  	[tilespmem:s11+$0xA000] =	vst v3;
	v3 =	vmul.f32 v6, v0;
	v6 =	vld [tilespmem:s20+$0x80]  }
0x43: {  	p0 =	por !p0, !p0;
	s11 =	simm.s32 $0x1;
	[tilespmem:s14+$0xA000] =	vst v1;
	v1 =	vmul.f32 v8, v0;
	v8 =	vld [tilespmem:s20+$0x90]  }
0x44: {  	s11 =	simm.s32 @!p0 $0x0;
	[tilespmem:s12+$0xA000] =	vst v3;
	v3 =	vld [tilespmem:s20+$0x10];
	v2 =	vmul.f32 v2, v0  }
0x45: {  	s11 =	sshll.u32 s11, $0x6;
	[tilespmem:s26+$0xA000] =	vst v1;
	v1 =	vmul.f32 v7, v0  }
0x46: {  	s26 =	sadd.s32 $0x20, s1;
	s11 =	sadd.s32 $0x200, s11;
	v7 =	vld [tilespmem:s20+$0x20];
	[tilespmem:s20+$0xA030] =	vst v2;
	v2 =	vmul.f32 v4, v0  }
0x47: {  	s22 =	sor.u32 $0x180, s0;
	v9 =	vld [tilespmem:s20+$0xA0];
	s24 =	sor.u32 $0x100, s26;
	s0 =	sadd.s32 $0x30, s11;
	v4 =	vmul.f32 v5, v0;
	[tilespmem:s20+$0xA0B0] =	vst v1  }
0x48: {  	s28 =	simm.s32 $0x8;
	s31 =	simm.s32 $0x300;
	v5 =	vmul.f32 v6, v0;
	s14 =	sor.u32 $0x100, s0;
	v1 =	vld [tilespmem:s24+$0x0];
	[tilespmem:s6+$0xA000] =	vst v2  }
0x49: {  	s23 =	sor.u32 $0x180, s25;
	s25 =	sor.u32 $0x180, s1;
	s1 =	simm.s32 $0xC0;
	v8 =	vmul.f32 v8, v0;
	[tilespmem:s20+$0xA000] =	vst v4;
	v4 =	vmul.f32 v3, v0;
	v3 =	vld [tilespmem:s14+$0x0]  }
0x4a: {  	s21 =	sor.u32 $0x180, s26;
	s5 =	sadd.s32 $0x10, s11;
	s12 =	sor.u32 $0x100, s11;
	[tilespmem:s20+$0xA080] =	vst v5;
	v2 =	vld [tilespmem:s25+$0x0]  }
0x4b: {  	s29 =	sor.u32 $0x100, s5;
	s30 =	sor.u32 $0x180, s5;
	s6 =	sadd.s32 $0x20, s11;
	v5 =	vld [tilespmem:s12+$0x0];
	v6 =	vmul.f32 v7, v0;
	[tilespmem:s20+$0xA090] =	vst v8  }
0x4c: {  	s11 =	sor.u32 $0x180, s11;
	s4 =	sor.u32 $0x100, s6;
	s26 =	sor.u32 $0x180, s6;
	v7 =	vmul.f32 v9, v0;
	[tilespmem:s20+$0xA010] =	vst v4;
	v4 =	vld [tilespmem:s23+$0x0]  }
.LBB2_2:
0x4d: {  	s5 =	sand.u32 $0x40, s1;
	s6 =	sand.u32 $0xFE00, s31;
	v8 =	vld [tilespmem:s29+$0x0];
	[tilespmem:s20+$0xA020] =	vst v6;
	v1 =	vmul.f32 v1, v0  }
0x4e: {  	[tilespmem:s20+$0xA0A0] =	vst v7;
	s20 =	sor.u32 s5, s6;
	v3 =	vmul.f32 v3, v0;
	v6 =	vld [tilespmem:s22+$0x0]  }
0x4f: {  	s28 =	sadd.s32 $0x4, s28;
	v7 =	vld [tilespmem:s20+$0x30];
	v2 =	vmul.f32 v2, v0;
	[tilespmem:s24+$0xA000] =	vst v1;
	s24 =	smov.u32 s4  }
0x50: {  	p1 =	slt.u32 s28, $0x27C;
	s5 =	sor.u32 $0x180, s0;
	v1 =	vld [tilespmem:s20+$0xB0];
	v5 =	vmul.f32 v5, v0;
	[tilespmem:s14+$0xA000] =	vst v3  }
0x51: {  	v3 =	vld [tilespmem:s5+$0x0];
	[tilespmem:s25+$0xA000] =	vst v2;
	v2 =	vmul.f32 v4, v0;
	s25 =	smov.u32 s11  }
0x52: {  	p0 =	por !p0, !p0;
	s0 =	simm.s32 $0x1;
	v4 =	vld [tilespmem:s20+$0x0];
	[tilespmem:s12+$0xA000] =	vst v5;
	v5 =	vmul.f32 v8, v0  }
0x53: {  	s0 =	simm.s32 @!p0 $0x0;
	v8 =	vld [tilespmem:s20+$0x80];
	[tilespmem:s23+$0xA000] =	vst v2;
	v2 =	vmul.f32 v6, v0;
	s23 =	smov.u32 s30  }
0x54: {  	s0 =	sshll.u32 s0, $0x6;
	v6 =	vld [tilespmem:s20+$0x10];
	v7 =	vmul.f32 v7, v0;
	[tilespmem:s29+$0xA000] =	vst v5  }
0x55: {  	s6 =	sadd.s32 s0, s31;
	v5 =	vld [tilespmem:s20+$0x90];
	v1 =	vmul.f32 v1, v0;
	[tilespmem:s22+$0xA000] =	vst v2;
	s22 =	smov.u32 s21;
	s21 =	smov.u32 s26  }
0x56: {  	s0 =	sadd.s32 $0x30, s6;
	v9 =	vld [tilespmem:s20+$0x20];
	[tilespmem:s20+$0xA030] =	vst v7;
	v2 =	vmul.f32 v3, v0  }
0x57: {  	s11 =	sadd.s32 $0x10, s6;
	s14 =	sor.u32 $0x100, s0;
	s26 =	sadd.s32 $0x20, s6;
	v3 =	vmul.f32 v4, v0;
	v4 =	vld [tilespmem:s20+$0xA0];
	[tilespmem:s20+$0xA0B0] =	vst v1  }
.Ltmp2:
0x58: {  	s29 =	sor.u32 $0x100, s11;
	s4 =	sor.u32 $0x100, s26;
	v7 =	vmul.f32 v8, v0;
	v1 =	vld [tilespmem:s24+$0x0];
	[tilespmem:s5+$0xA000] =	vst v2;
	(pc) =	sbr.rel @p1 .LBB2_2-.Ltmp2, $4  }
0x59: {  	s12 =	sor.u32 $0x100, s6;
	s30 =	sor.u32 $0x180, s11;
	s26 =	sor.u32 $0x180, s26;
	[tilespmem:s20+$0xA000] =	vst v3;
	v6 =	vmul.f32 v6, v0;
	v3 =	vld [tilespmem:s14+$0x0]  }
0x5a: {  	s11 =	sor.u32 $0x180, s6;
	[tilespmem:s20+$0xA080] =	vst v7;
	v7 =	vmul.f32 v5, v0;
	v2 =	vld [tilespmem:s25+$0x0]  }
0x5b: {  	v5 =	vld [tilespmem:s12+$0x0];
	[tilespmem:s20+$0xA010] =	vst v6;
	v6 =	vmul.f32 v9, v0  }
0x5c: {  	s1 =	sadd.s32 $0x40, s1;
	s31 =	sadd.s32 $0x100, s31;
	[tilespmem:s20+$0xA090] =	vst v7;
	v7 =	vmul.f32 v4, v0;
	v4 =	vld [tilespmem:s23+$0x0]  }
0x5d: {  	v8 =	vld [tilespmem:s29+$0x0];
	[tilespmem:s20+$0xA020] =	vst v6  }
0x5e: {  	[tilespmem:s20+$0xA0A0] =	vst v7  }
0x5f: {  	v6 =	vld [tilespmem:s4+$0x0]  }
0x60: {  	v3 =	vmul.f32 v3, v0  }
0x61: {  	v5 =	vmul.f32 v5, v0  }
0x62: {  	v59 =	vld [tilespmem:s22+$0x0];
	s0 =	sor.u32 $0x180, s0;
	[tilespmem:s14+$0xA000] =	vst v3;
	v3 =	vmul.f32 v8, v0  }
0x63: {  	v1 =	vmul.f32 v1, v0;
	v60 =	vld [tilespmem:s0+$0x0];
	[tilespmem:s12+$0xA000] =	vst v5  }
0x64: {  	[tilespmem:s29+$0xA000] =	vst v3;
	v3 =	vld [tilespmem:s11+$0x0];
	v61 =	vmul.f32 v6, v0  }
0x65: {  	v2 =	vmul.f32 v2, v0;
	[tilespmem:s24+$0xA000] =	vst v1;
	v1 =	vld [tilespmem:s30+$0x0]  }
0x66: {  	v62 =	vld [tilespmem:s21+$0x0];
	v4 =	vmul.f32 v4, v0;
	[tilespmem:s4+$0xA000] =	vst v61  }
0x67: {  	[tilespmem:s25+$0xA000] =	vst v2;
	v2 =	vmul.f32 v59, v0;
	v5 =	vld [tilespmem:s26+$0x0]  }
0x68: {  	[tilespmem:s23+$0xA000] =	vst v4;
	v63 =	vmul.f32 v60, v0  }
0x69: {  	[tilespmem:s22+$0xA000] =	vst v2;
	v2 =	vmul.f32 v3, v0  }
0x6a: {  	[tilespmem:s0+$0xA000] =	vst v63;
	v1 =	vmul.f32 v1, v0  }
0x6b: {  	[tilespmem:s11+$0xA000] =	vst v2;
	v2 =	vmul.f32 v62, v0  }
0x6c: {  	[tilespmem:s30+$0xA000] =	vst v1;
	v1 =	vmul.f32 v5, v0  }
0x6d: {  	[tilespmem:s21+$0xA000] =	vst v2  }
0x6e: {  	s5 =	simm.s32 $0x200;
	s6 =	simm.s32 $0x400;
	s20 =	simm.s32 $0x0;
	[tilespmem:s26+$0xA000] =	vst v1  }
.LBB2_4:
0x6f: {  	_ =	swait.ge [sflag:s16], $0x3200  }
0x70: {  	[sflag:s16] =	ssyncset.done $0x0  }
0x71: {  	s0 =	simm.s32 $0x140C0;
	[sflag:s16] =	ssyncadd.s32 $0xFFFFCE00  }
0x72: {  	v1 =	vld [tilespmem:s0+$0xFFFFFFB0]  }
0x73: {  	v2 =	vld [tilespmem:s0+$0xFFFFFF50]  }
0x74: {  	v3 =	vld [tilespmem:s0+$0xFFFFFF60]  }
0x75: {  	v4 =	vld [tilespmem:s0+$0xFFFFFF70]  }
0x76: {  	v5 =	vld [tilespmem:s0+$0xFFFFFF80]  }
0x77: {  	v6 =	vld [tilespmem:s0+$0xFFFFFF90]  }
0x78: {  	v8 =	vld [tilespmem:s0+$0xFFFFFFA0]  }
0x79: {  	v9 =	vld [tilespmem:s0+$0xFFFFFF40]  }
0x7a: {  	v51 =	vld [tilespmem:s0+$0xFFFFFFC0]  }
0x7b: {  	v11 =	vld [tilespmem:s0+$0xFFFFFFD0]  }
0x7c: {  	v12 =	vld [tilespmem:s0+$0xB0]  }
0x7d: {  	v14 =	vld [tilespmem:s0+$0xFFFFFFE0]  }
0x7e: {  	v17 =	vld [tilespmem:s0+$0xFFFFFFF0]  }
0x7f: {  	v18 =	vld [tilespmem:s0+$0x0];
	v7 =	vshll.u32 v1, $0x2;
	v1 =	vand.u32 $0x7F, v1  }
0x80: {  	v19 =	vld [tilespmem:s0+$0x10];
	v16 =	vshll.u32 v2, $0x2;
	v2 =	vand.u32 $0x7F, v2;
	v21 =	vshll.u32 v4, $0x2  }
0x81: {  	v22 =	vld [tilespmem:s0+$0x20];
	v4 =	vand.u32 $0x7F, v4;
	v26 =	vshll.u32 v6, $0x2;
	v7 =	vand.u32 $0xFFFFFE00, v7  }
0x82: {  	v16 =	vand.u32 $0xFFFFFE00, v16;
	v21 =	vand.u32 $0xFFFFFE00, v21;
	v10 =	vor.u32 v1, v7;
	v1 =	vld [tilespmem:s0+$0x30]  }
0x83: {  	v24 =	vld [tilespmem:s0+$0x40];
	v29 =	vand.u32 $0x7F, v6;
	v6 =	vor.u32 v2, v16;
	v2 =	vor.u32 v4, v21  }
0x84: {  	v25 =	vld [tilespmem:s0+$0x50];
	v12 =	vand.u32 $0x7FFFFFFF, v12;
	v23 =	vshll.u32 v5, $0x2;
	v27 =	vand.u32 $0x7F, v5  }
0x85: {  	v28 =	vld [tilespmem:s0+$0x60];
	v52 =	vshll.u32 v9, $0x2;
	v53 =	vshll.u32 v8, $0x2;
	v9 =	vand.u32 $0x7F, v9  }
0x86: {  	v54 =	vld [tilespmem:s0+$0x70];
	v8 =	vand.u32 $0x7F, v8;
	v58 =	vshll.u32 v51, $0x2;
	v5 =	vand.u32 $0xFFFFFE00, v52  }
0x87: {  	v59 =	vshll.u32 v11, $0x2;
	v9 =	vor.u32 v9, v5;
	v13 =	vld.idx.msk [tilespmem:v10+s2+$0x0], $0xffff;
	v15 =	vshll.u32 v1, $0x2  }
0x88: {  	v31 =	vshll.u32 v17, $0x2;
	v1 =	vand.u32 $0x7F, v1;
	v42 =	vld.idx.msk [tilespmem:v2+s2+$0x0], $0xffff;
	v15 =	vand.u32 $0xFFFFFE00, v15  }
0x89: {  	v55 =	vld [tilespmem:s0+$0x80];
	v17 =	vand.u32 $0x7F, v17;
	v31 =	vand.u32 $0xFFFFFE00, v31;
	v15 =	vor.u32 v1, v15  }
0x8a: {  	v56 =	vld [tilespmem:s0+$0x90];
	v23 =	vand.u32 $0xFFFFFE00, v23;
	v17 =	vor.u32 v17, v31;
	v1 =	vshll.u32 v3, $0x2  }
0x8b: {  	v60 =	vld [tilespmem:s0+$0xA0];
	v20 =	vor.u32 $0x80, v10;
	v3 =	vand.u32 $0x7F, v3;
	v1 =	vand.u32 $0xFFFFFE00, v1  }
0x8c: {  	v16 =	vand.u32 $0x7FFFFFFF, v54;
	v32 =	vld.idx.msk [tilespmem:v9+s2+$0x0], $0xffff;
	v5 =	vor.u32 v3, v1;
	v13 =	vmul.f32 v12, v13  }
0x8d: {  	v26 =	vand.u32 $0xFFFFFE00, v26;
	v34 =	vld.idx.msk [tilespmem:v6+s2+$0x0], $0xffff;
	v3 =	vor.u32 v27, v23;
	v47 =	vmul.f32 v16, v42  }
0x8e: {  	v7 =	vand.u32 $0x7F, v51;
	v1 =	vor.u32 v29, v26;
	v27 =	vand.u32 $0xFFFFFE00, v58;
	[tilespmem:v15+s17+$0x0] =	vst.idx.add.f32.msk $0xffff, v13  }
0x8f: {  	v61 =	vshll.u32 v14, $0x2;
	v33 =	vshll.u32 v18, $0x2;
	v27 =	vor.u32 v7, v27;
	[tilespmem:v17+s17+$0x0] =	vst.idx.add.f32.msk $0xffff, v47  }
0x90: {  	v11 =	vand.u32 $0x7F, v11;
	v13 =	vand.u32 $0xFFFFFE00, v53;
	v53 =	vor.u32 $0x80, v2;
	v20 =	vld.idx.msk [tilespmem:v20+s2+$0x0], $0xffff  }
0x91: {  	v7 =	vand.u32 $0x7FFFFFFF, v24;
	v4 =	vor.u32 v8, v13;
	v8 =	vand.u32 $0xFFFFFE00, v59;
	v40 =	vld.idx.msk [tilespmem:v5+s2+$0x0], $0xffff  }
0x92: {  	v35 =	vshll.u32 v19, $0x2;
	v32 =	vmul.f32 v7, v32;
	v11 =	vor.u32 v11, v8;
	v43 =	vld.idx.msk [tilespmem:v3+s2+$0x0], $0xffff  }
0x93: {  	v39 =	vshll.u32 v22, $0x2;
	v14 =	vand.u32 $0x7F, v14;
	v30 =	vor.u32 $0x80, v15;
	v37 =	vld.idx.msk [tilespmem:v1+s2+$0x0], $0xffff  }
0x94: {  	v49 =	vor.u32 $0x80, v6;
	v29 =	vand.u32 $0xFFFFFE00, v61;
	v8 =	vand.u32 $0x7FFFFFFF, v25;
	[tilespmem:v27+s17+$0x0] =	vst.idx.add.f32.msk $0xffff, v32  }
0x95: {  	v57 =	vor.u32 $0x100, v10;
	v14 =	vor.u32 v14, v29;
	v44 =	vmul.f32 v8, v34;
	v29 =	vld.idx.msk [tilespmem:v53+s2+$0x0], $0xffff  }
0x96: {  	v18 =	vand.u32 $0x7F, v18;
	v62 =	vand.u32 $0xFFFFFE00, v33;
	v20 =	vmul.f32 v20, v12;
	v45 =	vld.idx.msk [tilespmem:v4+s2+$0x0], $0xffff  }
0x97: {  	v19 =	vand.u32 $0x7F, v19;
	v63 =	vand.u32 $0xFFFFFE00, v35;
	v18 =	vor.u32 v18, v62;
	[tilespmem:v11+s17+$0x0] =	vst.idx.add.f32.msk $0xffff, v44  }
0x98: {  	v22 =	vand.u32 $0x7F, v22;
	v28 =	vand.u32 $0x7FFFFFFF, v28;
	v19 =	vor.u32 v19, v63;
	[tilespmem:v30+s17+$0x0] =	vst.idx.add.f32.msk $0xffff, v20  }
0x99: {  	v21 =	vand.u32 $0x7FFFFFFF, v55;
	v52 =	vor.u32 $0x80, v5;
	v46 =	vmul.f32 v28, v40;
	v20 =	vld.idx.msk [tilespmem:v49+s2+$0x0], $0xffff  }
0x9a: {  	v23 =	vand.u32 $0x7FFFFFFF, v56;
	v54 =	vor.u32 $0x80, v3;
	v25 =	vmul.f32 v21, v43;
	v26 =	vld.idx.msk [tilespmem:v57+s2+$0x0], $0xffff  }
0x9b: {  	v41 =	vand.u32 $0xFFFFFE00, v39;
	v62 =	vor.u32 $0x80, v17;
	v50 =	vmul.f32 v23, v37;
	[tilespmem:v14+s17+$0x0] =	vst.idx.add.f32.msk $0xffff, v46  }
0x9c: {  	v22 =	vor.u32 v22, v41;
	[tilespmem:v18+s17+$0x0] =	vst.idx.add.f32.msk $0xffff, v25  }
0x9d: {  	v56 =	vor.u32 $0x80, v4;
	[tilespmem:v19+s17+$0x0] =	vst.idx.add.f32.msk $0xffff, v50  }
0x9e: {  	v13 =	vand.u32 $0x7FFFFFFF, v60;
	v59 =	vor.u32 $0x80, v11;
	v58 =	vld.idx.msk [tilespmem:v52+s2+$0x0], $0xffff;
	v39 =	vmul.f32 v29, v16  }
0x9f: {  	v36 =	vor.u32 $0x100, v15;
	v24 =	vld.idx.msk [tilespmem:v54+s2+$0x0], $0xffff;
	v51 =	vmul.f32 v13, v45  }
0xa0: {  	v48 =	vor.u32 $0x80, v9;
	[tilespmem:v62+s17+$0x0] =	vst.idx.add.f32.msk $0xffff, v39  }
0xa1: {  	v10 =	vor.u32 $0x180, v10;
	[tilespmem:v22+s17+$0x0] =	vst.idx.add.f32.msk $0xffff, v51;
	v20 =	vmul.f32 v20, v8  }
0xa2: {  	v40 =	vor.u32 $0x100, v6;
	v26 =	vmul.f32 v26, v12;
	v30 =	vld.idx.msk [tilespmem:v56+s2+$0x0], $0xffff  }
0xa3: {  	v63 =	vor.u32 $0x80, v18;
	[tilespmem:v59+s17+$0x0] =	vst.idx.add.f32.msk $0xffff, v20  }
0xa4: {  	v45 =	vor.u32 $0x100, v3;
	[tilespmem:v36+s17+$0x0] =	vst.idx.add.f32.msk $0xffff, v26  }
0xa5: {  	v37 =	vor.u32 $0x80, v22;
	v26 =	vld.idx.msk [tilespmem:v48+s2+$0x0], $0xffff  }
0xa6: {  	v55 =	vor.u32 $0x80, v1;
	v41 =	vmul.f32 v24, v21;
	v10 =	vld.idx.msk [tilespmem:v10+s2+$0x0], $0xffff  }
0xa7: {  	v57 =	vor.u32 $0x80, v27;
	v48 =	vld.idx.msk [tilespmem:v40+s2+$0x0], $0xffff  }
0xa8: {  	v43 =	vor.u32 $0x100, v2;
	[tilespmem:v63+s17+$0x0] =	vst.idx.add.f32.msk $0xffff, v41;
	v44 =	vmul.f32 v30, v13  }
0xa9: {  	v15 =	vor.u32 $0x180, v15;
	v30 =	vld.idx.msk [tilespmem:v45+s2+$0x0], $0xffff  }
0xaa: {  	v60 =	vor.u32 $0x100, v9;
	v26 =	vmul.f32 v26, v7;
	[tilespmem:v37+s17+$0x0] =	vst.idx.add.f32.msk $0xffff, v44  }
0xab: {  	v61 =	vor.u32 $0x80, v14;
	v10 =	vmul.f32 v10, v12;
	v12 =	vld.idx.msk [tilespmem:v55+s2+$0x0], $0xffff  }
0xac: {  	v53 =	vor.u32 $0x100, v18;
	[tilespmem:v57+s17+$0x0] =	vst.idx.add.f32.msk $0xffff, v26  }
0xad: {  	v42 =	vor.u32 $0x100, v5;
	v26 =	vld.idx.msk [tilespmem:v43+s2+$0x0], $0xffff  }
0xae: {  	v3 =	vor.u32 $0x180, v3;
	[tilespmem:v15+s17+$0x0] =	vst.idx.add.f32.msk $0xffff, v10;
	v15 =	vmul.f32 v58, v28  }
0xaf: {  	v50 =	vor.u32 $0x100, v11;
	v38 =	vld.idx.msk [tilespmem:v60+s2+$0x0], $0xffff;
	v57 =	vmul.f32 v30, v21  }
0xb0: {  	v36 =	vor.u32 $0x80, v19;
	[tilespmem:v61+s17+$0x0] =	vst.idx.add.f32.msk $0xffff, v15  }
0xb1: {  	v47 =	vor.u32 $0x100, v4;
	[tilespmem:v53+s17+$0x0] =	vst.idx.add.f32.msk $0xffff, v57  }
0xb2: {  	v6 =	vor.u32 $0x180, v6;
	v15 =	vmul.f32 v48, v8;
	v24 =	vld.idx.msk [tilespmem:v42+s2+$0x0], $0xffff  }
0xb3: {  	v46 =	vor.u32 $0x100, v1;
	v12 =	vmul.f32 v12, v23;
	v3 =	vld.idx.msk [tilespmem:v3+s2+$0x0], $0xffff  }
0xb4: {  	v52 =	vor.u32 $0x100, v17;
	[tilespmem:v50+s17+$0x0] =	vst.idx.add.f32.msk $0xffff, v15  }
0xb5: {  	v49 =	vor.u32 $0x100, v27;
	[tilespmem:v36+s17+$0x0] =	vst.idx.add.f32.msk $0xffff, v12  }
0xb6: {  	v2 =	vor.u32 $0x180, v2;
	v12 =	vld.idx.msk [tilespmem:v47+s2+$0x0], $0xffff  }
0xb7: {  	v9 =	vor.u32 $0x180, v9;
	v56 =	vmul.f32 v26, v16;
	v6 =	vld.idx.msk [tilespmem:v6+s2+$0x0], $0xffff  }
0xb8: {  	v51 =	vor.u32 $0x100, v14;
	v25 =	vmul.f32 v38, v7;
	v10 =	vld.idx.msk [tilespmem:v46+s2+$0x0], $0xffff  }
0xb9: {  	v61 =	vor.u32 $0x180, v18;
	[tilespmem:v52+s17+$0x0] =	vst.idx.add.f32.msk $0xffff, v56  }
0xba: {  	v5 =	vor.u32 $0x180, v5;
	[tilespmem:v49+s17+$0x0] =	vst.idx.add.f32.msk $0xffff, v25  }
0xbb: {  	v54 =	vor.u32 $0x100, v19;
	v2 =	vld.idx.msk [tilespmem:v2+s2+$0x0], $0xffff;
	v24 =	vmul.f32 v24, v28  }
0xbc: {  	v1 =	vor.u32 $0x180, v1;
	v9 =	vld.idx.msk [tilespmem:v9+s2+$0x0], $0xffff;
	v3 =	vmul.f32 v3, v21  }
0xbd: {  	v55 =	vor.u32 $0x100, v22;
	[tilespmem:v51+s17+$0x0] =	vst.idx.add.f32.msk $0xffff, v24  }
0xbe: {  	v4 =	vor.u32 $0x180, v4;
	[tilespmem:v61+s17+$0x0] =	vst.idx.add.f32.msk $0xffff, v3;
	v10 =	vmul.f32 v10, v23  }
0xbf: {  	v11 =	vor.u32 $0x180, v11;
	v5 =	vld.idx.msk [tilespmem:v5+s2+$0x0], $0xffff  }
0xc0: {  	v60 =	vor.u32 $0x180, v17;
	v12 =	vmul.f32 v12, v13;
	[tilespmem:v54+s17+$0x0] =	vst.idx.add.f32.msk $0xffff, v10  }
0xc1: {  	v58 =	vor.u32 $0x180, v27;
	v1 =	vld.idx.msk [tilespmem:v1+s2+$0x0], $0xffff  }
0xc2: {  	v59 =	vor.u32 $0x180, v14;
	v6 =	vmul.f32 v6, v8;
	[tilespmem:v55+s17+$0x0] =	vst.idx.add.f32.msk $0xffff, v12  }
0xc3: {  	v62 =	vor.u32 $0x180, v19;
	v2 =	vmul.f32 v2, v16;
	v4 =	vld.idx.msk [tilespmem:v4+s2+$0x0], $0xffff  }
0xc4: {  	[tilespmem:v11+s17+$0x0] =	vst.idx.add.f32.msk $0xffff, v6;
	v7 =	vmul.f32 v9, v7  }
0xc5: {  	[tilespmem:v60+s17+$0x0] =	vst.idx.add.f32.msk $0xffff, v2;
	v5 =	vmul.f32 v5, v28  }
0xc6: {  	[tilespmem:v58+s17+$0x0] =	vst.idx.add.f32.msk $0xffff, v7;
	v63 =	vmul.f32 v1, v23  }
0xc7: {  	[tilespmem:v59+s17+$0x0] =	vst.idx.add.f32.msk $0xffff, v5  }
0xc8: {  	s21 =	simm.s32 $0x0;
	s22 =	simm.s32 $0x142C0;
	v2 =	vmul.f32 v4, v13;
	v1 =	vor.u32 $0x180, v22;
	[tilespmem:v62+s17+$0x0] =	vst.idx.add.f32.msk $0xffff, v63  }
.LBB2_5:
0xc9: {  	v3 =	vld [tilespmem:s22+$0xFFFFFFB0];
	s21 =	sadd.s32 $0x8, s21  }
0xca: {  	v4 =	vld [tilespmem:s22+$0xFFFFFF50];
	p0 =	slt.u32 s21, $0xC0  }
0xcb: {  	v5 =	vld [tilespmem:s22+$0xFFFFFF60]  }
0xcc: {  	v6 =	vld [tilespmem:s22+$0xFFFFFF70]  }
0xcd: {  	v7 =	vld [tilespmem:s22+$0xFFFFFF80]  }
0xce: {  	v8 =	vld [tilespmem:s22+$0xFFFFFF90];
	v9 =	vshll.u32 v3, $0x2  }
0xcf: {  	v3 =	vand.u32 $0x7F, v3;
	v10 =	vshll.u32 v4, $0x2;
	v11 =	vld [tilespmem:s22+$0xFFFFFFA0];
	v9 =	vand.u32 $0xFFFFFE00, v9  }
0xd0: {  	v12 =	vld [tilespmem:s22+$0xFFFFFF40];
	v10 =	vand.u32 $0xFFFFFE00, v10;
	v13 =	vshll.u32 v5, $0x2;
	v18 =	vor.u32 v3, v9  }
0xd1: {  	v3 =	vand.u32 $0x7F, v4;
	v4 =	vand.u32 $0xFFFFFE00, v13;
	v9 =	vshll.u32 v6, $0x2;
	v13 =	vld [tilespmem:s22+$0x30]  }
0xd2: {  	v5 =	vand.u32 $0x7F, v5;
	v20 =	vld [tilespmem:s22+$0xFFFFFFC0];
	v9 =	vand.u32 $0xFFFFFE00, v9;
	v14 =	vshll.u32 v7, $0x2  }
0xd3: {  	v6 =	vand.u32 $0x7F, v6;
	v21 =	vld [tilespmem:s22+$0xFFFFFFD0];
	v16 =	vand.u32 $0xFFFFFE00, v14;
	v14 =	vshll.u32 v8, $0x2  }
0xd4: {  	v7 =	vand.u32 $0x7F, v7;
	v17 =	vand.u32 $0xFFFFFE00, v14;
	v14 =	vshll.u32 v11, $0x2;
	v22 =	vld [tilespmem:s22+$0xB0]  }
0xd5: {  	v15 =	vand.u32 $0x7F, v12;
	v12 =	vshll.u32 v12, $0x2;
	v23 =	vand.u32 $0xFFFFFE00, v14;
	v24 =	vld.idx.msk [tilespmem:v18+s2+$0x0], $0xffff  }
0xd6: {  	v8 =	vand.u32 $0x7F, v8;
	v12 =	vand.u32 $0xFFFFFE00, v12;
	v25 =	vld [tilespmem:s22+$0xFFFFFFE0];
	v14 =	vshll.u32 v13, $0x2  }
0xd7: {  	v27 =	vand.u32 $0x7F, v11;
	v11 =	vand.u32 $0x7F, v13;
	v26 =	vld [tilespmem:s22+$0xFFFFFFF0];
	v13 =	vand.u32 $0xFFFFFE00, v14  }
0xd8: {  	v14 =	vor.u32 v15, v12;
	v15 =	vor.u32 v3, v10;
	v28 =	vld [tilespmem:s22+$0x0];
	v19 =	vor.u32 v11, v13  }
0xd9: {  	v10 =	vor.u32 v5, v4;
	v3 =	vor.u32 $0x80, v18;
	v11 =	vor.u32 v6, v9;
	v5 =	vld [tilespmem:s22+$0x10]  }
0xda: {  	v12 =	vor.u32 v7, v16;
	v13 =	vor.u32 v8, v17;
	v17 =	vand.u32 $0x7FFFFFFF, v22;
	v6 =	vld [tilespmem:s22+$0x20]  }
0xdb: {  	v7 =	vshll.u32 v20, $0x2;
	v16 =	vor.u32 v27, v23;
	v8 =	vmul.f32 v17, v24;
	v4 =	vld [tilespmem:s22+$0x40]  }
0xdc: {  	v22 =	vshll.u32 v21, $0x2;
	v23 =	vshll.u32 v25, $0x2;
	v9 =	vld [tilespmem:s22+$0x50];
	v24 =	vshll.u32 v26, $0x2  }
0xdd: {  	v7 =	vand.u32 $0xFFFFFE00, v7;
	v22 =	vand.u32 $0xFFFFFE00, v22;
	v27 =	vshll.u32 v28, $0x2;
	[tilespmem:v19+s17+$0x0] =	vst.idx.add.f32.msk $0xffff, v8  }
0xde: {  	v8 =	vand.u32 $0xFFFFFE00, v23;
	v23 =	vand.u32 $0xFFFFFE00, v24;
	v24 =	vshll.u32 v5, $0x2;
	v29 =	vld.idx.msk [tilespmem:v3+s2+$0x0], $0xffff  }
0xdf: {  	v27 =	vand.u32 $0xFFFFFE00, v27;
	v30 =	vld [tilespmem:s22+$0x60];
	v24 =	vand.u32 $0xFFFFFE00, v24;
	v3 =	vshll.u32 v6, $0x2  }
0xe0: {  	v20 =	vand.u32 $0x7F, v20;
	v4 =	vand.u32 $0x7FFFFFFF, v4;
	v31 =	vld [tilespmem:s22+$0x70];
	v32 =	vand.u32 $0xFFFFFE00, v3  }
0xe1: {  	v33 =	vor.u32 $0x80, v19;
	v3 =	vand.u32 $0x7FFFFFFF, v9;
	v9 =	vand.u32 $0x7F, v21;
	v21 =	vld [tilespmem:s22+$0x80]  }
0xe2: {  	v35 =	vor.u32 $0x100, v18;
	v25 =	vand.u32 $0x7F, v25;
	v26 =	vand.u32 $0x7F, v26;
	v34 =	vld [tilespmem:s22+$0x90]  }
0xe3: {  	v28 =	vand.u32 $0x7F, v28;
	v36 =	vand.u32 $0x7F, v5;
	v38 =	vand.u32 $0x7F, v6;
	v37 =	vld [tilespmem:s22+$0xA0]  }
0xe4: {  	v20 =	vor.u32 v20, v7;
	v29 =	vmul.f32 v29, v17;
	v39 =	vld.idx.msk [tilespmem:v14+s2+$0x0], $0xffff;
	v5 =	vand.u32 $0x7FFFFFFF, v30  }
0xe5: {  	v25 =	vor.u32 v25, v8;
	v22 =	vor.u32 v9, v22;
	v30 =	vld.idx.msk [tilespmem:v15+s2+$0x0], $0xffff;
	v6 =	vand.u32 $0x7FFFFFFF, v31  }
0xe6: {  	v23 =	vor.u32 v26, v23;
	v7 =	vand.u32 $0x7FFFFFFF, v21;
	v21 =	vor.u32 v28, v27;
	[tilespmem:v33+s17+$0x0] =	vst.idx.add.f32.msk $0xffff, v29  }
0xe7: {  	v24 =	vor.u32 v36, v24;
	v26 =	vor.u32 v38, v32;
	v8 =	vand.u32 $0x7FFFFFFF, v34;
	v27 =	vld.idx.msk [tilespmem:v35+s2+$0x0], $0xffff  }
0xe8: {  	v28 =	vor.u32 $0x80, v14;
	v29 =	vor.u32 $0x80, v15;
	v31 =	vld.idx.msk [tilespmem:v10+s2+$0x0], $0xffff;
	v9 =	vand.u32 $0x7FFFFFFF, v37  }
0xe9: {  	v32 =	vor.u32 $0x80, v10;
	v34 =	vor.u32 $0x80, v11;
	v35 =	vor.u32 $0x80, v12;
	v33 =	vld.idx.msk [tilespmem:v11+s2+$0x0], $0xffff  }
0xea: {  	v38 =	vor.u32 $0x80, v13;
	v36 =	vmul.f32 v4, v39;
	v39 =	vor.u32 $0x100, v19;
	v37 =	vld.idx.msk [tilespmem:v12+s2+$0x0], $0xffff  }
0xeb: {  	v18 =	vor.u32 $0x180, v18;
	v41 =	vor.u32 $0x80, v16;
	v30 =	vmul.f32 v3, v30;
	v40 =	vld.idx.msk [tilespmem:v13+s2+$0x0], $0xffff  }
0xec: {  	v42 =	vor.u32 $0x80, v20;
	v44 =	vor.u32 $0x80, v25;
	v43 =	vor.u32 $0x80, v22;
	v45 =	vld.idx.msk [tilespmem:v16+s2+$0x0], $0xffff  }
0xed: {  	v46 =	vor.u32 $0x80, v21;
	v27 =	vmul.f32 v27, v17;
	[tilespmem:v20+s17+$0x0] =	vst.idx.add.f32.msk $0xffff, v36;
	v36 =	vor.u32 $0x80, v23  }
0xee: {  	v47 =	vor.u32 $0x80, v26;
	[tilespmem:v22+s17+$0x0] =	vst.idx.add.f32.msk $0xffff, v30;
	v30 =	vmul.f32 v5, v31;
	v31 =	vor.u32 $0x80, v24  }
0xef: {  	v48 =	vor.u32 $0x100, v14;
	v49 =	vor.u32 $0x100, v15;
	v33 =	vmul.f32 v6, v33;
	[tilespmem:v39+s17+$0x0] =	vst.idx.add.f32.msk $0xffff, v27  }
0xf0: {  	v27 =	vor.u32 $0x100, v10;
	v39 =	vor.u32 $0x100, v11;
	v37 =	vmul.f32 v7, v37;
	v18 =	vld.idx.msk [tilespmem:v18+s2+$0x0], $0xffff  }
0xf1: {  	v50 =	vor.u32 $0x100, v13;
	v40 =	vmul.f32 v8, v40;
	[tilespmem:v25+s17+$0x0] =	vst.idx.add.f32.msk $0xffff, v30;
	v30 =	vor.u32 $0x100, v12  }
0xf2: {  	v51 =	vor.u32 $0x100, v20;
	[tilespmem:v23+s17+$0x0] =	vst.idx.add.f32.msk $0xffff, v33;
	v33 =	vmul.f32 v9, v45;
	v45 =	vor.u32 $0x100, v16  }
0xf3: {  	v53 =	vor.u32 $0x100, v25;
	v52 =	vor.u32 $0x100, v22;
	v19 =	vor.u32 $0x180, v19;
	[tilespmem:v21+s17+$0x0] =	vst.idx.add.f32.msk $0xffff, v37  }
0xf4: {  	v54 =	vor.u32 $0x100, v21;
	v37 =	vor.u32 $0x100, v23;
	[tilespmem:v24+s17+$0x0] =	vst.idx.add.f32.msk $0xffff, v40;
	v40 =	vor.u32 $0x100, v24  }
0xf5: {  	v14 =	vor.u32 $0x180, v14;
	v15 =	vor.u32 $0x180, v15;
	[tilespmem:v26+s17+$0x0] =	vst.idx.add.f32.msk $0xffff, v33;
	v33 =	vor.u32 $0x100, v26  }
0xf6: {  	v10 =	vor.u32 $0x180, v10;
	v11 =	vor.u32 $0x180, v11;
	v17 =	vmul.f32 v18, v17;
	v28 =	vld.idx.msk [tilespmem:v28+s2+$0x0], $0xffff  }
0xf7: {  	v13 =	vor.u32 $0x180, v13;
	v12 =	vor.u32 $0x180, v12;
	v16 =	vor.u32 $0x180, v16;
	v18 =	vld.idx.msk [tilespmem:v29+s2+$0x0], $0xffff  }
0xf8: {  	v20 =	vor.u32 $0x180, v20;
	v22 =	vor.u32 $0x180, v22;
	v25 =	vor.u32 $0x180, v25;
	[tilespmem:v19+s17+$0x0] =	vst.idx.add.f32.msk $0xffff, v17  }
0xf9: {  	v21 =	vor.u32 $0x180, v21;
	v19 =	vor.u32 $0x180, v23;
	v23 =	vor.u32 $0x180, v24;
	v17 =	vld.idx.msk [tilespmem:v32+s2+$0x0], $0xffff  }
0xfa: {  	v26 =	vor.u32 $0x180, v26;
	v24 =	vld.idx.msk [tilespmem:v34+s2+$0x0], $0xffff  }
0xfb: {  	v29 =	vld.idx.msk [tilespmem:v35+s2+$0x0], $0xffff  }
0xfc: {  	v28 =	vmul.f32 v28, v4;
	v32 =	vld.idx.msk [tilespmem:v38+s2+$0x0], $0xffff  }
0xfd: {  	v18 =	vmul.f32 v18, v3;
	v34 =	vld.idx.msk [tilespmem:v41+s2+$0x0], $0xffff  }
0xfe: {  	[tilespmem:v42+s17+$0x0] =	vst.idx.add.f32.msk $0xffff, v28  }
0xff: {  	v17 =	vmul.f32 v17, v5;
	[tilespmem:v43+s17+$0x0] =	vst.idx.add.f32.msk $0xffff, v18  }
0x100: {  	v24 =	vmul.f32 v24, v6;
	v18 =	vld.idx.msk [tilespmem:v48+s2+$0x0], $0xffff  }
0x101: {  	[tilespmem:v44+s17+$0x0] =	vst.idx.add.f32.msk $0xffff, v17;
	v17 =	vmul.f32 v29, v7  }
0x102: {  	[tilespmem:v36+s17+$0x0] =	vst.idx.add.f32.msk $0xffff, v24;
	v24 =	vmul.f32 v32, v8  }
0x103: {  	[tilespmem:v46+s17+$0x0] =	vst.idx.add.f32.msk $0xffff, v17;
	v17 =	vmul.f32 v34, v9  }
0x104: {  	[tilespmem:v31+s17+$0x0] =	vst.idx.add.f32.msk $0xffff, v24  }
0x105: {  	[tilespmem:v47+s17+$0x0] =	vst.idx.add.f32.msk $0xffff, v17  }
0x106: {  	v17 =	vmul.f32 v18, v4;
	v18 =	vld.idx.msk [tilespmem:v49+s2+$0x0], $0xffff  }
0x107: {  	v24 =	vld.idx.msk [tilespmem:v27+s2+$0x0], $0xffff  }
0x108: {  	v27 =	vld.idx.msk [tilespmem:v39+s2+$0x0], $0xffff  }
0x109: {  	v28 =	vld.idx.msk [tilespmem:v30+s2+$0x0], $0xffff  }
0x10a: {  	v29 =	vld.idx.msk [tilespmem:v50+s2+$0x0], $0xffff  }
0x10b: {  	v30 =	vld.idx.msk [tilespmem:v45+s2+$0x0], $0xffff  }
0x10c: {  	[tilespmem:v51+s17+$0x0] =	vst.idx.add.f32.msk $0xffff, v17;
	v17 =	vmul.f32 v18, v3  }
0x10d: {  	v18 =	vmul.f32 v24, v5;
	v14 =	vld.idx.msk [tilespmem:v14+s2+$0x0], $0xffff  }
0x10e: {  	[tilespmem:v52+s17+$0x0] =	vst.idx.add.f32.msk $0xffff, v17;
	v17 =	vmul.f32 v27, v6  }
0x10f: {  	[tilespmem:v53+s17+$0x0] =	vst.idx.add.f32.msk $0xffff, v18;
	v18 =	vmul.f32 v28, v7  }
0x110: {  	[tilespmem:v37+s17+$0x0] =	vst.idx.add.f32.msk $0xffff, v17;
	v17 =	vmul.f32 v29, v8  }
0x111: {  	[tilespmem:v54+s17+$0x0] =	vst.idx.add.f32.msk $0xffff, v18;
	v18 =	vmul.f32 v30, v9  }
0x112: {  	[tilespmem:v40+s17+$0x0] =	vst.idx.add.f32.msk $0xffff, v17  }
0x113: {  	v4 =	vmul.f32 v14, v4;
	[tilespmem:v33+s17+$0x0] =	vst.idx.add.f32.msk $0xffff, v18  }
0x114: {  	v14 =	vld.idx.msk [tilespmem:v15+s2+$0x0], $0xffff  }
0x115: {  	v10 =	vld.idx.msk [tilespmem:v10+s2+$0x0], $0xffff  }
0x116: {  	v11 =	vld.idx.msk [tilespmem:v11+s2+$0x0], $0xffff  }
0x117: {  	v12 =	vld.idx.msk [tilespmem:v12+s2+$0x0], $0xffff  }
0x118: {  	v13 =	vld.idx.msk [tilespmem:v13+s2+$0x0], $0xffff  }
0x119: {  	v15 =	vld.idx.msk [tilespmem:v16+s2+$0x0], $0xffff  }
0x11a: {  	v3 =	vmul.f32 v14, v3;
	[tilespmem:v20+s17+$0x0] =	vst.idx.add.f32.msk $0xffff, v4  }
0x11b: {  	v4 =	vmul.f32 v10, v5;
	[tilespmem:v1+s17+$0x0] =	vst.idx.add.f32.msk $0xffff, v2;
	v1 =	vmov v26  }
.Ltmp3:
0x11c: {  	v2 =	vmul.f32 v11, v6;
	[tilespmem:v22+s17+$0x0] =	vst.idx.add.f32.msk $0xffff, v3;
	(pc) =	sbr.rel @p0 .LBB2_5-.Ltmp3, $4  }
0x11d: {  	v3 =	vmul.f32 v12, v7;
	[tilespmem:v25+s17+$0x0] =	vst.idx.add.f32.msk $0xffff, v4  }
0x11e: {  	v4 =	vmul.f32 v13, v8;
	[tilespmem:v19+s17+$0x0] =	vst.idx.add.f32.msk $0xffff, v2  }
0x11f: {  	v2 =	vmul.f32 v15, v9;
	[tilespmem:v21+s17+$0x0] =	vst.idx.add.f32.msk $0xffff, v3  }
0x120: {  	s22 =	sadd.s32 $0x200, s22;
	[tilespmem:v23+s17+$0x0] =	vst.idx.add.f32.msk $0xffff, v4  }
0x121: {  	p0 =	seq.s32 s20, $0x18  }
0x122: {  	s0 =	smul.u32 @!p0 $0x1900, s20;
	_ =	sdelay $0x1  }
0x123: {  	s0 =	sadd.s32 @!p0 s0, s7  }
0x124: {  	s0 =	sshrl.u32 @!p0 s0, $0x1  }
0x125: {  	[tilespmem:v1+s17+$0x0] =	vst.idx.add.f32.msk $0xffff, v2;
	s1 =	simm.s32 @!p0 $0x0;
	s4 =	simm.s32 @!p0 $0x14000;
	s0 =	sadd.s32 @!p0 s3, s0  }
0x126: {  	[tilespmem:s4], [sflag:$0x1] =	stream.linear.gather @!p0 [hbm4b:s0+s1], $0x3200, $0x38;
	[tilespmem:$0x1A400] =	vst v63  }
0x127: {  	_ =	swait.ge [sflag:s18], $0x3200  }
0x128: {  	[sflag:s18] =	ssyncset.done $0x0  }
0x129: {  	s31 =	simm.s32 $0x17370;
	[sflag:s18] =	ssyncadd.s32 $0xFFFFCE00  }
0x12a: {  	v1 =	vld [tilespmem:s31+$0xFFFFFF00]  }
0x12b: {  	v2 =	vld [tilespmem:s31+$0xFFFFFEA0]  }
0x12c: {  	v3 =	vld [tilespmem:s31+$0xFFFFFEB0]  }
0x12d: {  	v4 =	vld [tilespmem:s31+$0xFFFFFEC0]  }
0x12e: {  	v5 =	vld [tilespmem:s31+$0xFFFFFED0]  }
0x12f: {  	v6 =	vld [tilespmem:s31+$0xFFFFFEE0]  }
0x130: {  	v8 =	vld [tilespmem:s31+$0xFFFFFEF0]  }
0x131: {  	v9 =	vld [tilespmem:s31+$0xFFFFFE90]  }
0x132: {  	v51 =	vld [tilespmem:s31+$0xFFFFFF10]  }
0x133: {  	v11 =	vld [tilespmem:s31+$0xFFFFFF20]  }
0x134: {  	v12 =	vld [tilespmem:s31+$0x0]  }
0x135: {  	v14 =	vld [tilespmem:s31+$0xFFFFFF30]  }
0x136: {  	v17 =	vld [tilespmem:s31+$0xFFFFFF40]  }
0x137: {  	v18 =	vld [tilespmem:s31+$0xFFFFFF50];
	v7 =	vshll.u32 v1, $0x2;
	v1 =	vand.u32 $0x7F, v1  }
0x138: {  	v19 =	vld [tilespmem:s31+$0xFFFFFF60];
	v16 =	vshll.u32 v2, $0x2;
	v2 =	vand.u32 $0x7F, v2;
	v21 =	vshll.u32 v4, $0x2  }
0x139: {  	v22 =	vld [tilespmem:s31+$0xFFFFFF70];
	v4 =	vand.u32 $0x7F, v4;
	v26 =	vshll.u32 v6, $0x2;
	v7 =	vand.u32 $0xFFFFFE00, v7  }
0x13a: {  	v16 =	vand.u32 $0xFFFFFE00, v16;
	v21 =	vand.u32 $0xFFFFFE00, v21;
	v10 =	vor.u32 v1, v7;
	v1 =	vld [tilespmem:s31+$0xFFFFFF80]  }
0x13b: {  	v24 =	vld [tilespmem:s31+$0xFFFFFF90];
	v29 =	vand.u32 $0x7F, v6;
	v6 =	vor.u32 v2, v16;
	v2 =	vor.u32 v4, v21  }
0x13c: {  	v25 =	vld [tilespmem:s31+$0xFFFFFFA0];
	v12 =	vand.u32 $0x7FFFFFFF, v12;
	v23 =	vshll.u32 v5, $0x2;
	v27 =	vand.u32 $0x7F, v5  }
0x13d: {  	v28 =	vld [tilespmem:s31+$0xFFFFFFB0];
	v52 =	vshll.u32 v9, $0x2;
	v53 =	vshll.u32 v8, $0x2;
	v9 =	vand.u32 $0x7F, v9  }
0x13e: {  	v54 =	vld [tilespmem:s31+$0xFFFFFFC0];
	v8 =	vand.u32 $0x7F, v8;
	v58 =	vshll.u32 v51, $0x2;
	v5 =	vand.u32 $0xFFFFFE00, v52  }
0x13f: {  	v59 =	vshll.u32 v11, $0x2;
	v9 =	vor.u32 v9, v5;
	v13 =	vld.idx.msk [tilespmem:v10+s2+$0x0], $0xffff;
	v15 =	vshll.u32 v1, $0x2  }
0x140: {  	v31 =	vshll.u32 v17, $0x2;
	v1 =	vand.u32 $0x7F, v1;
	v42 =	vld.idx.msk [tilespmem:v2+s2+$0x0], $0xffff;
	v15 =	vand.u32 $0xFFFFFE00, v15  }
0x141: {  	v55 =	vld [tilespmem:s31+$0xFFFFFFD0];
	v17 =	vand.u32 $0x7F, v17;
	v31 =	vand.u32 $0xFFFFFE00, v31;
	v15 =	vor.u32 v1, v15  }
0x142: {  	v56 =	vld [tilespmem:s31+$0xFFFFFFE0];
	v23 =	vand.u32 $0xFFFFFE00, v23;
	v17 =	vor.u32 v17, v31;
	v1 =	vshll.u32 v3, $0x2  }
0x143: {  	v60 =	vld [tilespmem:s31+$0xFFFFFFF0];
	v20 =	vor.u32 $0x80, v10;
	v3 =	vand.u32 $0x7F, v3;
	v1 =	vand.u32 $0xFFFFFE00, v1  }
0x144: {  	v16 =	vand.u32 $0x7FFFFFFF, v54;
	v32 =	vld.idx.msk [tilespmem:v9+s2+$0x0], $0xffff;
	v5 =	vor.u32 v3, v1;
	v13 =	vmul.f32 v12, v13  }
0x145: {  	v26 =	vand.u32 $0xFFFFFE00, v26;
	v34 =	vld.idx.msk [tilespmem:v6+s2+$0x0], $0xffff;
	v3 =	vor.u32 v27, v23;
	v47 =	vmul.f32 v16, v42  }
0x146: {  	v7 =	vand.u32 $0x7F, v51;
	v1 =	vor.u32 v29, v26;
	v27 =	vand.u32 $0xFFFFFE00, v58;
	[tilespmem:v15+s17+$0x0] =	vst.idx.add.f32.msk $0xffff, v13  }
0x147: {  	v61 =	vshll.u32 v14, $0x2;
	v33 =	vshll.u32 v18, $0x2;
	v27 =	vor.u32 v7, v27;
	[tilespmem:v17+s17+$0x0] =	vst.idx.add.f32.msk $0xffff, v47  }
0x148: {  	v11 =	vand.u32 $0x7F, v11;
	v13 =	vand.u32 $0xFFFFFE00, v53;
	v53 =	vor.u32 $0x80, v2;
	v20 =	vld.idx.msk [tilespmem:v20+s2+$0x0], $0xffff  }
0x149: {  	v7 =	vand.u32 $0x7FFFFFFF, v24;
	v4 =	vor.u32 v8, v13;
	v8 =	vand.u32 $0xFFFFFE00, v59;
	v40 =	vld.idx.msk [tilespmem:v5+s2+$0x0], $0xffff  }
0x14a: {  	v35 =	vshll.u32 v19, $0x2;
	v32 =	vmul.f32 v7, v32;
	v11 =	vor.u32 v11, v8;
	v43 =	vld.idx.msk [tilespmem:v3+s2+$0x0], $0xffff  }
0x14b: {  	v39 =	vshll.u32 v22, $0x2;
	v14 =	vand.u32 $0x7F, v14;
	v30 =	vor.u32 $0x80, v15;
	v37 =	vld.idx.msk [tilespmem:v1+s2+$0x0], $0xffff  }
0x14c: {  	v49 =	vor.u32 $0x80, v6;
	v29 =	vand.u32 $0xFFFFFE00, v61;
	v8 =	vand.u32 $0x7FFFFFFF, v25;
	[tilespmem:v27+s17+$0x0] =	vst.idx.add.f32.msk $0xffff, v32  }
0x14d: {  	v57 =	vor.u32 $0x100, v10;
	v14 =	vor.u32 v14, v29;
	v44 =	vmul.f32 v8, v34;
	v29 =	vld.idx.msk [tilespmem:v53+s2+$0x0], $0xffff  }
0x14e: {  	v18 =	vand.u32 $0x7F, v18;
	v62 =	vand.u32 $0xFFFFFE00, v33;
	v20 =	vmul.f32 v20, v12;
	v45 =	vld.idx.msk [tilespmem:v4+s2+$0x0], $0xffff  }
0x14f: {  	v19 =	vand.u32 $0x7F, v19;
	v63 =	vand.u32 $0xFFFFFE00, v35;
	v18 =	vor.u32 v18, v62;
	[tilespmem:v11+s17+$0x0] =	vst.idx.add.f32.msk $0xffff, v44  }
0x150: {  	v22 =	vand.u32 $0x7F, v22;
	v28 =	vand.u32 $0x7FFFFFFF, v28;
	v19 =	vor.u32 v19, v63;
	[tilespmem:v30+s17+$0x0] =	vst.idx.add.f32.msk $0xffff, v20  }
0x151: {  	v21 =	vand.u32 $0x7FFFFFFF, v55;
	v52 =	vor.u32 $0x80, v5;
	v46 =	vmul.f32 v28, v40;
	v20 =	vld.idx.msk [tilespmem:v49+s2+$0x0], $0xffff  }
0x152: {  	v23 =	vand.u32 $0x7FFFFFFF, v56;
	v54 =	vor.u32 $0x80, v3;
	v25 =	vmul.f32 v21, v43;
	v26 =	vld.idx.msk [tilespmem:v57+s2+$0x0], $0xffff  }
0x153: {  	v41 =	vand.u32 $0xFFFFFE00, v39;
	v62 =	vor.u32 $0x80, v17;
	v50 =	vmul.f32 v23, v37;
	[tilespmem:v14+s17+$0x0] =	vst.idx.add.f32.msk $0xffff, v46  }
0x154: {  	v22 =	vor.u32 v22, v41;
	[tilespmem:v18+s17+$0x0] =	vst.idx.add.f32.msk $0xffff, v25  }
0x155: {  	v56 =	vor.u32 $0x80, v4;
	[tilespmem:v19+s17+$0x0] =	vst.idx.add.f32.msk $0xffff, v50  }
0x156: {  	v13 =	vand.u32 $0x7FFFFFFF, v60;
	v59 =	vor.u32 $0x80, v11;
	v58 =	vld.idx.msk [tilespmem:v52+s2+$0x0], $0xffff;
	v39 =	vmul.f32 v29, v16  }
0x157: {  	v36 =	vor.u32 $0x100, v15;
	v24 =	vld.idx.msk [tilespmem:v54+s2+$0x0], $0xffff;
	v51 =	vmul.f32 v13, v45  }
0x158: {  	v48 =	vor.u32 $0x80, v9;
	[tilespmem:v62+s17+$0x0] =	vst.idx.add.f32.msk $0xffff, v39  }
0x159: {  	v10 =	vor.u32 $0x180, v10;
	[tilespmem:v22+s17+$0x0] =	vst.idx.add.f32.msk $0xffff, v51;
	v20 =	vmul.f32 v20, v8  }
0x15a: {  	v40 =	vor.u32 $0x100, v6;
	v26 =	vmul.f32 v26, v12;
	v30 =	vld.idx.msk [tilespmem:v56+s2+$0x0], $0xffff  }
0x15b: {  	v63 =	vor.u32 $0x80, v18;
	[tilespmem:v59+s17+$0x0] =	vst.idx.add.f32.msk $0xffff, v20  }
0x15c: {  	v45 =	vor.u32 $0x100, v3;
	[tilespmem:v36+s17+$0x0] =	vst.idx.add.f32.msk $0xffff, v26  }
0x15d: {  	v37 =	vor.u32 $0x80, v22;
	v26 =	vld.idx.msk [tilespmem:v48+s2+$0x0], $0xffff  }
0x15e: {  	v55 =	vor.u32 $0x80, v1;
	v41 =	vmul.f32 v24, v21;
	v10 =	vld.idx.msk [tilespmem:v10+s2+$0x0], $0xffff  }
0x15f: {  	v57 =	vor.u32 $0x80, v27;
	v48 =	vld.idx.msk [tilespmem:v40+s2+$0x0], $0xffff  }
0x160: {  	v43 =	vor.u32 $0x100, v2;
	[tilespmem:v63+s17+$0x0] =	vst.idx.add.f32.msk $0xffff, v41;
	v44 =	vmul.f32 v30, v13  }
0x161: {  	v15 =	vor.u32 $0x180, v15;
	v30 =	vld.idx.msk [tilespmem:v45+s2+$0x0], $0xffff  }
0x162: {  	v60 =	vor.u32 $0x100, v9;
	v26 =	vmul.f32 v26, v7;
	[tilespmem:v37+s17+$0x0] =	vst.idx.add.f32.msk $0xffff, v44  }
0x163: {  	v61 =	vor.u32 $0x80, v14;
	v10 =	vmul.f32 v10, v12;
	v12 =	vld.idx.msk [tilespmem:v55+s2+$0x0], $0xffff  }
0x164: {  	v53 =	vor.u32 $0x100, v18;
	[tilespmem:v57+s17+$0x0] =	vst.idx.add.f32.msk $0xffff, v26  }
0x165: {  	v42 =	vor.u32 $0x100, v5;
	v26 =	vld.idx.msk [tilespmem:v43+s2+$0x0], $0xffff  }
0x166: {  	v3 =	vor.u32 $0x180, v3;
	[tilespmem:v15+s17+$0x0] =	vst.idx.add.f32.msk $0xffff, v10;
	v15 =	vmul.f32 v58, v28  }
0x167: {  	v50 =	vor.u32 $0x100, v11;
	v38 =	vld.idx.msk [tilespmem:v60+s2+$0x0], $0xffff;
	v57 =	vmul.f32 v30, v21  }
0x168: {  	v36 =	vor.u32 $0x80, v19;
	[tilespmem:v61+s17+$0x0] =	vst.idx.add.f32.msk $0xffff, v15  }
0x169: {  	v47 =	vor.u32 $0x100, v4;
	[tilespmem:v53+s17+$0x0] =	vst.idx.add.f32.msk $0xffff, v57  }
0x16a: {  	v6 =	vor.u32 $0x180, v6;
	v15 =	vmul.f32 v48, v8;
	v24 =	vld.idx.msk [tilespmem:v42+s2+$0x0], $0xffff  }
0x16b: {  	v46 =	vor.u32 $0x100, v1;
	v12 =	vmul.f32 v12, v23;
	v3 =	vld.idx.msk [tilespmem:v3+s2+$0x0], $0xffff  }
0x16c: {  	v52 =	vor.u32 $0x100, v17;
	[tilespmem:v50+s17+$0x0] =	vst.idx.add.f32.msk $0xffff, v15  }
0x16d: {  	v49 =	vor.u32 $0x100, v27;
	[tilespmem:v36+s17+$0x0] =	vst.idx.add.f32.msk $0xffff, v12  }
0x16e: {  	v2 =	vor.u32 $0x180, v2;
	v12 =	vld.idx.msk [tilespmem:v47+s2+$0x0], $0xffff  }
0x16f: {  	v9 =	vor.u32 $0x180, v9;
	v56 =	vmul.f32 v26, v16;
	v6 =	vld.idx.msk [tilespmem:v6+s2+$0x0], $0xffff  }
0x170: {  	v51 =	vor.u32 $0x100, v14;
	v25 =	vmul.f32 v38, v7;
	v10 =	vld.idx.msk [tilespmem:v46+s2+$0x0], $0xffff  }
0x171: {  	v61 =	vor.u32 $0x180, v18;
	[tilespmem:v52+s17+$0x0] =	vst.idx.add.f32.msk $0xffff, v56  }
0x172: {  	v5 =	vor.u32 $0x180, v5;
	[tilespmem:v49+s17+$0x0] =	vst.idx.add.f32.msk $0xffff, v25  }
0x173: {  	v54 =	vor.u32 $0x100, v19;
	v2 =	vld.idx.msk [tilespmem:v2+s2+$0x0], $0xffff;
	v24 =	vmul.f32 v24, v28  }
0x174: {  	v1 =	vor.u32 $0x180, v1;
	v9 =	vld.idx.msk [tilespmem:v9+s2+$0x0], $0xffff;
	v3 =	vmul.f32 v3, v21  }
0x175: {  	v55 =	vor.u32 $0x100, v22;
	[tilespmem:v51+s17+$0x0] =	vst.idx.add.f32.msk $0xffff, v24  }
0x176: {  	v4 =	vor.u32 $0x180, v4;
	[tilespmem:v61+s17+$0x0] =	vst.idx.add.f32.msk $0xffff, v3;
	v10 =	vmul.f32 v10, v23  }
0x177: {  	v11 =	vor.u32 $0x180, v11;
	v5 =	vld.idx.msk [tilespmem:v5+s2+$0x0], $0xffff  }
0x178: {  	v60 =	vor.u32 $0x180, v17;
	v12 =	vmul.f32 v12, v13;
	[tilespmem:v54+s17+$0x0] =	vst.idx.add.f32.msk $0xffff, v10  }
0x179: {  	v58 =	vor.u32 $0x180, v27;
	v1 =	vld.idx.msk [tilespmem:v1+s2+$0x0], $0xffff  }
0x17a: {  	v59 =	vor.u32 $0x180, v14;
	v6 =	vmul.f32 v6, v8;
	[tilespmem:v55+s17+$0x0] =	vst.idx.add.f32.msk $0xffff, v12  }
0x17b: {  	v62 =	vor.u32 $0x180, v19;
	v2 =	vmul.f32 v2, v16;
	v4 =	vld.idx.msk [tilespmem:v4+s2+$0x0], $0xffff  }
0x17c: {  	[tilespmem:v11+s17+$0x0] =	vst.idx.add.f32.msk $0xffff, v6;
	v7 =	vmul.f32 v9, v7  }
0x17d: {  	[tilespmem:v60+s17+$0x0] =	vst.idx.add.f32.msk $0xffff, v2;
	v5 =	vmul.f32 v5, v28  }
0x17e: {  	[tilespmem:v58+s17+$0x0] =	vst.idx.add.f32.msk $0xffff, v7;
	v63 =	vmul.f32 v1, v23  }
0x17f: {  	[tilespmem:v59+s17+$0x0] =	vst.idx.add.f32.msk $0xffff, v5  }
0x180: {  	s21 =	simm.s32 $0x0;
	s22 =	simm.s32 $0x17570;
	v2 =	vmul.f32 v4, v13;
	v1 =	vor.u32 $0x180, v22;
	[tilespmem:v62+s17+$0x0] =	vst.idx.add.f32.msk $0xffff, v63  }
.LBB2_7:
0x181: {  	v3 =	vld [tilespmem:s22+$0xFFFFFF00];
	s21 =	sadd.s32 $0x8, s21  }
0x182: {  	v4 =	vld [tilespmem:s22+$0xFFFFFEA0];
	p1 =	slt.u32 s21, $0xC0  }
0x183: {  	v5 =	vld [tilespmem:s22+$0xFFFFFEB0]  }
0x184: {  	v6 =	vld [tilespmem:s22+$0xFFFFFEC0]  }
0x185: {  	v7 =	vld [tilespmem:s22+$0xFFFFFED0]  }
0x186: {  	v8 =	vld [tilespmem:s22+$0xFFFFFEE0];
	v9 =	vshll.u32 v3, $0x2  }
0x187: {  	v3 =	vand.u32 $0x7F, v3;
	v10 =	vshll.u32 v4, $0x2;
	v11 =	vld [tilespmem:s22+$0xFFFFFEF0];
	v9 =	vand.u32 $0xFFFFFE00, v9  }
0x188: {  	v12 =	vld [tilespmem:s22+$0xFFFFFE90];
	v10 =	vand.u32 $0xFFFFFE00, v10;
	v13 =	vshll.u32 v5, $0x2;
	v18 =	vor.u32 v3, v9  }
0x189: {  	v3 =	vand.u32 $0x7F, v4;
	v4 =	vand.u32 $0xFFFFFE00, v13;
	v9 =	vshll.u32 v6, $0x2;
	v13 =	vld [tilespmem:s22+$0xFFFFFF80]  }
0x18a: {  	v5 =	vand.u32 $0x7F, v5;
	v20 =	vld [tilespmem:s22+$0xFFFFFF10];
	v9 =	vand.u32 $0xFFFFFE00, v9;
	v14 =	vshll.u32 v7, $0x2  }
0x18b: {  	v6 =	vand.u32 $0x7F, v6;
	v21 =	vld [tilespmem:s22+$0xFFFFFF20];
	v16 =	vand.u32 $0xFFFFFE00, v14;
	v14 =	vshll.u32 v8, $0x2  }
0x18c: {  	v7 =	vand.u32 $0x7F, v7;
	v17 =	vand.u32 $0xFFFFFE00, v14;
	v14 =	vshll.u32 v11, $0x2;
	v22 =	vld [tilespmem:s22+$0x0]  }
0x18d: {  	v15 =	vand.u32 $0x7F, v12;
	v12 =	vshll.u32 v12, $0x2;
	v23 =	vand.u32 $0xFFFFFE00, v14;
	v24 =	vld.idx.msk [tilespmem:v18+s2+$0x0], $0xffff  }
0x18e: {  	v8 =	vand.u32 $0x7F, v8;
	v12 =	vand.u32 $0xFFFFFE00, v12;
	v25 =	vld [tilespmem:s22+$0xFFFFFF30];
	v14 =	vshll.u32 v13, $0x2  }
0x18f: {  	v27 =	vand.u32 $0x7F, v11;
	v11 =	vand.u32 $0x7F, v13;
	v26 =	vld [tilespmem:s22+$0xFFFFFF40];
	v13 =	vand.u32 $0xFFFFFE00, v14  }
0x190: {  	v14 =	vor.u32 v15, v12;
	v15 =	vor.u32 v3, v10;
	v28 =	vld [tilespmem:s22+$0xFFFFFF50];
	v19 =	vor.u32 v11, v13  }
0x191: {  	v10 =	vor.u32 v5, v4;
	v3 =	vor.u32 $0x80, v18;
	v11 =	vor.u32 v6, v9;
	v5 =	vld [tilespmem:s22+$0xFFFFFF60]  }
0x192: {  	v12 =	vor.u32 v7, v16;
	v13 =	vor.u32 v8, v17;
	v17 =	vand.u32 $0x7FFFFFFF, v22;
	v6 =	vld [tilespmem:s22+$0xFFFFFF70]  }
0x193: {  	v7 =	vshll.u32 v20, $0x2;
	v16 =	vor.u32 v27, v23;
	v8 =	vmul.f32 v17, v24;
	v4 =	vld [tilespmem:s22+$0xFFFFFF90]  }
0x194: {  	v22 =	vshll.u32 v21, $0x2;
	v23 =	vshll.u32 v25, $0x2;
	v9 =	vld [tilespmem:s22+$0xFFFFFFA0];
	v24 =	vshll.u32 v26, $0x2  }
0x195: {  	v7 =	vand.u32 $0xFFFFFE00, v7;
	v22 =	vand.u32 $0xFFFFFE00, v22;
	v27 =	vshll.u32 v28, $0x2;
	[tilespmem:v19+s17+$0x0] =	vst.idx.add.f32.msk $0xffff, v8  }
0x196: {  	v8 =	vand.u32 $0xFFFFFE00, v23;
	v23 =	vand.u32 $0xFFFFFE00, v24;
	v24 =	vshll.u32 v5, $0x2;
	v29 =	vld.idx.msk [tilespmem:v3+s2+$0x0], $0xffff  }
0x197: {  	v27 =	vand.u32 $0xFFFFFE00, v27;
	v30 =	vld [tilespmem:s22+$0xFFFFFFB0];
	v24 =	vand.u32 $0xFFFFFE00, v24;
	v3 =	vshll.u32 v6, $0x2  }
0x198: {  	v20 =	vand.u32 $0x7F, v20;
	v4 =	vand.u32 $0x7FFFFFFF, v4;
	v31 =	vld [tilespmem:s22+$0xFFFFFFC0];
	v32 =	vand.u32 $0xFFFFFE00, v3  }
0x199: {  	v33 =	vor.u32 $0x80, v19;
	v3 =	vand.u32 $0x7FFFFFFF, v9;
	v9 =	vand.u32 $0x7F, v21;
	v21 =	vld [tilespmem:s22+$0xFFFFFFD0]  }
0x19a: {  	v35 =	vor.u32 $0x100, v18;
	v25 =	vand.u32 $0x7F, v25;
	v26 =	vand.u32 $0x7F, v26;
	v34 =	vld [tilespmem:s22+$0xFFFFFFE0]  }
0x19b: {  	v28 =	vand.u32 $0x7F, v28;
	v36 =	vand.u32 $0x7F, v5;
	v38 =	vand.u32 $0x7F, v6;
	v37 =	vld [tilespmem:s22+$0xFFFFFFF0]  }
0x19c: {  	v20 =	vor.u32 v20, v7;
	v29 =	vmul.f32 v29, v17;
	v39 =	vld.idx.msk [tilespmem:v14+s2+$0x0], $0xffff;
	v5 =	vand.u32 $0x7FFFFFFF, v30  }
0x19d: {  	v25 =	vor.u32 v25, v8;
	v22 =	vor.u32 v9, v22;
	v30 =	vld.idx.msk [tilespmem:v15+s2+$0x0], $0xffff;
	v6 =	vand.u32 $0x7FFFFFFF, v31  }
0x19e: {  	v23 =	vor.u32 v26, v23;
	v7 =	vand.u32 $0x7FFFFFFF, v21;
	v21 =	vor.u32 v28, v27;
	[tilespmem:v33+s17+$0x0] =	vst.idx.add.f32.msk $0xffff, v29  }
0x19f: {  	v24 =	vor.u32 v36, v24;
	v26 =	vor.u32 v38, v32;
	v8 =	vand.u32 $0x7FFFFFFF, v34;
	v27 =	vld.idx.msk [tilespmem:v35+s2+$0x0], $0xffff  }
0x1a0: {  	v28 =	vor.u32 $0x80, v14;
	v29 =	vor.u32 $0x80, v15;
	v31 =	vld.idx.msk [tilespmem:v10+s2+$0x0], $0xffff;
	v9 =	vand.u32 $0x7FFFFFFF, v37  }
0x1a1: {  	v32 =	vor.u32 $0x80, v10;
	v34 =	vor.u32 $0x80, v11;
	v35 =	vor.u32 $0x80, v12;
	v33 =	vld.idx.msk [tilespmem:v11+s2+$0x0], $0xffff  }
0x1a2: {  	v38 =	vor.u32 $0x80, v13;
	v36 =	vmul.f32 v4, v39;
	v39 =	vor.u32 $0x100, v19;
	v37 =	vld.idx.msk [tilespmem:v12+s2+$0x0], $0xffff  }
0x1a3: {  	v18 =	vor.u32 $0x180, v18;
	v41 =	vor.u32 $0x80, v16;
	v30 =	vmul.f32 v3, v30;
	v40 =	vld.idx.msk [tilespmem:v13+s2+$0x0], $0xffff  }
0x1a4: {  	v42 =	vor.u32 $0x80, v20;
	v44 =	vor.u32 $0x80, v25;
	v43 =	vor.u32 $0x80, v22;
	v45 =	vld.idx.msk [tilespmem:v16+s2+$0x0], $0xffff  }
0x1a5: {  	v46 =	vor.u32 $0x80, v21;
	v27 =	vmul.f32 v27, v17;
	[tilespmem:v20+s17+$0x0] =	vst.idx.add.f32.msk $0xffff, v36;
	v36 =	vor.u32 $0x80, v23  }
0x1a6: {  	v47 =	vor.u32 $0x80, v26;
	[tilespmem:v22+s17+$0x0] =	vst.idx.add.f32.msk $0xffff, v30;
	v30 =	vmul.f32 v5, v31;
	v31 =	vor.u32 $0x80, v24  }
0x1a7: {  	v48 =	vor.u32 $0x100, v14;
	v49 =	vor.u32 $0x100, v15;
	v33 =	vmul.f32 v6, v33;
	[tilespmem:v39+s17+$0x0] =	vst.idx.add.f32.msk $0xffff, v27  }
0x1a8: {  	v27 =	vor.u32 $0x100, v10;
	v39 =	vor.u32 $0x100, v11;
	v37 =	vmul.f32 v7, v37;
	v18 =	vld.idx.msk [tilespmem:v18+s2+$0x0], $0xffff  }
0x1a9: {  	v50 =	vor.u32 $0x100, v13;
	v40 =	vmul.f32 v8, v40;
	[tilespmem:v25+s17+$0x0] =	vst.idx.add.f32.msk $0xffff, v30;
	v30 =	vor.u32 $0x100, v12  }
0x1aa: {  	v51 =	vor.u32 $0x100, v20;
	[tilespmem:v23+s17+$0x0] =	vst.idx.add.f32.msk $0xffff, v33;
	v33 =	vmul.f32 v9, v45;
	v45 =	vor.u32 $0x100, v16  }
0x1ab: {  	v53 =	vor.u32 $0x100, v25;
	v52 =	vor.u32 $0x100, v22;
	v19 =	vor.u32 $0x180, v19;
	[tilespmem:v21+s17+$0x0] =	vst.idx.add.f32.msk $0xffff, v37  }
0x1ac: {  	v54 =	vor.u32 $0x100, v21;
	v37 =	vor.u32 $0x100, v23;
	[tilespmem:v24+s17+$0x0] =	vst.idx.add.f32.msk $0xffff, v40;
	v40 =	vor.u32 $0x100, v24  }
0x1ad: {  	v14 =	vor.u32 $0x180, v14;
	v15 =	vor.u32 $0x180, v15;
	[tilespmem:v26+s17+$0x0] =	vst.idx.add.f32.msk $0xffff, v33;
	v33 =	vor.u32 $0x100, v26  }
0x1ae: {  	v10 =	vor.u32 $0x180, v10;
	v11 =	vor.u32 $0x180, v11;
	v17 =	vmul.f32 v18, v17;
	v28 =	vld.idx.msk [tilespmem:v28+s2+$0x0], $0xffff  }
0x1af: {  	v13 =	vor.u32 $0x180, v13;
	v12 =	vor.u32 $0x180, v12;
	v16 =	vor.u32 $0x180, v16;
	v18 =	vld.idx.msk [tilespmem:v29+s2+$0x0], $0xffff  }
0x1b0: {  	v20 =	vor.u32 $0x180, v20;
	v22 =	vor.u32 $0x180, v22;
	v25 =	vor.u32 $0x180, v25;
	[tilespmem:v19+s17+$0x0] =	vst.idx.add.f32.msk $0xffff, v17  }
0x1b1: {  	v21 =	vor.u32 $0x180, v21;
	v19 =	vor.u32 $0x180, v23;
	v23 =	vor.u32 $0x180, v24;
	v17 =	vld.idx.msk [tilespmem:v32+s2+$0x0], $0xffff  }
0x1b2: {  	v26 =	vor.u32 $0x180, v26;
	v24 =	vld.idx.msk [tilespmem:v34+s2+$0x0], $0xffff  }
0x1b3: {  	v29 =	vld.idx.msk [tilespmem:v35+s2+$0x0], $0xffff  }
0x1b4: {  	v28 =	vmul.f32 v28, v4;
	v32 =	vld.idx.msk [tilespmem:v38+s2+$0x0], $0xffff  }
0x1b5: {  	v18 =	vmul.f32 v18, v3;
	v34 =	vld.idx.msk [tilespmem:v41+s2+$0x0], $0xffff  }
0x1b6: {  	[tilespmem:v42+s17+$0x0] =	vst.idx.add.f32.msk $0xffff, v28  }
0x1b7: {  	v17 =	vmul.f32 v17, v5;
	[tilespmem:v43+s17+$0x0] =	vst.idx.add.f32.msk $0xffff, v18  }
0x1b8: {  	v24 =	vmul.f32 v24, v6;
	v18 =	vld.idx.msk [tilespmem:v48+s2+$0x0], $0xffff  }
0x1b9: {  	[tilespmem:v44+s17+$0x0] =	vst.idx.add.f32.msk $0xffff, v17;
	v17 =	vmul.f32 v29, v7  }
0x1ba: {  	[tilespmem:v36+s17+$0x0] =	vst.idx.add.f32.msk $0xffff, v24;
	v24 =	vmul.f32 v32, v8  }
0x1bb: {  	[tilespmem:v46+s17+$0x0] =	vst.idx.add.f32.msk $0xffff, v17;
	v17 =	vmul.f32 v34, v9  }
0x1bc: {  	[tilespmem:v31+s17+$0x0] =	vst.idx.add.f32.msk $0xffff, v24  }
0x1bd: {  	[tilespmem:v47+s17+$0x0] =	vst.idx.add.f32.msk $0xffff, v17  }
0x1be: {  	v17 =	vmul.f32 v18, v4;
	v18 =	vld.idx.msk [tilespmem:v49+s2+$0x0], $0xffff  }
0x1bf: {  	v24 =	vld.idx.msk [tilespmem:v27+s2+$0x0], $0xffff  }
0x1c0: {  	v27 =	vld.idx.msk [tilespmem:v39+s2+$0x0], $0xffff  }
0x1c1: {  	v28 =	vld.idx.msk [tilespmem:v30+s2+$0x0], $0xffff  }
0x1c2: {  	v29 =	vld.idx.msk [tilespmem:v50+s2+$0x0], $0xffff  }
0x1c3: {  	v30 =	vld.idx.msk [tilespmem:v45+s2+$0x0], $0xffff  }
0x1c4: {  	[tilespmem:v51+s17+$0x0] =	vst.idx.add.f32.msk $0xffff, v17;
	v17 =	vmul.f32 v18, v3  }
0x1c5: {  	v18 =	vmul.f32 v24, v5;
	v14 =	vld.idx.msk [tilespmem:v14+s2+$0x0], $0xffff  }
0x1c6: {  	[tilespmem:v52+s17+$0x0] =	vst.idx.add.f32.msk $0xffff, v17;
	v17 =	vmul.f32 v27, v6  }
0x1c7: {  	[tilespmem:v53+s17+$0x0] =	vst.idx.add.f32.msk $0xffff, v18;
	v18 =	vmul.f32 v28, v7  }
0x1c8: {  	[tilespmem:v37+s17+$0x0] =	vst.idx.add.f32.msk $0xffff, v17;
	v17 =	vmul.f32 v29, v8  }
0x1c9: {  	[tilespmem:v54+s17+$0x0] =	vst.idx.add.f32.msk $0xffff, v18;
	v18 =	vmul.f32 v30, v9  }
0x1ca: {  	[tilespmem:v40+s17+$0x0] =	vst.idx.add.f32.msk $0xffff, v17  }
0x1cb: {  	v4 =	vmul.f32 v14, v4;
	[tilespmem:v33+s17+$0x0] =	vst.idx.add.f32.msk $0xffff, v18  }
0x1cc: {  	v14 =	vld.idx.msk [tilespmem:v15+s2+$0x0], $0xffff  }
0x1cd: {  	v10 =	vld.idx.msk [tilespmem:v10+s2+$0x0], $0xffff  }
0x1ce: {  	v11 =	vld.idx.msk [tilespmem:v11+s2+$0x0], $0xffff  }
0x1cf: {  	v12 =	vld.idx.msk [tilespmem:v12+s2+$0x0], $0xffff  }
0x1d0: {  	v13 =	vld.idx.msk [tilespmem:v13+s2+$0x0], $0xffff  }
0x1d1: {  	v15 =	vld.idx.msk [tilespmem:v16+s2+$0x0], $0xffff  }
0x1d2: {  	v3 =	vmul.f32 v14, v3;
	[tilespmem:v20+s17+$0x0] =	vst.idx.add.f32.msk $0xffff, v4  }
0x1d3: {  	v4 =	vmul.f32 v10, v5;
	[tilespmem:v1+s17+$0x0] =	vst.idx.add.f32.msk $0xffff, v2;
	v1 =	vmov v26  }
.Ltmp4:
0x1d4: {  	v2 =	vmul.f32 v11, v6;
	[tilespmem:v22+s17+$0x0] =	vst.idx.add.f32.msk $0xffff, v3;
	(pc) =	sbr.rel @p1 .LBB2_7-.Ltmp4, $4  }
0x1d5: {  	v3 =	vmul.f32 v12, v7;
	[tilespmem:v25+s17+$0x0] =	vst.idx.add.f32.msk $0xffff, v4  }
0x1d6: {  	v4 =	vmul.f32 v13, v8;
	[tilespmem:v19+s17+$0x0] =	vst.idx.add.f32.msk $0xffff, v2  }
0x1d7: {  	v2 =	vmul.f32 v15, v9;
	[tilespmem:v21+s17+$0x0] =	vst.idx.add.f32.msk $0xffff, v3  }
0x1d8: {  	s22 =	sadd.s32 $0x200, s22;
	[tilespmem:v23+s17+$0x0] =	vst.idx.add.f32.msk $0xffff, v4  }
.Ltmp5:
0x1d9: {  	_ = 	snop;
	(pc) =	sbr.rel @p0 .LBB2_10-.Ltmp5, $2  }
0x1da: {  	_ =	sdelay $0x2  }
0x1db: {  	[tilespmem:v1+s17+$0x0] =	vst.idx.add.f32.msk $0xffff, v2  }
0x1dc: {  	s0 =	smul.u32 $0x1900, s20  }
.Ltmp6:
0x1dd: {  	_ = 	snop;
	(pc) =	sbr.rel .LBB2_4-.Ltmp6, $4  }
0x1de: {  	s0 =	sadd.s32 s0, s8  }
0x1df: {  	s0 =	sshrl.u32 s0, $0x1  }
0x1e0: {  	s20 =	sadd.s32 $0x1, s20;
	s0 =	sadd.s32 s3, s0  }
0x1e1: {  	[tilespmem:s15], [sflag:$0x2] =	stream.linear.gather [hbm4b:s0+s2], $0x3200, $0x38;
	[tilespmem:$0x1A400] =	vst v63  }
.LBB2_11:
0x1e2: {  	_ =	sfence.sel $0x180000  }
0x1e3: {  	[bflag:$0x0] =	sbarrier.arrive $0xFFFF  }
0x1e4: {  	_ =	strace $0x9000004A  }
0x1e5: {  	s0 =	stileid.u32;
	[bflag:$0x2] =	sbarrier.arrive $0xFFFF  }
0x1e6: {  	p0 =	sne.s32 s0, $0x0;
	s0 =	rddreg [dreg:$0x1]  }
0x1e7: {  	s0 =	sadd.s32 @!p0 $0x100000, s0  }
0x1e8: {  	[sflag:s0] =	ssyncadd.tile.s32 @!p0 $0x1;
	_ =	shalt  }
.Lfunc_end2:
_tile_overlayer_lowered:
.L_overlay_start_2:
0x1e9: {  	(tag) =	ssettag $0x2  }
0x1ea: {  	s0 =	rddreg [dreg:$0x0];
	s2 =	stileid.u32  }
0x1eb: {  	s1 =	rddreg [dreg:$0x1];
	p0 =	sne.s32 s2, $0x0  }
0x1ec: {  	s3 =	rddreg [dreg:$0x2];
	[bflag:$0x3] =	sbarrier.arrive $0xFFFF;
	s2 =	simm.s32 @!p0 $0x1C03  }
0x1ed: {  	[timem:s3], [sflag:s2] =	dma.local @!p0 [hbm:s0], s1  }
0x1ee: {  	s0 =	simm.s32 @!p0 $0x3  }
0x1ef: {  	_ =	swait.ge @!p0 [sflag:s0], s1  }
0x1f0: {  	s1 =	ssub.s32 @!p0 $0x0, s1;
	[sflag:s0] =	ssyncset.done @!p0 $0x0  }
0x1f1: {  	[sflag:s0] =	ssyncadd.s32 @!p0 s1  }
0x1f2: {  	[bflag:$0x3] =	sbarrier.arrive $0xFFFF  }
0x1f3: {  	_ =	shalt  }

// kernel: kernel.16.cloned.1.call-start
scs
__scs_entry_jumppad:
0x0: {  	(pc) =	sbr.rel $0x88, $3  }
0x1: {  	(tag) =	ssettag $0x0;
	lr =	simm.s32 $0x1  }
0x2: {  	[smem:$0x3F91] =	sst lr;
	_ =	strace $0xD0000000  }
0x3: {  	_ = 	snop  }
0x4: {  	_ = 	snop  }
0x5: {  	_ = 	snop  }
0x6: {  	_ = 	snop  }
0x7: {  	_ = 	snop  }
__scs_overlays_trampoline_lowered:
0x8: {  	[smem:$0x3FA0] =	sst s0  }
0x9: {  	[smem:$0x3FA1] =	sst s1  }
0xa: {  	[smem:$0x3FA2] =	sst s2  }
0xb: {  	[smem:$0x3FA3] =	sst s3  }
0xc: {  	[smem:$0x3FA4] =	sst s4  }
0xd: {  	[smem:$0x3FA5] =	sst s5  }
0xe: {  	[smem:$0x3FA6] =	sst s6  }
0xf: {  	[smem:$0x3FA7] =	sst s7  }
0x10: {  	[smem:$0x3FA8] =	sst s8  }
0x11: {  	[smem:$0x3FA9] =	sst s9;
	s0 =	simm.s32 @!p0 $0x0  }
0x12: {  	s1 =	sld [smem:$0x3F8F];
	s0 =	simm.s32 @p0 $0x1  }
0x13: {  	[smem:$0x3FAA] =	sst s0;
	s0 =	simm.s32 @!p1 $0x0  }
0x14: {  	s2 =	sld [smem:$0x3F8E];
	s0 =	simm.s32 @p1 $0x1  }
0x15: {  	[smem:$0x3FAB] =	sst s0;
	s0 =	simm.s32 @!p2 $0x0  }
0x16: {  	s3 =	sld [smem:$0x3FDB];
	s0 =	simm.s32 @p2 $0x1  }
0x17: {  	s4 =	simm.s32 $0x1BF5;
	[smem:$0x3FAD] =	sst s0  }
0x18: {  	s0 =	sld [smem:$0x3F90];
	_ =	swait.ge [sflag:s4], $0x0  }
0x19: {  	s7 =	sld [smem:$0x3F91]  }
0x1a: {  	s8 =	sadd.s32 $0xFFFFE003, lr  }
0x1b: {  	s9 =	sadd.s32 $0xFFFFFEF7, lr;
	s5 =	simm.s32 $0xFFFFFFFF;
	p2 =	slt.u32 s8, $0xFFFFF086  }
0x1c: {  	p1 =	slt.u32 s9, $0xF7A;
	s5 =	simm.s32 @!p2 $0x0  }
0x1d: {  	s5 =	simm.s32 @p1 $0x1;
	p0 =	seq.s32 s7, s2  }
0x1e: {  	s7 =	smul.u32 @!p0 $0xF7A, s2;
	p2 =	seq.s32 @!p0 s5, $0x0  }
0x1f: {  	s9 =	smul.u32 $0xF7A, s1;
	s8 =	simm.s32 @!p0 $0x1BF5;
	p2 =	por !p2, p0  }
0x20: {  	[sflag:s8] =	ssyncset.s32 @!p0 $0xFFFFF086;
	s6 =	sadd.s32 @!p0 s3, s7;
	s7 =	simm.s32 @!p0 $0x108  }
0x21: {  	s3 =	sadd.s32 s3, s9;
	s6 =	sadd.s32 @!p0 $0x88, s6;
	s7 =	simm.s32 @p2 $0x1082  }
0x22: {  	[simem:s7], [sflag:s8] =	dma.local @!p0 [hbm:s6], $0xF7A  }
0x23: {  	s9 =	sor.u32 $0xD0000000, s2;
	s6 =	simm.s32 $0x108;
	_ =	swait.ge @!p0 [sflag:s8], $0x0  }
0x24: {  	s3 =	sadd.s32 $0x88, s3;
	s6 =	simm.s32 @!p1 $0x1082;
	[sflag:s4] =	ssyncset.s32 $0xFFFFF086  }
0x25: {  	[simem:s6], [sflag:s4] =	dma.local [hbm:s3], $0xF7A  }
0x26: {  	[smem:$0x3F91] =	sst s1;
	(tag) =	ssettag s2;
	_ =	strace s9  }
0x27: {  	s1 =	sld [smem:$0x3FA1]  }
0x28: {  	s2 =	sld [smem:$0x3FA2]  }
0x29: {  	s4 =	sld [smem:$0x3FA4]  }
0x2a: {  	p0 =	seq.s32 s5, $0x0;
	s5 =	sld [smem:$0x3FA5]  }
0x2b: {  	s6 =	sld [smem:$0x3FA6]  }
0x2c: {  	s7 =	sld [smem:$0x3FA7]  }
0x2d: {  	s3 =	simm.s32 $0x108;
	s8 =	sld [smem:$0x3FA8]  }
0x2e: {  	s3 =	simm.s32 @!p0 $0x1082;
	s9 =	sld [smem:$0x3FA9]  }
0x2f: {  	lr =	sadd.s32 s0, s3;
	s0 =	sld [smem:$0x3FA0]  }
0x30: {  	s3 =	sld [smem:$0x3FA3]  }
0x31: {  	[smem:$0x3FAC] =	sst s10  }
0x32: {  	s10 =	sld [smem:$0x3FAA];
	_ =	sdelay $0x3  }
0x33: {  	p0 =	seq.s32 s10, $0x1;
	s10 =	sld [smem:$0x3FAC];
	_ =	sdelay $0x3  }
0x34: {  	[smem:$0x3FAC] =	sst s10  }
0x35: {  	s10 =	sld [smem:$0x3FAB];
	_ =	sdelay $0x3  }
0x36: {  	p1 =	seq.s32 s10, $0x1;
	s10 =	sld [smem:$0x3FAC];
	_ =	sdelay $0x3  }
0x37: {  	[smem:$0x3FAC] =	sst s10  }
0x38: {  	s10 =	sld [smem:$0x3FAD]  }
0x39: {  	_ = 	snop;
	(pc) =	sbr.ind lr, $3  }
0x3a: {  	_ = 	snop  }
0x3b: {  	_ = 	snop  }
0x3c: {  	p2 =	seq.s32 s10, $0x1;
	s10 =	sld [smem:$0x3FAC]  }
0x3d: {  	_ =	shalt  }
0x3e: {  	_ =	shalt  }
0x3f: {  	_ =	shalt  }
0x40: {  	_ =	shalt  }
0x41: {  	_ =	shalt  }
0x42: {  	_ =	shalt  }
0x43: {  	_ =	shalt  }
0x44: {  	_ =	shalt  }
0x45: {  	_ =	shalt  }
0x46: {  	_ =	shalt  }
0x47: {  	_ =	shalt  }
0x48: {  	_ =	shalt  }
0x49: {  	_ =	shalt  }
0x4a: {  	_ =	shalt  }
0x4b: {  	_ =	shalt  }
0x4c: {  	_ =	shalt  }
0x4d: {  	_ =	shalt  }
0x4e: {  	_ =	shalt  }
0x4f: {  	_ =	shalt  }
0x50: {  	_ =	shalt  }
0x51: {  	_ =	shalt  }
0x52: {  	_ =	shalt  }
0x53: {  	_ =	shalt  }
0x54: {  	_ =	shalt  }
0x55: {  	_ =	shalt  }
0x56: {  	_ =	shalt  }
0x57: {  	_ =	shalt  }
0x58: {  	_ =	shalt  }
0x59: {  	_ =	shalt  }
0x5a: {  	_ =	shalt  }
0x5b: {  	_ =	shalt  }
0x5c: {  	_ =	shalt  }
0x5d: {  	_ =	shalt  }
0x5e: {  	_ =	shalt  }
0x5f: {  	_ =	shalt  }
0x60: {  	_ =	shalt  }
0x61: {  	_ =	shalt  }
0x62: {  	_ =	shalt  }
0x63: {  	_ =	shalt  }
0x64: {  	_ =	shalt  }
0x65: {  	_ =	shalt  }
0x66: {  	_ =	shalt  }
0x67: {  	_ =	shalt  }
0x68: {  	_ =	shalt  }
0x69: {  	_ =	shalt  }
0x6a: {  	_ =	shalt  }
0x6b: {  	_ =	shalt  }
0x6c: {  	_ =	shalt  }
0x6d: {  	_ =	shalt  }
0x6e: {  	_ =	shalt  }
0x6f: {  	_ =	shalt  }
0x70: {  	_ =	shalt  }
0x71: {  	_ =	shalt  }
0x72: {  	_ =	shalt  }
0x73: {  	_ =	shalt  }
0x74: {  	_ =	shalt  }
0x75: {  	_ =	shalt  }
0x76: {  	_ =	shalt  }
0x77: {  	_ =	shalt  }
0x78: {  	_ =	shalt  }
0x79: {  	_ =	shalt  }
0x7a: {  	_ =	shalt  }
0x7b: {  	_ =	shalt  }
0x7c: {  	_ =	shalt  }
0x7d: {  	_ =	shalt  }
0x7e: {  	_ =	shalt  }
0x7f: {  	_ =	shalt  }
0x80: {  	_ =	shalt  }
0x81: {  	_ =	shalt  }
0x82: {  	_ =	shalt  }
0x83: {  	_ =	shalt  }
0x84: {  	_ =	shalt  }
0x85: {  	_ =	shalt  }
0x86: {  	_ =	shalt  }
0x87: {  	_ =	shalt  }
.Lfunc_end0:
.L_simem_size_0:
called_computation.2_lowered:
.L_overlay_start_0:
0x88: {  	s2 =	sld [smem:$0x3FD9]  }
0x89: {  	s3 =	sld [smem:$0x3FFE];
	_ =	sdelay $0x1  }
0x8a: {  	s1 =	srdreg.scid  }
0x8b: {  	s0 =	sand.u32 $0x1, s1  }
0x8c: {  	s16 =	sshll.u32 s0, $0xA;
	s2 =	sadd.s32 s3, s2  }
0x8d: {  	s2 =	sadd.s32 s2, s16  }
0x8e: {  	[smem:$0x3FB8] =	sst s2  }
0x8f: {  	_ = 	snop  }
0x90: {  	(tm) =	ssettm $0x1  }
0x91: {  	s17 =	sld [smem:$0x3FFB];
	_ =	sdelay $0x3  }
0x92: {  	_ =	strace s17  }
0x93: {  	s2 =	sld [smem:$0x3FFC];
	_ =	sdelay $0x3  }
0x94: {  	_ =	strace s2  }
0x95: {  	s2 =	sld [smem:$0x3FFD];
	_ =	sdelay $0x3  }
0x96: {  	_ =	strace s2  }
0x97: {  	_ =	strace $0x8FFFFFFF  }
0x98: {  	s18 =	sld [smem:$0x3FDB];
	_ =	sdelay $0x1  }
0x99: {  	s19 =	simm.s32 $_scs_section_size  }
0x9a: {  	s4 =	simm.s32 $_size__tile_overlayer_lowered;
	s5 =	simm.s32 $_tile_overlayer_lowered  }
0x9b: {  	s22 =	simm.s32 $0x1BFF;
	s21 =	sshll.u32 s5, $0x1;
	s2 =	sadd.s32 s19, s18  }
0x9c: {  	s6 =	simm.s32 $0x0;
	s20 =	sshll.u32 s4, $0x1;
	s4 =	sadd.s32 s21, s2  }
0x9d: {  	[timem:s6], [sflag:s22] =	dma.local [hbm:s4], s20  }
0x9e: {  	_ =	swait.ge [sflag:s22], s20  }
0x9f: {  	s3 =	ssub.s32 $0x0, s20;
	[sflag:s22] =	ssyncset.done $0x0  }
0xa0: {  	[sflag:s22] =	ssyncadd.s32 s3;
	_ =	sdelay $0x1  }
0xa1: {  	s23 =	simm.s32 $0x1B8B  }
0xa2: {  	_ =	swait.ge [sflag:s23], $0x1  }
0xa3: {  	[sflag:s23] =	ssyncset.done $0x0  }
0xa4: {  	s25 =	simm.s32 $0x1B8E;
	s24 =	sld [smem:$0x3FFE];
	[sflag:s23] =	ssyncadd.s32 $0xFFFFFFFF  }
0xa5: {  	s26 =	simm.s32 $execute0_lowered;
	[smem:$0x3FD2] =	sst s25  }
0xa6: {  	s4 =	sshll.u32 s26, $0x1;
	_ =	strace $0x8000004C;
	[dreg:$0x1] =	wrdreg $0xFFFFFFFF  }
0xa7: {  	s28 =	simm.s32 $_size_execute0_lowered;
	s2 =	sadd.s32 s2, s4;
	[dreg:$0x0] =	wrdreg $0x0  }
0xa8: {  	s4 =	sshll.u32 s28, $0x1;
	[dreg:$0x2] =	wrdreg s2  }
0xa9: {  	[dreg:$0x3] =	wrdreg s4  }
0xaa: {  	[dreg:$0x4] =	wrdreg $0xC0  }
0xab: {  	_ =	task [dreg:s6], $0x5FFFF  }
0xac: {  	[dreg:$0x1] =	wrdreg $0xFFFFFFFF  }
0xad: {  	[dreg:$0x0] =	wrdreg $0x60  }
0xae: {  	[dreg:$0x2] =	wrdreg s24  }
0xaf: {  	[dreg:$0x3] =	wrdreg $0x9  }
0xb0: {  	_ =	task.clear_ibuf [dreg:s6], $0x4FFFF;
	_ =	strace $0x9000004C  }
0xb1: {  	s29 =	simm.s32 $0x9;
	_ =	strace $0x8000004E  }
0xb2: {  	_ =	swait.ge [sflag:s29], $0x1  }
0xb3: {  	[sflag:s29] =	ssyncadd.s32 $0xFFFFFFFF  }
0xb4: {  	_ =	strace $0x9000004E  }
0xb5: {  	_ =	sfence  }
0xb6: {  	s30 =	sld [smem:$0x0];
	_ =	sdelay $0x2  }
0xb7: {  	s31 =	sshll.u32 s1, $0xD;
	s1 =	sshrl.u32 s1, $0x2  }
0xb8: {  	s3 =	sand.u32 $0x4000, s31;
	s1 =	sadd.s32 s1, s30  }
0xb9: {  	s0 =	sor.u32 s3, s0;
	s1 =	sshll.u32 s1, $0x11  }
0xba: {  	s0 =	sor.u32 s1, s0  }
0xbb: {  	s0 =	sadd.s32 $0x8F2B, s0  }
0xbc: {  	[sflag:s0] =	ssyncadd.remote.s32 $0x1  }
0xbd: {  	_ =	sfence.sel $0xFFFF  }
0xbe: {  	[dreg:$0x0] =	wrdreg $0xFFFFFFFF;
	(pc) =	sbr.abs _section_cstart, $3  }
0xbf: {  	[dreg:$0x1] =	wrdreg $0xFFFFFFFF  }
0xc0: {  	_ =	task.clear_ibuf [dreg:s6], $0x2FFFF;
	_ =	strace $0x9FFFFFFF  }
0xc1: {  	(tm) =	ssettm $0x7FFFFFFF  }
tec
execute0_lowered:
.L_overlay_start_1:
0x0: {  	(tag) =	ssettag $0x1  }
0x1: {  	s2 =	stileid.u32  }
0x2: {  	s1 =	rddreg [dreg:$0x0];
	s4 =	srdreg.scid  }
0x3: {  	s13 =	simm.s32 $0x3;
	s15 =	simm.s32 $0x17200;
	s16 =	simm.s32 $0x1  }
0x4: {  	s17 =	simm.s32 $0xA000;
	s18 =	simm.s32 $0x2;
	s0 =	sshrl.u32 s2, $0x1  }
0x5: {  	s19 =	simm.s32 $0x0;
	s4 =	sand.u32 $0x1, s4;
	s0 =	smul.u32 $0x14000, s0  }
0x6: {  	s3 =	sshll.u32 s2, $0x9;
	s2 =	simm.s32 $0x0;
	s7 =	smul.u32 $0x9C400, s4  }
0x7: {  	s8 =	sadd.s32 $0x54600, s1;
	s3 =	sand.u32 $0x200, s3;
	s10 =	smul.u32 $0x13880, s4  }
0x8: {  	[smem:$0x7FF] =	sst s2;
	s6 =	ssub.s32 $0x2, s4;
	s11 =	smul.u32 $0x27100, s4  }
0x9: {  	p0 =	seq.s32 s4, $0x0;
	s4 =	simm.f32 $1.000000000e+00;
	_ =	strace $0x8000004D  }
0xa: {  	s9 =	sshrl.u32 s6, $0x1;
	s4 =	simm.s32 @!p0 $0x0;
	s0 =	sor.u32 s3, s0  }
0xb: {  	s3 =	sadd.s32 $0x19400, s1;
	s9 =	ssub.s32 s6, s9;
	s29 =	sshrl.u32 s7, $0x3  }
0xc: {  	s7 =	sadd.s32 $0x1900, s11;
	s0 =	sshrl.u32 s0, $0x3;
	s30 =	sadd.s32 s3, s10  }
.Ltmp0:
0xd: {  	s6 =	sadd.s32 s3, s29;
	s9 =	smax.u32 s9, $0x1;
	(pc) =	sbr.rel .LBB2_1-.Ltmp0, $4  }
0xe: {  	s5 =	sadd.s32 s0, s1;
	s1 =	sadd.s32 $0x68600, s1;
	[dreg:$0x3] =	wrdreg s30  }
0xf: {  	s31 =	sadd.s32 $0x640, s6;
	s6 =	simm.s32 $0x400;
	s5 =	sadd.s32 $0x40600, s5  }
0x10: {  	[dreg:$0x4] =	wrdreg s31;
	s1 =	smov.u32 @p0 s8;
	s8 =	sadd.s32 $0x2580, s11  }
0x11: {  	v0 =	vmov s4;
	[dreg:$0x2] =	wrdreg s5;
	s10 =	sadd.s32 s1, s0;
	s5 =	simm.s32 $0x200  }
.LBB2_10:
0x12: {  	s19 =	sadd.s32 $0x1, s19  }
0x13: {  	p0 =	sne.s32 s19, s9  }
.Ltmp1:
0x14: {  	_ = 	snop;
	(pc) =	sbr.rel @!p0 .LBB2_11-.Ltmp1, $4  }
0x15: {  	[hbm4b:s10+s5] =	stream.strided.scatter [tilespmem:s17], [sflag:$0x3], $0xA000, s6, s5, $0x38;
	[tilespmem:$0x1A400] =	vst v63  }
0x16: {  	_ =	swait.ge [sflag:s13], $0xA000  }
0x17: {  	[sflag:s13] =	ssyncset.done $0x0  }
0x18: {  	[sflag:s13] =	ssyncadd.s32 $0xFFFF6000  }
.LBB2_1:
0x19: {  	s0 =	rddreg [dreg:$0x2]  }
0x1a: {  	[tilespmem:s2], [sflag:$0x3] =	stream.strided.gather [hbm4b:s0+s5], $0xA000, s6, s5, $0x38;
	[tilespmem:$0x1A400] =	vst v63  }
0x1b: {  	_ =	swait.ge [sflag:s13], $0xA000  }
0x1c: {  	s1 =	simm.s32 $0x14000;
	s24 =	sand.u32 $0x40, s2;
	[sflag:s13] =	ssyncset.done $0x0  }
0x1d: {  	s25 =	sand.u32 $0xFE00, s2;
	s22 =	rddreg [dreg:$0x3];
	[sflag:s13] =	ssyncadd.s32 $0xFFFF6000  }
0x1e: {  	[tilespmem:s1], [sflag:$0x1] =	stream.linear.gather [hbm4b:s22+s2], $0x3200, $0x38;
	[tilespmem:$0x1A400] =	vst v63  }
0x1f: {  	s0 =	sor.u32 s24, s25;
	s23 =	rddreg [dreg:$0x4]  }
0x20: {  	[tilespmem:s15], [sflag:$0x2] =	stream.linear.gather [hbm4b:s23+s2], $0x3200, $0x38;
	[tilespmem:$0x1A400] =	vst v63  }
0x21: {  	v1 =	vld [tilespmem:s0+$0x30]  }
0x22: {  	v2 =	vld [tilespmem:s0+$0xB0];
	_ =	sdelay $0x1  }
0x23: {  	p0 =	por $0x0, $0x0;
	s1 =	simm.s32 $0x1;
	v3 =	vld [tilespmem:s0+$0x0]  }
0x24: {  	s1 =	simm.s32 @!p0 $0x0;
	v4 =	vld [tilespmem:s0+$0x80]  }
0x25: {  	s1 =	sshll.u32 s1, $0x6;
	v5 =	vld [tilespmem:s0+$0x10];
	v1 =	vmul.f32 v1, v0  }
0x26: {  	v6 =	vld [tilespmem:s0+$0x90];
	s11 =	sadd.s32 $0x0, s1;
	v2 =	vmul.f32 v2, v0  }
0x27: {  	s1 =	sadd.s32 $0x30, s11;
	[tilespmem:s0+$0xA030] =	vst v1  }
0x28: {  	s12 =	sor.u32 $0x100, s1;
	v1 =	vmul.f32 v3, v0;
	[tilespmem:s0+$0xA0B0] =	vst v2  }
0x29: {  	v2 =	vmul.f32 v4, v0;
	v3 =	vld [tilespmem:s12+$0x0]  }
0x2a: {  	[tilespmem:s0+$0xA000] =	vst v1;
	v1 =	vmul.f32 v5, v0  }
0x2b: {  	s4 =	simm.s32 $0x100;
	v4 =	vld [tilespmem:s0+$0x20];
	[tilespmem:s0+$0xA080] =	vst v2;
	v2 =	vmul.f32 v6, v0  }
0x2c: {  	s21 =	simm.s32 $0x40;
	s14 =	sadd.s32 $0x10, s11;
	s20 =	sor.u32 $0x100, s11;
	v5 =	vld [tilespmem:s0+$0xA0];
	[tilespmem:s0+$0xA010] =	vst v1  }
0x2d: {  	s21 =	sand.u32 $0x40, s21;
	s4 =	sand.u32 $0xFE00, s4;
	s22 =	sor.u32 $0x100, s14;
	v1 =	vld [tilespmem:s20+$0x0];
	[tilespmem:s0+$0xA090] =	vst v2  }
0x2e: {  	s4 =	sor.u32 s21, s4;
	v2 =	vld [tilespmem:s22+$0x0];
	v3 =	vmul.f32 v3, v0  }
0x2f: {  	v7 =	vld [tilespmem:s4+$0xB0]  }
0x30: {  	s26 =	sor.u32 $0x180, s1;
	v6 =	vld [tilespmem:s4+$0x30];
	v4 =	vmul.f32 v4, v0;
	[tilespmem:s12+$0xA000] =	vst v3  }
0x31: {  	v3 =	vmul.f32 v5, v0;
	v5 =	vld [tilespmem:s26+$0x0]  }
0x32: {  	p0 =	por !p0, !p0;
	s1 =	simm.s32 $0x1;
	[tilespmem:s0+$0xA020] =	vst v4;
	v4 =	vld [tilespmem:s4+$0x0];
	v1 =	vmul.f32 v1, v0  }
0x33: {  	s1 =	simm.s32 @!p0 $0x0;
	[tilespmem:s0+$0xA0A0] =	vst v3;
	v2 =	vmul.f32 v2, v0;
	v3 =	vld [tilespmem:s4+$0x80]  }
0x34: {  	s5 =	sshll.u32 s1, $0x6;
	v7 =	vmul.f32 v7, v0;
	[tilespmem:s20+$0xA000] =	vst v1;
	v1 =	vld [tilespmem:s4+$0x10]  }
0x35: {  	s1 =	sadd.s32 $0x100, s5;
	v6 =	vmul.f32 v6, v0;
	[tilespmem:s22+$0xA000] =	vst v2;
	v2 =	vld [tilespmem:s4+$0x90]  }
0x36: {  	v8 =	vld [tilespmem:s4+$0x20];
	s21 =	sadd.s32 $0x30, s1;
	[tilespmem:s4+$0xA0B0] =	vst v7;
	v5 =	vmul.f32 v5, v0  }
0x37: {  	s6 =	sor.u32 $0x100, s21;
	[tilespmem:s4+$0xA030] =	vst v6;
	v6 =	vld [tilespmem:s4+$0xA0];
	s0 =	sadd.s32 $0x20, s11;
	v4 =	vmul.f32 v4, v0  }
0x38: {  	s23 =	sor.u32 $0x100, s0;
	v3 =	vmul.f32 v3, v0;
	[tilespmem:s26+$0xA000] =	vst v5;
	v5 =	vld [tilespmem:s6+$0x0]  }
0x39: {  	s11 =	sor.u32 $0x180, s11;
	v7 =	vld [tilespmem:s23+$0x0];
	[tilespmem:s4+$0xA000] =	vst v4;
	v1 =	vmul.f32 v1, v0  }
0x3a: {  	s12 =	sor.u32 $0x180, s14;
	s14 =	sor.u32 $0x100, s1;
	[tilespmem:s4+$0xA080] =	vst v3;
	v2 =	vmul.f32 v2, v0;
	v3 =	vld [tilespmem:s11+$0x0]  }
0x3b: {  	s24 =	simm.s32 $0x80;
	s5 =	simm.s32 $0x200;
	s25 =	sadd.s32 $0x10, s1;
	v4 =	vld [tilespmem:s14+$0x0];
	[tilespmem:s4+$0xA010] =	vst v1;
	v1 =	vmul.f32 v8, v0  }
0x3c: {  	s24 =	sand.u32 $0x40, s24;
	s20 =	sand.u32 $0xFE00, s5;
	s26 =	sor.u32 $0x100, s25;
	[tilespmem:s4+$0xA090] =	vst v2;
	v2 =	vmul.f32 v6, v0;
	v6 =	vld [tilespmem:s12+$0x0]  }
0x3d: {  	s20 =	sor.u32 s24, s20;
	v8 =	vld [tilespmem:s26+$0x0];
	[tilespmem:s4+$0xA020] =	vst v1;
	v1 =	vmul.f32 v5, v0  }
0x3e: {  	v5 =	vmul.f32 v7, v0;
	[tilespmem:s4+$0xA0A0] =	vst v2;
	v2 =	vld [tilespmem:s20+$0x30]  }
0x3f: {  	v7 =	vld [tilespmem:s20+$0xB0];
	[tilespmem:s6+$0xA000] =	vst v1  }
0x40: {  	v3 =	vmul.f32 v3, v0;
	s6 =	sor.u32 $0x180, s21;
	[tilespmem:s23+$0xA000] =	vst v5;
	v5 =	vld [tilespmem:s20+$0x0]  }
0x41: {  	v1 =	vmul.f32 v4, v0;
	v4 =	vld [tilespmem:s6+$0x0]  }
0x42: {  	[tilespmem:s11+$0xA000] =	vst v3;
	v3 =	vmul.f32 v6, v0;
	v6 =	vld [tilespmem:s20+$0x80]  }
0x43: {  	p0 =	por !p0, !p0;
	s11 =	simm.s32 $0x1;
	[tilespmem:s14+$0xA000] =	vst v1;
	v1 =	vmul.f32 v8, v0;
	v8 =	vld [tilespmem:s20+$0x90]  }
0x44: {  	s11 =	simm.s32 @!p0 $0x0;
	[tilespmem:s12+$0xA000] =	vst v3;
	v3 =	vld [tilespmem:s20+$0x10];
	v2 =	vmul.f32 v2, v0  }
0x45: {  	s11 =	sshll.u32 s11, $0x6;
	[tilespmem:s26+$0xA000] =	vst v1;
	v1 =	vmul.f32 v7, v0  }
0x46: {  	s26 =	sadd.s32 $0x20, s1;
	s11 =	sadd.s32 $0x200, s11;
	v7 =	vld [tilespmem:s20+$0x20];
	[tilespmem:s20+$0xA030] =	vst v2;
	v2 =	vmul.f32 v4, v0  }
0x47: {  	s22 =	sor.u32 $0x180, s0;
	v9 =	vld [tilespmem:s20+$0xA0];
	s24 =	sor.u32 $0x100, s26;
	s0 =	sadd.s32 $0x30, s11;
	v4 =	vmul.f32 v5, v0;
	[tilespmem:s20+$0xA0B0] =	vst v1  }
0x48: {  	s28 =	simm.s32 $0x8;
	s31 =	simm.s32 $0x300;
	v5 =	vmul.f32 v6, v0;
	s14 =	sor.u32 $0x100, s0;
	v1 =	vld [tilespmem:s24+$0x0];
	[tilespmem:s6+$0xA000] =	vst v2  }
0x49: {  	s23 =	sor.u32 $0x180, s25;
	s25 =	sor.u32 $0x180, s1;
	s1 =	simm.s32 $0xC0;
	v8 =	vmul.f32 v8, v0;
	[tilespmem:s20+$0xA000] =	vst v4;
	v4 =	vmul.f32 v3, v0;
	v3 =	vld [tilespmem:s14+$0x0]  }
0x4a: {  	s21 =	sor.u32 $0x180, s26;
	s5 =	sadd.s32 $0x10, s11;
	s12 =	sor.u32 $0x100, s11;
	[tilespmem:s20+$0xA080] =	vst v5;
	v2 =	vld [tilespmem:s25+$0x0]  }
0x4b: {  	s29 =	sor.u32 $0x100, s5;
	s30 =	sor.u32 $0x180, s5;
	s6 =	sadd.s32 $0x20, s11;
	v5 =	vld [tilespmem:s12+$0x0];
	v6 =	vmul.f32 v7, v0;
	[tilespmem:s20+$0xA090] =	vst v8  }
0x4c: {  	s11 =	sor.u32 $0x180, s11;
	s4 =	sor.u32 $0x100, s6;
	s26 =	sor.u32 $0x180, s6;
	v7 =	vmul.f32 v9, v0;
	[tilespmem:s20+$0xA010] =	vst v4;
	v4 =	vld [tilespmem:s23+$0x0]  }
.LBB2_2:
0x4d: {  	s5 =	sand.u32 $0x40, s1;
	s6 =	sand.u32 $0xFE00, s31;
	v8 =	vld [tilespmem:s29+$0x0];
	[tilespmem:s20+$0xA020] =	vst v6;
	v1 =	vmul.f32 v1, v0  }
0x4e: {  	[tilespmem:s20+$0xA0A0] =	vst v7;
	s20 =	sor.u32 s5, s6;
	v3 =	vmul.f32 v3, v0;
	v6 =	vld [tilespmem:s22+$0x0]  }
0x4f: {  	s28 =	sadd.s32 $0x4, s28;
	v7 =	vld [tilespmem:s20+$0x30];
	v2 =	vmul.f32 v2, v0;
	[tilespmem:s24+$0xA000] =	vst v1;
	s24 =	smov.u32 s4  }
0x50: {  	p1 =	slt.u32 s28, $0x27C;
	s5 =	sor.u32 $0x180, s0;
	v1 =	vld [tilespmem:s20+$0xB0];
	v5 =	vmul.f32 v5, v0;
	[tilespmem:s14+$0xA000] =	vst v3  }
0x51: {  	v3 =	vld [tilespmem:s5+$0x0];
	[tilespmem:s25+$0xA000] =	vst v2;
	v2 =	vmul.f32 v4, v0;
	s25 =	smov.u32 s11  }
0x52: {  	p0 =	por !p0, !p0;
	s0 =	simm.s32 $0x1;
	v4 =	vld [tilespmem:s20+$0x0];
	[tilespmem:s12+$0xA000] =	vst v5;
	v5 =	vmul.f32 v8, v0  }
0x53: {  	s0 =	simm.s32 @!p0 $0x0;
	v8 =	vld [tilespmem:s20+$0x80];
	[tilespmem:s23+$0xA000] =	vst v2;
	v2 =	vmul.f32 v6, v0;
	s23 =	smov.u32 s30  }
0x54: {  	s0 =	sshll.u32 s0, $0x6;
	v6 =	vld [tilespmem:s20+$0x10];
	v7 =	vmul.f32 v7, v0;
	[tilespmem:s29+$0xA000] =	vst v5  }
0x55: {  	s6 =	sadd.s32 s0, s31;
	v5 =	vld [tilespmem:s20+$0x90];
	v1 =	vmul.f32 v1, v0;
	[tilespmem:s22+$0xA000] =	vst v2;
	s22 =	smov.u32 s21;
	s21 =	smov.u32 s26  }
0x56: {  	s0 =	sadd.s32 $0x30, s6;
	v9 =	vld [tilespmem:s20+$0x20];
	[tilespmem:s20+$0xA030] =	vst v7;
	v2 =	vmul.f32 v3, v0  }
0x57: {  	s11 =	sadd.s32 $0x10, s6;
	s14 =	sor.u32 $0x100, s0;
	s26 =	sadd.s32 $0x20, s6;
	v3 =	vmul.f32 v4, v0;
	v4 =	vld [tilespmem:s20+$0xA0];
	[tilespmem:s20+$0xA0B0] =	vst v1  }
.Ltmp2:
0x58: {  	s29 =	sor.u32 $0x100, s11;
	s4 =	sor.u32 $0x100, s26;
	v7 =	vmul.f32 v8, v0;
	v1 =	vld [tilespmem:s24+$0x0];
	[tilespmem:s5+$0xA000] =	vst v2;
	(pc) =	sbr.rel @p1 .LBB2_2-.Ltmp2, $4  }
0x59: {  	s12 =	sor.u32 $0x100, s6;
	s30 =	sor.u32 $0x180, s11;
	s26 =	sor.u32 $0x180, s26;
	[tilespmem:s20+$0xA000] =	vst v3;
	v6 =	vmul.f32 v6, v0;
	v3 =	vld [tilespmem:s14+$0x0]  }
0x5a: {  	s11 =	sor.u32 $0x180, s6;
	[tilespmem:s20+$0xA080] =	vst v7;
	v7 =	vmul.f32 v5, v0;
	v2 =	vld [tilespmem:s25+$0x0]  }
0x5b: {  	v5 =	vld [tilespmem:s12+$0x0];
	[tilespmem:s20+$0xA010] =	vst v6;
	v6 =	vmul.f32 v9, v0  }
0x5c: {  	s1 =	sadd.s32 $0x40, s1;
	s31 =	sadd.s32 $0x100, s31;
	[tilespmem:s20+$0xA090] =	vst v7;
	v7 =	vmul.f32 v4, v0;
	v4 =	vld [tilespmem:s23+$0x0]  }
0x5d: {  	v8 =	vld [tilespmem:s29+$0x0];
	[tilespmem:s20+$0xA020] =	vst v6  }
0x5e: {  	[tilespmem:s20+$0xA0A0] =	vst v7  }
0x5f: {  	v6 =	vld [tilespmem:s4+$0x0]  }
0x60: {  	v3 =	vmul.f32 v3, v0  }
0x61: {  	v5 =	vmul.f32 v5, v0  }
0x62: {  	v59 =	vld [tilespmem:s22+$0x0];
	s0 =	sor.u32 $0x180, s0;
	[tilespmem:s14+$0xA000] =	vst v3;
	v3 =	vmul.f32 v8, v0  }
0x63: {  	v1 =	vmul.f32 v1, v0;
	v60 =	vld [tilespmem:s0+$0x0];
	[tilespmem:s12+$0xA000] =	vst v5  }
0x64: {  	[tilespmem:s29+$0xA000] =	vst v3;
	v3 =	vld [tilespmem:s11+$0x0];
	v61 =	vmul.f32 v6, v0  }
0x65: {  	v2 =	vmul.f32 v2, v0;
	[tilespmem:s24+$0xA000] =	vst v1;
	v1 =	vld [tilespmem:s30+$0x0]  }
0x66: {  	v62 =	vld [tilespmem:s21+$0x0];
	v4 =	vmul.f32 v4, v0;
	[tilespmem:s4+$0xA000] =	vst v61  }
0x67: {  	[tilespmem:s25+$0xA000] =	vst v2;
	v2 =	vmul.f32 v59, v0;
	v5 =	vld [tilespmem:s26+$0x0]  }
0x68: {  	[tilespmem:s23+$0xA000] =	vst v4;
	v63 =	vmul.f32 v60, v0  }
0x69: {  	[tilespmem:s22+$0xA000] =	vst v2;
	v2 =	vmul.f32 v3, v0  }
0x6a: {  	[tilespmem:s0+$0xA000] =	vst v63;
	v1 =	vmul.f32 v1, v0  }
0x6b: {  	[tilespmem:s11+$0xA000] =	vst v2;
	v2 =	vmul.f32 v62, v0  }
0x6c: {  	[tilespmem:s30+$0xA000] =	vst v1;
	v1 =	vmul.f32 v5, v0  }
0x6d: {  	[tilespmem:s21+$0xA000] =	vst v2  }
0x6e: {  	s5 =	simm.s32 $0x200;
	s6 =	simm.s32 $0x400;
	s20 =	simm.s32 $0x0;
	[tilespmem:s26+$0xA000] =	vst v1  }
.LBB2_4:
0x6f: {  	_ =	swait.ge [sflag:s16], $0x3200  }
0x70: {  	[sflag:s16] =	ssyncset.done $0x0  }
0x71: {  	s0 =	simm.s32 $0x140C0;
	[sflag:s16] =	ssyncadd.s32 $0xFFFFCE00  }
0x72: {  	v1 =	vld [tilespmem:s0+$0xFFFFFFB0]  }
0x73: {  	v2 =	vld [tilespmem:s0+$0xFFFFFF50]  }
0x74: {  	v3 =	vld [tilespmem:s0+$0xFFFFFF60]  }
0x75: {  	v4 =	vld [tilespmem:s0+$0xFFFFFF70]  }
0x76: {  	v5 =	vld [tilespmem:s0+$0xFFFFFF80]  }
0x77: {  	v6 =	vld [tilespmem:s0+$0xFFFFFF90]  }
0x78: {  	v8 =	vld [tilespmem:s0+$0xFFFFFFA0]  }
0x79: {  	v9 =	vld [tilespmem:s0+$0xFFFFFF40]  }
0x7a: {  	v51 =	vld [tilespmem:s0+$0xFFFFFFC0]  }
0x7b: {  	v11 =	vld [tilespmem:s0+$0xFFFFFFD0]  }
0x7c: {  	v12 =	vld [tilespmem:s0+$0xB0]  }
0x7d: {  	v14 =	vld [tilespmem:s0+$0xFFFFFFE0]  }
0x7e: {  	v17 =	vld [tilespmem:s0+$0xFFFFFFF0]  }
0x7f: {  	v18 =	vld [tilespmem:s0+$0x0];
	v7 =	vshll.u32 v1, $0x2;
	v1 =	vand.u32 $0x7F, v1  }
0x80: {  	v19 =	vld [tilespmem:s0+$0x10];
	v16 =	vshll.u32 v2, $0x2;
	v2 =	vand.u32 $0x7F, v2;
	v21 =	vshll.u32 v4, $0x2  }
0x81: {  	v22 =	vld [tilespmem:s0+$0x20];
	v4 =	vand.u32 $0x7F, v4;
	v26 =	vshll.u32 v6, $0x2;
	v7 =	vand.u32 $0xFFFFFE00, v7  }
0x82: {  	v16 =	vand.u32 $0xFFFFFE00, v16;
	v21 =	vand.u32 $0xFFFFFE00, v21;
	v10 =	vor.u32 v1, v7;
	v1 =	vld [tilespmem:s0+$0x30]  }
0x83: {  	v24 =	vld [tilespmem:s0+$0x40];
	v29 =	vand.u32 $0x7F, v6;
	v6 =	vor.u32 v2, v16;
	v2 =	vor.u32 v4, v21  }
0x84: {  	v25 =	vld [tilespmem:s0+$0x50];
	v12 =	vand.u32 $0x7FFFFFFF, v12;
	v23 =	vshll.u32 v5, $0x2;
	v27 =	vand.u32 $0x7F, v5  }
0x85: {  	v28 =	vld [tilespmem:s0+$0x60];
	v52 =	vshll.u32 v9, $0x2;
	v53 =	vshll.u32 v8, $0x2;
	v9 =	vand.u32 $0x7F, v9  }
0x86: {  	v54 =	vld [tilespmem:s0+$0x70];
	v8 =	vand.u32 $0x7F, v8;
	v58 =	vshll.u32 v51, $0x2;
	v5 =	vand.u32 $0xFFFFFE00, v52  }
0x87: {  	v59 =	vshll.u32 v11, $0x2;
	v9 =	vor.u32 v9, v5;
	v13 =	vld.idx.msk [tilespmem:v10+s2+$0x0], $0xffff;
	v15 =	vshll.u32 v1, $0x2  }
0x88: {  	v31 =	vshll.u32 v17, $0x2;
	v1 =	vand.u32 $0x7F, v1;
	v42 =	vld.idx.msk [tilespmem:v2+s2+$0x0], $0xffff;
	v15 =	vand.u32 $0xFFFFFE00, v15  }
0x89: {  	v55 =	vld [tilespmem:s0+$0x80];
	v17 =	vand.u32 $0x7F, v17;
	v31 =	vand.u32 $0xFFFFFE00, v31;
	v15 =	vor.u32 v1, v15  }
0x8a: {  	v56 =	vld [tilespmem:s0+$0x90];
	v23 =	vand.u32 $0xFFFFFE00, v23;
	v17 =	vor.u32 v17, v31;
	v1 =	vshll.u32 v3, $0x2  }
0x8b: {  	v60 =	vld [tilespmem:s0+$0xA0];
	v20 =	vor.u32 $0x80, v10;
	v3 =	vand.u32 $0x7F, v3;
	v1 =	vand.u32 $0xFFFFFE00, v1  }
0x8c: {  	v16 =	vand.u32 $0x7FFFFFFF, v54;
	v32 =	vld.idx.msk [tilespmem:v9+s2+$0x0], $0xffff;
	v5 =	vor.u32 v3, v1;
	v13 =	vmul.f32 v12, v13  }
0x8d: {  	v26 =	vand.u32 $0xFFFFFE00, v26;
	v34 =	vld.idx.msk [tilespmem:v6+s2+$0x0], $0xffff;
	v3 =	vor.u32 v27, v23;
	v47 =	vmul.f32 v16, v42  }
0x8e: {  	v7 =	vand.u32 $0x7F, v51;
	v1 =	vor.u32 v29, v26;
	v27 =	vand.u32 $0xFFFFFE00, v58;
	[tilespmem:v15+s17+$0x0] =	vst.idx.add.f32.msk $0xffff, v13  }
0x8f: {  	v61 =	vshll.u32 v14, $0x2;
	v33 =	vshll.u32 v18, $0x2;
	v27 =	vor.u32 v7, v27;
	[tilespmem:v17+s17+$0x0] =	vst.idx.add.f32.msk $0xffff, v47  }
0x90: {  	v11 =	vand.u32 $0x7F, v11;
	v13 =	vand.u32 $0xFFFFFE00, v53;
	v53 =	vor.u32 $0x80, v2;
	v20 =	vld.idx.msk [tilespmem:v20+s2+$0x0], $0xffff  }
0x91: {  	v7 =	vand.u32 $0x7FFFFFFF, v24;
	v4 =	vor.u32 v8, v13;
	v8 =	vand.u32 $0xFFFFFE00, v59;
	v40 =	vld.idx.msk [tilespmem:v5+s2+$0x0], $0xffff  }
0x92: {  	v35 =	vshll.u32 v19, $0x2;
	v32 =	vmul.f32 v7, v32;
	v11 =	vor.u32 v11, v8;
	v43 =	vld.idx.msk [tilespmem:v3+s2+$0x0], $0xffff  }
0x93: {  	v39 =	vshll.u32 v22, $0x2;
	v14 =	vand.u32 $0x7F, v14;
	v30 =	vor.u32 $0x80, v15;
	v37 =	vld.idx.msk [tilespmem:v1+s2+$0x0], $0xffff  }
0x94: {  	v49 =	vor.u32 $0x80, v6;
	v29 =	vand.u32 $0xFFFFFE00, v61;
	v8 =	vand.u32 $0x7FFFFFFF, v25;
	[tilespmem:v27+s17+$0x0] =	vst.idx.add.f32.msk $0xffff, v32  }
0x95: {  	v57 =	vor.u32 $0x100, v10;
	v14 =	vor.u32 v14, v29;
	v44 =	vmul.f32 v8, v34;
	v29 =	vld.idx.msk [tilespmem:v53+s2+$0x0], $0xffff  }
0x96: {  	v18 =	vand.u32 $0x7F, v18;
	v62 =	vand.u32 $0xFFFFFE00, v33;
	v20 =	vmul.f32 v20, v12;
	v45 =	vld.idx.msk [tilespmem:v4+s2+$0x0], $0xffff  }
0x97: {  	v19 =	vand.u32 $0x7F, v19;
	v63 =	vand.u32 $0xFFFFFE00, v35;
	v18 =	vor.u32 v18, v62;
	[tilespmem:v11+s17+$0x0] =	vst.idx.add.f32.msk $0xffff, v44  }
0x98: {  	v22 =	vand.u32 $0x7F, v22;
	v28 =	vand.u32 $0x7FFFFFFF, v28;
	v19 =	vor.u32 v19, v63;
	[tilespmem:v30+s17+$0x0] =	vst.idx.add.f32.msk $0xffff, v20  }
0x99: {  	v21 =	vand.u32 $0x7FFFFFFF, v55;
	v52 =	vor.u32 $0x80, v5;
	v46 =	vmul.f32 v28, v40;
	v20 =	vld.idx.msk [tilespmem:v49+s2+$0x0], $0xffff  }
0x9a: {  	v23 =	vand.u32 $0x7FFFFFFF, v56;
	v54 =	vor.u32 $0x80, v3;
	v25 =	vmul.f32 v21, v43;
	v26 =	vld.idx.msk [tilespmem:v57+s2+$0x0], $0xffff  }
0x9b: {  	v41 =	vand.u32 $0xFFFFFE00, v39;
	v62 =	vor.u32 $0x80, v17;
	v50 =	vmul.f32 v23, v37;
	[tilespmem:v14+s17+$0x0] =	vst.idx.add.f32.msk $0xffff, v46  }
0x9c: {  	v22 =	vor.u32 v22, v41;
	[tilespmem:v18+s17+$0x0] =	vst.idx.add.f32.msk $0xffff, v25  }
0x9d: {  	v56 =	vor.u32 $0x80, v4;
	[tilespmem:v19+s17+$0x0] =	vst.idx.add.f32.msk $0xffff, v50  }
0x9e: {  	v13 =	vand.u32 $0x7FFFFFFF, v60;
	v59 =	vor.u32 $0x80, v11;
	v58 =	vld.idx.msk [tilespmem:v52+s2+$0x0], $0xffff;
	v39 =	vmul.f32 v29, v16  }
0x9f: {  	v36 =	vor.u32 $0x100, v15;
	v24 =	vld.idx.msk [tilespmem:v54+s2+$0x0], $0xffff;
	v51 =	vmul.f32 v13, v45  }
0xa0: {  	v48 =	vor.u32 $0x80, v9;
	[tilespmem:v62+s17+$0x0] =	vst.idx.add.f32.msk $0xffff, v39  }
0xa1: {  	v10 =	vor.u32 $0x180, v10;
	[tilespmem:v22+s17+$0x0] =	vst.idx.add.f32.msk $0xffff, v51;
	v20 =	vmul.f32 v20, v8  }
0xa2: {  	v40 =	vor.u32 $0x100, v6;
	v26 =	vmul.f32 v26, v12;
	v30 =	vld.idx.msk [tilespmem:v56+s2+$0x0], $0xffff  }
0xa3: {  	v63 =	vor.u32 $0x80, v18;
	[tilespmem:v59+s17+$0x0] =	vst.idx.add.f32.msk $0xffff, v20  }
0xa4: {  	v45 =	vor.u32 $0x100, v3;
	[tilespmem:v36+s17+$0x0] =	vst.idx.add.f32.msk $0xffff, v26  }
0xa5: {  	v37 =	vor.u32 $0x80, v22;
	v26 =	vld.idx.msk [tilespmem:v48+s2+$0x0], $0xffff  }
0xa6: {  	v55 =	vor.u32 $0x80, v1;
	v41 =	vmul.f32 v24, v21;
	v10 =	vld.idx.msk [tilespmem:v10+s2+$0x0], $0xffff  }
0xa7: {  	v57 =	vor.u32 $0x80, v27;
	v48 =	vld.idx.msk [tilespmem:v40+s2+$0x0], $0xffff  }
0xa8: {  	v43 =	vor.u32 $0x100, v2;
	[tilespmem:v63+s17+$0x0] =	vst.idx.add.f32.msk $0xffff, v41;
	v44 =	vmul.f32 v30, v13  }
0xa9: {  	v15 =	vor.u32 $0x180, v15;
	v30 =	vld.idx.msk [tilespmem:v45+s2+$0x0], $0xffff  }
0xaa: {  	v60 =	vor.u32 $0x100, v9;
	v26 =	vmul.f32 v26, v7;
	[tilespmem:v37+s17+$0x0] =	vst.idx.add.f32.msk $0xffff, v44  }
0xab: {  	v61 =	vor.u32 $0x80, v14;
	v10 =	vmul.f32 v10, v12;
	v12 =	vld.idx.msk [tilespmem:v55+s2+$0x0], $0xffff  }
0xac: {  	v53 =	vor.u32 $0x100, v18;
	[tilespmem:v57+s17+$0x0] =	vst.idx.add.f32.msk $0xffff, v26  }
0xad: {  	v42 =	vor.u32 $0x100, v5;
	v26 =	vld.idx.msk [tilespmem:v43+s2+$0x0], $0xffff  }
0xae: {  	v3 =	vor.u32 $0x180, v3;
	[tilespmem:v15+s17+$0x0] =	vst.idx.add.f32.msk $0xffff, v10;
	v15 =	vmul.f32 v58, v28  }
0xaf: {  	v50 =	vor.u32 $0x100, v11;
	v38 =	vld.idx.msk [tilespmem:v60+s2+$0x0], $0xffff;
	v57 =	vmul.f32 v30, v21  }
0xb0: {  	v36 =	vor.u32 $0x80, v19;
	[tilespmem:v61+s17+$0x0] =	vst.idx.add.f32.msk $0xffff, v15  }
0xb1: {  	v47 =	vor.u32 $0x100, v4;
	[tilespmem:v53+s17+$0x0] =	vst.idx.add.f32.msk $0xffff, v57  }
0xb2: {  	v6 =	vor.u32 $0x180, v6;
	v15 =	vmul.f32 v48, v8;
	v24 =	vld.idx.msk [tilespmem:v42+s2+$0x0], $0xffff  }
0xb3: {  	v46 =	vor.u32 $0x100, v1;
	v12 =	vmul.f32 v12, v23;
	v3 =	vld.idx.msk [tilespmem:v3+s2+$0x0], $0xffff  }
0xb4: {  	v52 =	vor.u32 $0x100, v17;
	[tilespmem:v50+s17+$0x0] =	vst.idx.add.f32.msk $0xffff, v15  }
0xb5: {  	v49 =	vor.u32 $0x100, v27;
	[tilespmem:v36+s17+$0x0] =	vst.idx.add.f32.msk $0xffff, v12  }
0xb6: {  	v2 =	vor.u32 $0x180, v2;
	v12 =	vld.idx.msk [tilespmem:v47+s2+$0x0], $0xffff  }
0xb7: {  	v9 =	vor.u32 $0x180, v9;
	v56 =	vmul.f32 v26, v16;
	v6 =	vld.idx.msk [tilespmem:v6+s2+$0x0], $0xffff  }
0xb8: {  	v51 =	vor.u32 $0x100, v14;
	v25 =	vmul.f32 v38, v7;
	v10 =	vld.idx.msk [tilespmem:v46+s2+$0x0], $0xffff  }
0xb9: {  	v61 =	vor.u32 $0x180, v18;
	[tilespmem:v52+s17+$0x0] =	vst.idx.add.f32.msk $0xffff, v56  }
0xba: {  	v5 =	vor.u32 $0x180, v5;
	[tilespmem:v49+s17+$0x0] =	vst.idx.add.f32.msk $0xffff, v25  }
0xbb: {  	v54 =	vor.u32 $0x100, v19;
	v2 =	vld.idx.msk [tilespmem:v2+s2+$0x0], $0xffff;
	v24 =	vmul.f32 v24, v28  }
0xbc: {  	v1 =	vor.u32 $0x180, v1;
	v9 =	vld.idx.msk [tilespmem:v9+s2+$0x0], $0xffff;
	v3 =	vmul.f32 v3, v21  }
0xbd: {  	v55 =	vor.u32 $0x100, v22;
	[tilespmem:v51+s17+$0x0] =	vst.idx.add.f32.msk $0xffff, v24  }
0xbe: {  	v4 =	vor.u32 $0x180, v4;
	[tilespmem:v61+s17+$0x0] =	vst.idx.add.f32.msk $0xffff, v3;
	v10 =	vmul.f32 v10, v23  }
0xbf: {  	v11 =	vor.u32 $0x180, v11;
	v5 =	vld.idx.msk [tilespmem:v5+s2+$0x0], $0xffff  }
0xc0: {  	v60 =	vor.u32 $0x180, v17;
	v12 =	vmul.f32 v12, v13;
	[tilespmem:v54+s17+$0x0] =	vst.idx.add.f32.msk $0xffff, v10  }
0xc1: {  	v58 =	vor.u32 $0x180, v27;
	v1 =	vld.idx.msk [tilespmem:v1+s2+$0x0], $0xffff  }
0xc2: {  	v59 =	vor.u32 $0x180, v14;
	v6 =	vmul.f32 v6, v8;
	[tilespmem:v55+s17+$0x0] =	vst.idx.add.f32.msk $0xffff, v12  }
0xc3: {  	v62 =	vor.u32 $0x180, v19;
	v2 =	vmul.f32 v2, v16;
	v4 =	vld.idx.msk [tilespmem:v4+s2+$0x0], $0xffff  }
0xc4: {  	[tilespmem:v11+s17+$0x0] =	vst.idx.add.f32.msk $0xffff, v6;
	v7 =	vmul.f32 v9, v7  }
0xc5: {  	[tilespmem:v60+s17+$0x0] =	vst.idx.add.f32.msk $0xffff, v2;
	v5 =	vmul.f32 v5, v28  }
0xc6: {  	[tilespmem:v58+s17+$0x0] =	vst.idx.add.f32.msk $0xffff, v7;
	v63 =	vmul.f32 v1, v23  }
0xc7: {  	[tilespmem:v59+s17+$0x0] =	vst.idx.add.f32.msk $0xffff, v5  }
0xc8: {  	s21 =	simm.s32 $0x0;
	s22 =	simm.s32 $0x142C0;
	v2 =	vmul.f32 v4, v13;
	v1 =	vor.u32 $0x180, v22;
	[tilespmem:v62+s17+$0x0] =	vst.idx.add.f32.msk $0xffff, v63  }
.LBB2_5:
0xc9: {  	v3 =	vld [tilespmem:s22+$0xFFFFFFB0];
	s21 =	sadd.s32 $0x8, s21  }
0xca: {  	v4 =	vld [tilespmem:s22+$0xFFFFFF50];
	p0 =	slt.u32 s21, $0xC0  }
0xcb: {  	v5 =	vld [tilespmem:s22+$0xFFFFFF60]  }
0xcc: {  	v6 =	vld [tilespmem:s22+$0xFFFFFF70]  }
0xcd: {  	v7 =	vld [tilespmem:s22+$0xFFFFFF80]  }
0xce: {  	v8 =	vld [tilespmem:s22+$0xFFFFFF90];
	v9 =	vshll.u32 v3, $0x2  }
0xcf: {  	v3 =	vand.u32 $0x7F, v3;
	v10 =	vshll.u32 v4, $0x2;
	v11 =	vld [tilespmem:s22+$0xFFFFFFA0];
	v9 =	vand.u32 $0xFFFFFE00, v9  }
0xd0: {  	v12 =	vld [tilespmem:s22+$0xFFFFFF40];
	v10 =	vand.u32 $0xFFFFFE00, v10;
	v13 =	vshll.u32 v5, $0x2;
	v18 =	vor.u32 v3, v9  }
0xd1: {  	v3 =	vand.u32 $0x7F, v4;
	v4 =	vand.u32 $0xFFFFFE00, v13;
	v9 =	vshll.u32 v6, $0x2;
	v13 =	vld [tilespmem:s22+$0x30]  }
0xd2: {  	v5 =	vand.u32 $0x7F, v5;
	v20 =	vld [tilespmem:s22+$0xFFFFFFC0];
	v9 =	vand.u32 $0xFFFFFE00, v9;
	v14 =	vshll.u32 v7, $0x2  }
0xd3: {  	v6 =	vand.u32 $0x7F, v6;
	v21 =	vld [tilespmem:s22+$0xFFFFFFD0];
	v16 =	vand.u32 $0xFFFFFE00, v14;
	v14 =	vshll.u32 v8, $0x2  }
0xd4: {  	v7 =	vand.u32 $0x7F, v7;
	v17 =	vand.u32 $0xFFFFFE00, v14;
	v14 =	vshll.u32 v11, $0x2;
	v22 =	vld [tilespmem:s22+$0xB0]  }
0xd5: {  	v15 =	vand.u32 $0x7F, v12;
	v12 =	vshll.u32 v12, $0x2;
	v23 =	vand.u32 $0xFFFFFE00, v14;
	v24 =	vld.idx.msk [tilespmem:v18+s2+$0x0], $0xffff  }
0xd6: {  	v8 =	vand.u32 $0x7F, v8;
	v12 =	vand.u32 $0xFFFFFE00, v12;
	v25 =	vld [tilespmem:s22+$0xFFFFFFE0];
	v14 =	vshll.u32 v13, $0x2  }
0xd7: {  	v27 =	vand.u32 $0x7F, v11;
	v11 =	vand.u32 $0x7F, v13;
	v26 =	vld [tilespmem:s22+$0xFFFFFFF0];
	v13 =	vand.u32 $0xFFFFFE00, v14  }
0xd8: {  	v14 =	vor.u32 v15, v12;
	v15 =	vor.u32 v3, v10;
	v28 =	vld [tilespmem:s22+$0x0];
	v19 =	vor.u32 v11, v13  }
0xd9: {  	v10 =	vor.u32 v5, v4;
	v3 =	vor.u32 $0x80, v18;
	v11 =	vor.u32 v6, v9;
	v5 =	vld [tilespmem:s22+$0x10]  }
0xda: {  	v12 =	vor.u32 v7, v16;
	v13 =	vor.u32 v8, v17;
	v17 =	vand.u32 $0x7FFFFFFF, v22;
	v6 =	vld [tilespmem:s22+$0x20]  }
0xdb: {  	v7 =	vshll.u32 v20, $0x2;
	v16 =	vor.u32 v27, v23;
	v8 =	vmul.f32 v17, v24;
	v4 =	vld [tilespmem:s22+$0x40]  }
0xdc: {  	v22 =	vshll.u32 v21, $0x2;
	v23 =	vshll.u32 v25, $0x2;
	v9 =	vld [tilespmem:s22+$0x50];
	v24 =	vshll.u32 v26, $0x2  }
0xdd: {  	v7 =	vand.u32 $0xFFFFFE00, v7;
	v22 =	vand.u32 $0xFFFFFE00, v22;
	v27 =	vshll.u32 v28, $0x2;
	[tilespmem:v19+s17+$0x0] =	vst.idx.add.f32.msk $0xffff, v8  }
0xde: {  	v8 =	vand.u32 $0xFFFFFE00, v23;
	v23 =	vand.u32 $0xFFFFFE00, v24;
	v24 =	vshll.u32 v5, $0x2;
	v29 =	vld.idx.msk [tilespmem:v3+s2+$0x0], $0xffff  }
0xdf: {  	v27 =	vand.u32 $0xFFFFFE00, v27;
	v30 =	vld [tilespmem:s22+$0x60];
	v24 =	vand.u32 $0xFFFFFE00, v24;
	v3 =	vshll.u32 v6, $0x2  }
0xe0: {  	v20 =	vand.u32 $0x7F, v20;
	v4 =	vand.u32 $0x7FFFFFFF, v4;
	v31 =	vld [tilespmem:s22+$0x70];
	v32 =	vand.u32 $0xFFFFFE00, v3  }
0xe1: {  	v33 =	vor.u32 $0x80, v19;
	v3 =	vand.u32 $0x7FFFFFFF, v9;
	v9 =	vand.u32 $0x7F, v21;
	v21 =	vld [tilespmem:s22+$0x80]  }
0xe2: {  	v35 =	vor.u32 $0x100, v18;
	v25 =	vand.u32 $0x7F, v25;
	v26 =	vand.u32 $0x7F, v26;
	v34 =	vld [tilespmem:s22+$0x90]  }
0xe3: {  	v28 =	vand.u32 $0x7F, v28;
	v36 =	vand.u32 $0x7F, v5;
	v38 =	vand.u32 $0x7F, v6;
	v37 =	vld [tilespmem:s22+$0xA0]  }
0xe4: {  	v20 =	vor.u32 v20, v7;
	v29 =	vmul.f32 v29, v17;
	v39 =	vld.idx.msk [tilespmem:v14+s2+$0x0], $0xffff;
	v5 =	vand.u32 $0x7FFFFFFF, v30  }
0xe5: {  	v25 =	vor.u32 v25, v8;
	v22 =	vor.u32 v9, v22;
	v30 =	vld.idx.msk [tilespmem:v15+s2+$0x0], $0xffff;
	v6 =	vand.u32 $0x7FFFFFFF, v31  }
0xe6: {  	v23 =	vor.u32 v26, v23;
	v7 =	vand.u32 $0x7FFFFFFF, v21;
	v21 =	vor.u32 v28, v27;
	[tilespmem:v33+s17+$0x0] =	vst.idx.add.f32.msk $0xffff, v29  }
0xe7: {  	v24 =	vor.u32 v36, v24;
	v26 =	vor.u32 v38, v32;
	v8 =	vand.u32 $0x7FFFFFFF, v34;
	v27 =	vld.idx.msk [tilespmem:v35+s2+$0x0], $0xffff  }
0xe8: {  	v28 =	vor.u32 $0x80, v14;
	v29 =	vor.u32 $0x80, v15;
	v31 =	vld.idx.msk [tilespmem:v10+s2+$0x0], $0xffff;
	v9 =	vand.u32 $0x7FFFFFFF, v37  }
0xe9: {  	v32 =	vor.u32 $0x80, v10;
	v34 =	vor.u32 $0x80, v11;
	v35 =	vor.u32 $0x80, v12;
	v33 =	vld.idx.msk [tilespmem:v11+s2+$0x0], $0xffff  }
0xea: {  	v38 =	vor.u32 $0x80, v13;
	v36 =	vmul.f32 v4, v39;
	v39 =	vor.u32 $0x100, v19;
	v37 =	vld.idx.msk [tilespmem:v12+s2+$0x0], $0xffff  }
0xeb: {  	v18 =	vor.u32 $0x180, v18;
	v41 =	vor.u32 $0x80, v16;
	v30 =	vmul.f32 v3, v30;
	v40 =	vld.idx.msk [tilespmem:v13+s2+$0x0], $0xffff  }
0xec: {  	v42 =	vor.u32 $0x80, v20;
	v44 =	vor.u32 $0x80, v25;
	v43 =	vor.u32 $0x80, v22;
	v45 =	vld.idx.msk [tilespmem:v16+s2+$0x0], $0xffff  }
0xed: {  	v46 =	vor.u32 $0x80, v21;
	v27 =	vmul.f32 v27, v17;
	[tilespmem:v20+s17+$0x0] =	vst.idx.add.f32.msk $0xffff, v36;
	v36 =	vor.u32 $0x80, v23  }
0xee: {  	v47 =	vor.u32 $0x80, v26;
	[tilespmem:v22+s17+$0x0] =	vst.idx.add.f32.msk $0xffff, v30;
	v30 =	vmul.f32 v5, v31;
	v31 =	vor.u32 $0x80, v24  }
0xef: {  	v48 =	vor.u32 $0x100, v14;
	v49 =	vor.u32 $0x100, v15;
	v33 =	vmul.f32 v6, v33;
	[tilespmem:v39+s17+$0x0] =	vst.idx.add.f32.msk $0xffff, v27  }
0xf0: {  	v27 =	vor.u32 $0x100, v10;
	v39 =	vor.u32 $0x100, v11;
	v37 =	vmul.f32 v7, v37;
	v18 =	vld.idx.msk [tilespmem:v18+s2+$0x0], $0xffff  }
0xf1: {  	v50 =	vor.u32 $0x100, v13;
	v40 =	vmul.f32 v8, v40;
	[tilespmem:v25+s17+$0x0] =	vst.idx.add.f32.msk $0xffff, v30;
	v30 =	vor.u32 $0x100, v12  }
0xf2: {  	v51 =	vor.u32 $0x100, v20;
	[tilespmem:v23+s17+$0x0] =	vst.idx.add.f32.msk $0xffff, v33;
	v33 =	vmul.f32 v9, v45;
	v45 =	vor.u32 $0x100, v16  }
0xf3: {  	v53 =	vor.u32 $0x100, v25;
	v52 =	vor.u32 $0x100, v22;
	v19 =	vor.u32 $0x180, v19;
	[tilespmem:v21+s17+$0x0] =	vst.idx.add.f32.msk $0xffff, v37  }
0xf4: {  	v54 =	vor.u32 $0x100, v21;
	v37 =	vor.u32 $0x100, v23;
	[tilespmem:v24+s17+$0x0] =	vst.idx.add.f32.msk $0xffff, v40;
	v40 =	vor.u32 $0x100, v24  }
0xf5: {  	v14 =	vor.u32 $0x180, v14;
	v15 =	vor.u32 $0x180, v15;
	[tilespmem:v26+s17+$0x0] =	vst.idx.add.f32.msk $0xffff, v33;
	v33 =	vor.u32 $0x100, v26  }
0xf6: {  	v10 =	vor.u32 $0x180, v10;
	v11 =	vor.u32 $0x180, v11;
	v17 =	vmul.f32 v18, v17;
	v28 =	vld.idx.msk [tilespmem:v28+s2+$0x0], $0xffff  }
0xf7: {  	v13 =	vor.u32 $0x180, v13;
	v12 =	vor.u32 $0x180, v12;
	v16 =	vor.u32 $0x180, v16;
	v18 =	vld.idx.msk [tilespmem:v29+s2+$0x0], $0xffff  }
0xf8: {  	v20 =	vor.u32 $0x180, v20;
	v22 =	vor.u32 $0x180, v22;
	v25 =	vor.u32 $0x180, v25;
	[tilespmem:v19+s17+$0x0] =	vst.idx.add.f32.msk $0xffff, v17  }
0xf9: {  	v21 =	vor.u32 $0x180, v21;
	v19 =	vor.u32 $0x180, v23;
	v23 =	vor.u32 $0x180, v24;
	v17 =	vld.idx.msk [tilespmem:v32+s2+$0x0], $0xffff  }
0xfa: {  	v26 =	vor.u32 $0x180, v26;
	v24 =	vld.idx.msk [tilespmem:v34+s2+$0x0], $0xffff  }
0xfb: {  	v29 =	vld.idx.msk [tilespmem:v35+s2+$0x0], $0xffff  }
0xfc: {  	v28 =	vmul.f32 v28, v4;
	v32 =	vld.idx.msk [tilespmem:v38+s2+$0x0], $0xffff  }
0xfd: {  	v18 =	vmul.f32 v18, v3;
	v34 =	vld.idx.msk [tilespmem:v41+s2+$0x0], $0xffff  }
0xfe: {  	[tilespmem:v42+s17+$0x0] =	vst.idx.add.f32.msk $0xffff, v28  }
0xff: {  	v17 =	vmul.f32 v17, v5;
	[tilespmem:v43+s17+$0x0] =	vst.idx.add.f32.msk $0xffff, v18  }
0x100: {  	v24 =	vmul.f32 v24, v6;
	v18 =	vld.idx.msk [tilespmem:v48+s2+$0x0], $0xffff  }
0x101: {  	[tilespmem:v44+s17+$0x0] =	vst.idx.add.f32.msk $0xffff, v17;
	v17 =	vmul.f32 v29, v7  }
0x102: {  	[tilespmem:v36+s17+$0x0] =	vst.idx.add.f32.msk $0xffff, v24;
	v24 =	vmul.f32 v32, v8  }
0x103: {  	[tilespmem:v46+s17+$0x0] =	vst.idx.add.f32.msk $0xffff, v17;
	v17 =	vmul.f32 v34, v9  }
0x104: {  	[tilespmem:v31+s17+$0x0] =	vst.idx.add.f32.msk $0xffff, v24  }
0x105: {  	[tilespmem:v47+s17+$0x0] =	vst.idx.add.f32.msk $0xffff, v17  }
0x106: {  	v17 =	vmul.f32 v18, v4;
	v18 =	vld.idx.msk [tilespmem:v49+s2+$0x0], $0xffff  }
0x107: {  	v24 =	vld.idx.msk [tilespmem:v27+s2+$0x0], $0xffff  }
0x108: {  	v27 =	vld.idx.msk [tilespmem:v39+s2+$0x0], $0xffff  }
0x109: {  	v28 =	vld.idx.msk [tilespmem:v30+s2+$0x0], $0xffff  }
0x10a: {  	v29 =	vld.idx.msk [tilespmem:v50+s2+$0x0], $0xffff  }
0x10b: {  	v30 =	vld.idx.msk [tilespmem:v45+s2+$0x0], $0xffff  }
0x10c: {  	[tilespmem:v51+s17+$0x0] =	vst.idx.add.f32.msk $0xffff, v17;
	v17 =	vmul.f32 v18, v3  }
0x10d: {  	v18 =	vmul.f32 v24, v5;
	v14 =	vld.idx.msk [tilespmem:v14+s2+$0x0], $0xffff  }
0x10e: {  	[tilespmem:v52+s17+$0x0] =	vst.idx.add.f32.msk $0xffff, v17;
	v17 =	vmul.f32 v27, v6  }
0x10f: {  	[tilespmem:v53+s17+$0x0] =	vst.idx.add.f32.msk $0xffff, v18;
	v18 =	vmul.f32 v28, v7  }
0x110: {  	[tilespmem:v37+s17+$0x0] =	vst.idx.add.f32.msk $0xffff, v17;
	v17 =	vmul.f32 v29, v8  }
0x111: {  	[tilespmem:v54+s17+$0x0] =	vst.idx.add.f32.msk $0xffff, v18;
	v18 =	vmul.f32 v30, v9  }
0x112: {  	[tilespmem:v40+s17+$0x0] =	vst.idx.add.f32.msk $0xffff, v17  }
0x113: {  	v4 =	vmul.f32 v14, v4;
	[tilespmem:v33+s17+$0x0] =	vst.idx.add.f32.msk $0xffff, v18  }
0x114: {  	v14 =	vld.idx.msk [tilespmem:v15+s2+$0x0], $0xffff  }
0x115: {  	v10 =	vld.idx.msk [tilespmem:v10+s2+$0x0], $0xffff  }
0x116: {  	v11 =	vld.idx.msk [tilespmem:v11+s2+$0x0], $0xffff  }
0x117: {  	v12 =	vld.idx.msk [tilespmem:v12+s2+$0x0], $0xffff  }
0x118: {  	v13 =	vld.idx.msk [tilespmem:v13+s2+$0x0], $0xffff  }
0x119: {  	v15 =	vld.idx.msk [tilespmem:v16+s2+$0x0], $0xffff  }
0x11a: {  	v3 =	vmul.f32 v14, v3;
	[tilespmem:v20+s17+$0x0] =	vst.idx.add.f32.msk $0xffff, v4  }
0x11b: {  	v4 =	vmul.f32 v10, v5;
	[tilespmem:v1+s17+$0x0] =	vst.idx.add.f32.msk $0xffff, v2;
	v1 =	vmov v26  }
.Ltmp3:
0x11c: {  	v2 =	vmul.f32 v11, v6;
	[tilespmem:v22+s17+$0x0] =	vst.idx.add.f32.msk $0xffff, v3;
	(pc) =	sbr.rel @p0 .LBB2_5-.Ltmp3, $4  }
0x11d: {  	v3 =	vmul.f32 v12, v7;
	[tilespmem:v25+s17+$0x0] =	vst.idx.add.f32.msk $0xffff, v4  }
0x11e: {  	v4 =	vmul.f32 v13, v8;
	[tilespmem:v19+s17+$0x0] =	vst.idx.add.f32.msk $0xffff, v2  }
0x11f: {  	v2 =	vmul.f32 v15, v9;
	[tilespmem:v21+s17+$0x0] =	vst.idx.add.f32.msk $0xffff, v3  }
0x120: {  	s22 =	sadd.s32 $0x200, s22;
	[tilespmem:v23+s17+$0x0] =	vst.idx.add.f32.msk $0xffff, v4  }
0x121: {  	p0 =	seq.s32 s20, $0x18  }
0x122: {  	s0 =	smul.u32 @!p0 $0x1900, s20;
	_ =	sdelay $0x1  }
0x123: {  	s0 =	sadd.s32 @!p0 s0, s7  }
0x124: {  	s0 =	sshrl.u32 @!p0 s0, $0x1  }
0x125: {  	[tilespmem:v1+s17+$0x0] =	vst.idx.add.f32.msk $0xffff, v2;
	s1 =	simm.s32 @!p0 $0x0;
	s4 =	simm.s32 @!p0 $0x14000;
	s0 =	sadd.s32 @!p0 s3, s0  }
0x126: {  	[tilespmem:s4], [sflag:$0x1] =	stream.linear.gather @!p0 [hbm4b:s0+s1], $0x3200, $0x38;
	[tilespmem:$0x1A400] =	vst v63  }
0x127: {  	_ =	swait.ge [sflag:s18], $0x3200  }
0x128: {  	[sflag:s18] =	ssyncset.done $0x0  }
0x129: {  	s31 =	simm.s32 $0x17370;
	[sflag:s18] =	ssyncadd.s32 $0xFFFFCE00  }
0x12a: {  	v1 =	vld [tilespmem:s31+$0xFFFFFF00]  }
0x12b: {  	v2 =	vld [tilespmem:s31+$0xFFFFFEA0]  }
0x12c: {  	v3 =	vld [tilespmem:s31+$0xFFFFFEB0]  }
0x12d: {  	v4 =	vld [tilespmem:s31+$0xFFFFFEC0]  }
0x12e: {  	v5 =	vld [tilespmem:s31+$0xFFFFFED0]  }
0x12f: {  	v6 =	vld [tilespmem:s31+$0xFFFFFEE0]  }
0x130: {  	v8 =	vld [tilespmem:s31+$0xFFFFFEF0]  }
0x131: {  	v9 =	vld [tilespmem:s31+$0xFFFFFE90]  }
0x132: {  	v51 =	vld [tilespmem:s31+$0xFFFFFF10]  }
0x133: {  	v11 =	vld [tilespmem:s31+$0xFFFFFF20]  }
0x134: {  	v12 =	vld [tilespmem:s31+$0x0]  }
0x135: {  	v14 =	vld [tilespmem:s31+$0xFFFFFF30]  }
0x136: {  	v17 =	vld [tilespmem:s31+$0xFFFFFF40]  }
0x137: {  	v18 =	vld [tilespmem:s31+$0xFFFFFF50];
	v7 =	vshll.u32 v1, $0x2;
	v1 =	vand.u32 $0x7F, v1  }
0x138: {  	v19 =	vld [tilespmem:s31+$0xFFFFFF60];
	v16 =	vshll.u32 v2, $0x2;
	v2 =	vand.u32 $0x7F, v2;
	v21 =	vshll.u32 v4, $0x2  }
0x139: {  	v22 =	vld [tilespmem:s31+$0xFFFFFF70];
	v4 =	vand.u32 $0x7F, v4;
	v26 =	vshll.u32 v6, $0x2;
	v7 =	vand.u32 $0xFFFFFE00, v7  }
0x13a: {  	v16 =	vand.u32 $0xFFFFFE00, v16;
	v21 =	vand.u32 $0xFFFFFE00, v21;
	v10 =	vor.u32 v1, v7;
	v1 =	vld [tilespmem:s31+$0xFFFFFF80]  }
0x13b: {  	v24 =	vld [tilespmem:s31+$0xFFFFFF90];
	v29 =	vand.u32 $0x7F, v6;
	v6 =	vor.u32 v2, v16;
	v2 =	vor.u32 v4, v21  }
0x13c: {  	v25 =	vld [tilespmem:s31+$0xFFFFFFA0];
	v12 =	vand.u32 $0x7FFFFFFF, v12;
	v23 =	vshll.u32 v5, $0x2;
	v27 =	vand.u32 $0x7F, v5  }
0x13d: {  	v28 =	vld [tilespmem:s31+$0xFFFFFFB0];
	v52 =	vshll.u32 v9, $0x2;
	v53 =	vshll.u32 v8, $0x2;
	v9 =	vand.u32 $0x7F, v9  }
0x13e: {  	v54 =	vld [tilespmem:s31+$0xFFFFFFC0];
	v8 =	vand.u32 $0x7F, v8;
	v58 =	vshll.u32 v51, $0x2;
	v5 =	vand.u32 $0xFFFFFE00, v52  }
0x13f: {  	v59 =	vshll.u32 v11, $0x2;
	v9 =	vor.u32 v9, v5;
	v13 =	vld.idx.msk [tilespmem:v10+s2+$0x0], $0xffff;
	v15 =	vshll.u32 v1, $0x2  }
0x140: {  	v31 =	vshll.u32 v17, $0x2;
	v1 =	vand.u32 $0x7F, v1;
	v42 =	vld.idx.msk [tilespmem:v2+s2+$0x0], $0xffff;
	v15 =	vand.u32 $0xFFFFFE00, v15  }
0x141: {  	v55 =	vld [tilespmem:s31+$0xFFFFFFD0];
	v17 =	vand.u32 $0x7F, v17;
	v31 =	vand.u32 $0xFFFFFE00, v31;
	v15 =	vor.u32 v1, v15  }
0x142: {  	v56 =	vld [tilespmem:s31+$0xFFFFFFE0];
	v23 =	vand.u32 $0xFFFFFE00, v23;
	v17 =	vor.u32 v17, v31;
	v1 =	vshll.u32 v3, $0x2  }
0x143: {  	v60 =	vld [tilespmem:s31+$0xFFFFFFF0];
	v20 =	vor.u32 $0x80, v10;
	v3 =	vand.u32 $0x7F, v3;
	v1 =	vand.u32 $0xFFFFFE00, v1  }
0x144: {  	v16 =	vand.u32 $0x7FFFFFFF, v54;
	v32 =	vld.idx.msk [tilespmem:v9+s2+$0x0], $0xffff;
	v5 =	vor.u32 v3, v1;
	v13 =	vmul.f32 v12, v13  }
0x145: {  	v26 =	vand.u32 $0xFFFFFE00, v26;
	v34 =	vld.idx.msk [tilespmem:v6+s2+$0x0], $0xffff;
	v3 =	vor.u32 v27, v23;
	v47 =	vmul.f32 v16, v42  }
0x146: {  	v7 =	vand.u32 $0x7F, v51;
	v1 =	vor.u32 v29, v26;
	v27 =	vand.u32 $0xFFFFFE00, v58;
	[tilespmem:v15+s17+$0x0] =	vst.idx.add.f32.msk $0xffff, v13  }
0x147: {  	v61 =	vshll.u32 v14, $0x2;
	v33 =	vshll.u32 v18, $0x2;
	v27 =	vor.u32 v7, v27;
	[tilespmem:v17+s17+$0x0] =	vst.idx.add.f32.msk $0xffff, v47  }
0x148: {  	v11 =	vand.u32 $0x7F, v11;
	v13 =	vand.u32 $0xFFFFFE00, v53;
	v53 =	vor.u32 $0x80, v2;
	v20 =	vld.idx.msk [tilespmem:v20+s2+$0x0], $0xffff  }
0x149: {  	v7 =	vand.u32 $0x7FFFFFFF, v24;
	v4 =	vor.u32 v8, v13;
	v8 =	vand.u32 $0xFFFFFE00, v59;
	v40 =	vld.idx.msk [tilespmem:v5+s2+$0x0], $0xffff  }
0x14a: {  	v35 =	vshll.u32 v19, $0x2;
	v32 =	vmul.f32 v7, v32;
	v11 =	vor.u32 v11, v8;
	v43 =	vld.idx.msk [tilespmem:v3+s2+$0x0], $0xffff  }
0x14b: {  	v39 =	vshll.u32 v22, $0x2;
	v14 =	vand.u32 $0x7F, v14;
	v30 =	vor.u32 $0x80, v15;
	v37 =	vld.idx.msk [tilespmem:v1+s2+$0x0], $0xffff  }
0x14c: {  	v49 =	vor.u32 $0x80, v6;
	v29 =	vand.u32 $0xFFFFFE00, v61;
	v8 =	vand.u32 $0x7FFFFFFF, v25;
	[tilespmem:v27+s17+$0x0] =	vst.idx.add.f32.msk $0xffff, v32  }
0x14d: {  	v57 =	vor.u32 $0x100, v10;
	v14 =	vor.u32 v14, v29;
	v44 =	vmul.f32 v8, v34;
	v29 =	vld.idx.msk [tilespmem:v53+s2+$0x0], $0xffff  }
0x14e: {  	v18 =	vand.u32 $0x7F, v18;
	v62 =	vand.u32 $0xFFFFFE00, v33;
	v20 =	vmul.f32 v20, v12;
	v45 =	vld.idx.msk [tilespmem:v4+s2+$0x0], $0xffff  }
0x14f: {  	v19 =	vand.u32 $0x7F, v19;
	v63 =	vand.u32 $0xFFFFFE00, v35;
	v18 =	vor.u32 v18, v62;
	[tilespmem:v11+s17+$0x0] =	vst.idx.add.f32.msk $0xffff, v44  }
0x150: {  	v22 =	vand.u32 $0x7F, v22;
	v28 =	vand.u32 $0x7FFFFFFF, v28;
	v19 =	vor.u32 v19, v63;
	[tilespmem:v30+s17+$0x0] =	vst.idx.add.f32.msk $0xffff, v20  }
0x151: {  	v21 =	vand.u32 $0x7FFFFFFF, v55;
	v52 =	vor.u32 $0x80, v5;
	v46 =	vmul.f32 v28, v40;
	v20 =	vld.idx.msk [tilespmem:v49+s2+$0x0], $0xffff  }
0x152: {  	v23 =	vand.u32 $0x7FFFFFFF, v56;
	v54 =	vor.u32 $0x80, v3;
	v25 =	vmul.f32 v21, v43;
	v26 =	vld.idx.msk [tilespmem:v57+s2+$0x0], $0xffff  }
0x153: {  	v41 =	vand.u32 $0xFFFFFE00, v39;
	v62 =	vor.u32 $0x80, v17;
	v50 =	vmul.f32 v23, v37;
	[tilespmem:v14+s17+$0x0] =	vst.idx.add.f32.msk $0xffff, v46  }
0x154: {  	v22 =	vor.u32 v22, v41;
	[tilespmem:v18+s17+$0x0] =	vst.idx.add.f32.msk $0xffff, v25  }
0x155: {  	v56 =	vor.u32 $0x80, v4;
	[tilespmem:v19+s17+$0x0] =	vst.idx.add.f32.msk $0xffff, v50  }
0x156: {  	v13 =	vand.u32 $0x7FFFFFFF, v60;
	v59 =	vor.u32 $0x80, v11;
	v58 =	vld.idx.msk [tilespmem:v52+s2+$0x0], $0xffff;
	v39 =	vmul.f32 v29, v16  }
0x157: {  	v36 =	vor.u32 $0x100, v15;
	v24 =	vld.idx.msk [tilespmem:v54+s2+$0x0], $0xffff;
	v51 =	vmul.f32 v13, v45  }
0x158: {  	v48 =	vor.u32 $0x80, v9;
	[tilespmem:v62+s17+$0x0] =	vst.idx.add.f32.msk $0xffff, v39  }
0x159: {  	v10 =	vor.u32 $0x180, v10;
	[tilespmem:v22+s17+$0x0] =	vst.idx.add.f32.msk $0xffff, v51;
	v20 =	vmul.f32 v20, v8  }
0x15a: {  	v40 =	vor.u32 $0x100, v6;
	v26 =	vmul.f32 v26, v12;
	v30 =	vld.idx.msk [tilespmem:v56+s2+$0x0], $0xffff  }
0x15b: {  	v63 =	vor.u32 $0x80, v18;
	[tilespmem:v59+s17+$0x0] =	vst.idx.add.f32.msk $0xffff, v20  }
0x15c: {  	v45 =	vor.u32 $0x100, v3;
	[tilespmem:v36+s17+$0x0] =	vst.idx.add.f32.msk $0xffff, v26  }
0x15d: {  	v37 =	vor.u32 $0x80, v22;
	v26 =	vld.idx.msk [tilespmem:v48+s2+$0x0], $0xffff  }
0x15e: {  	v55 =	vor.u32 $0x80, v1;
	v41 =	vmul.f32 v24, v21;
	v10 =	vld.idx.msk [tilespmem:v10+s2+$0x0], $0xffff  }
0x15f: {  	v57 =	vor.u32 $0x80, v27;
	v48 =	vld.idx.msk [tilespmem:v40+s2+$0x0], $0xffff  }
0x160: {  	v43 =	vor.u32 $0x100, v2;
	[tilespmem:v63+s17+$0x0] =	vst.idx.add.f32.msk $0xffff, v41;
	v44 =	vmul.f32 v30, v13  }
0x161: {  	v15 =	vor.u32 $0x180, v15;
	v30 =	vld.idx.msk [tilespmem:v45+s2+$0x0], $0xffff  }
0x162: {  	v60 =	vor.u32 $0x100, v9;
	v26 =	vmul.f32 v26, v7;
	[tilespmem:v37+s17+$0x0] =	vst.idx.add.f32.msk $0xffff, v44  }
0x163: {  	v61 =	vor.u32 $0x80, v14;
	v10 =	vmul.f32 v10, v12;
	v12 =	vld.idx.msk [tilespmem:v55+s2+$0x0], $0xffff  }
0x164: {  	v53 =	vor.u32 $0x100, v18;
	[tilespmem:v57+s17+$0x0] =	vst.idx.add.f32.msk $0xffff, v26  }
0x165: {  	v42 =	vor.u32 $0x100, v5;
	v26 =	vld.idx.msk [tilespmem:v43+s2+$0x0], $0xffff  }
0x166: {  	v3 =	vor.u32 $0x180, v3;
	[tilespmem:v15+s17+$0x0] =	vst.idx.add.f32.msk $0xffff, v10;
	v15 =	vmul.f32 v58, v28  }
0x167: {  	v50 =	vor.u32 $0x100, v11;
	v38 =	vld.idx.msk [tilespmem:v60+s2+$0x0], $0xffff;
	v57 =	vmul.f32 v30, v21  }
0x168: {  	v36 =	vor.u32 $0x80, v19;
	[tilespmem:v61+s17+$0x0] =	vst.idx.add.f32.msk $0xffff, v15  }
0x169: {  	v47 =	vor.u32 $0x100, v4;
	[tilespmem:v53+s17+$0x0] =	vst.idx.add.f32.msk $0xffff, v57  }
0x16a: {  	v6 =	vor.u32 $0x180, v6;
	v15 =	vmul.f32 v48, v8;
	v24 =	vld.idx.msk [tilespmem:v42+s2+$0x0], $0xffff  }
0x16b: {  	v46 =	vor.u32 $0x100, v1;
	v12 =	vmul.f32 v12, v23;
	v3 =	vld.idx.msk [tilespmem:v3+s2+$0x0], $0xffff  }
0x16c: {  	v52 =	vor.u32 $0x100, v17;
	[tilespmem:v50+s17+$0x0] =	vst.idx.add.f32.msk $0xffff, v15  }
0x16d: {  	v49 =	vor.u32 $0x100, v27;
	[tilespmem:v36+s17+$0x0] =	vst.idx.add.f32.msk $0xffff, v12  }
0x16e: {  	v2 =	vor.u32 $0x180, v2;
	v12 =	vld.idx.msk [tilespmem:v47+s2+$0x0], $0xffff  }
0x16f: {  	v9 =	vor.u32 $0x180, v9;
	v56 =	vmul.f32 v26, v16;
	v6 =	vld.idx.msk [tilespmem:v6+s2+$0x0], $0xffff  }
0x170: {  	v51 =	vor.u32 $0x100, v14;
	v25 =	vmul.f32 v38, v7;
	v10 =	vld.idx.msk [tilespmem:v46+s2+$0x0], $0xffff  }
0x171: {  	v61 =	vor.u32 $0x180, v18;
	[tilespmem:v52+s17+$0x0] =	vst.idx.add.f32.msk $0xffff, v56  }
0x172: {  	v5 =	vor.u32 $0x180, v5;
	[tilespmem:v49+s17+$0x0] =	vst.idx.add.f32.msk $0xffff, v25  }
0x173: {  	v54 =	vor.u32 $0x100, v19;
	v2 =	vld.idx.msk [tilespmem:v2+s2+$0x0], $0xffff;
	v24 =	vmul.f32 v24, v28  }
0x174: {  	v1 =	vor.u32 $0x180, v1;
	v9 =	vld.idx.msk [tilespmem:v9+s2+$0x0], $0xffff;
	v3 =	vmul.f32 v3, v21  }
0x175: {  	v55 =	vor.u32 $0x100, v22;
	[tilespmem:v51+s17+$0x0] =	vst.idx.add.f32.msk $0xffff, v24  }
0x176: {  	v4 =	vor.u32 $0x180, v4;
	[tilespmem:v61+s17+$0x0] =	vst.idx.add.f32.msk $0xffff, v3;
	v10 =	vmul.f32 v10, v23  }
0x177: {  	v11 =	vor.u32 $0x180, v11;
	v5 =	vld.idx.msk [tilespmem:v5+s2+$0x0], $0xffff  }
0x178: {  	v60 =	vor.u32 $0x180, v17;
	v12 =	vmul.f32 v12, v13;
	[tilespmem:v54+s17+$0x0] =	vst.idx.add.f32.msk $0xffff, v10  }
0x179: {  	v58 =	vor.u32 $0x180, v27;
	v1 =	vld.idx.msk [tilespmem:v1+s2+$0x0], $0xffff  }
0x17a: {  	v59 =	vor.u32 $0x180, v14;
	v6 =	vmul.f32 v6, v8;
	[tilespmem:v55+s17+$0x0] =	vst.idx.add.f32.msk $0xffff, v12  }
0x17b: {  	v62 =	vor.u32 $0x180, v19;
	v2 =	vmul.f32 v2, v16;
	v4 =	vld.idx.msk [tilespmem:v4+s2+$0x0], $0xffff  }
0x17c: {  	[tilespmem:v11+s17+$0x0] =	vst.idx.add.f32.msk $0xffff, v6;
	v7 =	vmul.f32 v9, v7  }
0x17d: {  	[tilespmem:v60+s17+$0x0] =	vst.idx.add.f32.msk $0xffff, v2;
	v5 =	vmul.f32 v5, v28  }
0x17e: {  	[tilespmem:v58+s17+$0x0] =	vst.idx.add.f32.msk $0xffff, v7;
	v63 =	vmul.f32 v1, v23  }
0x17f: {  	[tilespmem:v59+s17+$0x0] =	vst.idx.add.f32.msk $0xffff, v5  }
0x180: {  	s21 =	simm.s32 $0x0;
	s22 =	simm.s32 $0x17570;
	v2 =	vmul.f32 v4, v13;
	v1 =	vor.u32 $0x180, v22;
	[tilespmem:v62+s17+$0x0] =	vst.idx.add.f32.msk $0xffff, v63  }
.LBB2_7:
0x181: {  	v3 =	vld [tilespmem:s22+$0xFFFFFF00];
	s21 =	sadd.s32 $0x8, s21  }
0x182: {  	v4 =	vld [tilespmem:s22+$0xFFFFFEA0];
	p1 =	slt.u32 s21, $0xC0  }
0x183: {  	v5 =	vld [tilespmem:s22+$0xFFFFFEB0]  }
0x184: {  	v6 =	vld [tilespmem:s22+$0xFFFFFEC0]  }
0x185: {  	v7 =	vld [tilespmem:s22+$0xFFFFFED0]  }
0x186: {  	v8 =	vld [tilespmem:s22+$0xFFFFFEE0];
	v9 =	vshll.u32 v3, $0x2  }
0x187: {  	v3 =	vand.u32 $0x7F, v3;
	v10 =	vshll.u32 v4, $0x2;
	v11 =	vld [tilespmem:s22+$0xFFFFFEF0];
	v9 =	vand.u32 $0xFFFFFE00, v9  }
0x188: {  	v12 =	vld [tilespmem:s22+$0xFFFFFE90];
	v10 =	vand.u32 $0xFFFFFE00, v10;
	v13 =	vshll.u32 v5, $0x2;
	v18 =	vor.u32 v3, v9  }
0x189: {  	v3 =	vand.u32 $0x7F, v4;
	v4 =	vand.u32 $0xFFFFFE00, v13;
	v9 =	vshll.u32 v6, $0x2;
	v13 =	vld [tilespmem:s22+$0xFFFFFF80]  }
0x18a: {  	v5 =	vand.u32 $0x7F, v5;
	v20 =	vld [tilespmem:s22+$0xFFFFFF10];
	v9 =	vand.u32 $0xFFFFFE00, v9;
	v14 =	vshll.u32 v7, $0x2  }
0x18b: {  	v6 =	vand.u32 $0x7F, v6;
	v21 =	vld [tilespmem:s22+$0xFFFFFF20];
	v16 =	vand.u32 $0xFFFFFE00, v14;
	v14 =	vshll.u32 v8, $0x2  }
0x18c: {  	v7 =	vand.u32 $0x7F, v7;
	v17 =	vand.u32 $0xFFFFFE00, v14;
	v14 =	vshll.u32 v11, $0x2;
	v22 =	vld [tilespmem:s22+$0x0]  }
0x18d: {  	v15 =	vand.u32 $0x7F, v12;
	v12 =	vshll.u32 v12, $0x2;
	v23 =	vand.u32 $0xFFFFFE00, v14;
	v24 =	vld.idx.msk [tilespmem:v18+s2+$0x0], $0xffff  }
0x18e: {  	v8 =	vand.u32 $0x7F, v8;
	v12 =	vand.u32 $0xFFFFFE00, v12;
	v25 =	vld [tilespmem:s22+$0xFFFFFF30];
	v14 =	vshll.u32 v13, $0x2  }
0x18f: {  	v27 =	vand.u32 $0x7F, v11;
	v11 =	vand.u32 $0x7F, v13;
	v26 =	vld [tilespmem:s22+$0xFFFFFF40];
	v13 =	vand.u32 $0xFFFFFE00, v14  }
0x190: {  	v14 =	vor.u32 v15, v12;
	v15 =	vor.u32 v3, v10;
	v28 =	vld [tilespmem:s22+$0xFFFFFF50];
	v19 =	vor.u32 v11, v13  }
0x191: {  	v10 =	vor.u32 v5, v4;
	v3 =	vor.u32 $0x80, v18;
	v11 =	vor.u32 v6, v9;
	v5 =	vld [tilespmem:s22+$0xFFFFFF60]  }
0x192: {  	v12 =	vor.u32 v7, v16;
	v13 =	vor.u32 v8, v17;
	v17 =	vand.u32 $0x7FFFFFFF, v22;
	v6 =	vld [tilespmem:s22+$0xFFFFFF70]  }
0x193: {  	v7 =	vshll.u32 v20, $0x2;
	v16 =	vor.u32 v27, v23;
	v8 =	vmul.f32 v17, v24;
	v4 =	vld [tilespmem:s22+$0xFFFFFF90]  }
0x194: {  	v22 =	vshll.u32 v21, $0x2;
	v23 =	vshll.u32 v25, $0x2;
	v9 =	vld [tilespmem:s22+$0xFFFFFFA0];
	v24 =	vshll.u32 v26, $0x2  }
0x195: {  	v7 =	vand.u32 $0xFFFFFE00, v7;
	v22 =	vand.u32 $0xFFFFFE00, v22;
	v27 =	vshll.u32 v28, $0x2;
	[tilespmem:v19+s17+$0x0] =	vst.idx.add.f32.msk $0xffff, v8  }
0x196: {  	v8 =	vand.u32 $0xFFFFFE00, v23;
	v23 =	vand.u32 $0xFFFFFE00, v24;
	v24 =	vshll.u32 v5, $0x2;
	v29 =	vld.idx.msk [tilespmem:v3+s2+$0x0], $0xffff  }
0x197: {  	v27 =	vand.u32 $0xFFFFFE00, v27;
	v30 =	vld [tilespmem:s22+$0xFFFFFFB0];
	v24 =	vand.u32 $0xFFFFFE00, v24;
	v3 =	vshll.u32 v6, $0x2  }
0x198: {  	v20 =	vand.u32 $0x7F, v20;
	v4 =	vand.u32 $0x7FFFFFFF, v4;
	v31 =	vld [tilespmem:s22+$0xFFFFFFC0];
	v32 =	vand.u32 $0xFFFFFE00, v3  }
0x199: {  	v33 =	vor.u32 $0x80, v19;
	v3 =	vand.u32 $0x7FFFFFFF, v9;
	v9 =	vand.u32 $0x7F, v21;
	v21 =	vld [tilespmem:s22+$0xFFFFFFD0]  }
0x19a: {  	v35 =	vor.u32 $0x100, v18;
	v25 =	vand.u32 $0x7F, v25;
	v26 =	vand.u32 $0x7F, v26;
	v34 =	vld [tilespmem:s22+$0xFFFFFFE0]  }
0x19b: {  	v28 =	vand.u32 $0x7F, v28;
	v36 =	vand.u32 $0x7F, v5;
	v38 =	vand.u32 $0x7F, v6;
	v37 =	vld [tilespmem:s22+$0xFFFFFFF0]  }
0x19c: {  	v20 =	vor.u32 v20, v7;
	v29 =	vmul.f32 v29, v17;
	v39 =	vld.idx.msk [tilespmem:v14+s2+$0x0], $0xffff;
	v5 =	vand.u32 $0x7FFFFFFF, v30  }
0x19d: {  	v25 =	vor.u32 v25, v8;
	v22 =	vor.u32 v9, v22;
	v30 =	vld.idx.msk [tilespmem:v15+s2+$0x0], $0xffff;
	v6 =	vand.u32 $0x7FFFFFFF, v31  }
0x19e: {  	v23 =	vor.u32 v26, v23;
	v7 =	vand.u32 $0x7FFFFFFF, v21;
	v21 =	vor.u32 v28, v27;
	[tilespmem:v33+s17+$0x0] =	vst.idx.add.f32.msk $0xffff, v29  }
0x19f: {  	v24 =	vor.u32 v36, v24;
	v26 =	vor.u32 v38, v32;
	v8 =	vand.u32 $0x7FFFFFFF, v34;
	v27 =	vld.idx.msk [tilespmem:v35+s2+$0x0], $0xffff  }
0x1a0: {  	v28 =	vor.u32 $0x80, v14;
	v29 =	vor.u32 $0x80, v15;
	v31 =	vld.idx.msk [tilespmem:v10+s2+$0x0], $0xffff;
	v9 =	vand.u32 $0x7FFFFFFF, v37  }
0x1a1: {  	v32 =	vor.u32 $0x80, v10;
	v34 =	vor.u32 $0x80, v11;
	v35 =	vor.u32 $0x80, v12;
	v33 =	vld.idx.msk [tilespmem:v11+s2+$0x0], $0xffff  }
0x1a2: {  	v38 =	vor.u32 $0x80, v13;
	v36 =	vmul.f32 v4, v39;
	v39 =	vor.u32 $0x100, v19;
	v37 =	vld.idx.msk [tilespmem:v12+s2+$0x0], $0xffff  }
0x1a3: {  	v18 =	vor.u32 $0x180, v18;
	v41 =	vor.u32 $0x80, v16;
	v30 =	vmul.f32 v3, v30;
	v40 =	vld.idx.msk [tilespmem:v13+s2+$0x0], $0xffff  }
0x1a4: {  	v42 =	vor.u32 $0x80, v20;
	v44 =	vor.u32 $0x80, v25;
	v43 =	vor.u32 $0x80, v22;
	v45 =	vld.idx.msk [tilespmem:v16+s2+$0x0], $0xffff  }
0x1a5: {  	v46 =	vor.u32 $0x80, v21;
	v27 =	vmul.f32 v27, v17;
	[tilespmem:v20+s17+$0x0] =	vst.idx.add.f32.msk $0xffff, v36;
	v36 =	vor.u32 $0x80, v23  }
0x1a6: {  	v47 =	vor.u32 $0x80, v26;
	[tilespmem:v22+s17+$0x0] =	vst.idx.add.f32.msk $0xffff, v30;
	v30 =	vmul.f32 v5, v31;
	v31 =	vor.u32 $0x80, v24  }
0x1a7: {  	v48 =	vor.u32 $0x100, v14;
	v49 =	vor.u32 $0x100, v15;
	v33 =	vmul.f32 v6, v33;
	[tilespmem:v39+s17+$0x0] =	vst.idx.add.f32.msk $0xffff, v27  }
0x1a8: {  	v27 =	vor.u32 $0x100, v10;
	v39 =	vor.u32 $0x100, v11;
	v37 =	vmul.f32 v7, v37;
	v18 =	vld.idx.msk [tilespmem:v18+s2+$0x0], $0xffff  }
0x1a9: {  	v50 =	vor.u32 $0x100, v13;
	v40 =	vmul.f32 v8, v40;
	[tilespmem:v25+s17+$0x0] =	vst.idx.add.f32.msk $0xffff, v30;
	v30 =	vor.u32 $0x100, v12  }
0x1aa: {  	v51 =	vor.u32 $0x100, v20;
	[tilespmem:v23+s17+$0x0] =	vst.idx.add.f32.msk $0xffff, v33;
	v33 =	vmul.f32 v9, v45;
	v45 =	vor.u32 $0x100, v16  }
0x1ab: {  	v53 =	vor.u32 $0x100, v25;
	v52 =	vor.u32 $0x100, v22;
	v19 =	vor.u32 $0x180, v19;
	[tilespmem:v21+s17+$0x0] =	vst.idx.add.f32.msk $0xffff, v37  }
0x1ac: {  	v54 =	vor.u32 $0x100, v21;
	v37 =	vor.u32 $0x100, v23;
	[tilespmem:v24+s17+$0x0] =	vst.idx.add.f32.msk $0xffff, v40;
	v40 =	vor.u32 $0x100, v24  }
0x1ad: {  	v14 =	vor.u32 $0x180, v14;
	v15 =	vor.u32 $0x180, v15;
	[tilespmem:v26+s17+$0x0] =	vst.idx.add.f32.msk $0xffff, v33;
	v33 =	vor.u32 $0x100, v26  }
0x1ae: {  	v10 =	vor.u32 $0x180, v10;
	v11 =	vor.u32 $0x180, v11;
	v17 =	vmul.f32 v18, v17;
	v28 =	vld.idx.msk [tilespmem:v28+s2+$0x0], $0xffff  }
0x1af: {  	v13 =	vor.u32 $0x180, v13;
	v12 =	vor.u32 $0x180, v12;
	v16 =	vor.u32 $0x180, v16;
	v18 =	vld.idx.msk [tilespmem:v29+s2+$0x0], $0xffff  }
0x1b0: {  	v20 =	vor.u32 $0x180, v20;
	v22 =	vor.u32 $0x180, v22;
	v25 =	vor.u32 $0x180, v25;
	[tilespmem:v19+s17+$0x0] =	vst.idx.add.f32.msk $0xffff, v17  }
0x1b1: {  	v21 =	vor.u32 $0x180, v21;
	v19 =	vor.u32 $0x180, v23;
	v23 =	vor.u32 $0x180, v24;
	v17 =	vld.idx.msk [tilespmem:v32+s2+$0x0], $0xffff  }
0x1b2: {  	v26 =	vor.u32 $0x180, v26;
	v24 =	vld.idx.msk [tilespmem:v34+s2+$0x0], $0xffff  }
0x1b3: {  	v29 =	vld.idx.msk [tilespmem:v35+s2+$0x0], $0xffff  }
0x1b4: {  	v28 =	vmul.f32 v28, v4;
	v32 =	vld.idx.msk [tilespmem:v38+s2+$0x0], $0xffff  }
0x1b5: {  	v18 =	vmul.f32 v18, v3;
	v34 =	vld.idx.msk [tilespmem:v41+s2+$0x0], $0xffff  }
0x1b6: {  	[tilespmem:v42+s17+$0x0] =	vst.idx.add.f32.msk $0xffff, v28  }
0x1b7: {  	v17 =	vmul.f32 v17, v5;
	[tilespmem:v43+s17+$0x0] =	vst.idx.add.f32.msk $0xffff, v18  }
0x1b8: {  	v24 =	vmul.f32 v24, v6;
	v18 =	vld.idx.msk [tilespmem:v48+s2+$0x0], $0xffff  }
0x1b9: {  	[tilespmem:v44+s17+$0x0] =	vst.idx.add.f32.msk $0xffff, v17;
	v17 =	vmul.f32 v29, v7  }
0x1ba: {  	[tilespmem:v36+s17+$0x0] =	vst.idx.add.f32.msk $0xffff, v24;
	v24 =	vmul.f32 v32, v8  }
0x1bb: {  	[tilespmem:v46+s17+$0x0] =	vst.idx.add.f32.msk $0xffff, v17;
	v17 =	vmul.f32 v34, v9  }
0x1bc: {  	[tilespmem:v31+s17+$0x0] =	vst.idx.add.f32.msk $0xffff, v24  }
0x1bd: {  	[tilespmem:v47+s17+$0x0] =	vst.idx.add.f32.msk $0xffff, v17  }
0x1be: {  	v17 =	vmul.f32 v18, v4;
	v18 =	vld.idx.msk [tilespmem:v49+s2+$0x0], $0xffff  }
0x1bf: {  	v24 =	vld.idx.msk [tilespmem:v27+s2+$0x0], $0xffff  }
0x1c0: {  	v27 =	vld.idx.msk [tilespmem:v39+s2+$0x0], $0xffff  }
0x1c1: {  	v28 =	vld.idx.msk [tilespmem:v30+s2+$0x0], $0xffff  }
0x1c2: {  	v29 =	vld.idx.msk [tilespmem:v50+s2+$0x0], $0xffff  }
0x1c3: {  	v30 =	vld.idx.msk [tilespmem:v45+s2+$0x0], $0xffff  }
0x1c4: {  	[tilespmem:v51+s17+$0x0] =	vst.idx.add.f32.msk $0xffff, v17;
	v17 =	vmul.f32 v18, v3  }
0x1c5: {  	v18 =	vmul.f32 v24, v5;
	v14 =	vld.idx.msk [tilespmem:v14+s2+$0x0], $0xffff  }
0x1c6: {  	[tilespmem:v52+s17+$0x0] =	vst.idx.add.f32.msk $0xffff, v17;
	v17 =	vmul.f32 v27, v6  }
0x1c7: {  	[tilespmem:v53+s17+$0x0] =	vst.idx.add.f32.msk $0xffff, v18;
	v18 =	vmul.f32 v28, v7  }
0x1c8: {  	[tilespmem:v37+s17+$0x0] =	vst.idx.add.f32.msk $0xffff, v17;
	v17 =	vmul.f32 v29, v8  }
0x1c9: {  	[tilespmem:v54+s17+$0x0] =	vst.idx.add.f32.msk $0xffff, v18;
	v18 =	vmul.f32 v30, v9  }
0x1ca: {  	[tilespmem:v40+s17+$0x0] =	vst.idx.add.f32.msk $0xffff, v17  }
0x1cb: {  	v4 =	vmul.f32 v14, v4;
	[tilespmem:v33+s17+$0x0] =	vst.idx.add.f32.msk $0xffff, v18  }
0x1cc: {  	v14 =	vld.idx.msk [tilespmem:v15+s2+$0x0], $0xffff  }
0x1cd: {  	v10 =	vld.idx.msk [tilespmem:v10+s2+$0x0], $0xffff  }
0x1ce: {  	v11 =	vld.idx.msk [tilespmem:v11+s2+$0x0], $0xffff  }
0x1cf: {  	v12 =	vld.idx.msk [tilespmem:v12+s2+$0x0], $0xffff  }
0x1d0: {  	v13 =	vld.idx.msk [tilespmem:v13+s2+$0x0], $0xffff  }
0x1d1: {  	v15 =	vld.idx.msk [tilespmem:v16+s2+$0x0], $0xffff  }
0x1d2: {  	v3 =	vmul.f32 v14, v3;
	[tilespmem:v20+s17+$0x0] =	vst.idx.add.f32.msk $0xffff, v4  }
0x1d3: {  	v4 =	vmul.f32 v10, v5;
	[tilespmem:v1+s17+$0x0] =	vst.idx.add.f32.msk $0xffff, v2;
	v1 =	vmov v26  }
.Ltmp4:
0x1d4: {  	v2 =	vmul.f32 v11, v6;
	[tilespmem:v22+s17+$0x0] =	vst.idx.add.f32.msk $0xffff, v3;
	(pc) =	sbr.rel @p1 .LBB2_7-.Ltmp4, $4  }
0x1d5: {  	v3 =	vmul.f32 v12, v7;
	[tilespmem:v25+s17+$0x0] =	vst.idx.add.f32.msk $0xffff, v4  }
0x1d6: {  	v4 =	vmul.f32 v13, v8;
	[tilespmem:v19+s17+$0x0] =	vst.idx.add.f32.msk $0xffff, v2  }
0x1d7: {  	v2 =	vmul.f32 v15, v9;
	[tilespmem:v21+s17+$0x0] =	vst.idx.add.f32.msk $0xffff, v3  }
0x1d8: {  	s22 =	sadd.s32 $0x200, s22;
	[tilespmem:v23+s17+$0x0] =	vst.idx.add.f32.msk $0xffff, v4  }
.Ltmp5:
0x1d9: {  	_ = 	snop;
	(pc) =	sbr.rel @p0 .LBB2_10-.Ltmp5, $2  }
0x1da: {  	_ =	sdelay $0x2  }
0x1db: {  	[tilespmem:v1+s17+$0x0] =	vst.idx.add.f32.msk $0xffff, v2  }
0x1dc: {  	s0 =	smul.u32 $0x1900, s20  }
.Ltmp6:
0x1dd: {  	_ = 	snop;
	(pc) =	sbr.rel .LBB2_4-.Ltmp6, $4  }
0x1de: {  	s0 =	sadd.s32 s0, s8  }
0x1df: {  	s0 =	sshrl.u32 s0, $0x1  }
0x1e0: {  	s20 =	sadd.s32 $0x1, s20;
	s0 =	sadd.s32 s3, s0  }
0x1e1: {  	[tilespmem:s15], [sflag:$0x2] =	stream.linear.gather [hbm4b:s0+s2], $0x3200, $0x38;
	[tilespmem:$0x1A400] =	vst v63  }
.LBB2_11:
0x1e2: {  	_ =	sfence.sel $0x180000  }
0x1e3: {  	[bflag:$0x0] =	sbarrier.arrive $0xFFFF  }
0x1e4: {  	_ =	strace $0x9000004D  }
0x1e5: {  	s0 =	stileid.u32;
	[bflag:$0x2] =	sbarrier.arrive $0xFFFF  }
0x1e6: {  	p0 =	sne.s32 s0, $0x0;
	s0 =	rddreg [dreg:$0x1]  }
0x1e7: {  	s0 =	sadd.s32 @!p0 $0x100000, s0  }
0x1e8: {  	[sflag:s0] =	ssyncadd.tile.s32 @!p0 $0x1;
	_ =	shalt  }
.Lfunc_end2:
_tile_overlayer_lowered:
.L_overlay_start_2:
0x1e9: {  	(tag) =	ssettag $0x2  }
0x1ea: {  	s0 =	rddreg [dreg:$0x0];
	s2 =	stileid.u32  }
0x1eb: {  	s1 =	rddreg [dreg:$0x1];
	p0 =	sne.s32 s2, $0x0  }
0x1ec: {  	s3 =	rddreg [dreg:$0x2];
	[bflag:$0x3] =	sbarrier.arrive $0xFFFF;
	s2 =	simm.s32 @!p0 $0x1C03  }
0x1ed: {  	[timem:s3], [sflag:s2] =	dma.local @!p0 [hbm:s0], s1  }
0x1ee: {  	s0 =	simm.s32 @!p0 $0x3  }
0x1ef: {  	_ =	swait.ge @!p0 [sflag:s0], s1  }
0x1f0: {  	s1 =	ssub.s32 @!p0 $0x0, s1;
	[sflag:s0] =	ssyncset.done @!p0 $0x0  }
0x1f1: {  	[sflag:s0] =	ssyncadd.s32 @!p0 s1  }
0x1f2: {  	[bflag:$0x3] =	sbarrier.arrive $0xFFFF  }
0x1f3: {  	_ =	shalt  }

// kernel: kernel.19.cloned.1.call-start
scs
__scs_entry_jumppad:
0x0: {  	(pc) =	sbr.rel $0x88, $3  }
0x1: {  	(tag) =	ssettag $0x0;
	lr =	simm.s32 $0x1  }
0x2: {  	[smem:$0x3F91] =	sst lr;
	_ =	strace $0xD0000000  }
0x3: {  	_ = 	snop  }
0x4: {  	_ = 	snop  }
0x5: {  	_ = 	snop  }
0x6: {  	_ = 	snop  }
0x7: {  	_ = 	snop  }
__scs_overlays_trampoline_lowered:
0x8: {  	[smem:$0x3FA0] =	sst s0  }
0x9: {  	[smem:$0x3FA1] =	sst s1  }
0xa: {  	[smem:$0x3FA2] =	sst s2  }
0xb: {  	[smem:$0x3FA3] =	sst s3  }
0xc: {  	[smem:$0x3FA4] =	sst s4  }
0xd: {  	[smem:$0x3FA5] =	sst s5  }
0xe: {  	[smem:$0x3FA6] =	sst s6  }
0xf: {  	[smem:$0x3FA7] =	sst s7  }
0x10: {  	[smem:$0x3FA8] =	sst s8  }
0x11: {  	[smem:$0x3FA9] =	sst s9;
	s0 =	simm.s32 @!p0 $0x0  }
0x12: {  	s1 =	sld [smem:$0x3F8F];
	s0 =	simm.s32 @p0 $0x1  }
0x13: {  	[smem:$0x3FAA] =	sst s0;
	s0 =	simm.s32 @!p1 $0x0  }
0x14: {  	s2 =	sld [smem:$0x3F8E];
	s0 =	simm.s32 @p1 $0x1  }
0x15: {  	[smem:$0x3FAB] =	sst s0;
	s0 =	simm.s32 @!p2 $0x0  }
0x16: {  	s3 =	sld [smem:$0x3FDB];
	s0 =	simm.s32 @p2 $0x1  }
0x17: {  	s4 =	simm.s32 $0x1BF5;
	[smem:$0x3FAD] =	sst s0  }
0x18: {  	s0 =	sld [smem:$0x3F90];
	_ =	swait.ge [sflag:s4], $0x0  }
0x19: {  	s7 =	sld [smem:$0x3F91]  }
0x1a: {  	s8 =	sadd.s32 $0xFFFFE003, lr  }
0x1b: {  	s9 =	sadd.s32 $0xFFFFFEF7, lr;
	s5 =	simm.s32 $0xFFFFFFFF;
	p2 =	slt.u32 s8, $0xFFFFF086  }
0x1c: {  	p1 =	slt.u32 s9, $0xF7A;
	s5 =	simm.s32 @!p2 $0x0  }
0x1d: {  	s5 =	simm.s32 @p1 $0x1;
	p0 =	seq.s32 s7, s2  }
0x1e: {  	s7 =	smul.u32 @!p0 $0xF7A, s2;
	p2 =	seq.s32 @!p0 s5, $0x0  }
0x1f: {  	s9 =	smul.u32 $0xF7A, s1;
	s8 =	simm.s32 @!p0 $0x1BF5;
	p2 =	por !p2, p0  }
0x20: {  	[sflag:s8] =	ssyncset.s32 @!p0 $0xFFFFF086;
	s6 =	sadd.s32 @!p0 s3, s7;
	s7 =	simm.s32 @!p0 $0x108  }
0x21: {  	s3 =	sadd.s32 s3, s9;
	s6 =	sadd.s32 @!p0 $0x88, s6;
	s7 =	simm.s32 @p2 $0x1082  }
0x22: {  	[simem:s7], [sflag:s8] =	dma.local @!p0 [hbm:s6], $0xF7A  }
0x23: {  	s9 =	sor.u32 $0xD0000000, s2;
	s6 =	simm.s32 $0x108;
	_ =	swait.ge @!p0 [sflag:s8], $0x0  }
0x24: {  	s3 =	sadd.s32 $0x88, s3;
	s6 =	simm.s32 @!p1 $0x1082;
	[sflag:s4] =	ssyncset.s32 $0xFFFFF086  }
0x25: {  	[simem:s6], [sflag:s4] =	dma.local [hbm:s3], $0xF7A  }
0x26: {  	[smem:$0x3F91] =	sst s1;
	(tag) =	ssettag s2;
	_ =	strace s9  }
0x27: {  	s1 =	sld [smem:$0x3FA1]  }
0x28: {  	s2 =	sld [smem:$0x3FA2]  }
0x29: {  	s4 =	sld [smem:$0x3FA4]  }
0x2a: {  	p0 =	seq.s32 s5, $0x0;
	s5 =	sld [smem:$0x3FA5]  }
0x2b: {  	s6 =	sld [smem:$0x3FA6]  }
0x2c: {  	s7 =	sld [smem:$0x3FA7]  }
0x2d: {  	s3 =	simm.s32 $0x108;
	s8 =	sld [smem:$0x3FA8]  }
0x2e: {  	s3 =	simm.s32 @!p0 $0x1082;
	s9 =	sld [smem:$0x3FA9]  }
0x2f: {  	lr =	sadd.s32 s0, s3;
	s0 =	sld [smem:$0x3FA0]  }
0x30: {  	s3 =	sld [smem:$0x3FA3]  }
0x31: {  	[smem:$0x3FAC] =	sst s10  }
0x32: {  	s10 =	sld [smem:$0x3FAA];
	_ =	sdelay $0x3  }
0x33: {  	p0 =	seq.s32 s10, $0x1;
	s10 =	sld [smem:$0x3FAC];
	_ =	sdelay $0x3  }
0x34: {  	[smem:$0x3FAC] =	sst s10  }
0x35: {  	s10 =	sld [smem:$0x3FAB];
	_ =	sdelay $0x3  }
0x36: {  	p1 =	seq.s32 s10, $0x1;
	s10 =	sld [smem:$0x3FAC];
	_ =	sdelay $0x3  }
0x37: {  	[smem:$0x3FAC] =	sst s10  }
0x38: {  	s10 =	sld [smem:$0x3FAD]  }
0x39: {  	_ = 	snop;
	(pc) =	sbr.ind lr, $3  }
0x3a: {  	_ = 	snop  }
0x3b: {  	_ = 	snop  }
0x3c: {  	p2 =	seq.s32 s10, $0x1;
	s10 =	sld [smem:$0x3FAC]  }
0x3d: {  	_ =	shalt  }
0x3e: {  	_ =	shalt  }
0x3f: {  	_ =	shalt  }
0x40: {  	_ =	shalt  }
0x41: {  	_ =	shalt  }
0x42: {  	_ =	shalt  }
0x43: {  	_ =	shalt  }
0x44: {  	_ =	shalt  }
0x45: {  	_ =	shalt  }
0x46: {  	_ =	shalt  }
0x47: {  	_ =	shalt  }
0x48: {  	_ =	shalt  }
0x49: {  	_ =	shalt  }
0x4a: {  	_ =	shalt  }
0x4b: {  	_ =	shalt  }
0x4c: {  	_ =	shalt  }
0x4d: {  	_ =	shalt  }
0x4e: {  	_ =	shalt  }
0x4f: {  	_ =	shalt  }
0x50: {  	_ =	shalt  }
0x51: {  	_ =	shalt  }
0x52: {  	_ =	shalt  }
0x53: {  	_ =	shalt  }
0x54: {  	_ =	shalt  }
0x55: {  	_ =	shalt  }
0x56: {  	_ =	shalt  }
0x57: {  	_ =	shalt  }
0x58: {  	_ =	shalt  }
0x59: {  	_ =	shalt  }
0x5a: {  	_ =	shalt  }
0x5b: {  	_ =	shalt  }
0x5c: {  	_ =	shalt  }
0x5d: {  	_ =	shalt  }
0x5e: {  	_ =	shalt  }
0x5f: {  	_ =	shalt  }
0x60: {  	_ =	shalt  }
0x61: {  	_ =	shalt  }
0x62: {  	_ =	shalt  }
0x63: {  	_ =	shalt  }
0x64: {  	_ =	shalt  }
0x65: {  	_ =	shalt  }
0x66: {  	_ =	shalt  }
0x67: {  	_ =	shalt  }
0x68: {  	_ =	shalt  }
0x69: {  	_ =	shalt  }
0x6a: {  	_ =	shalt  }
0x6b: {  	_ =	shalt  }
0x6c: {  	_ =	shalt  }
0x6d: {  	_ =	shalt  }
0x6e: {  	_ =	shalt  }
0x6f: {  	_ =	shalt  }
0x70: {  	_ =	shalt  }
0x71: {  	_ =	shalt  }
0x72: {  	_ =	shalt  }
0x73: {  	_ =	shalt  }
0x74: {  	_ =	shalt  }
0x75: {  	_ =	shalt  }
0x76: {  	_ =	shalt  }
0x77: {  	_ =	shalt  }
0x78: {  	_ =	shalt  }
0x79: {  	_ =	shalt  }
0x7a: {  	_ =	shalt  }
0x7b: {  	_ =	shalt  }
0x7c: {  	_ =	shalt  }
0x7d: {  	_ =	shalt  }
0x7e: {  	_ =	shalt  }
0x7f: {  	_ =	shalt  }
0x80: {  	_ =	shalt  }
0x81: {  	_ =	shalt  }
0x82: {  	_ =	shalt  }
0x83: {  	_ =	shalt  }
0x84: {  	_ =	shalt  }
0x85: {  	_ =	shalt  }
0x86: {  	_ =	shalt  }
0x87: {  	_ =	shalt  }
.Lfunc_end0:
.L_simem_size_0:
called_computation.3_lowered:
.L_overlay_start_0:
0x88: {  	s2 =	sld [smem:$0x3FD9]  }
0x89: {  	s3 =	sld [smem:$0x3FFE];
	_ =	sdelay $0x1  }
0x8a: {  	s1 =	srdreg.scid  }
0x8b: {  	s0 =	sand.u32 $0x1, s1  }
0x8c: {  	s16 =	sshll.u32 s0, $0xA;
	s2 =	sadd.s32 s3, s2  }
0x8d: {  	s2 =	sadd.s32 s2, s16  }
0x8e: {  	[smem:$0x3FB8] =	sst s2  }
0x8f: {  	_ = 	snop  }
0x90: {  	(tm) =	ssettm $0x1  }
0x91: {  	s17 =	sld [smem:$0x3FFB];
	_ =	sdelay $0x3  }
0x92: {  	_ =	strace s17  }
0x93: {  	s2 =	sld [smem:$0x3FFC];
	_ =	sdelay $0x3  }
0x94: {  	_ =	strace s2  }
0x95: {  	s2 =	sld [smem:$0x3FFD];
	_ =	sdelay $0x3  }
0x96: {  	_ =	strace s2  }
0x97: {  	_ =	strace $0x8FFFFFFF  }
0x98: {  	s18 =	sld [smem:$0x3FDB];
	_ =	sdelay $0x1  }
0x99: {  	s19 =	simm.s32 $_scs_section_size  }
0x9a: {  	s4 =	simm.s32 $_size__tile_overlayer_lowered;
	s5 =	simm.s32 $_tile_overlayer_lowered  }
0x9b: {  	s22 =	simm.s32 $0x1BFF;
	s21 =	sshll.u32 s5, $0x1;
	s2 =	sadd.s32 s19, s18  }
0x9c: {  	s6 =	simm.s32 $0x0;
	s20 =	sshll.u32 s4, $0x1;
	s4 =	sadd.s32 s21, s2  }
0x9d: {  	[timem:s6], [sflag:s22] =	dma.local [hbm:s4], s20  }
0x9e: {  	_ =	swait.ge [sflag:s22], s20  }
0x9f: {  	s3 =	ssub.s32 $0x0, s20;
	[sflag:s22] =	ssyncset.done $0x0  }
0xa0: {  	[sflag:s22] =	ssyncadd.s32 s3;
	_ =	sdelay $0x1  }
0xa1: {  	s23 =	simm.s32 $0x1B8B  }
0xa2: {  	_ =	swait.ge [sflag:s23], $0x1  }
0xa3: {  	[sflag:s23] =	ssyncset.done $0x0  }
0xa4: {  	s25 =	simm.s32 $0x1B8E;
	s24 =	sld [smem:$0x3FFE];
	[sflag:s23] =	ssyncadd.s32 $0xFFFFFFFF  }
0xa5: {  	s26 =	simm.s32 $execute0_lowered;
	[smem:$0x3FD2] =	sst s25  }
0xa6: {  	s4 =	sshll.u32 s26, $0x1;
	_ =	strace $0x8000004F;
	[dreg:$0x1] =	wrdreg $0xFFFFFFFF  }
0xa7: {  	s28 =	simm.s32 $_size_execute0_lowered;
	s2 =	sadd.s32 s2, s4;
	[dreg:$0x0] =	wrdreg $0x0  }
0xa8: {  	s4 =	sshll.u32 s28, $0x1;
	[dreg:$0x2] =	wrdreg s2  }
0xa9: {  	[dreg:$0x3] =	wrdreg s4  }
0xaa: {  	[dreg:$0x4] =	wrdreg $0xC0  }
0xab: {  	_ =	task [dreg:s6], $0x5FFFF  }
0xac: {  	[dreg:$0x1] =	wrdreg $0xFFFFFFFF  }
0xad: {  	[dreg:$0x0] =	wrdreg $0x60  }
0xae: {  	[dreg:$0x2] =	wrdreg s24  }
0xaf: {  	[dreg:$0x3] =	wrdreg $0x9  }
0xb0: {  	_ =	task.clear_ibuf [dreg:s6], $0x4FFFF;
	_ =	strace $0x9000004F  }
0xb1: {  	s29 =	simm.s32 $0x9;
	_ =	strace $0x80000051  }
0xb2: {  	_ =	swait.ge [sflag:s29], $0x1  }
0xb3: {  	[sflag:s29] =	ssyncadd.s32 $0xFFFFFFFF  }
0xb4: {  	_ =	strace $0x90000051  }
0xb5: {  	_ =	sfence  }
0xb6: {  	s30 =	sld [smem:$0x0];
	_ =	sdelay $0x2  }
0xb7: {  	s31 =	sshll.u32 s1, $0xD;
	s1 =	sshrl.u32 s1, $0x2  }
0xb8: {  	s3 =	sand.u32 $0x4000, s31;
	s1 =	sadd.s32 s1, s30  }
0xb9: {  	s0 =	sor.u32 s3, s0;
	s1 =	sshll.u32 s1, $0x11  }
0xba: {  	s0 =	sor.u32 s1, s0  }
0xbb: {  	s0 =	sadd.s32 $0x8F2B, s0  }
0xbc: {  	[sflag:s0] =	ssyncadd.remote.s32 $0x1  }
0xbd: {  	_ =	sfence.sel $0xFFFF  }
0xbe: {  	[dreg:$0x0] =	wrdreg $0xFFFFFFFF;
	(pc) =	sbr.abs _section_cstart, $3  }
0xbf: {  	[dreg:$0x1] =	wrdreg $0xFFFFFFFF  }
0xc0: {  	_ =	task.clear_ibuf [dreg:s6], $0x2FFFF;
	_ =	strace $0x9FFFFFFF  }
0xc1: {  	(tm) =	ssettm $0x7FFFFFFF  }
tec
execute0_lowered:
.L_overlay_start_1:
0x0: {  	(tag) =	ssettag $0x1  }
0x1: {  	s2 =	stileid.u32  }
0x2: {  	s1 =	rddreg [dreg:$0x0];
	s4 =	srdreg.scid  }
0x3: {  	s13 =	simm.s32 $0x3;
	s15 =	simm.s32 $0x17200;
	s16 =	simm.s32 $0x1  }
0x4: {  	s17 =	simm.s32 $0xA000;
	s18 =	simm.s32 $0x2;
	s0 =	sshrl.u32 s2, $0x1  }
0x5: {  	s19 =	simm.s32 $0x0;
	s4 =	sand.u32 $0x1, s4;
	s0 =	smul.u32 $0x14000, s0  }
0x6: {  	s3 =	sshll.u32 s2, $0x9;
	s2 =	simm.s32 $0x0;
	s7 =	smul.u32 $0x9C400, s4  }
0x7: {  	s8 =	sadd.s32 $0x54600, s1;
	s3 =	sand.u32 $0x200, s3;
	s10 =	smul.u32 $0x13880, s4  }
0x8: {  	[smem:$0x7FF] =	sst s2;
	s6 =	ssub.s32 $0x2, s4;
	s11 =	smul.u32 $0x27100, s4  }
0x9: {  	p0 =	seq.s32 s4, $0x0;
	s4 =	simm.f32 $1.000000000e+00;
	_ =	strace $0x80000050  }
0xa: {  	s9 =	sshrl.u32 s6, $0x1;
	s4 =	simm.s32 @!p0 $0x0;
	s0 =	sor.u32 s3, s0  }
0xb: {  	s3 =	sadd.s32 $0x19400, s1;
	s9 =	ssub.s32 s6, s9;
	s29 =	sshrl.u32 s7, $0x3  }
0xc: {  	s7 =	sadd.s32 $0x1900, s11;
	s0 =	sshrl.u32 s0, $0x3;
	s30 =	sadd.s32 s3, s10  }
.Ltmp0:
0xd: {  	s6 =	sadd.s32 s3, s29;
	s9 =	smax.u32 s9, $0x1;
	(pc) =	sbr.rel .LBB2_1-.Ltmp0, $4  }
0xe: {  	s5 =	sadd.s32 s0, s1;
	s1 =	sadd.s32 $0x68600, s1;
	[dreg:$0x3] =	wrdreg s30  }
0xf: {  	s31 =	sadd.s32 $0x640, s6;
	s6 =	simm.s32 $0x400;
	s5 =	sadd.s32 $0x40600, s5  }
0x10: {  	[dreg:$0x4] =	wrdreg s31;
	s1 =	smov.u32 @p0 s8;
	s8 =	sadd.s32 $0x2580, s11  }
0x11: {  	v0 =	vmov s4;
	[dreg:$0x2] =	wrdreg s5;
	s10 =	sadd.s32 s1, s0;
	s5 =	simm.s32 $0x200  }
.LBB2_10:
0x12: {  	s19 =	sadd.s32 $0x1, s19  }
0x13: {  	p0 =	sne.s32 s19, s9  }
.Ltmp1:
0x14: {  	_ = 	snop;
	(pc) =	sbr.rel @!p0 .LBB2_11-.Ltmp1, $4  }
0x15: {  	[hbm4b:s10+s5] =	stream.strided.scatter [tilespmem:s17], [sflag:$0x3], $0xA000, s6, s5, $0x38;
	[tilespmem:$0x1A400] =	vst v63  }
0x16: {  	_ =	swait.ge [sflag:s13], $0xA000  }
0x17: {  	[sflag:s13] =	ssyncset.done $0x0  }
0x18: {  	[sflag:s13] =	ssyncadd.s32 $0xFFFF6000  }
.LBB2_1:
0x19: {  	s0 =	rddreg [dreg:$0x2]  }
0x1a: {  	[tilespmem:s2], [sflag:$0x3] =	stream.strided.gather [hbm4b:s0+s5], $0xA000, s6, s5, $0x38;
	[tilespmem:$0x1A400] =	vst v63  }
0x1b: {  	_ =	swait.ge [sflag:s13], $0xA000  }
0x1c: {  	s1 =	simm.s32 $0x14000;
	s24 =	sand.u32 $0x40, s2;
	[sflag:s13] =	ssyncset.done $0x0  }
0x1d: {  	s25 =	sand.u32 $0xFE00, s2;
	s22 =	rddreg [dreg:$0x3];
	[sflag:s13] =	ssyncadd.s32 $0xFFFF6000  }
0x1e: {  	[tilespmem:s1], [sflag:$0x1] =	stream.linear.gather [hbm4b:s22+s2], $0x3200, $0x38;
	[tilespmem:$0x1A400] =	vst v63  }
0x1f: {  	s0 =	sor.u32 s24, s25;
	s23 =	rddreg [dreg:$0x4]  }
0x20: {  	[tilespmem:s15], [sflag:$0x2] =	stream.linear.gather [hbm4b:s23+s2], $0x3200, $0x38;
	[tilespmem:$0x1A400] =	vst v63  }
0x21: {  	v1 =	vld [tilespmem:s0+$0x30]  }
0x22: {  	v2 =	vld [tilespmem:s0+$0xB0];
	_ =	sdelay $0x1  }
0x23: {  	p0 =	por $0x0, $0x0;
	s1 =	simm.s32 $0x1;
	v3 =	vld [tilespmem:s0+$0x0]  }
0x24: {  	s1 =	simm.s32 @!p0 $0x0;
	v4 =	vld [tilespmem:s0+$0x80]  }
0x25: {  	s1 =	sshll.u32 s1, $0x6;
	v5 =	vld [tilespmem:s0+$0x10];
	v1 =	vmul.f32 v1, v0  }
0x26: {  	v6 =	vld [tilespmem:s0+$0x90];
	s11 =	sadd.s32 $0x0, s1;
	v2 =	vmul.f32 v2, v0  }
0x27: {  	s1 =	sadd.s32 $0x30, s11;
	[tilespmem:s0+$0xA030] =	vst v1  }
0x28: {  	s12 =	sor.u32 $0x100, s1;
	v1 =	vmul.f32 v3, v0;
	[tilespmem:s0+$0xA0B0] =	vst v2  }
0x29: {  	v2 =	vmul.f32 v4, v0;
	v3 =	vld [tilespmem:s12+$0x0]  }
0x2a: {  	[tilespmem:s0+$0xA000] =	vst v1;
	v1 =	vmul.f32 v5, v0  }
0x2b: {  	s4 =	simm.s32 $0x100;
	v4 =	vld [tilespmem:s0+$0x20];
	[tilespmem:s0+$0xA080] =	vst v2;
	v2 =	vmul.f32 v6, v0  }
0x2c: {  	s21 =	simm.s32 $0x40;
	s14 =	sadd.s32 $0x10, s11;
	s20 =	sor.u32 $0x100, s11;
	v5 =	vld [tilespmem:s0+$0xA0];
	[tilespmem:s0+$0xA010] =	vst v1  }
0x2d: {  	s21 =	sand.u32 $0x40, s21;
	s4 =	sand.u32 $0xFE00, s4;
	s22 =	sor.u32 $0x100, s14;
	v1 =	vld [tilespmem:s20+$0x0];
	[tilespmem:s0+$0xA090] =	vst v2  }
0x2e: {  	s4 =	sor.u32 s21, s4;
	v2 =	vld [tilespmem:s22+$0x0];
	v3 =	vmul.f32 v3, v0  }
0x2f: {  	v7 =	vld [tilespmem:s4+$0xB0]  }
0x30: {  	s26 =	sor.u32 $0x180, s1;
	v6 =	vld [tilespmem:s4+$0x30];
	v4 =	vmul.f32 v4, v0;
	[tilespmem:s12+$0xA000] =	vst v3  }
0x31: {  	v3 =	vmul.f32 v5, v0;
	v5 =	vld [tilespmem:s26+$0x0]  }
0x32: {  	p0 =	por !p0, !p0;
	s1 =	simm.s32 $0x1;
	[tilespmem:s0+$0xA020] =	vst v4;
	v4 =	vld [tilespmem:s4+$0x0];
	v1 =	vmul.f32 v1, v0  }
0x33: {  	s1 =	simm.s32 @!p0 $0x0;
	[tilespmem:s0+$0xA0A0] =	vst v3;
	v2 =	vmul.f32 v2, v0;
	v3 =	vld [tilespmem:s4+$0x80]  }
0x34: {  	s5 =	sshll.u32 s1, $0x6;
	v7 =	vmul.f32 v7, v0;
	[tilespmem:s20+$0xA000] =	vst v1;
	v1 =	vld [tilespmem:s4+$0x10]  }
0x35: {  	s1 =	sadd.s32 $0x100, s5;
	v6 =	vmul.f32 v6, v0;
	[tilespmem:s22+$0xA000] =	vst v2;
	v2 =	vld [tilespmem:s4+$0x90]  }
0x36: {  	v8 =	vld [tilespmem:s4+$0x20];
	s21 =	sadd.s32 $0x30, s1;
	[tilespmem:s4+$0xA0B0] =	vst v7;
	v5 =	vmul.f32 v5, v0  }
0x37: {  	s6 =	sor.u32 $0x100, s21;
	[tilespmem:s4+$0xA030] =	vst v6;
	v6 =	vld [tilespmem:s4+$0xA0];
	s0 =	sadd.s32 $0x20, s11;
	v4 =	vmul.f32 v4, v0  }
0x38: {  	s23 =	sor.u32 $0x100, s0;
	v3 =	vmul.f32 v3, v0;
	[tilespmem:s26+$0xA000] =	vst v5;
	v5 =	vld [tilespmem:s6+$0x0]  }
0x39: {  	s11 =	sor.u32 $0x180, s11;
	v7 =	vld [tilespmem:s23+$0x0];
	[tilespmem:s4+$0xA000] =	vst v4;
	v1 =	vmul.f32 v1, v0  }
0x3a: {  	s12 =	sor.u32 $0x180, s14;
	s14 =	sor.u32 $0x100, s1;
	[tilespmem:s4+$0xA080] =	vst v3;
	v2 =	vmul.f32 v2, v0;
	v3 =	vld [tilespmem:s11+$0x0]  }
0x3b: {  	s24 =	simm.s32 $0x80;
	s5 =	simm.s32 $0x200;
	s25 =	sadd.s32 $0x10, s1;
	v4 =	vld [tilespmem:s14+$0x0];
	[tilespmem:s4+$0xA010] =	vst v1;
	v1 =	vmul.f32 v8, v0  }
0x3c: {  	s24 =	sand.u32 $0x40, s24;
	s20 =	sand.u32 $0xFE00, s5;
	s26 =	sor.u32 $0x100, s25;
	[tilespmem:s4+$0xA090] =	vst v2;
	v2 =	vmul.f32 v6, v0;
	v6 =	vld [tilespmem:s12+$0x0]  }
0x3d: {  	s20 =	sor.u32 s24, s20;
	v8 =	vld [tilespmem:s26+$0x0];
	[tilespmem:s4+$0xA020] =	vst v1;
	v1 =	vmul.f32 v5, v0  }
0x3e: {  	v5 =	vmul.f32 v7, v0;
	[tilespmem:s4+$0xA0A0] =	vst v2;
	v2 =	vld [tilespmem:s20+$0x30]  }
0x3f: {  	v7 =	vld [tilespmem:s20+$0xB0];
	[tilespmem:s6+$0xA000] =	vst v1  }
0x40: {  	v3 =	vmul.f32 v3, v0;
	s6 =	sor.u32 $0x180, s21;
	[tilespmem:s23+$0xA000] =	vst v5;
	v5 =	vld [tilespmem:s20+$0x0]  }
0x41: {  	v1 =	vmul.f32 v4, v0;
	v4 =	vld [tilespmem:s6+$0x0]  }
0x42: {  	[tilespmem:s11+$0xA000] =	vst v3;
	v3 =	vmul.f32 v6, v0;
	v6 =	vld [tilespmem:s20+$0x80]  }
0x43: {  	p0 =	por !p0, !p0;
	s11 =	simm.s32 $0x1;
	[tilespmem:s14+$0xA000] =	vst v1;
	v1 =	vmul.f32 v8, v0;
	v8 =	vld [tilespmem:s20+$0x90]  }
0x44: {  	s11 =	simm.s32 @!p0 $0x0;
	[tilespmem:s12+$0xA000] =	vst v3;
	v3 =	vld [tilespmem:s20+$0x10];
	v2 =	vmul.f32 v2, v0  }
0x45: {  	s11 =	sshll.u32 s11, $0x6;
	[tilespmem:s26+$0xA000] =	vst v1;
	v1 =	vmul.f32 v7, v0  }
0x46: {  	s26 =	sadd.s32 $0x20, s1;
	s11 =	sadd.s32 $0x200, s11;
	v7 =	vld [tilespmem:s20+$0x20];
	[tilespmem:s20+$0xA030] =	vst v2;
	v2 =	vmul.f32 v4, v0  }
0x47: {  	s22 =	sor.u32 $0x180, s0;
	v9 =	vld [tilespmem:s20+$0xA0];
	s24 =	sor.u32 $0x100, s26;
	s0 =	sadd.s32 $0x30, s11;
	v4 =	vmul.f32 v5, v0;
	[tilespmem:s20+$0xA0B0] =	vst v1  }
0x48: {  	s28 =	simm.s32 $0x8;
	s31 =	simm.s32 $0x300;
	v5 =	vmul.f32 v6, v0;
	s14 =	sor.u32 $0x100, s0;
	v1 =	vld [tilespmem:s24+$0x0];
	[tilespmem:s6+$0xA000] =	vst v2  }
0x49: {  	s23 =	sor.u32 $0x180, s25;
	s25 =	sor.u32 $0x180, s1;
	s1 =	simm.s32 $0xC0;
	v8 =	vmul.f32 v8, v0;
	[tilespmem:s20+$0xA000] =	vst v4;
	v4 =	vmul.f32 v3, v0;
	v3 =	vld [tilespmem:s14+$0x0]  }
0x4a: {  	s21 =	sor.u32 $0x180, s26;
	s5 =	sadd.s32 $0x10, s11;
	s12 =	sor.u32 $0x100, s11;
	[tilespmem:s20+$0xA080] =	vst v5;
	v2 =	vld [tilespmem:s25+$0x0]  }
0x4b: {  	s29 =	sor.u32 $0x100, s5;
	s30 =	sor.u32 $0x180, s5;
	s6 =	sadd.s32 $0x20, s11;
	v5 =	vld [tilespmem:s12+$0x0];
	v6 =	vmul.f32 v7, v0;
	[tilespmem:s20+$0xA090] =	vst v8  }
0x4c: {  	s11 =	sor.u32 $0x180, s11;
	s4 =	sor.u32 $0x100, s6;
	s26 =	sor.u32 $0x180, s6;
	v7 =	vmul.f32 v9, v0;
	[tilespmem:s20+$0xA010] =	vst v4;
	v4 =	vld [tilespmem:s23+$0x0]  }
.LBB2_2:
0x4d: {  	s5 =	sand.u32 $0x40, s1;
	s6 =	sand.u32 $0xFE00, s31;
	v8 =	vld [tilespmem:s29+$0x0];
	[tilespmem:s20+$0xA020] =	vst v6;
	v1 =	vmul.f32 v1, v0  }
0x4e: {  	[tilespmem:s20+$0xA0A0] =	vst v7;
	s20 =	sor.u32 s5, s6;
	v3 =	vmul.f32 v3, v0;
	v6 =	vld [tilespmem:s22+$0x0]  }
0x4f: {  	s28 =	sadd.s32 $0x4, s28;
	v7 =	vld [tilespmem:s20+$0x30];
	v2 =	vmul.f32 v2, v0;
	[tilespmem:s24+$0xA000] =	vst v1;
	s24 =	smov.u32 s4  }
0x50: {  	p1 =	slt.u32 s28, $0x27C;
	s5 =	sor.u32 $0x180, s0;
	v1 =	vld [tilespmem:s20+$0xB0];
	v5 =	vmul.f32 v5, v0;
	[tilespmem:s14+$0xA000] =	vst v3  }
0x51: {  	v3 =	vld [tilespmem:s5+$0x0];
	[tilespmem:s25+$0xA000] =	vst v2;
	v2 =	vmul.f32 v4, v0;
	s25 =	smov.u32 s11  }
0x52: {  	p0 =	por !p0, !p0;
	s0 =	simm.s32 $0x1;
	v4 =	vld [tilespmem:s20+$0x0];
	[tilespmem:s12+$0xA000] =	vst v5;
	v5 =	vmul.f32 v8, v0  }
0x53: {  	s0 =	simm.s32 @!p0 $0x0;
	v8 =	vld [tilespmem:s20+$0x80];
	[tilespmem:s23+$0xA000] =	vst v2;
	v2 =	vmul.f32 v6, v0;
	s23 =	smov.u32 s30  }
0x54: {  	s0 =	sshll.u32 s0, $0x6;
	v6 =	vld [tilespmem:s20+$0x10];
	v7 =	vmul.f32 v7, v0;
	[tilespmem:s29+$0xA000] =	vst v5  }
0x55: {  	s6 =	sadd.s32 s0, s31;
	v5 =	vld [tilespmem:s20+$0x90];
	v1 =	vmul.f32 v1, v0;
	[tilespmem:s22+$0xA000] =	vst v2;
	s22 =	smov.u32 s21;
	s21 =	smov.u32 s26  }
0x56: {  	s0 =	sadd.s32 $0x30, s6;
	v9 =	vld [tilespmem:s20+$0x20];
	[tilespmem:s20+$0xA030] =	vst v7;
	v2 =	vmul.f32 v3, v0  }
0x57: {  	s11 =	sadd.s32 $0x10, s6;
	s14 =	sor.u32 $0x100, s0;
	s26 =	sadd.s32 $0x20, s6;
	v3 =	vmul.f32 v4, v0;
	v4 =	vld [tilespmem:s20+$0xA0];
	[tilespmem:s20+$0xA0B0] =	vst v1  }
.Ltmp2:
0x58: {  	s29 =	sor.u32 $0x100, s11;
	s4 =	sor.u32 $0x100, s26;
	v7 =	vmul.f32 v8, v0;
	v1 =	vld [tilespmem:s24+$0x0];
	[tilespmem:s5+$0xA000] =	vst v2;
	(pc) =	sbr.rel @p1 .LBB2_2-.Ltmp2, $4  }
0x59: {  	s12 =	sor.u32 $0x100, s6;
	s30 =	sor.u32 $0x180, s11;
	s26 =	sor.u32 $0x180, s26;
	[tilespmem:s20+$0xA000] =	vst v3;
	v6 =	vmul.f32 v6, v0;
	v3 =	vld [tilespmem:s14+$0x0]  }
0x5a: {  	s11 =	sor.u32 $0x180, s6;
	[tilespmem:s20+$0xA080] =	vst v7;
	v7 =	vmul.f32 v5, v0;
	v2 =	vld [tilespmem:s25+$0x0]  }
0x5b: {  	v5 =	vld [tilespmem:s12+$0x0];
	[tilespmem:s20+$0xA010] =	vst v6;
	v6 =	vmul.f32 v9, v0  }
0x5c: {  	s1 =	sadd.s32 $0x40, s1;
	s31 =	sadd.s32 $0x100, s31;
	[tilespmem:s20+$0xA090] =	vst v7;
	v7 =	vmul.f32 v4, v0;
	v4 =	vld [tilespmem:s23+$0x0]  }
0x5d: {  	v8 =	vld [tilespmem:s29+$0x0];
	[tilespmem:s20+$0xA020] =	vst v6  }
0x5e: {  	[tilespmem:s20+$0xA0A0] =	vst v7  }
0x5f: {  	v6 =	vld [tilespmem:s4+$0x0]  }
0x60: {  	v3 =	vmul.f32 v3, v0  }
0x61: {  	v5 =	vmul.f32 v5, v0  }
0x62: {  	v59 =	vld [tilespmem:s22+$0x0];
	s0 =	sor.u32 $0x180, s0;
	[tilespmem:s14+$0xA000] =	vst v3;
	v3 =	vmul.f32 v8, v0  }
0x63: {  	v1 =	vmul.f32 v1, v0;
	v60 =	vld [tilespmem:s0+$0x0];
	[tilespmem:s12+$0xA000] =	vst v5  }
0x64: {  	[tilespmem:s29+$0xA000] =	vst v3;
	v3 =	vld [tilespmem:s11+$0x0];
	v61 =	vmul.f32 v6, v0  }
0x65: {  	v2 =	vmul.f32 v2, v0;
	[tilespmem:s24+$0xA000] =	vst v1;
	v1 =	vld [tilespmem:s30+$0x0]  }
0x66: {  	v62 =	vld [tilespmem:s21+$0x0];
	v4 =	vmul.f32 v4, v0;
	[tilespmem:s4+$0xA000] =	vst v61  }
0x67: {  	[tilespmem:s25+$0xA000] =	vst v2;
	v2 =	vmul.f32 v59, v0;
	v5 =	vld [tilespmem:s26+$0x0]  }
0x68: {  	[tilespmem:s23+$0xA000] =	vst v4;
	v63 =	vmul.f32 v60, v0  }
0x69: {  	[tilespmem:s22+$0xA000] =	vst v2;
	v2 =	vmul.f32 v3, v0  }
0x6a: {  	[tilespmem:s0+$0xA000] =	vst v63;
	v1 =	vmul.f32 v1, v0  }
0x6b: {  	[tilespmem:s11+$0xA000] =	vst v2;
	v2 =	vmul.f32 v62, v0  }
0x6c: {  	[tilespmem:s30+$0xA000] =	vst v1;
	v1 =	vmul.f32 v5, v0  }
0x6d: {  	[tilespmem:s21+$0xA000] =	vst v2  }
0x6e: {  	s5 =	simm.s32 $0x200;
	s6 =	simm.s32 $0x400;
	s20 =	simm.s32 $0x0;
	[tilespmem:s26+$0xA000] =	vst v1  }
.LBB2_4:
0x6f: {  	_ =	swait.ge [sflag:s16], $0x3200  }
0x70: {  	[sflag:s16] =	ssyncset.done $0x0  }
0x71: {  	s0 =	simm.s32 $0x140C0;
	[sflag:s16] =	ssyncadd.s32 $0xFFFFCE00  }
0x72: {  	v1 =	vld [tilespmem:s0+$0xFFFFFFB0]  }
0x73: {  	v2 =	vld [tilespmem:s0+$0xFFFFFF50]  }
0x74: {  	v3 =	vld [tilespmem:s0+$0xFFFFFF60]  }
0x75: {  	v4 =	vld [tilespmem:s0+$0xFFFFFF70]  }
0x76: {  	v5 =	vld [tilespmem:s0+$0xFFFFFF80]  }
0x77: {  	v6 =	vld [tilespmem:s0+$0xFFFFFF90]  }
0x78: {  	v8 =	vld [tilespmem:s0+$0xFFFFFFA0]  }
0x79: {  	v9 =	vld [tilespmem:s0+$0xFFFFFF40]  }
0x7a: {  	v51 =	vld [tilespmem:s0+$0xFFFFFFC0]  }
0x7b: {  	v11 =	vld [tilespmem:s0+$0xFFFFFFD0]  }
0x7c: {  	v12 =	vld [tilespmem:s0+$0xB0]  }
0x7d: {  	v14 =	vld [tilespmem:s0+$0xFFFFFFE0]  }
0x7e: {  	v17 =	vld [tilespmem:s0+$0xFFFFFFF0]  }
0x7f: {  	v18 =	vld [tilespmem:s0+$0x0];
	v7 =	vshll.u32 v1, $0x2;
	v1 =	vand.u32 $0x7F, v1  }
0x80: {  	v19 =	vld [tilespmem:s0+$0x10];
	v16 =	vshll.u32 v2, $0x2;
	v2 =	vand.u32 $0x7F, v2;
	v21 =	vshll.u32 v4, $0x2  }
0x81: {  	v22 =	vld [tilespmem:s0+$0x20];
	v4 =	vand.u32 $0x7F, v4;
	v26 =	vshll.u32 v6, $0x2;
	v7 =	vand.u32 $0xFFFFFE00, v7  }
0x82: {  	v16 =	vand.u32 $0xFFFFFE00, v16;
	v21 =	vand.u32 $0xFFFFFE00, v21;
	v10 =	vor.u32 v1, v7;
	v1 =	vld [tilespmem:s0+$0x30]  }
0x83: {  	v24 =	vld [tilespmem:s0+$0x40];
	v29 =	vand.u32 $0x7F, v6;
	v6 =	vor.u32 v2, v16;
	v2 =	vor.u32 v4, v21  }
0x84: {  	v25 =	vld [tilespmem:s0+$0x50];
	v12 =	vand.u32 $0x7FFFFFFF, v12;
	v23 =	vshll.u32 v5, $0x2;
	v27 =	vand.u32 $0x7F, v5  }
0x85: {  	v28 =	vld [tilespmem:s0+$0x60];
	v52 =	vshll.u32 v9, $0x2;
	v53 =	vshll.u32 v8, $0x2;
	v9 =	vand.u32 $0x7F, v9  }
0x86: {  	v54 =	vld [tilespmem:s0+$0x70];
	v8 =	vand.u32 $0x7F, v8;
	v58 =	vshll.u32 v51, $0x2;
	v5 =	vand.u32 $0xFFFFFE00, v52  }
0x87: {  	v59 =	vshll.u32 v11, $0x2;
	v9 =	vor.u32 v9, v5;
	v13 =	vld.idx.msk [tilespmem:v10+s2+$0x0], $0xffff;
	v15 =	vshll.u32 v1, $0x2  }
0x88: {  	v31 =	vshll.u32 v17, $0x2;
	v1 =	vand.u32 $0x7F, v1;
	v42 =	vld.idx.msk [tilespmem:v2+s2+$0x0], $0xffff;
	v15 =	vand.u32 $0xFFFFFE00, v15  }
0x89: {  	v55 =	vld [tilespmem:s0+$0x80];
	v17 =	vand.u32 $0x7F, v17;
	v31 =	vand.u32 $0xFFFFFE00, v31;
	v15 =	vor.u32 v1, v15  }
0x8a: {  	v56 =	vld [tilespmem:s0+$0x90];
	v23 =	vand.u32 $0xFFFFFE00, v23;
	v17 =	vor.u32 v17, v31;
	v1 =	vshll.u32 v3, $0x2  }
0x8b: {  	v60 =	vld [tilespmem:s0+$0xA0];
	v20 =	vor.u32 $0x80, v10;
	v3 =	vand.u32 $0x7F, v3;
	v1 =	vand.u32 $0xFFFFFE00, v1  }
0x8c: {  	v16 =	vand.u32 $0x7FFFFFFF, v54;
	v32 =	vld.idx.msk [tilespmem:v9+s2+$0x0], $0xffff;
	v5 =	vor.u32 v3, v1;
	v13 =	vmul.f32 v12, v13  }
0x8d: {  	v26 =	vand.u32 $0xFFFFFE00, v26;
	v34 =	vld.idx.msk [tilespmem:v6+s2+$0x0], $0xffff;
	v3 =	vor.u32 v27, v23;
	v47 =	vmul.f32 v16, v42  }
0x8e: {  	v7 =	vand.u32 $0x7F, v51;
	v1 =	vor.u32 v29, v26;
	v27 =	vand.u32 $0xFFFFFE00, v58;
	[tilespmem:v15+s17+$0x0] =	vst.idx.add.f32.msk $0xffff, v13  }
0x8f: {  	v61 =	vshll.u32 v14, $0x2;
	v33 =	vshll.u32 v18, $0x2;
	v27 =	vor.u32 v7, v27;
	[tilespmem:v17+s17+$0x0] =	vst.idx.add.f32.msk $0xffff, v47  }
0x90: {  	v11 =	vand.u32 $0x7F, v11;
	v13 =	vand.u32 $0xFFFFFE00, v53;
	v53 =	vor.u32 $0x80, v2;
	v20 =	vld.idx.msk [tilespmem:v20+s2+$0x0], $0xffff  }
0x91: {  	v7 =	vand.u32 $0x7FFFFFFF, v24;
	v4 =	vor.u32 v8, v13;
	v8 =	vand.u32 $0xFFFFFE00, v59;
	v40 =	vld.idx.msk [tilespmem:v5+s2+$0x0], $0xffff  }
0x92: {  	v35 =	vshll.u32 v19, $0x2;
	v32 =	vmul.f32 v7, v32;
	v11 =	vor.u32 v11, v8;
	v43 =	vld.idx.msk [tilespmem:v3+s2+$0x0], $0xffff  }
0x93: {  	v39 =	vshll.u32 v22, $0x2;
	v14 =	vand.u32 $0x7F, v14;
	v30 =	vor.u32 $0x80, v15;
	v37 =	vld.idx.msk [tilespmem:v1+s2+$0x0], $0xffff  }
0x94: {  	v49 =	vor.u32 $0x80, v6;
	v29 =	vand.u32 $0xFFFFFE00, v61;
	v8 =	vand.u32 $0x7FFFFFFF, v25;
	[tilespmem:v27+s17+$0x0] =	vst.idx.add.f32.msk $0xffff, v32  }
0x95: {  	v57 =	vor.u32 $0x100, v10;
	v14 =	vor.u32 v14, v29;
	v44 =	vmul.f32 v8, v34;
	v29 =	vld.idx.msk [tilespmem:v53+s2+$0x0], $0xffff  }
0x96: {  	v18 =	vand.u32 $0x7F, v18;
	v62 =	vand.u32 $0xFFFFFE00, v33;
	v20 =	vmul.f32 v20, v12;
	v45 =	vld.idx.msk [tilespmem:v4+s2+$0x0], $0xffff  }
0x97: {  	v19 =	vand.u32 $0x7F, v19;
	v63 =	vand.u32 $0xFFFFFE00, v35;
	v18 =	vor.u32 v18, v62;
	[tilespmem:v11+s17+$0x0] =	vst.idx.add.f32.msk $0xffff, v44  }
0x98: {  	v22 =	vand.u32 $0x7F, v22;
	v28 =	vand.u32 $0x7FFFFFFF, v28;
	v19 =	vor.u32 v19, v63;
	[tilespmem:v30+s17+$0x0] =	vst.idx.add.f32.msk $0xffff, v20  }
0x99: {  	v21 =	vand.u32 $0x7FFFFFFF, v55;
	v52 =	vor.u32 $0x80, v5;
	v46 =	vmul.f32 v28, v40;
	v20 =	vld.idx.msk [tilespmem:v49+s2+$0x0], $0xffff  }
0x9a: {  	v23 =	vand.u32 $0x7FFFFFFF, v56;
	v54 =	vor.u32 $0x80, v3;
	v25 =	vmul.f32 v21, v43;
	v26 =	vld.idx.msk [tilespmem:v57+s2+$0x0], $0xffff  }
0x9b: {  	v41 =	vand.u32 $0xFFFFFE00, v39;
	v62 =	vor.u32 $0x80, v17;
	v50 =	vmul.f32 v23, v37;
	[tilespmem:v14+s17+$0x0] =	vst.idx.add.f32.msk $0xffff, v46  }
0x9c: {  	v22 =	vor.u32 v22, v41;
	[tilespmem:v18+s17+$0x0] =	vst.idx.add.f32.msk $0xffff, v25  }
0x9d: {  	v56 =	vor.u32 $0x80, v4;
	[tilespmem:v19+s17+$0x0] =	vst.idx.add.f32.msk $0xffff, v50  }
0x9e: {  	v13 =	vand.u32 $0x7FFFFFFF, v60;
	v59 =	vor.u32 $0x80, v11;
	v58 =	vld.idx.msk [tilespmem:v52+s2+$0x0], $0xffff;
	v39 =	vmul.f32 v29, v16  }
0x9f: {  	v36 =	vor.u32 $0x100, v15;
	v24 =	vld.idx.msk [tilespmem:v54+s2+$0x0], $0xffff;
	v51 =	vmul.f32 v13, v45  }
0xa0: {  	v48 =	vor.u32 $0x80, v9;
	[tilespmem:v62+s17+$0x0] =	vst.idx.add.f32.msk $0xffff, v39  }
0xa1: {  	v10 =	vor.u32 $0x180, v10;
	[tilespmem:v22+s17+$0x0] =	vst.idx.add.f32.msk $0xffff, v51;
	v20 =	vmul.f32 v20, v8  }
0xa2: {  	v40 =	vor.u32 $0x100, v6;
	v26 =	vmul.f32 v26, v12;
	v30 =	vld.idx.msk [tilespmem:v56+s2+$0x0], $0xffff  }
0xa3: {  	v63 =	vor.u32 $0x80, v18;
	[tilespmem:v59+s17+$0x0] =	vst.idx.add.f32.msk $0xffff, v20  }
0xa4: {  	v45 =	vor.u32 $0x100, v3;
	[tilespmem:v36+s17+$0x0] =	vst.idx.add.f32.msk $0xffff, v26  }
0xa5: {  	v37 =	vor.u32 $0x80, v22;
	v26 =	vld.idx.msk [tilespmem:v48+s2+$0x0], $0xffff  }
0xa6: {  	v55 =	vor.u32 $0x80, v1;
	v41 =	vmul.f32 v24, v21;
	v10 =	vld.idx.msk [tilespmem:v10+s2+$0x0], $0xffff  }
0xa7: {  	v57 =	vor.u32 $0x80, v27;
	v48 =	vld.idx.msk [tilespmem:v40+s2+$0x0], $0xffff  }
0xa8: {  	v43 =	vor.u32 $0x100, v2;
	[tilespmem:v63+s17+$0x0] =	vst.idx.add.f32.msk $0xffff, v41;
	v44 =	vmul.f32 v30, v13  }
0xa9: {  	v15 =	vor.u32 $0x180, v15;
	v30 =	vld.idx.msk [tilespmem:v45+s2+$0x0], $0xffff  }
0xaa: {  	v60 =	vor.u32 $0x100, v9;
	v26 =	vmul.f32 v26, v7;
	[tilespmem:v37+s17+$0x0] =	vst.idx.add.f32.msk $0xffff, v44  }
0xab: {  	v61 =	vor.u32 $0x80, v14;
	v10 =	vmul.f32 v10, v12;
	v12 =	vld.idx.msk [tilespmem:v55+s2+$0x0], $0xffff  }
0xac: {  	v53 =	vor.u32 $0x100, v18;
	[tilespmem:v57+s17+$0x0] =	vst.idx.add.f32.msk $0xffff, v26  }
0xad: {  	v42 =	vor.u32 $0x100, v5;
	v26 =	vld.idx.msk [tilespmem:v43+s2+$0x0], $0xffff  }
0xae: {  	v3 =	vor.u32 $0x180, v3;
	[tilespmem:v15+s17+$0x0] =	vst.idx.add.f32.msk $0xffff, v10;
	v15 =	vmul.f32 v58, v28  }
0xaf: {  	v50 =	vor.u32 $0x100, v11;
	v38 =	vld.idx.msk [tilespmem:v60+s2+$0x0], $0xffff;
	v57 =	vmul.f32 v30, v21  }
0xb0: {  	v36 =	vor.u32 $0x80, v19;
	[tilespmem:v61+s17+$0x0] =	vst.idx.add.f32.msk $0xffff, v15  }
0xb1: {  	v47 =	vor.u32 $0x100, v4;
	[tilespmem:v53+s17+$0x0] =	vst.idx.add.f32.msk $0xffff, v57  }
0xb2: {  	v6 =	vor.u32 $0x180, v6;
	v15 =	vmul.f32 v48, v8;
	v24 =	vld.idx.msk [tilespmem:v42+s2+$0x0], $0xffff  }
0xb3: {  	v46 =	vor.u32 $0x100, v1;
	v12 =	vmul.f32 v12, v23;
	v3 =	vld.idx.msk [tilespmem:v3+s2+$0x0], $0xffff  }
0xb4: {  	v52 =	vor.u32 $0x100, v17;
	[tilespmem:v50+s17+$0x0] =	vst.idx.add.f32.msk $0xffff, v15  }
0xb5: {  	v49 =	vor.u32 $0x100, v27;
	[tilespmem:v36+s17+$0x0] =	vst.idx.add.f32.msk $0xffff, v12  }
0xb6: {  	v2 =	vor.u32 $0x180, v2;
	v12 =	vld.idx.msk [tilespmem:v47+s2+$0x0], $0xffff  }
0xb7: {  	v9 =	vor.u32 $0x180, v9;
	v56 =	vmul.f32 v26, v16;
	v6 =	vld.idx.msk [tilespmem:v6+s2+$0x0], $0xffff  }
0xb8: {  	v51 =	vor.u32 $0x100, v14;
	v25 =	vmul.f32 v38, v7;
	v10 =	vld.idx.msk [tilespmem:v46+s2+$0x0], $0xffff  }
0xb9: {  	v61 =	vor.u32 $0x180, v18;
	[tilespmem:v52+s17+$0x0] =	vst.idx.add.f32.msk $0xffff, v56  }
0xba: {  	v5 =	vor.u32 $0x180, v5;
	[tilespmem:v49+s17+$0x0] =	vst.idx.add.f32.msk $0xffff, v25  }
0xbb: {  	v54 =	vor.u32 $0x100, v19;
	v2 =	vld.idx.msk [tilespmem:v2+s2+$0x0], $0xffff;
	v24 =	vmul.f32 v24, v28  }
0xbc: {  	v1 =	vor.u32 $0x180, v1;
	v9 =	vld.idx.msk [tilespmem:v9+s2+$0x0], $0xffff;
	v3 =	vmul.f32 v3, v21  }
0xbd: {  	v55 =	vor.u32 $0x100, v22;
	[tilespmem:v51+s17+$0x0] =	vst.idx.add.f32.msk $0xffff, v24  }
0xbe: {  	v4 =	vor.u32 $0x180, v4;
	[tilespmem:v61+s17+$0x0] =	vst.idx.add.f32.msk $0xffff, v3;
	v10 =	vmul.f32 v10, v23  }
0xbf: {  	v11 =	vor.u32 $0x180, v11;
	v5 =	vld.idx.msk [tilespmem:v5+s2+$0x0], $0xffff  }
0xc0: {  	v60 =	vor.u32 $0x180, v17;
	v12 =	vmul.f32 v12, v13;
	[tilespmem:v54+s17+$0x0] =	vst.idx.add.f32.msk $0xffff, v10  }
0xc1: {  	v58 =	vor.u32 $0x180, v27;
	v1 =	vld.idx.msk [tilespmem:v1+s2+$0x0], $0xffff  }
0xc2: {  	v59 =	vor.u32 $0x180, v14;
	v6 =	vmul.f32 v6, v8;
	[tilespmem:v55+s17+$0x0] =	vst.idx.add.f32.msk $0xffff, v12  }
0xc3: {  	v62 =	vor.u32 $0x180, v19;
	v2 =	vmul.f32 v2, v16;
	v4 =	vld.idx.msk [tilespmem:v4+s2+$0x0], $0xffff  }
0xc4: {  	[tilespmem:v11+s17+$0x0] =	vst.idx.add.f32.msk $0xffff, v6;
	v7 =	vmul.f32 v9, v7  }
0xc5: {  	[tilespmem:v60+s17+$0x0] =	vst.idx.add.f32.msk $0xffff, v2;
	v5 =	vmul.f32 v5, v28  }
0xc6: {  	[tilespmem:v58+s17+$0x0] =	vst.idx.add.f32.msk $0xffff, v7;
	v63 =	vmul.f32 v1, v23  }
0xc7: {  	[tilespmem:v59+s17+$0x0] =	vst.idx.add.f32.msk $0xffff, v5  }
0xc8: {  	s21 =	simm.s32 $0x0;
	s22 =	simm.s32 $0x142C0;
	v2 =	vmul.f32 v4, v13;
	v1 =	vor.u32 $0x180, v22;
	[tilespmem:v62+s17+$0x0] =	vst.idx.add.f32.msk $0xffff, v63  }
.LBB2_5:
0xc9: {  	v3 =	vld [tilespmem:s22+$0xFFFFFFB0];
	s21 =	sadd.s32 $0x8, s21  }
0xca: {  	v4 =	vld [tilespmem:s22+$0xFFFFFF50];
	p0 =	slt.u32 s21, $0xC0  }
0xcb: {  	v5 =	vld [tilespmem:s22+$0xFFFFFF60]  }
0xcc: {  	v6 =	vld [tilespmem:s22+$0xFFFFFF70]  }
0xcd: {  	v7 =	vld [tilespmem:s22+$0xFFFFFF80]  }
0xce: {  	v8 =	vld [tilespmem:s22+$0xFFFFFF90];
	v9 =	vshll.u32 v3, $0x2  }
0xcf: {  	v3 =	vand.u32 $0x7F, v3;
	v10 =	vshll.u32 v4, $0x2;
	v11 =	vld [tilespmem:s22+$0xFFFFFFA0];
	v9 =	vand.u32 $0xFFFFFE00, v9  }
0xd0: {  	v12 =	vld [tilespmem:s22+$0xFFFFFF40];
	v10 =	vand.u32 $0xFFFFFE00, v10;
	v13 =	vshll.u32 v5, $0x2;
	v18 =	vor.u32 v3, v9  }
0xd1: {  	v3 =	vand.u32 $0x7F, v4;
	v4 =	vand.u32 $0xFFFFFE00, v13;
	v9 =	vshll.u32 v6, $0x2;
	v13 =	vld [tilespmem:s22+$0x30]  }
0xd2: {  	v5 =	vand.u32 $0x7F, v5;
	v20 =	vld [tilespmem:s22+$0xFFFFFFC0];
	v9 =	vand.u32 $0xFFFFFE00, v9;
	v14 =	vshll.u32 v7, $0x2  }
0xd3: {  	v6 =	vand.u32 $0x7F, v6;
	v21 =	vld [tilespmem:s22+$0xFFFFFFD0];
	v16 =	vand.u32 $0xFFFFFE00, v14;
	v14 =	vshll.u32 v8, $0x2  }
0xd4: {  	v7 =	vand.u32 $0x7F, v7;
	v17 =	vand.u32 $0xFFFFFE00, v14;
	v14 =	vshll.u32 v11, $0x2;
	v22 =	vld [tilespmem:s22+$0xB0]  }
0xd5: {  	v15 =	vand.u32 $0x7F, v12;
	v12 =	vshll.u32 v12, $0x2;
	v23 =	vand.u32 $0xFFFFFE00, v14;
	v24 =	vld.idx.msk [tilespmem:v18+s2+$0x0], $0xffff  }
0xd6: {  	v8 =	vand.u32 $0x7F, v8;
	v12 =	vand.u32 $0xFFFFFE00, v12;
	v25 =	vld [tilespmem:s22+$0xFFFFFFE0];
	v14 =	vshll.u32 v13, $0x2  }
0xd7: {  	v27 =	vand.u32 $0x7F, v11;
	v11 =	vand.u32 $0x7F, v13;
	v26 =	vld [tilespmem:s22+$0xFFFFFFF0];
	v13 =	vand.u32 $0xFFFFFE00, v14  }
0xd8: {  	v14 =	vor.u32 v15, v12;
	v15 =	vor.u32 v3, v10;
	v28 =	vld [tilespmem:s22+$0x0];
	v19 =	vor.u32 v11, v13  }
0xd9: {  	v10 =	vor.u32 v5, v4;
	v3 =	vor.u32 $0x80, v18;
	v11 =	vor.u32 v6, v9;
	v5 =	vld [tilespmem:s22+$0x10]  }
0xda: {  	v12 =	vor.u32 v7, v16;
	v13 =	vor.u32 v8, v17;
	v17 =	vand.u32 $0x7FFFFFFF, v22;
	v6 =	vld [tilespmem:s22+$0x20]  }
0xdb: {  	v7 =	vshll.u32 v20, $0x2;
	v16 =	vor.u32 v27, v23;
	v8 =	vmul.f32 v17, v24;
	v4 =	vld [tilespmem:s22+$0x40]  }
0xdc: {  	v22 =	vshll.u32 v21, $0x2;
	v23 =	vshll.u32 v25, $0x2;
	v9 =	vld [tilespmem:s22+$0x50];
	v24 =	vshll.u32 v26, $0x2  }
0xdd: {  	v7 =	vand.u32 $0xFFFFFE00, v7;
	v22 =	vand.u32 $0xFFFFFE00, v22;
	v27 =	vshll.u32 v28, $0x2;
	[tilespmem:v19+s17+$0x0] =	vst.idx.add.f32.msk $0xffff, v8  }
0xde: {  	v8 =	vand.u32 $0xFFFFFE00, v23;
	v23 =	vand.u32 $0xFFFFFE00, v24;
	v24 =	vshll.u32 v5, $0x2;
	v29 =	vld.idx.msk [tilespmem:v3+s2+$0x0], $0xffff  }
0xdf: {  	v27 =	vand.u32 $0xFFFFFE00, v27;
	v30 =	vld [tilespmem:s22+$0x60];
	v24 =	vand.u32 $0xFFFFFE00, v24;
	v3 =	vshll.u32 v6, $0x2  }
0xe0: {  	v20 =	vand.u32 $0x7F, v20;
	v4 =	vand.u32 $0x7FFFFFFF, v4;
	v31 =	vld [tilespmem:s22+$0x70];
	v32 =	vand.u32 $0xFFFFFE00, v3  }
0xe1: {  	v33 =	vor.u32 $0x80, v19;
	v3 =	vand.u32 $0x7FFFFFFF, v9;
	v9 =	vand.u32 $0x7F, v21;
	v21 =	vld [tilespmem:s22+$0x80]  }
0xe2: {  	v35 =	vor.u32 $0x100, v18;
	v25 =	vand.u32 $0x7F, v25;
	v26 =	vand.u32 $0x7F, v26;
	v34 =	vld [tilespmem:s22+$0x90]  }
0xe3: {  	v28 =	vand.u32 $0x7F, v28;
	v36 =	vand.u32 $0x7F, v5;
	v38 =	vand.u32 $0x7F, v6;
	v37 =	vld [tilespmem:s22+$0xA0]  }
0xe4: {  	v20 =	vor.u32 v20, v7;
	v29 =	vmul.f32 v29, v17;
	v39 =	vld.idx.msk [tilespmem:v14+s2+$0x0], $0xffff;
	v5 =	vand.u32 $0x7FFFFFFF, v30  }
0xe5: {  	v25 =	vor.u32 v25, v8;
	v22 =	vor.u32 v9, v22;
	v30 =	vld.idx.msk [tilespmem:v15+s2+$0x0], $0xffff;
	v6 =	vand.u32 $0x7FFFFFFF, v31  }
0xe6: {  	v23 =	vor.u32 v26, v23;
	v7 =	vand.u32 $0x7FFFFFFF, v21;
	v21 =	vor.u32 v28, v27;
	[tilespmem:v33+s17+$0x0] =	vst.idx.add.f32.msk $0xffff, v29  }
0xe7: {  	v24 =	vor.u32 v36, v24;
	v26 =	vor.u32 v38, v32;
	v8 =	vand.u32 $0x7FFFFFFF, v34;
	v27 =	vld.idx.msk [tilespmem:v35+s2+$0x0], $0xffff  }
0xe8: {  	v28 =	vor.u32 $0x80, v14;
	v29 =	vor.u32 $0x80, v15;
	v31 =	vld.idx.msk [tilespmem:v10+s2+$0x0], $0xffff;
	v9 =	vand.u32 $0x7FFFFFFF, v37  }
0xe9: {  	v32 =	vor.u32 $0x80, v10;
	v34 =	vor.u32 $0x80, v11;
	v35 =	vor.u32 $0x80, v12;
	v33 =	vld.idx.msk [tilespmem:v11+s2+$0x0], $0xffff  }
0xea: {  	v38 =	vor.u32 $0x80, v13;
	v36 =	vmul.f32 v4, v39;
	v39 =	vor.u32 $0x100, v19;
	v37 =	vld.idx.msk [tilespmem:v12+s2+$0x0], $0xffff  }
0xeb: {  	v18 =	vor.u32 $0x180, v18;
	v41 =	vor.u32 $0x80, v16;
	v30 =	vmul.f32 v3, v30;
	v40 =	vld.idx.msk [tilespmem:v13+s2+$0x0], $0xffff  }
0xec: {  	v42 =	vor.u32 $0x80, v20;
	v44 =	vor.u32 $0x80, v25;
	v43 =	vor.u32 $0x80, v22;
	v45 =	vld.idx.msk [tilespmem:v16+s2+$0x0], $0xffff  }
0xed: {  	v46 =	vor.u32 $0x80, v21;
	v27 =	vmul.f32 v27, v17;
	[tilespmem:v20+s17+$0x0] =	vst.idx.add.f32.msk $0xffff, v36;
	v36 =	vor.u32 $0x80, v23  }
0xee: {  	v47 =	vor.u32 $0x80, v26;
	[tilespmem:v22+s17+$0x0] =	vst.idx.add.f32.msk $0xffff, v30;
	v30 =	vmul.f32 v5, v31;
	v31 =	vor.u32 $0x80, v24  }
0xef: {  	v48 =	vor.u32 $0x100, v14;
	v49 =	vor.u32 $0x100, v15;
	v33 =	vmul.f32 v6, v33;
	[tilespmem:v39+s17+$0x0] =	vst.idx.add.f32.msk $0xffff, v27  }
0xf0: {  	v27 =	vor.u32 $0x100, v10;
	v39 =	vor.u32 $0x100, v11;
	v37 =	vmul.f32 v7, v37;
	v18 =	vld.idx.msk [tilespmem:v18+s2+$0x0], $0xffff  }
0xf1: {  	v50 =	vor.u32 $0x100, v13;
	v40 =	vmul.f32 v8, v40;
	[tilespmem:v25+s17+$0x0] =	vst.idx.add.f32.msk $0xffff, v30;
	v30 =	vor.u32 $0x100, v12  }
0xf2: {  	v51 =	vor.u32 $0x100, v20;
	[tilespmem:v23+s17+$0x0] =	vst.idx.add.f32.msk $0xffff, v33;
	v33 =	vmul.f32 v9, v45;
	v45 =	vor.u32 $0x100, v16  }
0xf3: {  	v53 =	vor.u32 $0x100, v25;
	v52 =	vor.u32 $0x100, v22;
	v19 =	vor.u32 $0x180, v19;
	[tilespmem:v21+s17+$0x0] =	vst.idx.add.f32.msk $0xffff, v37  }
0xf4: {  	v54 =	vor.u32 $0x100, v21;
	v37 =	vor.u32 $0x100, v23;
	[tilespmem:v24+s17+$0x0] =	vst.idx.add.f32.msk $0xffff, v40;
	v40 =	vor.u32 $0x100, v24  }
0xf5: {  	v14 =	vor.u32 $0x180, v14;
	v15 =	vor.u32 $0x180, v15;
	[tilespmem:v26+s17+$0x0] =	vst.idx.add.f32.msk $0xffff, v33;
	v33 =	vor.u32 $0x100, v26  }
0xf6: {  	v10 =	vor.u32 $0x180, v10;
	v11 =	vor.u32 $0x180, v11;
	v17 =	vmul.f32 v18, v17;
	v28 =	vld.idx.msk [tilespmem:v28+s2+$0x0], $0xffff  }
0xf7: {  	v13 =	vor.u32 $0x180, v13;
	v12 =	vor.u32 $0x180, v12;
	v16 =	vor.u32 $0x180, v16;
	v18 =	vld.idx.msk [tilespmem:v29+s2+$0x0], $0xffff  }
0xf8: {  	v20 =	vor.u32 $0x180, v20;
	v22 =	vor.u32 $0x180, v22;
	v25 =	vor.u32 $0x180, v25;
	[tilespmem:v19+s17+$0x0] =	vst.idx.add.f32.msk $0xffff, v17  }
0xf9: {  	v21 =	vor.u32 $0x180, v21;
	v19 =	vor.u32 $0x180, v23;
	v23 =	vor.u32 $0x180, v24;
	v17 =	vld.idx.msk [tilespmem:v32+s2+$0x0], $0xffff  }
0xfa: {  	v26 =	vor.u32 $0x180, v26;
	v24 =	vld.idx.msk [tilespmem:v34+s2+$0x0], $0xffff  }
0xfb: {  	v29 =	vld.idx.msk [tilespmem:v35+s2+$0x0], $0xffff  }
0xfc: {  	v28 =	vmul.f32 v28, v4;
	v32 =	vld.idx.msk [tilespmem:v38+s2+$0x0], $0xffff  }
0xfd: {  	v18 =	vmul.f32 v18, v3;
	v34 =	vld.idx.msk [tilespmem:v41+s2+$0x0], $0xffff  }
0xfe: {  	[tilespmem:v42+s17+$0x0] =	vst.idx.add.f32.msk $0xffff, v28  }
0xff: {  	v17 =	vmul.f32 v17, v5;
	[tilespmem:v43+s17+$0x0] =	vst.idx.add.f32.msk $0xffff, v18  }
0x100: {  	v24 =	vmul.f32 v24, v6;
	v18 =	vld.idx.msk [tilespmem:v48+s2+$0x0], $0xffff  }
0x101: {  	[tilespmem:v44+s17+$0x0] =	vst.idx.add.f32.msk $0xffff, v17;
	v17 =	vmul.f32 v29, v7  }
0x102: {  	[tilespmem:v36+s17+$0x0] =	vst.idx.add.f32.msk $0xffff, v24;
	v24 =	vmul.f32 v32, v8  }
0x103: {  	[tilespmem:v46+s17+$0x0] =	vst.idx.add.f32.msk $0xffff, v17;
	v17 =	vmul.f32 v34, v9  }
0x104: {  	[tilespmem:v31+s17+$0x0] =	vst.idx.add.f32.msk $0xffff, v24  }
0x105: {  	[tilespmem:v47+s17+$0x0] =	vst.idx.add.f32.msk $0xffff, v17  }
0x106: {  	v17 =	vmul.f32 v18, v4;
	v18 =	vld.idx.msk [tilespmem:v49+s2+$0x0], $0xffff  }
0x107: {  	v24 =	vld.idx.msk [tilespmem:v27+s2+$0x0], $0xffff  }
0x108: {  	v27 =	vld.idx.msk [tilespmem:v39+s2+$0x0], $0xffff  }
0x109: {  	v28 =	vld.idx.msk [tilespmem:v30+s2+$0x0], $0xffff  }
0x10a: {  	v29 =	vld.idx.msk [tilespmem:v50+s2+$0x0], $0xffff  }
0x10b: {  	v30 =	vld.idx.msk [tilespmem:v45+s2+$0x0], $0xffff  }
0x10c: {  	[tilespmem:v51+s17+$0x0] =	vst.idx.add.f32.msk $0xffff, v17;
	v17 =	vmul.f32 v18, v3  }
0x10d: {  	v18 =	vmul.f32 v24, v5;
	v14 =	vld.idx.msk [tilespmem:v14+s2+$0x0], $0xffff  }
0x10e: {  	[tilespmem:v52+s17+$0x0] =	vst.idx.add.f32.msk $0xffff, v17;
	v17 =	vmul.f32 v27, v6  }
0x10f: {  	[tilespmem:v53+s17+$0x0] =	vst.idx.add.f32.msk $0xffff, v18;
	v18 =	vmul.f32 v28, v7  }
0x110: {  	[tilespmem:v37+s17+$0x0] =	vst.idx.add.f32.msk $0xffff, v17;
	v17 =	vmul.f32 v29, v8  }
0x111: {  	[tilespmem:v54+s17+$0x0] =	vst.idx.add.f32.msk $0xffff, v18;
	v18 =	vmul.f32 v30, v9  }
0x112: {  	[tilespmem:v40+s17+$0x0] =	vst.idx.add.f32.msk $0xffff, v17  }
0x113: {  	v4 =	vmul.f32 v14, v4;
	[tilespmem:v33+s17+$0x0] =	vst.idx.add.f32.msk $0xffff, v18  }
0x114: {  	v14 =	vld.idx.msk [tilespmem:v15+s2+$0x0], $0xffff  }
0x115: {  	v10 =	vld.idx.msk [tilespmem:v10+s2+$0x0], $0xffff  }
0x116: {  	v11 =	vld.idx.msk [tilespmem:v11+s2+$0x0], $0xffff  }
0x117: {  	v12 =	vld.idx.msk [tilespmem:v12+s2+$0x0], $0xffff  }
0x118: {  	v13 =	vld.idx.msk [tilespmem:v13+s2+$0x0], $0xffff  }
0x119: {  	v15 =	vld.idx.msk [tilespmem:v16+s2+$0x0], $0xffff  }
0x11a: {  	v3 =	vmul.f32 v14, v3;
	[tilespmem:v20+s17+$0x0] =	vst.idx.add.f32.msk $0xffff, v4  }
0x11b: {  	v4 =	vmul.f32 v10, v5;
	[tilespmem:v1+s17+$0x0] =	vst.idx.add.f32.msk $0xffff, v2;
	v1 =	vmov v26  }
.Ltmp3:
0x11c: {  	v2 =	vmul.f32 v11, v6;
	[tilespmem:v22+s17+$0x0] =	vst.idx.add.f32.msk $0xffff, v3;
	(pc) =	sbr.rel @p0 .LBB2_5-.Ltmp3, $4  }
0x11d: {  	v3 =	vmul.f32 v12, v7;
	[tilespmem:v25+s17+$0x0] =	vst.idx.add.f32.msk $0xffff, v4  }
0x11e: {  	v4 =	vmul.f32 v13, v8;
	[tilespmem:v19+s17+$0x0] =	vst.idx.add.f32.msk $0xffff, v2  }
0x11f: {  	v2 =	vmul.f32 v15, v9;
	[tilespmem:v21+s17+$0x0] =	vst.idx.add.f32.msk $0xffff, v3  }
0x120: {  	s22 =	sadd.s32 $0x200, s22;
	[tilespmem:v23+s17+$0x0] =	vst.idx.add.f32.msk $0xffff, v4  }
0x121: {  	p0 =	seq.s32 s20, $0x18  }
0x122: {  	s0 =	smul.u32 @!p0 $0x1900, s20;
	_ =	sdelay $0x1  }
0x123: {  	s0 =	sadd.s32 @!p0 s0, s7  }
0x124: {  	s0 =	sshrl.u32 @!p0 s0, $0x1  }
0x125: {  	[tilespmem:v1+s17+$0x0] =	vst.idx.add.f32.msk $0xffff, v2;
	s1 =	simm.s32 @!p0 $0x0;
	s4 =	simm.s32 @!p0 $0x14000;
	s0 =	sadd.s32 @!p0 s3, s0  }
0x126: {  	[tilespmem:s4], [sflag:$0x1] =	stream.linear.gather @!p0 [hbm4b:s0+s1], $0x3200, $0x38;
	[tilespmem:$0x1A400] =	vst v63  }
0x127: {  	_ =	swait.ge [sflag:s18], $0x3200  }
0x128: {  	[sflag:s18] =	ssyncset.done $0x0  }
0x129: {  	s31 =	simm.s32 $0x17370;
	[sflag:s18] =	ssyncadd.s32 $0xFFFFCE00  }
0x12a: {  	v1 =	vld [tilespmem:s31+$0xFFFFFF00]  }
0x12b: {  	v2 =	vld [tilespmem:s31+$0xFFFFFEA0]  }
0x12c: {  	v3 =	vld [tilespmem:s31+$0xFFFFFEB0]  }
0x12d: {  	v4 =	vld [tilespmem:s31+$0xFFFFFEC0]  }
0x12e: {  	v5 =	vld [tilespmem:s31+$0xFFFFFED0]  }
0x12f: {  	v6 =	vld [tilespmem:s31+$0xFFFFFEE0]  }
0x130: {  	v8 =	vld [tilespmem:s31+$0xFFFFFEF0]  }
0x131: {  	v9 =	vld [tilespmem:s31+$0xFFFFFE90]  }
0x132: {  	v51 =	vld [tilespmem:s31+$0xFFFFFF10]  }
0x133: {  	v11 =	vld [tilespmem:s31+$0xFFFFFF20]  }
0x134: {  	v12 =	vld [tilespmem:s31+$0x0]  }
0x135: {  	v14 =	vld [tilespmem:s31+$0xFFFFFF30]  }
0x136: {  	v17 =	vld [tilespmem:s31+$0xFFFFFF40]  }
0x137: {  	v18 =	vld [tilespmem:s31+$0xFFFFFF50];
	v7 =	vshll.u32 v1, $0x2;
	v1 =	vand.u32 $0x7F, v1  }
0x138: {  	v19 =	vld [tilespmem:s31+$0xFFFFFF60];
	v16 =	vshll.u32 v2, $0x2;
	v2 =	vand.u32 $0x7F, v2;
	v21 =	vshll.u32 v4, $0x2  }
0x139: {  	v22 =	vld [tilespmem:s31+$0xFFFFFF70];
	v4 =	vand.u32 $0x7F, v4;
	v26 =	vshll.u32 v6, $0x2;
	v7 =	vand.u32 $0xFFFFFE00, v7  }
0x13a: {  	v16 =	vand.u32 $0xFFFFFE00, v16;
	v21 =	vand.u32 $0xFFFFFE00, v21;
	v10 =	vor.u32 v1, v7;
	v1 =	vld [tilespmem:s31+$0xFFFFFF80]  }
0x13b: {  	v24 =	vld [tilespmem:s31+$0xFFFFFF90];
	v29 =	vand.u32 $0x7F, v6;
	v6 =	vor.u32 v2, v16;
	v2 =	vor.u32 v4, v21  }
0x13c: {  	v25 =	vld [tilespmem:s31+$0xFFFFFFA0];
	v12 =	vand.u32 $0x7FFFFFFF, v12;
	v23 =	vshll.u32 v5, $0x2;
	v27 =	vand.u32 $0x7F, v5  }
0x13d: {  	v28 =	vld [tilespmem:s31+$0xFFFFFFB0];
	v52 =	vshll.u32 v9, $0x2;
	v53 =	vshll.u32 v8, $0x2;
	v9 =	vand.u32 $0x7F, v9  }
0x13e: {  	v54 =	vld [tilespmem:s31+$0xFFFFFFC0];
	v8 =	vand.u32 $0x7F, v8;
	v58 =	vshll.u32 v51, $0x2;
	v5 =	vand.u32 $0xFFFFFE00, v52  }
0x13f: {  	v59 =	vshll.u32 v11, $0x2;
	v9 =	vor.u32 v9, v5;
	v13 =	vld.idx.msk [tilespmem:v10+s2+$0x0], $0xffff;
	v15 =	vshll.u32 v1, $0x2  }
0x140: {  	v31 =	vshll.u32 v17, $0x2;
	v1 =	vand.u32 $0x7F, v1;
	v42 =	vld.idx.msk [tilespmem:v2+s2+$0x0], $0xffff;
	v15 =	vand.u32 $0xFFFFFE00, v15  }
0x141: {  	v55 =	vld [tilespmem:s31+$0xFFFFFFD0];
	v17 =	vand.u32 $0x7F, v17;
	v31 =	vand.u32 $0xFFFFFE00, v31;
	v15 =	vor.u32 v1, v15  }
0x142: {  	v56 =	vld [tilespmem:s31+$0xFFFFFFE0];
	v23 =	vand.u32 $0xFFFFFE00, v23;
	v17 =	vor.u32 v17, v31;
	v1 =	vshll.u32 v3, $0x2  }
0x143: {  	v60 =	vld [tilespmem:s31+$0xFFFFFFF0];
	v20 =	vor.u32 $0x80, v10;
	v3 =	vand.u32 $0x7F, v3;
	v1 =	vand.u32 $0xFFFFFE00, v1  }
0x144: {  	v16 =	vand.u32 $0x7FFFFFFF, v54;
	v32 =	vld.idx.msk [tilespmem:v9+s2+$0x0], $0xffff;
	v5 =	vor.u32 v3, v1;
	v13 =	vmul.f32 v12, v13  }
0x145: {  	v26 =	vand.u32 $0xFFFFFE00, v26;
	v34 =	vld.idx.msk [tilespmem:v6+s2+$0x0], $0xffff;
	v3 =	vor.u32 v27, v23;
	v47 =	vmul.f32 v16, v42  }
0x146: {  	v7 =	vand.u32 $0x7F, v51;
	v1 =	vor.u32 v29, v26;
	v27 =	vand.u32 $0xFFFFFE00, v58;
	[tilespmem:v15+s17+$0x0] =	vst.idx.add.f32.msk $0xffff, v13  }
0x147: {  	v61 =	vshll.u32 v14, $0x2;
	v33 =	vshll.u32 v18, $0x2;
	v27 =	vor.u32 v7, v27;
	[tilespmem:v17+s17+$0x0] =	vst.idx.add.f32.msk $0xffff, v47  }
0x148: {  	v11 =	vand.u32 $0x7F, v11;
	v13 =	vand.u32 $0xFFFFFE00, v53;
	v53 =	vor.u32 $0x80, v2;
	v20 =	vld.idx.msk [tilespmem:v20+s2+$0x0], $0xffff  }
0x149: {  	v7 =	vand.u32 $0x7FFFFFFF, v24;
	v4 =	vor.u32 v8, v13;
	v8 =	vand.u32 $0xFFFFFE00, v59;
	v40 =	vld.idx.msk [tilespmem:v5+s2+$0x0], $0xffff  }
0x14a: {  	v35 =	vshll.u32 v19, $0x2;
	v32 =	vmul.f32 v7, v32;
	v11 =	vor.u32 v11, v8;
	v43 =	vld.idx.msk [tilespmem:v3+s2+$0x0], $0xffff  }
0x14b: {  	v39 =	vshll.u32 v22, $0x2;
	v14 =	vand.u32 $0x7F, v14;
	v30 =	vor.u32 $0x80, v15;
	v37 =	vld.idx.msk [tilespmem:v1+s2+$0x0], $0xffff  }
0x14c: {  	v49 =	vor.u32 $0x80, v6;
	v29 =	vand.u32 $0xFFFFFE00, v61;
	v8 =	vand.u32 $0x7FFFFFFF, v25;
	[tilespmem:v27+s17+$0x0] =	vst.idx.add.f32.msk $0xffff, v32  }
0x14d: {  	v57 =	vor.u32 $0x100, v10;
	v14 =	vor.u32 v14, v29;
	v44 =	vmul.f32 v8, v34;
	v29 =	vld.idx.msk [tilespmem:v53+s2+$0x0], $0xffff  }
0x14e: {  	v18 =	vand.u32 $0x7F, v18;
	v62 =	vand.u32 $0xFFFFFE00, v33;
	v20 =	vmul.f32 v20, v12;
	v45 =	vld.idx.msk [tilespmem:v4+s2+$0x0], $0xffff  }
0x14f: {  	v19 =	vand.u32 $0x7F, v19;
	v63 =	vand.u32 $0xFFFFFE00, v35;
	v18 =	vor.u32 v18, v62;
	[tilespmem:v11+s17+$0x0] =	vst.idx.add.f32.msk $0xffff, v44  }
0x150: {  	v22 =	vand.u32 $0x7F, v22;
	v28 =	vand.u32 $0x7FFFFFFF, v28;
	v19 =	vor.u32 v19, v63;
	[tilespmem:v30+s17+$0x0] =	vst.idx.add.f32.msk $0xffff, v20  }
0x151: {  	v21 =	vand.u32 $0x7FFFFFFF, v55;
	v52 =	vor.u32 $0x80, v5;
	v46 =	vmul.f32 v28, v40;
	v20 =	vld.idx.msk [tilespmem:v49+s2+$0x0], $0xffff  }
0x152: {  	v23 =	vand.u32 $0x7FFFFFFF, v56;
	v54 =	vor.u32 $0x80, v3;
	v25 =	vmul.f32 v21, v43;
	v26 =	vld.idx.msk [tilespmem:v57+s2+$0x0], $0xffff  }
0x153: {  	v41 =	vand.u32 $0xFFFFFE00, v39;
	v62 =	vor.u32 $0x80, v17;
	v50 =	vmul.f32 v23, v37;
	[tilespmem:v14+s17+$0x0] =	vst.idx.add.f32.msk $0xffff, v46  }
0x154: {  	v22 =	vor.u32 v22, v41;
	[tilespmem:v18+s17+$0x0] =	vst.idx.add.f32.msk $0xffff, v25  }
0x155: {  	v56 =	vor.u32 $0x80, v4;
	[tilespmem:v19+s17+$0x0] =	vst.idx.add.f32.msk $0xffff, v50  }
0x156: {  	v13 =	vand.u32 $0x7FFFFFFF, v60;
	v59 =	vor.u32 $0x80, v11;
	v58 =	vld.idx.msk [tilespmem:v52+s2+$0x0], $0xffff;
	v39 =	vmul.f32 v29, v16  }
0x157: {  	v36 =	vor.u32 $0x100, v15;
	v24 =	vld.idx.msk [tilespmem:v54+s2+$0x0], $0xffff;
	v51 =	vmul.f32 v13, v45  }
0x158: {  	v48 =	vor.u32 $0x80, v9;
	[tilespmem:v62+s17+$0x0] =	vst.idx.add.f32.msk $0xffff, v39  }
0x159: {  	v10 =	vor.u32 $0x180, v10;
	[tilespmem:v22+s17+$0x0] =	vst.idx.add.f32.msk $0xffff, v51;
	v20 =	vmul.f32 v20, v8  }
0x15a: {  	v40 =	vor.u32 $0x100, v6;
	v26 =	vmul.f32 v26, v12;
	v30 =	vld.idx.msk [tilespmem:v56+s2+$0x0], $0xffff  }
0x15b: {  	v63 =	vor.u32 $0x80, v18;
	[tilespmem:v59+s17+$0x0] =	vst.idx.add.f32.msk $0xffff, v20  }
0x15c: {  	v45 =	vor.u32 $0x100, v3;
	[tilespmem:v36+s17+$0x0] =	vst.idx.add.f32.msk $0xffff, v26  }
0x15d: {  	v37 =	vor.u32 $0x80, v22;
	v26 =	vld.idx.msk [tilespmem:v48+s2+$0x0], $0xffff  }
0x15e: {  	v55 =	vor.u32 $0x80, v1;
	v41 =	vmul.f32 v24, v21;
	v10 =	vld.idx.msk [tilespmem:v10+s2+$0x0], $0xffff  }
0x15f: {  	v57 =	vor.u32 $0x80, v27;
	v48 =	vld.idx.msk [tilespmem:v40+s2+$0x0], $0xffff  }
0x160: {  	v43 =	vor.u32 $0x100, v2;
	[tilespmem:v63+s17+$0x0] =	vst.idx.add.f32.msk $0xffff, v41;
	v44 =	vmul.f32 v30, v13  }
0x161: {  	v15 =	vor.u32 $0x180, v15;
	v30 =	vld.idx.msk [tilespmem:v45+s2+$0x0], $0xffff  }
0x162: {  	v60 =	vor.u32 $0x100, v9;
	v26 =	vmul.f32 v26, v7;
	[tilespmem:v37+s17+$0x0] =	vst.idx.add.f32.msk $0xffff, v44  }
0x163: {  	v61 =	vor.u32 $0x80, v14;
	v10 =	vmul.f32 v10, v12;
	v12 =	vld.idx.msk [tilespmem:v55+s2+$0x0], $0xffff  }
0x164: {  	v53 =	vor.u32 $0x100, v18;
	[tilespmem:v57+s17+$0x0] =	vst.idx.add.f32.msk $0xffff, v26  }
0x165: {  	v42 =	vor.u32 $0x100, v5;
	v26 =	vld.idx.msk [tilespmem:v43+s2+$0x0], $0xffff  }
0x166: {  	v3 =	vor.u32 $0x180, v3;
	[tilespmem:v15+s17+$0x0] =	vst.idx.add.f32.msk $0xffff, v10;
	v15 =	vmul.f32 v58, v28  }
0x167: {  	v50 =	vor.u32 $0x100, v11;
	v38 =	vld.idx.msk [tilespmem:v60+s2+$0x0], $0xffff;
	v57 =	vmul.f32 v30, v21  }
0x168: {  	v36 =	vor.u32 $0x80, v19;
	[tilespmem:v61+s17+$0x0] =	vst.idx.add.f32.msk $0xffff, v15  }
0x169: {  	v47 =	vor.u32 $0x100, v4;
	[tilespmem:v53+s17+$0x0] =	vst.idx.add.f32.msk $0xffff, v57  }
0x16a: {  	v6 =	vor.u32 $0x180, v6;
	v15 =	vmul.f32 v48, v8;
	v24 =	vld.idx.msk [tilespmem:v42+s2+$0x0], $0xffff  }
0x16b: {  	v46 =	vor.u32 $0x100, v1;
	v12 =	vmul.f32 v12, v23;
	v3 =	vld.idx.msk [tilespmem:v3+s2+$0x0], $0xffff  }
0x16c: {  	v52 =	vor.u32 $0x100, v17;
	[tilespmem:v50+s17+$0x0] =	vst.idx.add.f32.msk $0xffff, v15  }
0x16d: {  	v49 =	vor.u32 $0x100, v27;
	[tilespmem:v36+s17+$0x0] =	vst.idx.add.f32.msk $0xffff, v12  }
0x16e: {  	v2 =	vor.u32 $0x180, v2;
	v12 =	vld.idx.msk [tilespmem:v47+s2+$0x0], $0xffff  }
0x16f: {  	v9 =	vor.u32 $0x180, v9;
	v56 =	vmul.f32 v26, v16;
	v6 =	vld.idx.msk [tilespmem:v6+s2+$0x0], $0xffff  }
0x170: {  	v51 =	vor.u32 $0x100, v14;
	v25 =	vmul.f32 v38, v7;
	v10 =	vld.idx.msk [tilespmem:v46+s2+$0x0], $0xffff  }
0x171: {  	v61 =	vor.u32 $0x180, v18;
	[tilespmem:v52+s17+$0x0] =	vst.idx.add.f32.msk $0xffff, v56  }
0x172: {  	v5 =	vor.u32 $0x180, v5;
	[tilespmem:v49+s17+$0x0] =	vst.idx.add.f32.msk $0xffff, v25  }
0x173: {  	v54 =	vor.u32 $0x100, v19;
	v2 =	vld.idx.msk [tilespmem:v2+s2+$0x0], $0xffff;
	v24 =	vmul.f32 v24, v28  }
0x174: {  	v1 =	vor.u32 $0x180, v1;
	v9 =	vld.idx.msk [tilespmem:v9+s2+$0x0], $0xffff;
	v3 =	vmul.f32 v3, v21  }
0x175: {  	v55 =	vor.u32 $0x100, v22;
	[tilespmem:v51+s17+$0x0] =	vst.idx.add.f32.msk $0xffff, v24  }
0x176: {  	v4 =	vor.u32 $0x180, v4;
	[tilespmem:v61+s17+$0x0] =	vst.idx.add.f32.msk $0xffff, v3;
	v10 =	vmul.f32 v10, v23  }
0x177: {  	v11 =	vor.u32 $0x180, v11;
	v5 =	vld.idx.msk [tilespmem:v5+s2+$0x0], $0xffff  }
0x178: {  	v60 =	vor.u32 $0x180, v17;
	v12 =	vmul.f32 v12, v13;
	[tilespmem:v54+s17+$0x0] =	vst.idx.add.f32.msk $0xffff, v10  }
0x179: {  	v58 =	vor.u32 $0x180, v27;
	v1 =	vld.idx.msk [tilespmem:v1+s2+$0x0], $0xffff  }
0x17a: {  	v59 =	vor.u32 $0x180, v14;
	v6 =	vmul.f32 v6, v8;
	[tilespmem:v55+s17+$0x0] =	vst.idx.add.f32.msk $0xffff, v12  }
0x17b: {  	v62 =	vor.u32 $0x180, v19;
	v2 =	vmul.f32 v2, v16;
	v4 =	vld.idx.msk [tilespmem:v4+s2+$0x0], $0xffff  }
0x17c: {  	[tilespmem:v11+s17+$0x0] =	vst.idx.add.f32.msk $0xffff, v6;
	v7 =	vmul.f32 v9, v7  }
0x17d: {  	[tilespmem:v60+s17+$0x0] =	vst.idx.add.f32.msk $0xffff, v2;
	v5 =	vmul.f32 v5, v28  }
0x17e: {  	[tilespmem:v58+s17+$0x0] =	vst.idx.add.f32.msk $0xffff, v7;
	v63 =	vmul.f32 v1, v23  }
0x17f: {  	[tilespmem:v59+s17+$0x0] =	vst.idx.add.f32.msk $0xffff, v5  }
0x180: {  	s21 =	simm.s32 $0x0;
	s22 =	simm.s32 $0x17570;
	v2 =	vmul.f32 v4, v13;
	v1 =	vor.u32 $0x180, v22;
	[tilespmem:v62+s17+$0x0] =	vst.idx.add.f32.msk $0xffff, v63  }
.LBB2_7:
0x181: {  	v3 =	vld [tilespmem:s22+$0xFFFFFF00];
	s21 =	sadd.s32 $0x8, s21  }
0x182: {  	v4 =	vld [tilespmem:s22+$0xFFFFFEA0];
	p1 =	slt.u32 s21, $0xC0  }
0x183: {  	v5 =	vld [tilespmem:s22+$0xFFFFFEB0]  }
0x184: {  	v6 =	vld [tilespmem:s22+$0xFFFFFEC0]  }
0x185: {  	v7 =	vld [tilespmem:s22+$0xFFFFFED0]  }
0x186: {  	v8 =	vld [tilespmem:s22+$0xFFFFFEE0];
	v9 =	vshll.u32 v3, $0x2  }
0x187: {  	v3 =	vand.u32 $0x7F, v3;
	v10 =	vshll.u32 v4, $0x2;
	v11 =	vld [tilespmem:s22+$0xFFFFFEF0];
	v9 =	vand.u32 $0xFFFFFE00, v9  }
0x188: {  	v12 =	vld [tilespmem:s22+$0xFFFFFE90];
	v10 =	vand.u32 $0xFFFFFE00, v10;
	v13 =	vshll.u32 v5, $0x2;
	v18 =	vor.u32 v3, v9  }
0x189: {  	v3 =	vand.u32 $0x7F, v4;
	v4 =	vand.u32 $0xFFFFFE00, v13;
	v9 =	vshll.u32 v6, $0x2;
	v13 =	vld [tilespmem:s22+$0xFFFFFF80]  }
0x18a: {  	v5 =	vand.u32 $0x7F, v5;
	v20 =	vld [tilespmem:s22+$0xFFFFFF10];
	v9 =	vand.u32 $0xFFFFFE00, v9;
	v14 =	vshll.u32 v7, $0x2  }
0x18b: {  	v6 =	vand.u32 $0x7F, v6;
	v21 =	vld [tilespmem:s22+$0xFFFFFF20];
	v16 =	vand.u32 $0xFFFFFE00, v14;
	v14 =	vshll.u32 v8, $0x2  }
0x18c: {  	v7 =	vand.u32 $0x7F, v7;
	v17 =	vand.u32 $0xFFFFFE00, v14;
	v14 =	vshll.u32 v11, $0x2;
	v22 =	vld [tilespmem:s22+$0x0]  }
0x18d: {  	v15 =	vand.u32 $0x7F, v12;
	v12 =	vshll.u32 v12, $0x2;
	v23 =	vand.u32 $0xFFFFFE00, v14;
	v24 =	vld.idx.msk [tilespmem:v18+s2+$0x0], $0xffff  }
0x18e: {  	v8 =	vand.u32 $0x7F, v8;
	v12 =	vand.u32 $0xFFFFFE00, v12;
	v25 =	vld [tilespmem:s22+$0xFFFFFF30];
	v14 =	vshll.u32 v13, $0x2  }
0x18f: {  	v27 =	vand.u32 $0x7F, v11;
	v11 =	vand.u32 $0x7F, v13;
	v26 =	vld [tilespmem:s22+$0xFFFFFF40];
	v13 =	vand.u32 $0xFFFFFE00, v14  }
0x190: {  	v14 =	vor.u32 v15, v12;
	v15 =	vor.u32 v3, v10;
	v28 =	vld [tilespmem:s22+$0xFFFFFF50];
	v19 =	vor.u32 v11, v13  }
0x191: {  	v10 =	vor.u32 v5, v4;
	v3 =	vor.u32 $0x80, v18;
	v11 =	vor.u32 v6, v9;
	v5 =	vld [tilespmem:s22+$0xFFFFFF60]  }
0x192: {  	v12 =	vor.u32 v7, v16;
	v13 =	vor.u32 v8, v17;
	v17 =	vand.u32 $0x7FFFFFFF, v22;
	v6 =	vld [tilespmem:s22+$0xFFFFFF70]  }
0x193: {  	v7 =	vshll.u32 v20, $0x2;
	v16 =	vor.u32 v27, v23;
	v8 =	vmul.f32 v17, v24;
	v4 =	vld [tilespmem:s22+$0xFFFFFF90]  }
0x194: {  	v22 =	vshll.u32 v21, $0x2;
	v23 =	vshll.u32 v25, $0x2;
	v9 =	vld [tilespmem:s22+$0xFFFFFFA0];
	v24 =	vshll.u32 v26, $0x2  }
0x195: {  	v7 =	vand.u32 $0xFFFFFE00, v7;
	v22 =	vand.u32 $0xFFFFFE00, v22;
	v27 =	vshll.u32 v28, $0x2;
	[tilespmem:v19+s17+$0x0] =	vst.idx.add.f32.msk $0xffff, v8  }
0x196: {  	v8 =	vand.u32 $0xFFFFFE00, v23;
	v23 =	vand.u32 $0xFFFFFE00, v24;
	v24 =	vshll.u32 v5, $0x2;
	v29 =	vld.idx.msk [tilespmem:v3+s2+$0x0], $0xffff  }
0x197: {  	v27 =	vand.u32 $0xFFFFFE00, v27;
	v30 =	vld [tilespmem:s22+$0xFFFFFFB0];
	v24 =	vand.u32 $0xFFFFFE00, v24;
	v3 =	vshll.u32 v6, $0x2  }
0x198: {  	v20 =	vand.u32 $0x7F, v20;
	v4 =	vand.u32 $0x7FFFFFFF, v4;
	v31 =	vld [tilespmem:s22+$0xFFFFFFC0];
	v32 =	vand.u32 $0xFFFFFE00, v3  }
0x199: {  	v33 =	vor.u32 $0x80, v19;
	v3 =	vand.u32 $0x7FFFFFFF, v9;
	v9 =	vand.u32 $0x7F, v21;
	v21 =	vld [tilespmem:s22+$0xFFFFFFD0]  }
0x19a: {  	v35 =	vor.u32 $0x100, v18;
	v25 =	vand.u32 $0x7F, v25;
	v26 =	vand.u32 $0x7F, v26;
	v34 =	vld [tilespmem:s22+$0xFFFFFFE0]  }
0x19b: {  	v28 =	vand.u32 $0x7F, v28;
	v36 =	vand.u32 $0x7F, v5;
	v38 =	vand.u32 $0x7F, v6;
	v37 =	vld [tilespmem:s22+$0xFFFFFFF0]  }
0x19c: {  	v20 =	vor.u32 v20, v7;
	v29 =	vmul.f32 v29, v17;
	v39 =	vld.idx.msk [tilespmem:v14+s2+$0x0], $0xffff;
	v5 =	vand.u32 $0x7FFFFFFF, v30  }
0x19d: {  	v25 =	vor.u32 v25, v8;
	v22 =	vor.u32 v9, v22;
	v30 =	vld.idx.msk [tilespmem:v15+s2+$0x0], $0xffff;
	v6 =	vand.u32 $0x7FFFFFFF, v31  }
0x19e: {  	v23 =	vor.u32 v26, v23;
	v7 =	vand.u32 $0x7FFFFFFF, v21;
	v21 =	vor.u32 v28, v27;
	[tilespmem:v33+s17+$0x0] =	vst.idx.add.f32.msk $0xffff, v29  }
0x19f: {  	v24 =	vor.u32 v36, v24;
	v26 =	vor.u32 v38, v32;
	v8 =	vand.u32 $0x7FFFFFFF, v34;
	v27 =	vld.idx.msk [tilespmem:v35+s2+$0x0], $0xffff  }
0x1a0: {  	v28 =	vor.u32 $0x80, v14;
	v29 =	vor.u32 $0x80, v15;
	v31 =	vld.idx.msk [tilespmem:v10+s2+$0x0], $0xffff;
	v9 =	vand.u32 $0x7FFFFFFF, v37  }
0x1a1: {  	v32 =	vor.u32 $0x80, v10;
	v34 =	vor.u32 $0x80, v11;
	v35 =	vor.u32 $0x80, v12;
	v33 =	vld.idx.msk [tilespmem:v11+s2+$0x0], $0xffff  }
0x1a2: {  	v38 =	vor.u32 $0x80, v13;
	v36 =	vmul.f32 v4, v39;
	v39 =	vor.u32 $0x100, v19;
	v37 =	vld.idx.msk [tilespmem:v12+s2+$0x0], $0xffff  }
0x1a3: {  	v18 =	vor.u32 $0x180, v18;
	v41 =	vor.u32 $0x80, v16;
	v30 =	vmul.f32 v3, v30;
	v40 =	vld.idx.msk [tilespmem:v13+s2+$0x0], $0xffff  }
0x1a4: {  	v42 =	vor.u32 $0x80, v20;
	v44 =	vor.u32 $0x80, v25;
	v43 =	vor.u32 $0x80, v22;
	v45 =	vld.idx.msk [tilespmem:v16+s2+$0x0], $0xffff  }
0x1a5: {  	v46 =	vor.u32 $0x80, v21;
	v27 =	vmul.f32 v27, v17;
	[tilespmem:v20+s17+$0x0] =	vst.idx.add.f32.msk $0xffff, v36;
	v36 =	vor.u32 $0x80, v23  }
0x1a6: {  	v47 =	vor.u32 $0x80, v26;
	[tilespmem:v22+s17+$0x0] =	vst.idx.add.f32.msk $0xffff, v30;
	v30 =	vmul.f32 v5, v31;
	v31 =	vor.u32 $0x80, v24  }
0x1a7: {  	v48 =	vor.u32 $0x100, v14;
	v49 =	vor.u32 $0x100, v15;
	v33 =	vmul.f32 v6, v33;
	[tilespmem:v39+s17+$0x0] =	vst.idx.add.f32.msk $0xffff, v27  }
0x1a8: {  	v27 =	vor.u32 $0x100, v10;
	v39 =	vor.u32 $0x100, v11;
	v37 =	vmul.f32 v7, v37;
	v18 =	vld.idx.msk [tilespmem:v18+s2+$0x0], $0xffff  }
0x1a9: {  	v50 =	vor.u32 $0x100, v13;
	v40 =	vmul.f32 v8, v40;
	[tilespmem:v25+s17+$0x0] =	vst.idx.add.f32.msk $0xffff, v30;
	v30 =	vor.u32 $0x100, v12  }
0x1aa: {  	v51 =	vor.u32 $0x100, v20;
	[tilespmem:v23+s17+$0x0] =	vst.idx.add.f32.msk $0xffff, v33;
	v33 =	vmul.f32 v9, v45;
	v45 =	vor.u32 $0x100, v16  }
0x1ab: {  	v53 =	vor.u32 $0x100, v25;
	v52 =	vor.u32 $0x100, v22;
	v19 =	vor.u32 $0x180, v19;
	[tilespmem:v21+s17+$0x0] =	vst.idx.add.f32.msk $0xffff, v37  }
0x1ac: {  	v54 =	vor.u32 $0x100, v21;
	v37 =	vor.u32 $0x100, v23;
	[tilespmem:v24+s17+$0x0] =	vst.idx.add.f32.msk $0xffff, v40;
	v40 =	vor.u32 $0x100, v24  }
0x1ad: {  	v14 =	vor.u32 $0x180, v14;
	v15 =	vor.u32 $0x180, v15;
	[tilespmem:v26+s17+$0x0] =	vst.idx.add.f32.msk $0xffff, v33;
	v33 =	vor.u32 $0x100, v26  }
0x1ae: {  	v10 =	vor.u32 $0x180, v10;
	v11 =	vor.u32 $0x180, v11;
	v17 =	vmul.f32 v18, v17;
	v28 =	vld.idx.msk [tilespmem:v28+s2+$0x0], $0xffff  }
0x1af: {  	v13 =	vor.u32 $0x180, v13;
	v12 =	vor.u32 $0x180, v12;
	v16 =	vor.u32 $0x180, v16;
	v18 =	vld.idx.msk [tilespmem:v29+s2+$0x0], $0xffff  }
0x1b0: {  	v20 =	vor.u32 $0x180, v20;
	v22 =	vor.u32 $0x180, v22;
	v25 =	vor.u32 $0x180, v25;
	[tilespmem:v19+s17+$0x0] =	vst.idx.add.f32.msk $0xffff, v17  }
0x1b1: {  	v21 =	vor.u32 $0x180, v21;
	v19 =	vor.u32 $0x180, v23;
	v23 =	vor.u32 $0x180, v24;
	v17 =	vld.idx.msk [tilespmem:v32+s2+$0x0], $0xffff  }
0x1b2: {  	v26 =	vor.u32 $0x180, v26;
	v24 =	vld.idx.msk [tilespmem:v34+s2+$0x0], $0xffff  }
0x1b3: {  	v29 =	vld.idx.msk [tilespmem:v35+s2+$0x0], $0xffff  }
0x1b4: {  	v28 =	vmul.f32 v28, v4;
	v32 =	vld.idx.msk [tilespmem:v38+s2+$0x0], $0xffff  }
0x1b5: {  	v18 =	vmul.f32 v18, v3;
	v34 =	vld.idx.msk [tilespmem:v41+s2+$0x0], $0xffff  }
0x1b6: {  	[tilespmem:v42+s17+$0x0] =	vst.idx.add.f32.msk $0xffff, v28  }
0x1b7: {  	v17 =	vmul.f32 v17, v5;
	[tilespmem:v43+s17+$0x0] =	vst.idx.add.f32.msk $0xffff, v18  }
0x1b8: {  	v24 =	vmul.f32 v24, v6;
	v18 =	vld.idx.msk [tilespmem:v48+s2+$0x0], $0xffff  }
0x1b9: {  	[tilespmem:v44+s17+$0x0] =	vst.idx.add.f32.msk $0xffff, v17;
	v17 =	vmul.f32 v29, v7  }
0x1ba: {  	[tilespmem:v36+s17+$0x0] =	vst.idx.add.f32.msk $0xffff, v24;
	v24 =	vmul.f32 v32, v8  }
0x1bb: {  	[tilespmem:v46+s17+$0x0] =	vst.idx.add.f32.msk $0xffff, v17;
	v17 =	vmul.f32 v34, v9  }
0x1bc: {  	[tilespmem:v31+s17+$0x0] =	vst.idx.add.f32.msk $0xffff, v24  }
0x1bd: {  	[tilespmem:v47+s17+$0x0] =	vst.idx.add.f32.msk $0xffff, v17  }
0x1be: {  	v17 =	vmul.f32 v18, v4;
	v18 =	vld.idx.msk [tilespmem:v49+s2+$0x0], $0xffff  }
0x1bf: {  	v24 =	vld.idx.msk [tilespmem:v27+s2+$0x0], $0xffff  }
0x1c0: {  	v27 =	vld.idx.msk [tilespmem:v39+s2+$0x0], $0xffff  }
0x1c1: {  	v28 =	vld.idx.msk [tilespmem:v30+s2+$0x0], $0xffff  }
0x1c2: {  	v29 =	vld.idx.msk [tilespmem:v50+s2+$0x0], $0xffff  }
0x1c3: {  	v30 =	vld.idx.msk [tilespmem:v45+s2+$0x0], $0xffff  }
0x1c4: {  	[tilespmem:v51+s17+$0x0] =	vst.idx.add.f32.msk $0xffff, v17;
	v17 =	vmul.f32 v18, v3  }
0x1c5: {  	v18 =	vmul.f32 v24, v5;
	v14 =	vld.idx.msk [tilespmem:v14+s2+$0x0], $0xffff  }
0x1c6: {  	[tilespmem:v52+s17+$0x0] =	vst.idx.add.f32.msk $0xffff, v17;
	v17 =	vmul.f32 v27, v6  }
0x1c7: {  	[tilespmem:v53+s17+$0x0] =	vst.idx.add.f32.msk $0xffff, v18;
	v18 =	vmul.f32 v28, v7  }
0x1c8: {  	[tilespmem:v37+s17+$0x0] =	vst.idx.add.f32.msk $0xffff, v17;
	v17 =	vmul.f32 v29, v8  }
0x1c9: {  	[tilespmem:v54+s17+$0x0] =	vst.idx.add.f32.msk $0xffff, v18;
	v18 =	vmul.f32 v30, v9  }
0x1ca: {  	[tilespmem:v40+s17+$0x0] =	vst.idx.add.f32.msk $0xffff, v17  }
0x1cb: {  	v4 =	vmul.f32 v14, v4;
	[tilespmem:v33+s17+$0x0] =	vst.idx.add.f32.msk $0xffff, v18  }
0x1cc: {  	v14 =	vld.idx.msk [tilespmem:v15+s2+$0x0], $0xffff  }
0x1cd: {  	v10 =	vld.idx.msk [tilespmem:v10+s2+$0x0], $0xffff  }
0x1ce: {  	v11 =	vld.idx.msk [tilespmem:v11+s2+$0x0], $0xffff  }
0x1cf: {  	v12 =	vld.idx.msk [tilespmem:v12+s2+$0x0], $0xffff  }
0x1d0: {  	v13 =	vld.idx.msk [tilespmem:v13+s2+$0x0], $0xffff  }
0x1d1: {  	v15 =	vld.idx.msk [tilespmem:v16+s2+$0x0], $0xffff  }
0x1d2: {  	v3 =	vmul.f32 v14, v3;
	[tilespmem:v20+s17+$0x0] =	vst.idx.add.f32.msk $0xffff, v4  }
0x1d3: {  	v4 =	vmul.f32 v10, v5;
	[tilespmem:v1+s17+$0x0] =	vst.idx.add.f32.msk $0xffff, v2;
	v1 =	vmov v26  }
.Ltmp4:
0x1d4: {  	v2 =	vmul.f32 v11, v6;
	[tilespmem:v22+s17+$0x0] =	vst.idx.add.f32.msk $0xffff, v3;
	(pc) =	sbr.rel @p1 .LBB2_7-.Ltmp4, $4  }
0x1d5: {  	v3 =	vmul.f32 v12, v7;
	[tilespmem:v25+s17+$0x0] =	vst.idx.add.f32.msk $0xffff, v4  }
0x1d6: {  	v4 =	vmul.f32 v13, v8;
	[tilespmem:v19+s17+$0x0] =	vst.idx.add.f32.msk $0xffff, v2  }
0x1d7: {  	v2 =	vmul.f32 v15, v9;
	[tilespmem:v21+s17+$0x0] =	vst.idx.add.f32.msk $0xffff, v3  }
0x1d8: {  	s22 =	sadd.s32 $0x200, s22;
	[tilespmem:v23+s17+$0x0] =	vst.idx.add.f32.msk $0xffff, v4  }
.Ltmp5:
0x1d9: {  	_ = 	snop;
	(pc) =	sbr.rel @p0 .LBB2_10-.Ltmp5, $2  }
0x1da: {  	_ =	sdelay $0x2  }
0x1db: {  	[tilespmem:v1+s17+$0x0] =	vst.idx.add.f32.msk $0xffff, v2  }
0x1dc: {  	s0 =	smul.u32 $0x1900, s20  }
.Ltmp6:
0x1dd: {  	_ = 	snop;
	(pc) =	sbr.rel .LBB2_4-.Ltmp6, $4  }
0x1de: {  	s0 =	sadd.s32 s0, s8  }
0x1df: {  	s0 =	sshrl.u32 s0, $0x1  }
0x1e0: {  	s20 =	sadd.s32 $0x1, s20;
	s0 =	sadd.s32 s3, s0  }
0x1e1: {  	[tilespmem:s15], [sflag:$0x2] =	stream.linear.gather [hbm4b:s0+s2], $0x3200, $0x38;
	[tilespmem:$0x1A400] =	vst v63  }
.LBB2_11:
0x1e2: {  	_ =	sfence.sel $0x180000  }
0x1e3: {  	[bflag:$0x0] =	sbarrier.arrive $0xFFFF  }
0x1e4: {  	_ =	strace $0x90000050  }
0x1e5: {  	s0 =	stileid.u32;
	[bflag:$0x2] =	sbarrier.arrive $0xFFFF  }
0x1e6: {  	p0 =	sne.s32 s0, $0x0;
	s0 =	rddreg [dreg:$0x1]  }
0x1e7: {  	s0 =	sadd.s32 @!p0 $0x100000, s0  }
0x1e8: {  	[sflag:s0] =	ssyncadd.tile.s32 @!p0 $0x1;
	_ =	shalt  }
.Lfunc_end2:
_tile_overlayer_lowered:
.L_overlay_start_2:
0x1e9: {  	(tag) =	ssettag $0x2  }
0x1ea: {  	s0 =	rddreg [dreg:$0x0];
	s2 =	stileid.u32  }
0x1eb: {  	s1 =	rddreg [dreg:$0x1];
	p0 =	sne.s32 s2, $0x0  }
0x1ec: {  	s3 =	rddreg [dreg:$0x2];
	[bflag:$0x3] =	sbarrier.arrive $0xFFFF;
	s2 =	simm.s32 @!p0 $0x1C03  }
0x1ed: {  	[timem:s3], [sflag:s2] =	dma.local @!p0 [hbm:s0], s1  }
0x1ee: {  	s0 =	simm.s32 @!p0 $0x3  }
0x1ef: {  	_ =	swait.ge @!p0 [sflag:s0], s1  }
0x1f0: {  	s1 =	ssub.s32 @!p0 $0x0, s1;
	[sflag:s0] =	ssyncset.done @!p0 $0x0  }
0x1f1: {  	[sflag:s0] =	ssyncadd.s32 @!p0 s1  }
0x1f2: {  	[bflag:$0x3] =	sbarrier.arrive $0xFFFF  }
0x1f3: {  	_ =	shalt  }

</sc_bundles>
